<compile_context>
chip_gen: v7x
topology: tpu7x:2x2x1
jax: 0.10.2.dev20260603
libtpu: 0.0.44.dev20260713+nightly
codegen_flags: <defaults>
</compile_context>

<pallas_src>
import functools

import jax
import jax.numpy as jnp
from jax import lax
from jax.experimental import pallas as pl
from jax.experimental.pallas import tpu as pltpu
from jax.experimental.pallas import tpu_sc as plsc

N = 10000
E = 320000
D = 128
NP = 10240
CHP = 128
NW = 32
NCHW = 80
NCHT = NW * NCHW
EPW = E // NW
SLOTS = NCHW * CHP
EPT = E // 16
RPT = NP // 16
HALF = NP // 2
RPP = HALF // 16

_mesh = plsc.VectorSubcoreMesh(core_axis_name="c", subcore_axis_name="s")
_f32 = jnp.float32


def _zero_1d(ref, n):
    def body(i, _):
        ref[pl.ds(i * 16, 16)] = jnp.zeros((16,), _f32)
        return 0
    lax.fori_loop(0, n // 16, body, 0)


def _rsqrt16(d):
    bi = lax.bitcast_convert_type(d, jnp.int32)
    y = lax.bitcast_convert_type(
        jnp.int32(0x5F3759DF) - lax.shift_right_arithmetic(bi, 1), _f32)
    for _ in range(4):
        y = y * (1.5 - 0.5 * d * y * y)
    return jnp.where(d > 0.5, y, 0.0)


@functools.partial(
    pl.kernel,
    mesh=_mesh,
    compiler_params=pltpu.CompilerParams(needs_layout_passes=False),
    out_type=jax.ShapeDtypeStruct((NP,), _f32),
    scratch_types=[
        pltpu.VMEM((EPT,), jnp.int32),
        pltpu.VMEM((NP,), _f32),
        pltpu.VMEM((RPT,), _f32),
        pltpu.VMEM((RPT,), _f32),
        pltpu.VMEM((RPT,), _f32),
        pltpu.VMEM_SHARED((16, NP), _f32),
    ],
)
def _deg(dst_hbm, dinv_hbm, dst_v, deg_v, acc_v, tmp_v, dinv_v, shared):
    c = lax.axis_index("c")
    s = lax.axis_index("s")

    _zero_1d(deg_v, NP)
    pltpu.sync_copy(dst_hbm.at[pl.ds(s * EPT, EPT)], dst_v)
    ones = jnp.ones((16,), _f32)

    def deg_body(i, _):
        idx = dst_v[pl.ds(i * 16, 16)]
        plsc.addupdate_scatter(deg_v, [idx], ones)
        return 0
    lax.fori_loop(0, EPT // 16, deg_body, 0)

    pltpu.sync_copy(deg_v, shared.at[s])
    plsc.subcore_barrier()

    base = s * RPT
    _zero_1d(acc_v, RPT)
    for k in range(16):
        pltpu.sync_copy(shared.at[k, pl.ds(base, RPT)], tmp_v)

        def add_body(i, _):
            acc_v[pl.ds(i * 16, 16)] = (acc_v[pl.ds(i * 16, 16)]
                                        + tmp_v[pl.ds(i * 16, 16)])
            return 0
        lax.fori_loop(0, RPT // 16, add_body, 0)

    def rsqrt_body(i, _):
        dinv_v[pl.ds(i * 16, 16)] = _rsqrt16(acc_v[pl.ds(i * 16, 16)])
        return 0
    lax.fori_loop(0, RPT // 16, rsqrt_body, 0)

    @pl.when(c == 0)
    def _():
        pltpu.sync_copy(dinv_v, dinv_hbm.at[pl.ds(base, RPT)])


@functools.partial(
    pl.kernel,
    mesh=_mesh,
    compiler_params=pltpu.CompilerParams(needs_layout_passes=False),
    out_type=[
        jax.ShapeDtypeStruct((2, NCHT * CHP), jnp.int32),
        jax.ShapeDtypeStruct((2, NCHT * CHP), jnp.int32),
        jax.ShapeDtypeStruct((NW, 16), jnp.int32),
    ],
    scratch_types=[
        pltpu.VMEM((EPW,), jnp.int32),
        pltpu.VMEM((EPW,), jnp.int32),
        pltpu.VMEM((2 * SLOTS,), jnp.int32),
        pltpu.VMEM((2 * SLOTS,), jnp.int32),
        pltpu.VMEM((16,), jnp.int32),
    ],
)
def _prep(src_hbm, dst_hbm, srcp_hbm, dstp_hbm, bnd_hbm,
          src_v, dst_v, csrc_v, cdst_v, brow_v):
    c = lax.axis_index("c")
    s = lax.axis_index("s")
    w = c * 16 + s

    pltpu.sync_copy(src_hbm.at[pl.ds(w * EPW, EPW)], src_v)
    pltpu.sync_copy(dst_hbm.at[pl.ds(w * EPW, EPW)], dst_v)

    zeros16 = jnp.zeros((16,), jnp.int32)
    trash16 = jnp.full((16,), HALF, jnp.int32)

    def fill(i, _):
        csrc_v[pl.ds(i * 16, 16)] = zeros16
        cdst_v[pl.ds(i * 16, 16)] = trash16
        return 0
    lax.fori_loop(0, 2 * SLOTS // 16, fill, 0)

    i16 = lax.iota(jnp.int32, 16)

    def body(g, carry):
        off0, off1 = carry
        sv = src_v[pl.ds(g * 16, 16)]
        dv = dst_v[pl.ds(g * 16, 16)]
        m0 = dv < HALF
        inc = jnp.where(m0, 1, 0).astype(jnp.int32)
        csum = plsc.cumsum(inc)
        excl0 = csum - inc
        cnt = plsc.all_reduce_population_count(m0)[0]
        pos = jnp.where(m0, off0 + excl0, SLOTS + off1 + (i16 - excl0))
        plsc.store_scatter(csrc_v, [pos], sv)
        plsc.store_scatter(cdst_v, [pos], jnp.where(m0, dv, dv - HALF))
        return (off0 + cnt, off1 + (16 - cnt))

    off0, off1 = lax.fori_loop(0, EPW // 16, body,
                               (jnp.int32(0), jnp.int32(0)))

    for p in range(2):
        pltpu.sync_copy(csrc_v.at[pl.ds(p * SLOTS, SLOTS)],
                        srcp_hbm.at[p, pl.ds(w * SLOTS, SLOTS)])
        pltpu.sync_copy(cdst_v.at[pl.ds(p * SLOTS, SLOTS)],
                        dstp_hbm.at[p, pl.ds(w * SLOTS, SLOTS)])

    lanes = lax.iota(jnp.int32, 16)
    h0 = (jnp.full((16,), off0, jnp.int32) + CHP - 1) // CHP
    h1 = (jnp.full((16,), off1, jnp.int32) + CHP - 1) // CHP
    brow_v[pl.ds(0, 16)] = jnp.where(lanes == 0, h0,
                                     jnp.where(lanes == 1, h1, 0))
    pltpu.sync_copy(brow_v, bnd_hbm.at[w])


@functools.partial(
    pl.kernel,
    mesh=_mesh,
    out_type=jax.ShapeDtypeStruct((2, NP, D), _f32),
    scratch_types=[
        pltpu.VMEM((2, NCHW, CHP), jnp.int32),
        pltpu.VMEM((2, NCHW, CHP), jnp.int32),
        pltpu.VMEM((2, CHP, D), _f32),
        pltpu.VMEM_SHARED((HALF + 8, D), _f32),
        pltpu.VMEM((NW, 16), jnp.int32),
        pltpu.SemaphoreType.DMA,
        pltpu.SemaphoreType.DMA,
    ],
)
def _layer(z_hbm, src_hbm, dst_hbm, bnd_hbm, p_hbm, src_v, dst_v, rows_v,
           accum, bnd_v, gsem0, gsem1):
    c = lax.axis_index("c")
    s = lax.axis_index("s")
    w = c * 16 + s
    sems = (gsem0, gsem1)

    pltpu.sync_copy(src_hbm.at[:, pl.ds(w * NCHW, NCHW), :], src_v)
    pltpu.sync_copy(dst_hbm.at[:, pl.ds(w * NCHW, NCHW), :], dst_v)
    pltpu.sync_copy(bnd_hbm, bnd_v)

    brow = bnd_v[w, :]
    hi0 = brow[0]
    hi1 = brow[1]

    for p in range(2):
        lo = jnp.int32(0)
        hi = hi0 if p == 0 else hi1

        def zrow(i, _):
            for v in range(D // 16):
                rows_v[0, i, pl.ds(v * 16, 16)] = jnp.zeros((16,), _f32)
            return 0
        lax.fori_loop(0, CHP, zrow, 0)
        pltpu.sync_copy(rows_v.at[0], accum.at[pl.ds(s * RPP, 128), :])
        pltpu.sync_copy(rows_v.at[0], accum.at[pl.ds(s * RPP + 128, 128), :])
        pltpu.sync_copy(rows_v.at[0, pl.ds(0, 64), :],
                        accum.at[pl.ds(s * RPP + 256, 64), :])
        plsc.subcore_barrier()

        @pl.when(lo < hi)
        def _():
            pltpu.async_copy(z_hbm.at[src_v.at[p, lo]], rows_v.at[0],
                             sems[0])

        @pl.when(lo + 1 < hi)
        def _():
            pltpu.async_copy(z_hbm.at[src_v.at[p, lo + 1]], rows_v.at[1],
                             sems[1])

        def chunk_body(i, _):
            ci = lo + i
            for b in range(2):
                @pl.when(i % 2 == b)
                def _():
                    buf = rows_v.at[b]
                    pltpu.make_async_copy(
                        z_hbm.at[src_v.at[p, ci]], buf, sems[b]).wait()
                    pltpu.sync_copy(buf, accum.at[dst_v.at[p, ci]],
                                    add=True)

                    @pl.when(ci + 2 < hi)
                    def _():
                        pltpu.async_copy(
                            z_hbm.at[src_v.at[p, ci + 2]], buf, sems[b])
            return 0
        lax.fori_loop(0, hi - lo, chunk_body, 0)
        plsc.subcore_barrier()

        pltpu.sync_copy(accum.at[pl.ds(s * RPP, RPP), :],
                        p_hbm.at[c, pl.ds(p * HALF + s * RPP, RPP), :])



def _scale_body(d_ref, x_ref, o_ref):
    o_ref[...] = d_ref[...] * x_ref[...]


def _scale(d, x):
    blk = 256
    row = pl.BlockSpec((blk, D), lambda i: (i, 0))
    dsp = pl.BlockSpec((blk, 1), lambda i: (i, 0))
    return pl.pallas_call(
        _scale_body,
        grid=(NP // blk,),
        in_specs=[dsp, row],
        out_specs=row,
        out_shape=jax.ShapeDtypeStruct((NP, D), _f32),
    )(d, x)


def _comb_body(d_ref, a_ref, b_ref, x1_ref, z2_ref):
    dd = d_ref[...]
    x1 = dd * (a_ref[...] + b_ref[...])
    x1_ref[...] = x1
    z2_ref[...] = dd * x1


def _comb(d, pa, pb):
    blk = 256
    row = pl.BlockSpec((blk, D), lambda i: (i, 0))
    dsp = pl.BlockSpec((blk, 1), lambda i: (i, 0))
    return pl.pallas_call(
        _comb_body,
        grid=(NP // blk,),
        in_specs=[dsp, row, row],
        out_specs=[row, row],
        out_shape=[jax.ShapeDtypeStruct((NP, D), _f32),
                   jax.ShapeDtypeStruct((NP, D), _f32)],
    )(d, pa, pb)


def _final_body(x_ref, x1_ref, a_ref, b_ref, d_ref, wt_ref, bias_ref, o_ref):
    x2 = d_ref[...] * (a_ref[...] + b_ref[...])
    acc = (x_ref[...] + x1_ref[...] + x2) * 0.3
    o_ref[...] = (jnp.dot(acc, wt_ref[...], preferred_element_type=_f32)
                  + bias_ref[...])


def _final(x, x1, pa, pb, d, wt, bias):
    blk = 256
    row = pl.BlockSpec((blk, D), lambda i: (i, 0))
    dsp = pl.BlockSpec((blk, 1), lambda i: (i, 0))
    return pl.pallas_call(
        _final_body,
        grid=(NP // blk,),
        in_specs=[row, row, row, row, dsp,
                  pl.BlockSpec((D, D), lambda i: (0, 0)),
                  pl.BlockSpec((1, D), lambda i: (0, 0))],
        out_specs=row,
        out_shape=jax.ShapeDtypeStruct((NP, D), _f32),
    )(x, x1, pa, pb, d, wt, bias)


def kernel(node_emb, edge_index, W, b):
    src = edge_index[0].astype(jnp.int32)
    dst = edge_index[1].astype(jnp.int32)

    srcp_f, dstp_f, bounds = _prep(src, dst)
    srcp = srcp_f.reshape(2, NCHT, CHP)
    dstp = dstp_f.reshape(2, NCHT, CHP)

    x_pad = jnp.pad(node_emb, ((0, NP - N), (0, 0)))

    dinv = _deg(dst)
    d2 = dinv.reshape(NP, 1)
    z = _scale(d2, x_pad)
    p1 = _layer(z, srcp, dstp, bounds)
    x1, z2 = _comb(d2, p1[0], p1[1])
    p2 = _layer(z2, srcp, dstp, bounds)
    out = _final(x_pad, x1, p2[0], p2[1], d2, W.T, b.reshape(1, D))
    return out[:N]

# --- scband reference (transcript-rebuilt; emitter-appended) ---
"""Pipeline reference for scband-light-gcn-73512660238645 (READ-ONLY COPY).

The authoritative reference and input builder live on the scoring server;
editing this copy changes nothing except your own understanding.
"""

import jax, jax.numpy as jnp
import numpy as np

N_NODES = 10000
N_EDGES = 320000
D = 128


def lgconv(x, src, dst, n_nodes):
    # gcn_norm with add_self_loops=False, edge_weight=1
    ones = jnp.ones((src.shape[0],), dtype=x.dtype)
    deg = jnp.zeros((n_nodes,), dtype=x.dtype).at[dst].add(ones)
    deg_inv_sqrt = jnp.where(deg > 0, 1.0 / jnp.sqrt(deg), 0.0)
    norm = deg_inv_sqrt[src] * deg_inv_sqrt[dst]
    msgs = norm[:, None] * jnp.take(x, src, axis=0)
    out = jnp.zeros_like(x).at[dst].add(msgs)
    return out


def setup_inputs(seed: int = 0) -> dict:
    key = jax.random.key(seed)
    k1, k2, k3, k4 = jax.random.split(key, 4)
    node_emb = jax.random.normal(k1, (N_NODES, D), dtype=jnp.float32)
    edge_index = jax.random.randint(k2, (2, N_EDGES), 0, N_NODES, dtype=jnp.int64)
    # Linear(in_channels=128, out_channels=128)
    bound = 1.0 / np.sqrt(D)
    W = jax.random.uniform(k3, (D, D), dtype=jnp.float32, minval=-bound, maxval=bound)
    b = jax.random.uniform(k4, (D,), dtype=jnp.float32, minval=-bound, maxval=bound)
    return {"node_emb": node_emb, "edge_index": edge_index, "W": W, "b": b}


def reference(node_emb, edge_index, W, b):
    src = edge_index[0]
    dst = edge_index[1]
    x1 = lgconv(node_emb, src, dst, N_NODES)
    x2 = lgconv(x1, src, dst, N_NODES)
    x = (node_emb + x1 + x2) * 0.3
    out = x @ W.T + b
    return out

if __name__ == "__main__":
    import jax
    _d = setup_inputs()
    print(jax.jit(kernel)(*tuple(_d.values())))

</pallas_src>

<mosaic_0001>
#map = affine_map<(d0, d1) -> (0)>
#map1 = affine_map<(d0, d1) -> (0, 0)>
module attributes {stable_mosaic.version = 14 : i64} {
  func.func @_prep(%arg0: i32, %arg1: i32, %arg2: memref<320000xi32, #tpu.memory_space<hbm>>, %arg3: memref<320000xi32, #tpu.memory_space<hbm>>, %arg4: memref<2x327680xi32, #tpu.memory_space<hbm>>, %arg5: memref<2x327680xi32, #tpu.memory_space<hbm>>, %arg6: memref<32x16xi32, #tpu.memory_space<hbm>>, %arg7: memref<10000xi32, #tpu.memory_space<vmem>>, %arg8: memref<10000xi32, #tpu.memory_space<vmem>>, %arg9: memref<20480xi32, #tpu.memory_space<vmem>>, %arg10: memref<20480xi32, #tpu.memory_space<vmem>>, %arg11: memref<16xi32, #tpu.memory_space<vmem>>) attributes {dimension_semantics = [#tpu.dimension_semantics<core_parallel>, #tpu.dimension_semantics<subcore_parallel>], iteration_bounds = array<i64: 2, 16>, scalar_prefetch = 0 : i64, scratch_operands = 5 : i64, tpu.core_type = #tpu.core_type<sc_vector_subcore>, window_params = [{transform_indices = #map}, {transform_indices = #map}, {transform_indices = #map1}, {transform_indices = #map1}, {transform_indices = #map1}]} {
    %mul3A = arith.constant 16 : i32
    %mul3A_0 = arith.muli %arg0, %mul3A : i32
    %add3A = arith.addi %mul3A_0, %arg1 : i32
    %mul3A_1 = arith.constant 10000 : i32
    %mul3A_2 = arith.muli %add3A, %mul3A_1 : i32
    "tpu.region"() ({
      %run_scoped3A_112 = tpu.sem_alloc : memref<!tpu.dma_semaphore, #tpu.memory_space<semaphore_mem>>
      %dma_start3A = tpu.memref_slice %arg2[%mul3A_2] : memref<320000xi32, #tpu.memory_space<hbm>> -> memref<10000xi32, #tpu.memory_space<hbm>>
      %dma_start3A_113 = tpu.memref_slice %arg2[%mul3A_2] : memref<320000xi32, #tpu.memory_space<hbm>> -> memref<10000xi32, #tpu.memory_space<hbm>>
      tpu.enqueue_dma source(%dma_start3A_113 : memref<10000xi32, #tpu.memory_space<hbm>>) target(%arg7 : memref<10000xi32, #tpu.memory_space<vmem>>) target_semaphore(%run_scoped3A_112 : memref<!tpu.dma_semaphore, #tpu.memory_space<semaphore_mem>>)
      %dma_wait3A = tpu.memref_slice %arg2[%mul3A_2] : memref<320000xi32, #tpu.memory_space<hbm>> -> memref<10000xi32, #tpu.memory_space<hbm>>
      %dma_wait3A_114 = tpu.memref_slice %arg2[%mul3A_2] : memref<320000xi32, #tpu.memory_space<hbm>> -> memref<10000xi32, #tpu.memory_space<hbm>>
      tpu.wait_dma2 semaphore(%run_scoped3A_112 : memref<!tpu.dma_semaphore, #tpu.memory_space<semaphore_mem>>) src(%dma_wait3A_114 : memref<10000xi32, #tpu.memory_space<hbm>>) dst(%arg7 : memref<10000xi32, #tpu.memory_space<vmem>>)
      tpu.yield
    }) : () -> ()
    %mul3A_3 = arith.constant 10000 : i32
    %mul3A_4 = arith.muli %add3A, %mul3A_3 : i32
    "tpu.region"() ({
      %run_scoped3A_112 = tpu.sem_alloc : memref<!tpu.dma_semaphore, #tpu.memory_space<semaphore_mem>>
      %dma_start3A = tpu.memref_slice %arg3[%mul3A_4] : memref<320000xi32, #tpu.memory_space<hbm>> -> memref<10000xi32, #tpu.memory_space<hbm>>
      %dma_start3A_113 = tpu.memref_slice %arg3[%mul3A_4] : memref<320000xi32, #tpu.memory_space<hbm>> -> memref<10000xi32, #tpu.memory_space<hbm>>
      tpu.enqueue_dma source(%dma_start3A_113 : memref<10000xi32, #tpu.memory_space<hbm>>) target(%arg8 : memref<10000xi32, #tpu.memory_space<vmem>>) target_semaphore(%run_scoped3A_112 : memref<!tpu.dma_semaphore, #tpu.memory_space<semaphore_mem>>)
      %dma_wait3A = tpu.memref_slice %arg3[%mul3A_4] : memref<320000xi32, #tpu.memory_space<hbm>> -> memref<10000xi32, #tpu.memory_space<hbm>>
      %dma_wait3A_114 = tpu.memref_slice %arg3[%mul3A_4] : memref<320000xi32, #tpu.memory_space<hbm>> -> memref<10000xi32, #tpu.memory_space<hbm>>
      tpu.wait_dma2 semaphore(%run_scoped3A_112 : memref<!tpu.dma_semaphore, #tpu.memory_space<semaphore_mem>>) src(%dma_wait3A_114 : memref<10000xi32, #tpu.memory_space<hbm>>) dst(%arg8 : memref<10000xi32, #tpu.memory_space<vmem>>)
      tpu.yield
    }) : () -> ()
    %broadcast_in_dim3A = arith.constant 0 : i32
    %broadcast_in_dim3A_5 = vector.broadcast %broadcast_in_dim3A : i32 to vector<16xi32>
    %broadcast_in_dim3A_6 = arith.constant 5120 : i32
    %broadcast_in_dim3A_7 = vector.broadcast %broadcast_in_dim3A_6 : i32 to vector<16xi32>
    %scan3A = arith.constant 0 : i32
    %scan3A_8 = arith.constant 0 : i32
    %scan3A_9 = arith.constant 1280 : i32
    %scan3A_10 = arith.addi %scan3A_8, %scan3A_9 : i32
    %scan3A_11 = arith.constant 1 : i32
    %scan3A_12 = scf.for %scan3A_112 = %scan3A_8 to %scan3A_10 step %scan3A_11 iter_args(%scan3A_113 = %scan3A) -> (i32)  : i32 {
      %mul3A_114 = arith.constant 16 : i32
      %mul3A_115 = arith.muli %scan3A_112, %mul3A_114 : i32
      %swap3A_116 = arith.index_cast %mul3A_115 : i32 to index
      %swap3A_117 = tpu.vector_load %arg9[%swap3A_116] {strides = array<i32>} : memref<20480xi32, #tpu.memory_space<vmem>>, vector<16xi32>,
      tpu.vector_store %arg9[%swap3A_116], %broadcast_in_dim3A_5 {strides = array<i32>} : memref<20480xi32, #tpu.memory_space<vmem>>, vector<16xi32>,
      %mul3A_118 = arith.constant 16 : i32
      %mul3A_119 = arith.muli %scan3A_112, %mul3A_118 : i32
      %swap3A_120 = arith.index_cast %mul3A_119 : i32 to index
      %swap3A_121 = tpu.vector_load %arg10[%swap3A_120] {strides = array<i32>} : memref<20480xi32, #tpu.memory_space<vmem>>, vector<16xi32>,
      tpu.vector_store %arg10[%swap3A_120], %broadcast_in_dim3A_7 {strides = array<i32>} : memref<20480xi32, #tpu.memory_space<vmem>>, vector<16xi32>,
      %scan3A_122 = arith.constant 0 : i32
      scf.yield %scan3A_122 : i32
    }
    %scan3A_13 = arith.constant 1280 : i32
    %iota3A = tpu.iota {dimensions = array<i32: 0>} : vector<16xi32>
    %scan3A_14 = arith.constant 0 : i32
    %scan3A_15 = arith.constant 0 : i32
    %scan3A_16 = arith.constant 0 : i32
    %scan3A_17 = arith.constant 625 : i32
    %scan3A_18 = arith.addi %scan3A_16, %scan3A_17 : i32
    %scan3A_19 = arith.constant 1 : i32
    %scan3A_20:2 = scf.for %scan3A_112 = %scan3A_16 to %scan3A_18 step %scan3A_19 iter_args(%scan3A_113 = %scan3A_14, %scan3A_114 = %scan3A_15) -> (i32, i32)  : i32 {
      %mul3A_115 = arith.constant 16 : i32
      %mul3A_116 = arith.muli %scan3A_112, %mul3A_115 : i32
      %get3A = arith.index_cast %mul3A_116 : i32 to index
      %get3A_117 = tpu.vector_load %arg7[%get3A] {strides = array<i32>} : memref<10000xi32, #tpu.memory_space<vmem>>, vector<16xi32>,
      %mul3A_118 = arith.constant 16 : i32
      %mul3A_119 = arith.muli %scan3A_112, %mul3A_118 : i32
      %get3A_120 = arith.index_cast %mul3A_119 : i32 to index
      %get3A_121 = tpu.vector_load %arg8[%get3A_120] {strides = array<i32>} : memref<10000xi32, #tpu.memory_space<vmem>>, vector<16xi32>,
      %lt3A = arith.constant 5120 : i32
      %lt3A_122 = vector.broadcast %lt3A : i32 to vector<16xi32>
      %lt3A_123 = arith.cmpi slt, %get3A_121, %lt3A_122 : vector<16xi32>
      %jit3A_124 = arith.constant 1 : i32
      %jit3A_125 = arith.constant 0 : i32
      %broadcast_in_dim3A_126 = vector.broadcast %jit3A_124 : i32 to vector<16xi32>
      %broadcast_in_dim3A_127 = vector.broadcast %jit3A_125 : i32 to vector<16xi32>
      %select_n3A_128 = arith.select %lt3A_123, %broadcast_in_dim3A_126, %broadcast_in_dim3A_127 : vector<16xi1>, vector<16xi32>
      %broadcast_in_dim3A_129 = arith.constant true
      %broadcast_in_dim3A_130 = vector.broadcast %broadcast_in_dim3A_129 : i1 to vector<16xi1>
      %masked_cumsum3A = tpu.scan <sum>, %select_n3A_128 masked %broadcast_in_dim3A_130 : vector<16xi32>, vector<16xi1> -> vector<16xi32>
      %sub3A_131 = arith.subi %masked_cumsum3A, %select_n3A_128 : vector<16xi32>
      %all_reduce_population_count3A = tpu.all_reduce %lt3A_123 {dim = 0 : i64, kind = #tpu.reduction_kind<sum>} : vector<16xi1> -> vector<16xi32>
      %slice3A = vector.extract_strided_slice %all_reduce_population_count3A {offsets = [0], sizes = [1], strides = [1]} : vector<16xi32> to vector<1xi32>
      %squeeze3A = vector.extract %slice3A[0] : i32 from vector<1xi32>
      %add3A_132 = vector.broadcast %scan3A_113 : i32 to vector<16xi32>
      %add3A_133 = arith.addi %add3A_132, %sub3A_131 : vector<16xi32>
      %add3A_134 = arith.constant 10240 : i32
      %add3A_135 = arith.addi %add3A_134, %scan3A_114 : i32
      %sub3A_136 = arith.subi %iota3A, %sub3A_131 : vector<16xi32>
      %add3A_137 = vector.broadcast %add3A_135 : i32 to vector<16xi32>
      %add3A_138 = arith.addi %add3A_137, %sub3A_136 : vector<16xi32>
      %select_n3A_139 = arith.select %lt3A_123, %add3A_133, %add3A_138 : vector<16xi1>, vector<16xi32>
      tpu.vector_store_idx %arg9[%select_n3A_139], %get3A_117 : memref<20480xi32, #tpu.memory_space<vmem>>[vector<16xi32>], vector<16xi32>,
      %sub3A_140 = arith.constant 5120 : i32
      %sub3A_141 = vector.broadcast %sub3A_140 : i32 to vector<16xi32>
      %sub3A_142 = arith.subi %get3A_121, %sub3A_141 : vector<16xi32>
      %select_n3A_143 = arith.select %lt3A_123, %get3A_121, %sub3A_142 : vector<16xi1>, vector<16xi32>
      tpu.vector_store_idx %arg10[%select_n3A_139], %select_n3A_143 : memref<20480xi32, #tpu.memory_space<vmem>>[vector<16xi32>], vector<16xi32>,
      %add3A_144 = arith.addi %scan3A_113, %squeeze3A : i32
      %sub3A_145 = arith.constant 16 : i32
      %sub3A_146 = arith.subi %sub3A_145, %squeeze3A : i32
      %add3A_147 = arith.addi %scan3A_114, %sub3A_146 : i32
      scf.yield %add3A_144, %add3A_147 : i32, i32
    }
    %scan3A_21 = arith.constant 625 : i32
    %mul3A_22 = arith.constant 10240 : i32
    %mul3A_23 = arith.muli %add3A, %mul3A_22 : i32
    %run_scoped3A = arith.constant 0 : i32
    "tpu.region"() ({
      %run_scoped3A_112 = tpu.sem_alloc : memref<!tpu.dma_semaphore, #tpu.memory_space<semaphore_mem>>
      %dma_start3A = arith.constant 0 : i32
      %dma_start3A_113 = tpu.memref_slice %arg9[%dma_start3A] : memref<20480xi32, #tpu.memory_space<vmem>> -> memref<10240xi32, #tpu.memory_space<vmem>>
      %dma_start3A_114 = tpu.memref_slice %arg4[%run_scoped3A, %mul3A_23] : memref<2x327680xi32, #tpu.memory_space<hbm>> -> memref<1x10240xi32, #tpu.memory_space<hbm>>
      %dma_start3A_115 = tpu.memref_squeeze %dma_start3A_114 : memref<1x10240xi32, #tpu.memory_space<hbm>> -> memref<10240xi32, #tpu.memory_space<hbm>>
      %dma_start3A_116 = tpu.memref_slice %arg4[%run_scoped3A, %mul3A_23] : memref<2x327680xi32, #tpu.memory_space<hbm>> -> memref<1x10240xi32, #tpu.memory_space<hbm>>
      %dma_start3A_117 = tpu.memref_squeeze %dma_start3A_116 : memref<1x10240xi32, #tpu.memory_space<hbm>> -> memref<10240xi32, #tpu.memory_space<hbm>>
      %dma_start3A_118 = arith.constant 0 : i32
      %dma_start3A_119 = tpu.memref_slice %arg9[%dma_start3A_118] : memref<20480xi32, #tpu.memory_space<vmem>> -> memref<10240xi32, #tpu.memory_space<vmem>>
      tpu.enqueue_dma source(%dma_start3A_119 : memref<10240xi32, #tpu.memory_space<vmem>>) target(%dma_start3A_117 : memref<10240xi32, #tpu.memory_space<hbm>>) target_semaphore(%run_scoped3A_112 : memref<!tpu.dma_semaphore, #tpu.memory_space<semaphore_mem>>)
      %dma_wait3A = arith.constant 0 : i32
      %dma_wait3A_120 = tpu.memref_slice %arg9[%dma_wait3A] : memref<20480xi32, #tpu.memory_space<vmem>> -> memref<10240xi32, #tpu.memory_space<vmem>>
      %dma_wait3A_121 = tpu.memref_slice %arg4[%run_scoped3A, %mul3A_23] : memref<2x327680xi32, #tpu.memory_space<hbm>> -> memref<1x10240xi32, #tpu.memory_space<hbm>>
      %dma_wait3A_122 = tpu.memref_squeeze %dma_wait3A_121 : memref<1x10240xi32, #tpu.memory_space<hbm>> -> memref<10240xi32, #tpu.memory_space<hbm>>
      %dma_wait3A_123 = tpu.memref_slice %arg4[%run_scoped3A, %mul3A_23] : memref<2x327680xi32, #tpu.memory_space<hbm>> -> memref<1x10240xi32, #tpu.memory_space<hbm>>
      %dma_wait3A_124 = tpu.memref_squeeze %dma_wait3A_123 : memref<1x10240xi32, #tpu.memory_space<hbm>> -> memref<10240xi32, #tpu.memory_space<hbm>>
      %dma_wait3A_125 = arith.constant 0 : i32
      %dma_wait3A_126 = tpu.memref_slice %arg9[%dma_wait3A_125] : memref<20480xi32, #tpu.memory_space<vmem>> -> memref<10240xi32, #tpu.memory_space<vmem>>
      tpu.wait_dma2 semaphore(%run_scoped3A_112 : memref<!tpu.dma_semaphore, #tpu.memory_space<semaphore_mem>>) src(%dma_wait3A_126 : memref<10240xi32, #tpu.memory_space<vmem>>) dst(%dma_wait3A_124 : memref<10240xi32, #tpu.memory_space<hbm>>)
      tpu.yield
    }) : () -> ()
    %mul3A_24 = arith.constant 10240 : i32
    %mul3A_25 = arith.muli %add3A, %mul3A_24 : i32
    %run_scoped3A_26 = arith.constant 0 : i32
    "tpu.region"() ({
      %run_scoped3A_112 = tpu.sem_alloc : memref<!tpu.dma_semaphore, #tpu.memory_space<semaphore_mem>>
      %dma_start3A = arith.constant 0 : i32
      %dma_start3A_113 = tpu.memref_slice %arg10[%dma_start3A] : memref<20480xi32, #tpu.memory_space<vmem>> -> memref<10240xi32, #tpu.memory_space<vmem>>
      %dma_start3A_114 = tpu.memref_slice %arg5[%run_scoped3A_26, %mul3A_25] : memref<2x327680xi32, #tpu.memory_space<hbm>> -> memref<1x10240xi32, #tpu.memory_space<hbm>>
      %dma_start3A_115 = tpu.memref_squeeze %dma_start3A_114 : memref<1x10240xi32, #tpu.memory_space<hbm>> -> memref<10240xi32, #tpu.memory_space<hbm>>
      %dma_start3A_116 = tpu.memref_slice %arg5[%run_scoped3A_26, %mul3A_25] : memref<2x327680xi32, #tpu.memory_space<hbm>> -> memref<1x10240xi32, #tpu.memory_space<hbm>>
      %dma_start3A_117 = tpu.memref_squeeze %dma_start3A_116 : memref<1x10240xi32, #tpu.memory_space<hbm>> -> memref<10240xi32, #tpu.memory_space<hbm>>
      %dma_start3A_118 = arith.constant 0 : i32
      %dma_start3A_119 = tpu.memref_slice %arg10[%dma_start3A_118] : memref<20480xi32, #tpu.memory_space<vmem>> -> memref<10240xi32, #tpu.memory_space<vmem>>
      tpu.enqueue_dma source(%dma_start3A_119 : memref<10240xi32, #tpu.memory_space<vmem>>) target(%dma_start3A_117 : memref<10240xi32, #tpu.memory_space<hbm>>) target_semaphore(%run_scoped3A_112 : memref<!tpu.dma_semaphore, #tpu.memory_space<semaphore_mem>>)
      %dma_wait3A = arith.constant 0 : i32
      %dma_wait3A_120 = tpu.memref_slice %arg10[%dma_wait3A] : memref<20480xi32, #tpu.memory_space<vmem>> -> memref<10240xi32, #tpu.memory_space<vmem>>
      %dma_wait3A_121 = tpu.memref_slice %arg5[%run_scoped3A_26, %mul3A_25] : memref<2x327680xi32, #tpu.memory_space<hbm>> -> memref<1x10240xi32, #tpu.memory_space<hbm>>
      %dma_wait3A_122 = tpu.memref_squeeze %dma_wait3A_121 : memref<1x10240xi32, #tpu.memory_space<hbm>> -> memref<10240xi32, #tpu.memory_space<hbm>>
      %dma_wait3A_123 = tpu.memref_slice %arg5[%run_scoped3A_26, %mul3A_25] : memref<2x327680xi32, #tpu.memory_space<hbm>> -> memref<1x10240xi32, #tpu.memory_space<hbm>>
      %dma_wait3A_124 = tpu.memref_squeeze %dma_wait3A_123 : memref<1x10240xi32, #tpu.memory_space<hbm>> -> memref<10240xi32, #tpu.memory_space<hbm>>
      %dma_wait3A_125 = arith.constant 0 : i32
      %dma_wait3A_126 = tpu.memref_slice %arg10[%dma_wait3A_125] : memref<20480xi32, #tpu.memory_space<vmem>> -> memref<10240xi32, #tpu.memory_space<vmem>>
      tpu.wait_dma2 semaphore(%run_scoped3A_112 : memref<!tpu.dma_semaphore, #tpu.memory_space<semaphore_mem>>) src(%dma_wait3A_126 : memref<10240xi32, #tpu.memory_space<vmem>>) dst(%dma_wait3A_124 : memref<10240xi32, #tpu.memory_space<hbm>>)
      tpu.yield
    }) : () -> ()
    %mul3A_27 = arith.constant 10240 : i32
    %mul3A_28 = arith.muli %add3A, %mul3A_27 : i32
    %run_scoped3A_29 = arith.constant 1 : i32
    "tpu.region"() ({
      %run_scoped3A_112 = tpu.sem_alloc : memref<!tpu.dma_semaphore, #tpu.memory_space<semaphore_mem>>
      %dma_start3A = arith.constant 10240 : i32
      %dma_start3A_113 = tpu.memref_slice %arg9[%dma_start3A] : memref<20480xi32, #tpu.memory_space<vmem>> -> memref<10240xi32, #tpu.memory_space<vmem>>
      %dma_start3A_114 = tpu.memref_slice %arg4[%run_scoped3A_29, %mul3A_28] : memref<2x327680xi32, #tpu.memory_space<hbm>> -> memref<1x10240xi32, #tpu.memory_space<hbm>>
      %dma_start3A_115 = tpu.memref_squeeze %dma_start3A_114 : memref<1x10240xi32, #tpu.memory_space<hbm>> -> memref<10240xi32, #tpu.memory_space<hbm>>
      %dma_start3A_116 = tpu.memref_slice %arg4[%run_scoped3A_29, %mul3A_28] : memref<2x327680xi32, #tpu.memory_space<hbm>> -> memref<1x10240xi32, #tpu.memory_space<hbm>>
      %dma_start3A_117 = tpu.memref_squeeze %dma_start3A_116 : memref<1x10240xi32, #tpu.memory_space<hbm>> -> memref<10240xi32, #tpu.memory_space<hbm>>
      %dma_start3A_118 = arith.constant 10240 : i32
      %dma_start3A_119 = tpu.memref_slice %arg9[%dma_start3A_118] : memref<20480xi32, #tpu.memory_space<vmem>> -> memref<10240xi32, #tpu.memory_space<vmem>>
      tpu.enqueue_dma source(%dma_start3A_119 : memref<10240xi32, #tpu.memory_space<vmem>>) target(%dma_start3A_117 : memref<10240xi32, #tpu.memory_space<hbm>>) target_semaphore(%run_scoped3A_112 : memref<!tpu.dma_semaphore, #tpu.memory_space<semaphore_mem>>)
      %dma_wait3A = arith.constant 10240 : i32
      %dma_wait3A_120 = tpu.memref_slice %arg9[%dma_wait3A] : memref<20480xi32, #tpu.memory_space<vmem>> -> memref<10240xi32, #tpu.memory_space<vmem>>
      %dma_wait3A_121 = tpu.memref_slice %arg4[%run_scoped3A_29, %mul3A_28] : memref<2x327680xi32, #tpu.memory_space<hbm>> -> memref<1x10240xi32, #tpu.memory_space<hbm>>
      %dma_wait3A_122 = tpu.memref_squeeze %dma_wait3A_121 : memref<1x10240xi32, #tpu.memory_space<hbm>> -> memref<10240xi32, #tpu.memory_space<hbm>>
      %dma_wait3A_123 = tpu.memref_slice %arg4[%run_scoped3A_29, %mul3A_28] : memref<2x327680xi32, #tpu.memory_space<hbm>> -> memref<1x10240xi32, #tpu.memory_space<hbm>>
      %dma_wait3A_124 = tpu.memref_squeeze %dma_wait3A_123 : memref<1x10240xi32, #tpu.memory_space<hbm>> -> memref<10240xi32, #tpu.memory_space<hbm>>
      %dma_wait3A_125 = arith.constant 10240 : i32
      %dma_wait3A_126 = tpu.memref_slice %arg9[%dma_wait3A_125] : memref<20480xi32, #tpu.memory_space<vmem>> -> memref<10240xi32, #tpu.memory_space<vmem>>
      tpu.wait_dma2 semaphore(%run_scoped3A_112 : memref<!tpu.dma_semaphore, #tpu.memory_space<semaphore_mem>>) src(%dma_wait3A_126 : memref<10240xi32, #tpu.memory_space<vmem>>) dst(%dma_wait3A_124 : memref<10240xi32, #tpu.memory_space<hbm>>)
      tpu.yield
    }) : () -> ()
    %mul3A_30 = arith.constant 10240 : i32
    %mul3A_31 = arith.muli %add3A, %mul3A_30 : i32
    %run_scoped3A_32 = arith.constant 1 : i32
    "tpu.region"() ({
      %run_scoped3A_112 = tpu.sem_alloc : memref<!tpu.dma_semaphore, #tpu.memory_space<semaphore_mem>>
      %dma_start3A = arith.constant 10240 : i32
      %dma_start3A_113 = tpu.memref_slice %arg10[%dma_start3A] : memref<20480xi32, #tpu.memory_space<vmem>> -> memref<10240xi32, #tpu.memory_space<vmem>>
      %dma_start3A_114 = tpu.memref_slice %arg5[%run_scoped3A_32, %mul3A_31] : memref<2x327680xi32, #tpu.memory_space<hbm>> -> memref<1x10240xi32, #tpu.memory_space<hbm>>
      %dma_start3A_115 = tpu.memref_squeeze %dma_start3A_114 : memref<1x10240xi32, #tpu.memory_space<hbm>> -> memref<10240xi32, #tpu.memory_space<hbm>>
      %dma_start3A_116 = tpu.memref_slice %arg5[%run_scoped3A_32, %mul3A_31] : memref<2x327680xi32, #tpu.memory_space<hbm>> -> memref<1x10240xi32, #tpu.memory_space<hbm>>
      %dma_start3A_117 = tpu.memref_squeeze %dma_start3A_116 : memref<1x10240xi32, #tpu.memory_space<hbm>> -> memref<10240xi32, #tpu.memory_space<hbm>>
      %dma_start3A_118 = arith.constant 10240 : i32
      %dma_start3A_119 = tpu.memref_slice %arg10[%dma_start3A_118] : memref<20480xi32, #tpu.memory_space<vmem>> -> memref<10240xi32, #tpu.memory_space<vmem>>
      tpu.enqueue_dma source(%dma_start3A_119 : memref<10240xi32, #tpu.memory_space<vmem>>) target(%dma_start3A_117 : memref<10240xi32, #tpu.memory_space<hbm>>) target_semaphore(%run_scoped3A_112 : memref<!tpu.dma_semaphore, #tpu.memory_space<semaphore_mem>>)
      %dma_wait3A = arith.constant 10240 : i32
      %dma_wait3A_120 = tpu.memref_slice %arg10[%dma_wait3A] : memref<20480xi32, #tpu.memory_space<vmem>> -> memref<10240xi32, #tpu.memory_space<vmem>>
      %dma_wait3A_121 = tpu.memref_slice %arg5[%run_scoped3A_32, %mul3A_31] : memref<2x327680xi32, #tpu.memory_space<hbm>> -> memref<1x10240xi32, #tpu.memory_space<hbm>>
      %dma_wait3A_122 = tpu.memref_squeeze %dma_wait3A_121 : memref<1x10240xi32, #tpu.memory_space<hbm>> -> memref<10240xi32, #tpu.memory_space<hbm>>
      %dma_wait3A_123 = tpu.memref_slice %arg5[%run_scoped3A_32, %mul3A_31] : memref<2x327680xi32, #tpu.memory_space<hbm>> -> memref<1x10240xi32, #tpu.memory_space<hbm>>
      %dma_wait3A_124 = tpu.memref_squeeze %dma_wait3A_123 : memref<1x10240xi32, #tpu.memory_space<hbm>> -> memref<10240xi32, #tpu.memory_space<hbm>>
      %dma_wait3A_125 = arith.constant 10240 : i32
      %dma_wait3A_126 = tpu.memref_slice %arg10[%dma_wait3A_125] : memref<20480xi32, #tpu.memory_space<vmem>> -> memref<10240xi32, #tpu.memory_space<vmem>>
      tpu.wait_dma2 semaphore(%run_scoped3A_112 : memref<!tpu.dma_semaphore, #tpu.memory_space<semaphore_mem>>) src(%dma_wait3A_126 : memref<10240xi32, #tpu.memory_space<vmem>>) dst(%dma_wait3A_124 : memref<10240xi32, #tpu.memory_space<hbm>>)
      tpu.yield
    }) : () -> ()
    %iota3A_33 = tpu.iota {dimensions = array<i32: 0>} : vector<16xi32>
    %broadcast_in_dim3A_34 = vector.broadcast %scan3A_20#0 : i32 to vector<16xi32>
    %add3A_35 = arith.constant 128 : i32
    %add3A_36 = vector.broadcast %add3A_35 : i32 to vector<16xi32>
    %add3A_37 = arith.addi %broadcast_in_dim3A_34, %add3A_36 : vector<16xi32>
    %sub3A = arith.constant 1 : i32
    %sub3A_38 = vector.broadcast %sub3A : i32 to vector<16xi32>
    %sub3A_39 = arith.subi %add3A_37, %sub3A_38 : vector<16xi32>
    %jit3A = arith.constant 128 : i32
    %div3A = vector.broadcast %jit3A : i32 to vector<16xi32>
    %div3A_40 = arith.divsi %sub3A_39, %div3A : vector<16xi32>
    %sign3A = arith.constant 0 : i32
    %sign3A_41 = vector.broadcast %sign3A : i32 to vector<16xi32>
    %sign3A_42 = arith.cmpi sgt, %sub3A_39, %sign3A_41 : vector<16xi32>
    %sign3A_43 = arith.extui %sign3A_42 : vector<16xi1> to vector<16xi32>
    %sign3A_44 = arith.constant 0 : i32
    %sign3A_45 = vector.broadcast %sign3A_44 : i32 to vector<16xi32>
    %sign3A_46 = arith.cmpi slt, %sub3A_39, %sign3A_45 : vector<16xi32>
    %sign3A_47 = arith.extui %sign3A_46 : vector<16xi1> to vector<16xi32>
    %sign3A_48 = arith.subi %sign3A_43, %sign3A_47 : vector<16xi32>
    %sign3A_49 = arith.constant 0 : i32
    %sign3A_50 = arith.cmpi sgt, %jit3A, %sign3A_49 : i32
    %sign3A_51 = arith.extui %sign3A_50 : i1 to i32
    %sign3A_52 = arith.constant 0 : i32
    %sign3A_53 = arith.cmpi slt, %jit3A, %sign3A_52 : i32
    %sign3A_54 = arith.extui %sign3A_53 : i1 to i32
    %sign3A_55 = arith.subi %sign3A_51, %sign3A_54 : i32
    %ne3A = vector.broadcast %sign3A_55 : i32 to vector<16xi32>
    %ne3A_56 = arith.cmpi ne, %sign3A_48, %ne3A : vector<16xi32>
    %rem3A = vector.broadcast %jit3A : i32 to vector<16xi32>
    %rem3A_57 = arith.remsi %sub3A_39, %rem3A : vector<16xi32>
    %ne3A_58 = arith.constant 0 : i32
    %ne3A_59 = vector.broadcast %ne3A_58 : i32 to vector<16xi32>
    %ne3A_60 = arith.cmpi ne, %rem3A_57, %ne3A_59 : vector<16xi32>
    %and3A = arith.andi %ne3A_56, %ne3A_60 : vector<16xi1>
    %sub3A_61 = arith.constant 1 : i32
    %sub3A_62 = vector.broadcast %sub3A_61 : i32 to vector<16xi32>
    %sub3A_63 = arith.subi %div3A_40, %sub3A_62 : vector<16xi32>
    %select_n3A = arith.select %and3A, %sub3A_63, %div3A_40 : vector<16xi1>, vector<16xi32>
    %broadcast_in_dim3A_64 = vector.broadcast %scan3A_20#1 : i32 to vector<16xi32>
    %add3A_65 = arith.constant 128 : i32
    %add3A_66 = vector.broadcast %add3A_65 : i32 to vector<16xi32>
    %add3A_67 = arith.addi %broadcast_in_dim3A_64, %add3A_66 : vector<16xi32>
    %sub3A_68 = arith.constant 1 : i32
    %sub3A_69 = vector.broadcast %sub3A_68 : i32 to vector<16xi32>
    %sub3A_70 = arith.subi %add3A_67, %sub3A_69 : vector<16xi32>
    %jit3A_71 = arith.constant 128 : i32
    %div3A_72 = vector.broadcast %jit3A_71 : i32 to vector<16xi32>
    %div3A_73 = arith.divsi %sub3A_70, %div3A_72 : vector<16xi32>
    %sign3A_74 = arith.constant 0 : i32
    %sign3A_75 = vector.broadcast %sign3A_74 : i32 to vector<16xi32>
    %sign3A_76 = arith.cmpi sgt, %sub3A_70, %sign3A_75 : vector<16xi32>
    %sign3A_77 = arith.extui %sign3A_76 : vector<16xi1> to vector<16xi32>
    %sign3A_78 = arith.constant 0 : i32
    %sign3A_79 = vector.broadcast %sign3A_78 : i32 to vector<16xi32>
    %sign3A_80 = arith.cmpi slt, %sub3A_70, %sign3A_79 : vector<16xi32>
    %sign3A_81 = arith.extui %sign3A_80 : vector<16xi1> to vector<16xi32>
    %sign3A_82 = arith.subi %sign3A_77, %sign3A_81 : vector<16xi32>
    %sign3A_83 = arith.constant 0 : i32
    %sign3A_84 = arith.cmpi sgt, %jit3A_71, %sign3A_83 : i32
    %sign3A_85 = arith.extui %sign3A_84 : i1 to i32
    %sign3A_86 = arith.constant 0 : i32
    %sign3A_87 = arith.cmpi slt, %jit3A_71, %sign3A_86 : i32
    %sign3A_88 = arith.extui %sign3A_87 : i1 to i32
    %sign3A_89 = arith.subi %sign3A_85, %sign3A_88 : i32
    %ne3A_90 = vector.broadcast %sign3A_89 : i32 to vector<16xi32>
    %ne3A_91 = arith.cmpi ne, %sign3A_82, %ne3A_90 : vector<16xi32>
    %rem3A_92 = vector.broadcast %jit3A_71 : i32 to vector<16xi32>
    %rem3A_93 = arith.remsi %sub3A_70, %rem3A_92 : vector<16xi32>
    %ne3A_94 = arith.constant 0 : i32
    %ne3A_95 = vector.broadcast %ne3A_94 : i32 to vector<16xi32>
    %ne3A_96 = arith.cmpi ne, %rem3A_93, %ne3A_95 : vector<16xi32>
    %and3A_97 = arith.andi %ne3A_91, %ne3A_96 : vector<16xi1>
    %sub3A_98 = arith.constant 1 : i32
    %sub3A_99 = vector.broadcast %sub3A_98 : i32 to vector<16xi32>
    %sub3A_100 = arith.subi %div3A_73, %sub3A_99 : vector<16xi32>
    %select_n3A_101 = arith.select %and3A_97, %sub3A_100, %div3A_73 : vector<16xi1>, vector<16xi32>
    %eq3A = arith.constant 0 : i32
    %eq3A_102 = vector.broadcast %eq3A : i32 to vector<16xi32>
    %eq3A_103 = arith.cmpi eq, %iota3A_33, %eq3A_102 : vector<16xi32>
    %eq3A_104 = arith.constant 1 : i32
    %eq3A_105 = vector.broadcast %eq3A_104 : i32 to vector<16xi32>
    %eq3A_106 = arith.cmpi eq, %iota3A_33, %eq3A_105 : vector<16xi32>
    %jit3A_107 = arith.constant 0 : i32
    %broadcast_in_dim3A_108 = vector.broadcast %jit3A_107 : i32 to vector<16xi32>
    %select_n3A_109 = arith.select %eq3A_106, %select_n3A_101, %broadcast_in_dim3A_108 : vector<16xi1>, vector<16xi32>
    %select_n3A_110 = arith.select %eq3A_103, %select_n3A, %select_n3A_109 : vector<16xi1>, vector<16xi32>
    %swap3A = arith.constant 0 : index
    %swap3A_111 = tpu.vector_load %arg11[%swap3A] {strides = array<i32>} : memref<16xi32, #tpu.memory_space<vmem>>, vector<16xi32>,
    tpu.vector_store %arg11[%swap3A], %select_n3A_110 {strides = array<i32>} : memref<16xi32, #tpu.memory_space<vmem>>, vector<16xi32>,
    "tpu.region"() ({
      %run_scoped3A_112 = tpu.sem_alloc : memref<!tpu.dma_semaphore, #tpu.memory_space<semaphore_mem>>
      %dma_start3A = arith.constant 0 : i32
      %dma_start3A_113 = tpu.memref_slice %arg6[%add3A, %dma_start3A] : memref<32x16xi32, #tpu.memory_space<hbm>> -> memref<1x16xi32, #tpu.memory_space<hbm>>
      %dma_start3A_114 = tpu.memref_squeeze %dma_start3A_113 : memref<1x16xi32, #tpu.memory_space<hbm>> -> memref<16xi32, #tpu.memory_space<hbm>>
      %dma_start3A_115 = arith.constant 0 : i32
      %dma_start3A_116 = tpu.memref_slice %arg6[%add3A, %dma_start3A_115] : memref<32x16xi32, #tpu.memory_space<hbm>> -> memref<1x16xi32, #tpu.memory_space<hbm>>
      %dma_start3A_117 = tpu.memref_squeeze %dma_start3A_116 : memref<1x16xi32, #tpu.memory_space<hbm>> -> memref<16xi32, #tpu.memory_space<hbm>>
      tpu.enqueue_dma source(%arg11 : memref<16xi32, #tpu.memory_space<vmem>>) target(%dma_start3A_117 : memref<16xi32, #tpu.memory_space<hbm>>) target_semaphore(%run_scoped3A_112 : memref<!tpu.dma_semaphore, #tpu.memory_space<semaphore_mem>>)
      %dma_wait3A = arith.constant 0 : i32
      %dma_wait3A_118 = tpu.memref_slice %arg6[%add3A, %dma_wait3A] : memref<32x16xi32, #tpu.memory_space<hbm>> -> memref<1x16xi32, #tpu.memory_space<hbm>>
      %dma_wait3A_119 = tpu.memref_squeeze %dma_wait3A_118 : memref<1x16xi32, #tpu.memory_space<hbm>> -> memref<16xi32, #tpu.memory_space<hbm>>
      %dma_wait3A_120 = arith.constant 0 : i32
      %dma_wait3A_121 = tpu.memref_slice %arg6[%add3A, %dma_wait3A_120] : memref<32x16xi32, #tpu.memory_space<hbm>> -> memref<1x16xi32, #tpu.memory_space<hbm>>
      %dma_wait3A_122 = tpu.memref_squeeze %dma_wait3A_121 : memref<1x16xi32, #tpu.memory_space<hbm>> -> memref<16xi32, #tpu.memory_space<hbm>>
      tpu.wait_dma2 semaphore(%run_scoped3A_112 : memref<!tpu.dma_semaphore, #tpu.memory_space<semaphore_mem>>) src(%arg11 : memref<16xi32, #tpu.memory_space<vmem>>) dst(%dma_wait3A_122 : memref<16xi32, #tpu.memory_space<hbm>>)
      tpu.yield
    }) : () -> ()
    return
  }
}

#map = affine_map<(d0, d1) -> (0)>
module attributes {stable_mosaic.version = 14 : i64} {
  func.func @_deg(%arg0: i32, %arg1: i32, %arg2: memref<320000xi32, #tpu.memory_space<hbm>>, %arg3: memref<10240xf32, #tpu.memory_space<hbm>>, %arg4: memref<20000xi32, #tpu.memory_space<vmem>>, %arg5: memref<10240xf32, #tpu.memory_space<vmem>>, %arg6: memref<640xf32, #tpu.memory_space<vmem>>, %arg7: memref<640xf32, #tpu.memory_space<vmem>>, %arg8: memref<640xf32, #tpu.memory_space<vmem>>, %arg9: memref<16x10240xf32, #tpu.memory_space<vmem_shared>>) attributes {dimension_semantics = [#tpu.dimension_semantics<core_parallel>, #tpu.dimension_semantics<subcore_parallel>], iteration_bounds = array<i64: 2, 16>, scalar_prefetch = 0 : i64, scratch_operands = 6 : i64, tpu.core_type = #tpu.core_type<sc_vector_subcore>, window_params = [{transform_indices = #map}, {transform_indices = #map}]} {
    %scan3A = arith.constant 0 : i32
    %scan3A_0 = arith.constant 0 : i32
    %scan3A_1 = arith.constant 640 : i32
    %scan3A_2 = arith.addi %scan3A_0, %scan3A_1 : i32
    %scan3A_3 = arith.constant 1 : i32
    %scan3A_4 = scf.for %scan3A_160 = %scan3A_0 to %scan3A_2 step %scan3A_3 iter_args(%scan3A_161 = %scan3A) -> (i32)  : i32 {
      %broadcast_in_dim3A_162 = arith.constant 0.000000e+00 : f32
      %broadcast_in_dim3A_163 = vector.broadcast %broadcast_in_dim3A_162 : f32 to vector<16xf32>
      %mul3A_164 = arith.constant 16 : i32
      %mul3A_165 = arith.muli %scan3A_160, %mul3A_164 : i32
      %swap3A = arith.index_cast %mul3A_165 : i32 to index
      %swap3A_166 = tpu.vector_load %arg5[%swap3A] {strides = array<i32>} : memref<10240xf32, #tpu.memory_space<vmem>>, vector<16xf32>,
      tpu.vector_store %arg5[%swap3A], %broadcast_in_dim3A_163 {strides = array<i32>} : memref<10240xf32, #tpu.memory_space<vmem>>, vector<16xf32>,
      %scan3A_167 = arith.constant 0 : i32
      scf.yield %scan3A_167 : i32
    }
    %scan3A_5 = arith.constant 640 : i32
    %mul3A = arith.constant 20000 : i32
    %mul3A_6 = arith.muli %arg1, %mul3A : i32
    "tpu.region"() ({
      %run_scoped3A_160 = tpu.sem_alloc : memref<!tpu.dma_semaphore, #tpu.memory_space<semaphore_mem>>
      %dma_start3A = tpu.memref_slice %arg2[%mul3A_6] : memref<320000xi32, #tpu.memory_space<hbm>> -> memref<20000xi32, #tpu.memory_space<hbm>>
      %dma_start3A_161 = tpu.memref_slice %arg2[%mul3A_6] : memref<320000xi32, #tpu.memory_space<hbm>> -> memref<20000xi32, #tpu.memory_space<hbm>>
      tpu.enqueue_dma source(%dma_start3A_161 : memref<20000xi32, #tpu.memory_space<hbm>>) target(%arg4 : memref<20000xi32, #tpu.memory_space<vmem>>) target_semaphore(%run_scoped3A_160 : memref<!tpu.dma_semaphore, #tpu.memory_space<semaphore_mem>>)
      %dma_wait3A = tpu.memref_slice %arg2[%mul3A_6] : memref<320000xi32, #tpu.memory_space<hbm>> -> memref<20000xi32, #tpu.memory_space<hbm>>
      %dma_wait3A_162 = tpu.memref_slice %arg2[%mul3A_6] : memref<320000xi32, #tpu.memory_space<hbm>> -> memref<20000xi32, #tpu.memory_space<hbm>>
      tpu.wait_dma2 semaphore(%run_scoped3A_160 : memref<!tpu.dma_semaphore, #tpu.memory_space<semaphore_mem>>) src(%dma_wait3A_162 : memref<20000xi32, #tpu.memory_space<hbm>>) dst(%arg4 : memref<20000xi32, #tpu.memory_space<vmem>>)
      tpu.yield
    }) : () -> ()
    %broadcast_in_dim3A = arith.constant 1.000000e+00 : f32
    %broadcast_in_dim3A_7 = vector.broadcast %broadcast_in_dim3A : f32 to vector<16xf32>
    %scan3A_8 = arith.constant 0 : i32
    %scan3A_9 = arith.constant 0 : i32
    %scan3A_10 = arith.constant 1250 : i32
    %scan3A_11 = arith.addi %scan3A_9, %scan3A_10 : i32
    %scan3A_12 = arith.constant 1 : i32
    %scan3A_13 = scf.for %scan3A_160 = %scan3A_9 to %scan3A_11 step %scan3A_12 iter_args(%scan3A_161 = %scan3A_8) -> (i32)  : i32 {
      %mul3A_162 = arith.constant 16 : i32
      %mul3A_163 = arith.muli %scan3A_160, %mul3A_162 : i32
      %get3A = arith.index_cast %mul3A_163 : i32 to index
      %get3A_164 = tpu.vector_load %arg4[%get3A] {strides = array<i32>} : memref<20000xi32, #tpu.memory_space<vmem>>, vector<16xi32>,
      tpu.vector_store_idx %arg5[%get3A_164], %broadcast_in_dim3A_7 {add = true} : memref<10240xf32, #tpu.memory_space<vmem>>[vector<16xi32>], vector<16xf32>,
      %scan3A_165 = arith.constant 0 : i32
      scf.yield %scan3A_165 : i32
    }
    %scan3A_14 = arith.constant 1250 : i32
    "tpu.region"() ({
      %run_scoped3A_160 = tpu.sem_alloc : memref<!tpu.dma_semaphore, #tpu.memory_space<semaphore_mem>>
      %dma_start3A = arith.constant 0 : i32
      %dma_start3A_161 = tpu.memref_slice %arg9[%arg1, %dma_start3A] : memref<16x10240xf32, #tpu.memory_space<vmem_shared>> -> memref<1x10240xf32, #tpu.memory_space<vmem_shared>>
      %dma_start3A_162 = tpu.memref_squeeze %dma_start3A_161 : memref<1x10240xf32, #tpu.memory_space<vmem_shared>> -> memref<10240xf32, #tpu.memory_space<vmem_shared>>
      %dma_start3A_163 = arith.constant 0 : i32
      %dma_start3A_164 = tpu.memref_slice %arg9[%arg1, %dma_start3A_163] : memref<16x10240xf32, #tpu.memory_space<vmem_shared>> -> memref<1x10240xf32, #tpu.memory_space<vmem_shared>>
      %dma_start3A_165 = tpu.memref_squeeze %dma_start3A_164 : memref<1x10240xf32, #tpu.memory_space<vmem_shared>> -> memref<10240xf32, #tpu.memory_space<vmem_shared>>
      tpu.enqueue_dma source(%arg5 : memref<10240xf32, #tpu.memory_space<vmem>>) target(%dma_start3A_165 : memref<10240xf32, #tpu.memory_space<vmem_shared>>) target_semaphore(%run_scoped3A_160 : memref<!tpu.dma_semaphore, #tpu.memory_space<semaphore_mem>>)
      %dma_wait3A = arith.constant 0 : i32
      %dma_wait3A_166 = tpu.memref_slice %arg9[%arg1, %dma_wait3A] : memref<16x10240xf32, #tpu.memory_space<vmem_shared>> -> memref<1x10240xf32, #tpu.memory_space<vmem_shared>>
      %dma_wait3A_167 = tpu.memref_squeeze %dma_wait3A_166 : memref<1x10240xf32, #tpu.memory_space<vmem_shared>> -> memref<10240xf32, #tpu.memory_space<vmem_shared>>
      %dma_wait3A_168 = arith.constant 0 : i32
      %dma_wait3A_169 = tpu.memref_slice %arg9[%arg1, %dma_wait3A_168] : memref<16x10240xf32, #tpu.memory_space<vmem_shared>> -> memref<1x10240xf32, #tpu.memory_space<vmem_shared>>
      %dma_wait3A_170 = tpu.memref_squeeze %dma_wait3A_169 : memref<1x10240xf32, #tpu.memory_space<vmem_shared>> -> memref<10240xf32, #tpu.memory_space<vmem_shared>>
      tpu.wait_dma2 semaphore(%run_scoped3A_160 : memref<!tpu.dma_semaphore, #tpu.memory_space<semaphore_mem>>) src(%arg5 : memref<10240xf32, #tpu.memory_space<vmem>>) dst(%dma_wait3A_170 : memref<10240xf32, #tpu.memory_space<vmem_shared>>)
      tpu.yield
    }) : () -> ()
    %barrier3A = arith.constant 0 : index
    tpu.barrier barrier_id(%barrier3A)
    %mul3A_15 = arith.constant 640 : i32
    %mul3A_16 = arith.muli %arg1, %mul3A_15 : i32
    %scan3A_17 = arith.constant 0 : i32
    %scan3A_18 = arith.constant 0 : i32
    %scan3A_19 = arith.constant 40 : i32
    %scan3A_20 = arith.addi %scan3A_18, %scan3A_19 : i32
    %scan3A_21 = arith.constant 1 : i32
    %scan3A_22 = scf.for %scan3A_160 = %scan3A_18 to %scan3A_20 step %scan3A_21 iter_args(%scan3A_161 = %scan3A_17) -> (i32)  : i32 {
      %broadcast_in_dim3A_162 = arith.constant 0.000000e+00 : f32
      %broadcast_in_dim3A_163 = vector.broadcast %broadcast_in_dim3A_162 : f32 to vector<16xf32>
      %mul3A_164 = arith.constant 16 : i32
      %mul3A_165 = arith.muli %scan3A_160, %mul3A_164 : i32
      %swap3A = arith.index_cast %mul3A_165 : i32 to index
      %swap3A_166 = tpu.vector_load %arg6[%swap3A] {strides = array<i32>} : memref<640xf32, #tpu.memory_space<vmem>>, vector<16xf32>,
      tpu.vector_store %arg6[%swap3A], %broadcast_in_dim3A_163 {strides = array<i32>} : memref<640xf32, #tpu.memory_space<vmem>>, vector<16xf32>,
      %scan3A_167 = arith.constant 0 : i32
      scf.yield %scan3A_167 : i32
    }
    %scan3A_23 = arith.constant 40 : i32
    %run_scoped3A = arith.constant 0 : i32
    "tpu.region"() ({
      %run_scoped3A_160 = tpu.sem_alloc : memref<!tpu.dma_semaphore, #tpu.memory_space<semaphore_mem>>
      %dma_start3A = tpu.memref_slice %arg9[%run_scoped3A, %mul3A_16] : memref<16x10240xf32, #tpu.memory_space<vmem_shared>> -> memref<1x640xf32, #tpu.memory_space<vmem_shared>>
      %dma_start3A_161 = tpu.memref_squeeze %dma_start3A : memref<1x640xf32, #tpu.memory_space<vmem_shared>> -> memref<640xf32, #tpu.memory_space<vmem_shared>>
      %dma_start3A_162 = tpu.memref_slice %arg9[%run_scoped3A, %mul3A_16] : memref<16x10240xf32, #tpu.memory_space<vmem_shared>> -> memref<1x640xf32, #tpu.memory_space<vmem_shared>>
      %dma_start3A_163 = tpu.memref_squeeze %dma_start3A_162 : memref<1x640xf32, #tpu.memory_space<vmem_shared>> -> memref<640xf32, #tpu.memory_space<vmem_shared>>
      tpu.enqueue_dma source(%dma_start3A_163 : memref<640xf32, #tpu.memory_space<vmem_shared>>) target(%arg7 : memref<640xf32, #tpu.memory_space<vmem>>) target_semaphore(%run_scoped3A_160 : memref<!tpu.dma_semaphore, #tpu.memory_space<semaphore_mem>>)
      %dma_wait3A = tpu.memref_slice %arg9[%run_scoped3A, %mul3A_16] : memref<16x10240xf32, #tpu.memory_space<vmem_shared>> -> memref<1x640xf32, #tpu.memory_space<vmem_shared>>
      %dma_wait3A_164 = tpu.memref_squeeze %dma_wait3A : memref<1x640xf32, #tpu.memory_space<vmem_shared>> -> memref<640xf32, #tpu.memory_space<vmem_shared>>
      %dma_wait3A_165 = tpu.memref_slice %arg9[%run_scoped3A, %mul3A_16] : memref<16x10240xf32, #tpu.memory_space<vmem_shared>> -> memref<1x640xf32, #tpu.memory_space<vmem_shared>>
      %dma_wait3A_166 = tpu.memref_squeeze %dma_wait3A_165 : memref<1x640xf32, #tpu.memory_space<vmem_shared>> -> memref<640xf32, #tpu.memory_space<vmem_shared>>
      tpu.wait_dma2 semaphore(%run_scoped3A_160 : memref<!tpu.dma_semaphore, #tpu.memory_space<semaphore_mem>>) src(%dma_wait3A_166 : memref<640xf32, #tpu.memory_space<vmem_shared>>) dst(%arg7 : memref<640xf32, #tpu.memory_space<vmem>>)
      tpu.yield
    }) : () -> ()
    %scan3A_24 = arith.constant 0 : i32
    %scan3A_25 = arith.constant 0 : i32
    %scan3A_26 = arith.constant 40 : i32
    %scan3A_27 = arith.addi %scan3A_25, %scan3A_26 : i32
    %scan3A_28 = arith.constant 1 : i32
    %scan3A_29 = scf.for %scan3A_160 = %scan3A_25 to %scan3A_27 step %scan3A_28 iter_args(%scan3A_161 = %scan3A_24) -> (i32)  : i32 {
      %mul3A_162 = arith.constant 16 : i32
      %mul3A_163 = arith.muli %scan3A_160, %mul3A_162 : i32
      %get3A = arith.index_cast %mul3A_163 : i32 to index
      %get3A_164 = tpu.vector_load %arg6[%get3A] {strides = array<i32>} : memref<640xf32, #tpu.memory_space<vmem>>, vector<16xf32>,
      %mul3A_165 = arith.constant 16 : i32
      %mul3A_166 = arith.muli %scan3A_160, %mul3A_165 : i32
      %get3A_167 = arith.index_cast %mul3A_166 : i32 to index
      %get3A_168 = tpu.vector_load %arg7[%get3A_167] {strides = array<i32>} : memref<640xf32, #tpu.memory_space<vmem>>, vector<16xf32>,
      %add3A = arith.addf %get3A_164, %get3A_168 : vector<16xf32>
      %mul3A_169 = arith.constant 16 : i32
      %mul3A_170 = arith.muli %scan3A_160, %mul3A_169 : i32
      %swap3A = arith.index_cast %mul3A_170 : i32 to index
      %swap3A_171 = tpu.vector_load %arg6[%swap3A] {strides = array<i32>} : memref<640xf32, #tpu.memory_space<vmem>>, vector<16xf32>,
      tpu.vector_store %arg6[%swap3A], %add3A {strides = array<i32>} : memref<640xf32, #tpu.memory_space<vmem>>, vector<16xf32>,
      %scan3A_172 = arith.constant 0 : i32
      scf.yield %scan3A_172 : i32
    }
    %scan3A_30 = arith.constant 40 : i32
    %run_scoped3A_31 = arith.constant 1 : i32
    "tpu.region"() ({
      %run_scoped3A_160 = tpu.sem_alloc : memref<!tpu.dma_semaphore, #tpu.memory_space<semaphore_mem>>
      %dma_start3A = tpu.memref_slice %arg9[%run_scoped3A_31, %mul3A_16] : memref<16x10240xf32, #tpu.memory_space<vmem_shared>> -> memref<1x640xf32, #tpu.memory_space<vmem_shared>>
      %dma_start3A_161 = tpu.memref_squeeze %dma_start3A : memref<1x640xf32, #tpu.memory_space<vmem_shared>> -> memref<640xf32, #tpu.memory_space<vmem_shared>>
      %dma_start3A_162 = tpu.memref_slice %arg9[%run_scoped3A_31, %mul3A_16] : memref<16x10240xf32, #tpu.memory_space<vmem_shared>> -> memref<1x640xf32, #tpu.memory_space<vmem_shared>>
      %dma_start3A_163 = tpu.memref_squeeze %dma_start3A_162 : memref<1x640xf32, #tpu.memory_space<vmem_shared>> -> memref<640xf32, #tpu.memory_space<vmem_shared>>
      tpu.enqueue_dma source(%dma_start3A_163 : memref<640xf32, #tpu.memory_space<vmem_shared>>) target(%arg7 : memref<640xf32, #tpu.memory_space<vmem>>) target_semaphore(%run_scoped3A_160 : memref<!tpu.dma_semaphore, #tpu.memory_space<semaphore_mem>>)
      %dma_wait3A = tpu.memref_slice %arg9[%run_scoped3A_31, %mul3A_16] : memref<16x10240xf32, #tpu.memory_space<vmem_shared>> -> memref<1x640xf32, #tpu.memory_space<vmem_shared>>
      %dma_wait3A_164 = tpu.memref_squeeze %dma_wait3A : memref<1x640xf32, #tpu.memory_space<vmem_shared>> -> memref<640xf32, #tpu.memory_space<vmem_shared>>
      %dma_wait3A_165 = tpu.memref_slice %arg9[%run_scoped3A_31, %mul3A_16] : memref<16x10240xf32, #tpu.memory_space<vmem_shared>> -> memref<1x640xf32, #tpu.memory_space<vmem_shared>>
      %dma_wait3A_166 = tpu.memref_squeeze %dma_wait3A_165 : memref<1x640xf32, #tpu.memory_space<vmem_shared>> -> memref<640xf32, #tpu.memory_space<vmem_shared>>
      tpu.wait_dma2 semaphore(%run_scoped3A_160 : memref<!tpu.dma_semaphore, #tpu.memory_space<semaphore_mem>>) src(%dma_wait3A_166 : memref<640xf32, #tpu.memory_space<vmem_shared>>) dst(%arg7 : memref<640xf32, #tpu.memory_space<vmem>>)
      tpu.yield
    }) : () -> ()
    %scan3A_32 = arith.constant 0 : i32
    %scan3A_33 = arith.constant 0 : i32
    %scan3A_34 = arith.constant 40 : i32
    %scan3A_35 = arith.addi %scan3A_33, %scan3A_34 : i32
    %scan3A_36 = arith.constant 1 : i32
    %scan3A_37 = scf.for %scan3A_160 = %scan3A_33 to %scan3A_35 step %scan3A_36 iter_args(%scan3A_161 = %scan3A_32) -> (i32)  : i32 {
      %mul3A_162 = arith.constant 16 : i32
      %mul3A_163 = arith.muli %scan3A_160, %mul3A_162 : i32
      %get3A = arith.index_cast %mul3A_163 : i32 to index
      %get3A_164 = tpu.vector_load %arg6[%get3A] {strides = array<i32>} : memref<640xf32, #tpu.memory_space<vmem>>, vector<16xf32>,
      %mul3A_165 = arith.constant 16 : i32
      %mul3A_166 = arith.muli %scan3A_160, %mul3A_165 : i32
      %get3A_167 = arith.index_cast %mul3A_166 : i32 to index
      %get3A_168 = tpu.vector_load %arg7[%get3A_167] {strides = array<i32>} : memref<640xf32, #tpu.memory_space<vmem>>, vector<16xf32>,
      %add3A = arith.addf %get3A_164, %get3A_168 : vector<16xf32>
      %mul3A_169 = arith.constant 16 : i32
      %mul3A_170 = arith.muli %scan3A_160, %mul3A_169 : i32
      %swap3A = arith.index_cast %mul3A_170 : i32 to index
      %swap3A_171 = tpu.vector_load %arg6[%swap3A] {strides = array<i32>} : memref<640xf32, #tpu.memory_space<vmem>>, vector<16xf32>,
      tpu.vector_store %arg6[%swap3A], %add3A {strides = array<i32>} : memref<640xf32, #tpu.memory_space<vmem>>, vector<16xf32>,
      %scan3A_172 = arith.constant 0 : i32
      scf.yield %scan3A_172 : i32
    }
    %scan3A_38 = arith.constant 40 : i32
    %run_scoped3A_39 = arith.constant 2 : i32
    "tpu.region"() ({
      %run_scoped3A_160 = tpu.sem_alloc : memref<!tpu.dma_semaphore, #tpu.memory_space<semaphore_mem>>
      %dma_start3A = tpu.memref_slice %arg9[%run_scoped3A_39, %mul3A_16] : memref<16x10240xf32, #tpu.memory_space<vmem_shared>> -> memref<1x640xf32, #tpu.memory_space<vmem_shared>>
      %dma_start3A_161 = tpu.memref_squeeze %dma_start3A : memref<1x640xf32, #tpu.memory_space<vmem_shared>> -> memref<640xf32, #tpu.memory_space<vmem_shared>>
      %dma_start3A_162 = tpu.memref_slice %arg9[%run_scoped3A_39, %mul3A_16] : memref<16x10240xf32, #tpu.memory_space<vmem_shared>> -> memref<1x640xf32, #tpu.memory_space<vmem_shared>>
      %dma_start3A_163 = tpu.memref_squeeze %dma_start3A_162 : memref<1x640xf32, #tpu.memory_space<vmem_shared>> -> memref<640xf32, #tpu.memory_space<vmem_shared>>
      tpu.enqueue_dma source(%dma_start3A_163 : memref<640xf32, #tpu.memory_space<vmem_shared>>) target(%arg7 : memref<640xf32, #tpu.memory_space<vmem>>) target_semaphore(%run_scoped3A_160 : memref<!tpu.dma_semaphore, #tpu.memory_space<semaphore_mem>>)
      %dma_wait3A = tpu.memref_slice %arg9[%run_scoped3A_39, %mul3A_16] : memref<16x10240xf32, #tpu.memory_space<vmem_shared>> -> memref<1x640xf32, #tpu.memory_space<vmem_shared>>
      %dma_wait3A_164 = tpu.memref_squeeze %dma_wait3A : memref<1x640xf32, #tpu.memory_space<vmem_shared>> -> memref<640xf32, #tpu.memory_space<vmem_shared>>
      %dma_wait3A_165 = tpu.memref_slice %arg9[%run_scoped3A_39, %mul3A_16] : memref<16x10240xf32, #tpu.memory_space<vmem_shared>> -> memref<1x640xf32, #tpu.memory_space<vmem_shared>>
      %dma_wait3A_166 = tpu.memref_squeeze %dma_wait3A_165 : memref<1x640xf32, #tpu.memory_space<vmem_shared>> -> memref<640xf32, #tpu.memory_space<vmem_shared>>
      tpu.wait_dma2 semaphore(%run_scoped3A_160 : memref<!tpu.dma_semaphore, #tpu.memory_space<semaphore_mem>>) src(%dma_wait3A_166 : memref<640xf32, #tpu.memory_space<vmem_shared>>) dst(%arg7 : memref<640xf32, #tpu.memory_space<vmem>>)
      tpu.yield
    }) : () -> ()
    %scan3A_40 = arith.constant 0 : i32
    %scan3A_41 = arith.constant 0 : i32
    %scan3A_42 = arith.constant 40 : i32
    %scan3A_43 = arith.addi %scan3A_41, %scan3A_42 : i32
    %scan3A_44 = arith.constant 1 : i32
    %scan3A_45 = scf.for %scan3A_160 = %scan3A_41 to %scan3A_43 step %scan3A_44 iter_args(%scan3A_161 = %scan3A_40) -> (i32)  : i32 {
      %mul3A_162 = arith.constant 16 : i32
      %mul3A_163 = arith.muli %scan3A_160, %mul3A_162 : i32
      %get3A = arith.index_cast %mul3A_163 : i32 to index
      %get3A_164 = tpu.vector_load %arg6[%get3A] {strides = array<i32>} : memref<640xf32, #tpu.memory_space<vmem>>, vector<16xf32>,
      %mul3A_165 = arith.constant 16 : i32
      %mul3A_166 = arith.muli %scan3A_160, %mul3A_165 : i32
      %get3A_167 = arith.index_cast %mul3A_166 : i32 to index
      %get3A_168 = tpu.vector_load %arg7[%get3A_167] {strides = array<i32>} : memref<640xf32, #tpu.memory_space<vmem>>, vector<16xf32>,
      %add3A = arith.addf %get3A_164, %get3A_168 : vector<16xf32>
      %mul3A_169 = arith.constant 16 : i32
      %mul3A_170 = arith.muli %scan3A_160, %mul3A_169 : i32
      %swap3A = arith.index_cast %mul3A_170 : i32 to index
      %swap3A_171 = tpu.vector_load %arg6[%swap3A] {strides = array<i32>} : memref<640xf32, #tpu.memory_space<vmem>>, vector<16xf32>,
      tpu.vector_store %arg6[%swap3A], %add3A {strides = array<i32>} : memref<640xf32, #tpu.memory_space<vmem>>, vector<16xf32>,
      %scan3A_172 = arith.constant 0 : i32
      scf.yield %scan3A_172 : i32
    }
    %scan3A_46 = arith.constant 40 : i32
    %run_scoped3A_47 = arith.constant 3 : i32
    "tpu.region"() ({
      %run_scoped3A_160 = tpu.sem_alloc : memref<!tpu.dma_semaphore, #tpu.memory_space<semaphore_mem>>
      %dma_start3A = tpu.memref_slice %arg9[%run_scoped3A_47, %mul3A_16] : memref<16x10240xf32, #tpu.memory_space<vmem_shared>> -> memref<1x640xf32, #tpu.memory_space<vmem_shared>>
      %dma_start3A_161 = tpu.memref_squeeze %dma_start3A : memref<1x640xf32, #tpu.memory_space<vmem_shared>> -> memref<640xf32, #tpu.memory_space<vmem_shared>>
      %dma_start3A_162 = tpu.memref_slice %arg9[%run_scoped3A_47, %mul3A_16] : memref<16x10240xf32, #tpu.memory_space<vmem_shared>> -> memref<1x640xf32, #tpu.memory_space<vmem_shared>>
      %dma_start3A_163 = tpu.memref_squeeze %dma_start3A_162 : memref<1x640xf32, #tpu.memory_space<vmem_shared>> -> memref<640xf32, #tpu.memory_space<vmem_shared>>
      tpu.enqueue_dma source(%dma_start3A_163 : memref<640xf32, #tpu.memory_space<vmem_shared>>) target(%arg7 : memref<640xf32, #tpu.memory_space<vmem>>) target_semaphore(%run_scoped3A_160 : memref<!tpu.dma_semaphore, #tpu.memory_space<semaphore_mem>>)
      %dma_wait3A = tpu.memref_slice %arg9[%run_scoped3A_47, %mul3A_16] : memref<16x10240xf32, #tpu.memory_space<vmem_shared>> -> memref<1x640xf32, #tpu.memory_space<vmem_shared>>
      %dma_wait3A_164 = tpu.memref_squeeze %dma_wait3A : memref<1x640xf32, #tpu.memory_space<vmem_shared>> -> memref<640xf32, #tpu.memory_space<vmem_shared>>
      %dma_wait3A_165 = tpu.memref_slice %arg9[%run_scoped3A_47, %mul3A_16] : memref<16x10240xf32, #tpu.memory_space<vmem_shared>> -> memref<1x640xf32, #tpu.memory_space<vmem_shared>>
      %dma_wait3A_166 = tpu.memref_squeeze %dma_wait3A_165 : memref<1x640xf32, #tpu.memory_space<vmem_shared>> -> memref<640xf32, #tpu.memory_space<vmem_shared>>
      tpu.wait_dma2 semaphore(%run_scoped3A_160 : memref<!tpu.dma_semaphore, #tpu.memory_space<semaphore_mem>>) src(%dma_wait3A_166 : memref<640xf32, #tpu.memory_space<vmem_shared>>) dst(%arg7 : memref<640xf32, #tpu.memory_space<vmem>>)
      tpu.yield
    }) : () -> ()
    %scan3A_48 = arith.constant 0 : i32
    %scan3A_49 = arith.constant 0 : i32
    %scan3A_50 = arith.constant 40 : i32
    %scan3A_51 = arith.addi %scan3A_49, %scan3A_50 : i32
    %scan3A_52 = arith.constant 1 : i32
    %scan3A_53 = scf.for %scan3A_160 = %scan3A_49 to %scan3A_51 step %scan3A_52 iter_args(%scan3A_161 = %scan3A_48) -> (i32)  : i32 {
      %mul3A_162 = arith.constant 16 : i32
      %mul3A_163 = arith.muli %scan3A_160, %mul3A_162 : i32
      %get3A = arith.index_cast %mul3A_163 : i32 to index
      %get3A_164 = tpu.vector_load %arg6[%get3A] {strides = array<i32>} : memref<640xf32, #tpu.memory_space<vmem>>, vector<16xf32>,
      %mul3A_165 = arith.constant 16 : i32
      %mul3A_166 = arith.muli %scan3A_160, %mul3A_165 : i32
      %get3A_167 = arith.index_cast %mul3A_166 : i32 to index
      %get3A_168 = tpu.vector_load %arg7[%get3A_167] {strides = array<i32>} : memref<640xf32, #tpu.memory_space<vmem>>, vector<16xf32>,
      %add3A = arith.addf %get3A_164, %get3A_168 : vector<16xf32>
      %mul3A_169 = arith.constant 16 : i32
      %mul3A_170 = arith.muli %scan3A_160, %mul3A_169 : i32
      %swap3A = arith.index_cast %mul3A_170 : i32 to index
      %swap3A_171 = tpu.vector_load %arg6[%swap3A] {strides = array<i32>} : memref<640xf32, #tpu.memory_space<vmem>>, vector<16xf32>,
      tpu.vector_store %arg6[%swap3A], %add3A {strides = array<i32>} : memref<640xf32, #tpu.memory_space<vmem>>, vector<16xf32>,
      %scan3A_172 = arith.constant 0 : i32
      scf.yield %scan3A_172 : i32
    }
    %scan3A_54 = arith.constant 40 : i32
    %run_scoped3A_55 = arith.constant 4 : i32
    "tpu.region"() ({
      %run_scoped3A_160 = tpu.sem_alloc : memref<!tpu.dma_semaphore, #tpu.memory_space<semaphore_mem>>
      %dma_start3A = tpu.memref_slice %arg9[%run_scoped3A_55, %mul3A_16] : memref<16x10240xf32, #tpu.memory_space<vmem_shared>> -> memref<1x640xf32, #tpu.memory_space<vmem_shared>>
      %dma_start3A_161 = tpu.memref_squeeze %dma_start3A : memref<1x640xf32, #tpu.memory_space<vmem_shared>> -> memref<640xf32, #tpu.memory_space<vmem_shared>>
      %dma_start3A_162 = tpu.memref_slice %arg9[%run_scoped3A_55, %mul3A_16] : memref<16x10240xf32, #tpu.memory_space<vmem_shared>> -> memref<1x640xf32, #tpu.memory_space<vmem_shared>>
      %dma_start3A_163 = tpu.memref_squeeze %dma_start3A_162 : memref<1x640xf32, #tpu.memory_space<vmem_shared>> -> memref<640xf32, #tpu.memory_space<vmem_shared>>
      tpu.enqueue_dma source(%dma_start3A_163 : memref<640xf32, #tpu.memory_space<vmem_shared>>) target(%arg7 : memref<640xf32, #tpu.memory_space<vmem>>) target_semaphore(%run_scoped3A_160 : memref<!tpu.dma_semaphore, #tpu.memory_space<semaphore_mem>>)
      %dma_wait3A = tpu.memref_slice %arg9[%run_scoped3A_55, %mul3A_16] : memref<16x10240xf32, #tpu.memory_space<vmem_shared>> -> memref<1x640xf32, #tpu.memory_space<vmem_shared>>
      %dma_wait3A_164 = tpu.memref_squeeze %dma_wait3A : memref<1x640xf32, #tpu.memory_space<vmem_shared>> -> memref<640xf32, #tpu.memory_space<vmem_shared>>
      %dma_wait3A_165 = tpu.memref_slice %arg9[%run_scoped3A_55, %mul3A_16] : memref<16x10240xf32, #tpu.memory_space<vmem_shared>> -> memref<1x640xf32, #tpu.memory_space<vmem_shared>>
      %dma_wait3A_166 = tpu.memref_squeeze %dma_wait3A_165 : memref<1x640xf32, #tpu.memory_space<vmem_shared>> -> memref<640xf32, #tpu.memory_space<vmem_shared>>
      tpu.wait_dma2 semaphore(%run_scoped3A_160 : memref<!tpu.dma_semaphore, #tpu.memory_space<semaphore_mem>>) src(%dma_wait3A_166 : memref<640xf32, #tpu.memory_space<vmem_shared>>) dst(%arg7 : memref<640xf32, #tpu.memory_space<vmem>>)
      tpu.yield
    }) : () -> ()
    %scan3A_56 = arith.constant 0 : i32
    %scan3A_57 = arith.constant 0 : i32
    %scan3A_58 = arith.constant 40 : i32
    %scan3A_59 = arith.addi %scan3A_57, %scan3A_58 : i32
    %scan3A_60 = arith.constant 1 : i32
    %scan3A_61 = scf.for %scan3A_160 = %scan3A_57 to %scan3A_59 step %scan3A_60 iter_args(%scan3A_161 = %scan3A_56) -> (i32)  : i32 {
      %mul3A_162 = arith.constant 16 : i32
      %mul3A_163 = arith.muli %scan3A_160, %mul3A_162 : i32
      %get3A = arith.index_cast %mul3A_163 : i32 to index
      %get3A_164 = tpu.vector_load %arg6[%get3A] {strides = array<i32>} : memref<640xf32, #tpu.memory_space<vmem>>, vector<16xf32>,
      %mul3A_165 = arith.constant 16 : i32
      %mul3A_166 = arith.muli %scan3A_160, %mul3A_165 : i32
      %get3A_167 = arith.index_cast %mul3A_166 : i32 to index
      %get3A_168 = tpu.vector_load %arg7[%get3A_167] {strides = array<i32>} : memref<640xf32, #tpu.memory_space<vmem>>, vector<16xf32>,
      %add3A = arith.addf %get3A_164, %get3A_168 : vector<16xf32>
      %mul3A_169 = arith.constant 16 : i32
      %mul3A_170 = arith.muli %scan3A_160, %mul3A_169 : i32
      %swap3A = arith.index_cast %mul3A_170 : i32 to index
      %swap3A_171 = tpu.vector_load %arg6[%swap3A] {strides = array<i32>} : memref<640xf32, #tpu.memory_space<vmem>>, vector<16xf32>,
      tpu.vector_store %arg6[%swap3A], %add3A {strides = array<i32>} : memref<640xf32, #tpu.memory_space<vmem>>, vector<16xf32>,
      %scan3A_172 = arith.constant 0 : i32
      scf.yield %scan3A_172 : i32
    }
    %scan3A_62 = arith.constant 40 : i32
    %run_scoped3A_63 = arith.constant 5 : i32
    "tpu.region"() ({
      %run_scoped3A_160 = tpu.sem_alloc : memref<!tpu.dma_semaphore, #tpu.memory_space<semaphore_mem>>
      %dma_start3A = tpu.memref_slice %arg9[%run_scoped3A_63, %mul3A_16] : memref<16x10240xf32, #tpu.memory_space<vmem_shared>> -> memref<1x640xf32, #tpu.memory_space<vmem_shared>>
      %dma_start3A_161 = tpu.memref_squeeze %dma_start3A : memref<1x640xf32, #tpu.memory_space<vmem_shared>> -> memref<640xf32, #tpu.memory_space<vmem_shared>>
      %dma_start3A_162 = tpu.memref_slice %arg9[%run_scoped3A_63, %mul3A_16] : memref<16x10240xf32, #tpu.memory_space<vmem_shared>> -> memref<1x640xf32, #tpu.memory_space<vmem_shared>>
      %dma_start3A_163 = tpu.memref_squeeze %dma_start3A_162 : memref<1x640xf32, #tpu.memory_space<vmem_shared>> -> memref<640xf32, #tpu.memory_space<vmem_shared>>
      tpu.enqueue_dma source(%dma_start3A_163 : memref<640xf32, #tpu.memory_space<vmem_shared>>) target(%arg7 : memref<640xf32, #tpu.memory_space<vmem>>) target_semaphore(%run_scoped3A_160 : memref<!tpu.dma_semaphore, #tpu.memory_space<semaphore_mem>>)
      %dma_wait3A = tpu.memref_slice %arg9[%run_scoped3A_63, %mul3A_16] : memref<16x10240xf32, #tpu.memory_space<vmem_shared>> -> memref<1x640xf32, #tpu.memory_space<vmem_shared>>
      %dma_wait3A_164 = tpu.memref_squeeze %dma_wait3A : memref<1x640xf32, #tpu.memory_space<vmem_shared>> -> memref<640xf32, #tpu.memory_space<vmem_shared>>
      %dma_wait3A_165 = tpu.memref_slice %arg9[%run_scoped3A_63, %mul3A_16] : memref<16x10240xf32, #tpu.memory_space<vmem_shared>> -> memref<1x640xf32, #tpu.memory_space<vmem_shared>>
      %dma_wait3A_166 = tpu.memref_squeeze %dma_wait3A_165 : memref<1x640xf32, #tpu.memory_space<vmem_shared>> -> memref<640xf32, #tpu.memory_space<vmem_shared>>
      tpu.wait_dma2 semaphore(%run_scoped3A_160 : memref<!tpu.dma_semaphore, #tpu.memory_space<semaphore_mem>>) src(%dma_wait3A_166 : memref<640xf32, #tpu.memory_space<vmem_shared>>) dst(%arg7 : memref<640xf32, #tpu.memory_space<vmem>>)
      tpu.yield
    }) : () -> ()
    %scan3A_64 = arith.constant 0 : i32
    %scan3A_65 = arith.constant 0 : i32
    %scan3A_66 = arith.constant 40 : i32
    %scan3A_67 = arith.addi %scan3A_65, %scan3A_66 : i32
    %scan3A_68 = arith.constant 1 : i32
    %scan3A_69 = scf.for %scan3A_160 = %scan3A_65 to %scan3A_67 step %scan3A_68 iter_args(%scan3A_161 = %scan3A_64) -> (i32)  : i32 {
      %mul3A_162 = arith.constant 16 : i32
      %mul3A_163 = arith.muli %scan3A_160, %mul3A_162 : i32
      %get3A = arith.index_cast %mul3A_163 : i32 to index
      %get3A_164 = tpu.vector_load %arg6[%get3A] {strides = array<i32>} : memref<640xf32, #tpu.memory_space<vmem>>, vector<16xf32>,
      %mul3A_165 = arith.constant 16 : i32
      %mul3A_166 = arith.muli %scan3A_160, %mul3A_165 : i32
      %get3A_167 = arith.index_cast %mul3A_166 : i32 to index
      %get3A_168 = tpu.vector_load %arg7[%get3A_167] {strides = array<i32>} : memref<640xf32, #tpu.memory_space<vmem>>, vector<16xf32>,
      %add3A = arith.addf %get3A_164, %get3A_168 : vector<16xf32>
      %mul3A_169 = arith.constant 16 : i32
      %mul3A_170 = arith.muli %scan3A_160, %mul3A_169 : i32
      %swap3A = arith.index_cast %mul3A_170 : i32 to index
      %swap3A_171 = tpu.vector_load %arg6[%swap3A] {strides = array<i32>} : memref<640xf32, #tpu.memory_space<vmem>>, vector<16xf32>,
      tpu.vector_store %arg6[%swap3A], %add3A {strides = array<i32>} : memref<640xf32, #tpu.memory_space<vmem>>, vector<16xf32>,
      %scan3A_172 = arith.constant 0 : i32
      scf.yield %scan3A_172 : i32
    }
    %scan3A_70 = arith.constant 40 : i32
    %run_scoped3A_71 = arith.constant 6 : i32
    "tpu.region"() ({
      %run_scoped3A_160 = tpu.sem_alloc : memref<!tpu.dma_semaphore, #tpu.memory_space<semaphore_mem>>
      %dma_start3A = tpu.memref_slice %arg9[%run_scoped3A_71, %mul3A_16] : memref<16x10240xf32, #tpu.memory_space<vmem_shared>> -> memref<1x640xf32, #tpu.memory_space<vmem_shared>>
      %dma_start3A_161 = tpu.memref_squeeze %dma_start3A : memref<1x640xf32, #tpu.memory_space<vmem_shared>> -> memref<640xf32, #tpu.memory_space<vmem_shared>>
      %dma_start3A_162 = tpu.memref_slice %arg9[%run_scoped3A_71, %mul3A_16] : memref<16x10240xf32, #tpu.memory_space<vmem_shared>> -> memref<1x640xf32, #tpu.memory_space<vmem_shared>>
      %dma_start3A_163 = tpu.memref_squeeze %dma_start3A_162 : memref<1x640xf32, #tpu.memory_space<vmem_shared>> -> memref<640xf32, #tpu.memory_space<vmem_shared>>
      tpu.enqueue_dma source(%dma_start3A_163 : memref<640xf32, #tpu.memory_space<vmem_shared>>) target(%arg7 : memref<640xf32, #tpu.memory_space<vmem>>) target_semaphore(%run_scoped3A_160 : memref<!tpu.dma_semaphore, #tpu.memory_space<semaphore_mem>>)
      %dma_wait3A = tpu.memref_slice %arg9[%run_scoped3A_71, %mul3A_16] : memref<16x10240xf32, #tpu.memory_space<vmem_shared>> -> memref<1x640xf32, #tpu.memory_space<vmem_shared>>
      %dma_wait3A_164 = tpu.memref_squeeze %dma_wait3A : memref<1x640xf32, #tpu.memory_space<vmem_shared>> -> memref<640xf32, #tpu.memory_space<vmem_shared>>
      %dma_wait3A_165 = tpu.memref_slice %arg9[%run_scoped3A_71, %mul3A_16] : memref<16x10240xf32, #tpu.memory_space<vmem_shared>> -> memref<1x640xf32, #tpu.memory_space<vmem_shared>>
      %dma_wait3A_166 = tpu.memref_squeeze %dma_wait3A_165 : memref<1x640xf32, #tpu.memory_space<vmem_shared>> -> memref<640xf32, #tpu.memory_space<vmem_shared>>
      tpu.wait_dma2 semaphore(%run_scoped3A_160 : memref<!tpu.dma_semaphore, #tpu.memory_space<semaphore_mem>>) src(%dma_wait3A_166 : memref<640xf32, #tpu.memory_space<vmem_shared>>) dst(%arg7 : memref<640xf32, #tpu.memory_space<vmem>>)
      tpu.yield
    }) : () -> ()
    %scan3A_72 = arith.constant 0 : i32
    %scan3A_73 = arith.constant 0 : i32
    %scan3A_74 = arith.constant 40 : i32
    %scan3A_75 = arith.addi %scan3A_73, %scan3A_74 : i32
    %scan3A_76 = arith.constant 1 : i32
    %scan3A_77 = scf.for %scan3A_160 = %scan3A_73 to %scan3A_75 step %scan3A_76 iter_args(%scan3A_161 = %scan3A_72) -> (i32)  : i32 {
      %mul3A_162 = arith.constant 16 : i32
      %mul3A_163 = arith.muli %scan3A_160, %mul3A_162 : i32
      %get3A = arith.index_cast %mul3A_163 : i32 to index
      %get3A_164 = tpu.vector_load %arg6[%get3A] {strides = array<i32>} : memref<640xf32, #tpu.memory_space<vmem>>, vector<16xf32>,
      %mul3A_165 = arith.constant 16 : i32
      %mul3A_166 = arith.muli %scan3A_160, %mul3A_165 : i32
      %get3A_167 = arith.index_cast %mul3A_166 : i32 to index
      %get3A_168 = tpu.vector_load %arg7[%get3A_167] {strides = array<i32>} : memref<640xf32, #tpu.memory_space<vmem>>, vector<16xf32>,
      %add3A = arith.addf %get3A_164, %get3A_168 : vector<16xf32>
      %mul3A_169 = arith.constant 16 : i32
      %mul3A_170 = arith.muli %scan3A_160, %mul3A_169 : i32
      %swap3A = arith.index_cast %mul3A_170 : i32 to index
      %swap3A_171 = tpu.vector_load %arg6[%swap3A] {strides = array<i32>} : memref<640xf32, #tpu.memory_space<vmem>>, vector<16xf32>,
      tpu.vector_store %arg6[%swap3A], %add3A {strides = array<i32>} : memref<640xf32, #tpu.memory_space<vmem>>, vector<16xf32>,
      %scan3A_172 = arith.constant 0 : i32
      scf.yield %scan3A_172 : i32
    }
    %scan3A_78 = arith.constant 40 : i32
    %run_scoped3A_79 = arith.constant 7 : i32
    "tpu.region"() ({
      %run_scoped3A_160 = tpu.sem_alloc : memref<!tpu.dma_semaphore, #tpu.memory_space<semaphore_mem>>
      %dma_start3A = tpu.memref_slice %arg9[%run_scoped3A_79, %mul3A_16] : memref<16x10240xf32, #tpu.memory_space<vmem_shared>> -> memref<1x640xf32, #tpu.memory_space<vmem_shared>>
      %dma_start3A_161 = tpu.memref_squeeze %dma_start3A : memref<1x640xf32, #tpu.memory_space<vmem_shared>> -> memref<640xf32, #tpu.memory_space<vmem_shared>>
      %dma_start3A_162 = tpu.memref_slice %arg9[%run_scoped3A_79, %mul3A_16] : memref<16x10240xf32, #tpu.memory_space<vmem_shared>> -> memref<1x640xf32, #tpu.memory_space<vmem_shared>>
      %dma_start3A_163 = tpu.memref_squeeze %dma_start3A_162 : memref<1x640xf32, #tpu.memory_space<vmem_shared>> -> memref<640xf32, #tpu.memory_space<vmem_shared>>
      tpu.enqueue_dma source(%dma_start3A_163 : memref<640xf32, #tpu.memory_space<vmem_shared>>) target(%arg7 : memref<640xf32, #tpu.memory_space<vmem>>) target_semaphore(%run_scoped3A_160 : memref<!tpu.dma_semaphore, #tpu.memory_space<semaphore_mem>>)
      %dma_wait3A = tpu.memref_slice %arg9[%run_scoped3A_79, %mul3A_16] : memref<16x10240xf32, #tpu.memory_space<vmem_shared>> -> memref<1x640xf32, #tpu.memory_space<vmem_shared>>
      %dma_wait3A_164 = tpu.memref_squeeze %dma_wait3A : memref<1x640xf32, #tpu.memory_space<vmem_shared>> -> memref<640xf32, #tpu.memory_space<vmem_shared>>
      %dma_wait3A_165 = tpu.memref_slice %arg9[%run_scoped3A_79, %mul3A_16] : memref<16x10240xf32, #tpu.memory_space<vmem_shared>> -> memref<1x640xf32, #tpu.memory_space<vmem_shared>>
      %dma_wait3A_166 = tpu.memref_squeeze %dma_wait3A_165 : memref<1x640xf32, #tpu.memory_space<vmem_shared>> -> memref<640xf32, #tpu.memory_space<vmem_shared>>
      tpu.wait_dma2 semaphore(%run_scoped3A_160 : memref<!tpu.dma_semaphore, #tpu.memory_space<semaphore_mem>>) src(%dma_wait3A_166 : memref<640xf32, #tpu.memory_space<vmem_shared>>) dst(%arg7 : memref<640xf32, #tpu.memory_space<vmem>>)
      tpu.yield
    }) : () -> ()
    %scan3A_80 = arith.constant 0 : i32
    %scan3A_81 = arith.constant 0 : i32
    %scan3A_82 = arith.constant 40 : i32
    %scan3A_83 = arith.addi %scan3A_81, %scan3A_82 : i32
    %scan3A_84 = arith.constant 1 : i32
    %scan3A_85 = scf.for %scan3A_160 = %scan3A_81 to %scan3A_83 step %scan3A_84 iter_args(%scan3A_161 = %scan3A_80) -> (i32)  : i32 {
      %mul3A_162 = arith.constant 16 : i32
      %mul3A_163 = arith.muli %scan3A_160, %mul3A_162 : i32
      %get3A = arith.index_cast %mul3A_163 : i32 to index
      %get3A_164 = tpu.vector_load %arg6[%get3A] {strides = array<i32>} : memref<640xf32, #tpu.memory_space<vmem>>, vector<16xf32>,
      %mul3A_165 = arith.constant 16 : i32
      %mul3A_166 = arith.muli %scan3A_160, %mul3A_165 : i32
      %get3A_167 = arith.index_cast %mul3A_166 : i32 to index
      %get3A_168 = tpu.vector_load %arg7[%get3A_167] {strides = array<i32>} : memref<640xf32, #tpu.memory_space<vmem>>, vector<16xf32>,
      %add3A = arith.addf %get3A_164, %get3A_168 : vector<16xf32>
      %mul3A_169 = arith.constant 16 : i32
      %mul3A_170 = arith.muli %scan3A_160, %mul3A_169 : i32
      %swap3A = arith.index_cast %mul3A_170 : i32 to index
      %swap3A_171 = tpu.vector_load %arg6[%swap3A] {strides = array<i32>} : memref<640xf32, #tpu.memory_space<vmem>>, vector<16xf32>,
      tpu.vector_store %arg6[%swap3A], %add3A {strides = array<i32>} : memref<640xf32, #tpu.memory_space<vmem>>, vector<16xf32>,
      %scan3A_172 = arith.constant 0 : i32
      scf.yield %scan3A_172 : i32
    }
    %scan3A_86 = arith.constant 40 : i32
    %run_scoped3A_87 = arith.constant 8 : i32
    "tpu.region"() ({
      %run_scoped3A_160 = tpu.sem_alloc : memref<!tpu.dma_semaphore, #tpu.memory_space<semaphore_mem>>
      %dma_start3A = tpu.memref_slice %arg9[%run_scoped3A_87, %mul3A_16] : memref<16x10240xf32, #tpu.memory_space<vmem_shared>> -> memref<1x640xf32, #tpu.memory_space<vmem_shared>>
      %dma_start3A_161 = tpu.memref_squeeze %dma_start3A : memref<1x640xf32, #tpu.memory_space<vmem_shared>> -> memref<640xf32, #tpu.memory_space<vmem_shared>>
      %dma_start3A_162 = tpu.memref_slice %arg9[%run_scoped3A_87, %mul3A_16] : memref<16x10240xf32, #tpu.memory_space<vmem_shared>> -> memref<1x640xf32, #tpu.memory_space<vmem_shared>>
      %dma_start3A_163 = tpu.memref_squeeze %dma_start3A_162 : memref<1x640xf32, #tpu.memory_space<vmem_shared>> -> memref<640xf32, #tpu.memory_space<vmem_shared>>
      tpu.enqueue_dma source(%dma_start3A_163 : memref<640xf32, #tpu.memory_space<vmem_shared>>) target(%arg7 : memref<640xf32, #tpu.memory_space<vmem>>) target_semaphore(%run_scoped3A_160 : memref<!tpu.dma_semaphore, #tpu.memory_space<semaphore_mem>>)
      %dma_wait3A = tpu.memref_slice %arg9[%run_scoped3A_87, %mul3A_16] : memref<16x10240xf32, #tpu.memory_space<vmem_shared>> -> memref<1x640xf32, #tpu.memory_space<vmem_shared>>
      %dma_wait3A_164 = tpu.memref_squeeze %dma_wait3A : memref<1x640xf32, #tpu.memory_space<vmem_shared>> -> memref<640xf32, #tpu.memory_space<vmem_shared>>
      %dma_wait3A_165 = tpu.memref_slice %arg9[%run_scoped3A_87, %mul3A_16] : memref<16x10240xf32, #tpu.memory_space<vmem_shared>> -> memref<1x640xf32, #tpu.memory_space<vmem_shared>>
      %dma_wait3A_166 = tpu.memref_squeeze %dma_wait3A_165 : memref<1x640xf32, #tpu.memory_space<vmem_shared>> -> memref<640xf32, #tpu.memory_space<vmem_shared>>
      tpu.wait_dma2 semaphore(%run_scoped3A_160 : memref<!tpu.dma_semaphore, #tpu.memory_space<semaphore_mem>>) src(%dma_wait3A_166 : memref<640xf32, #tpu.memory_space<vmem_shared>>) dst(%arg7 : memref<640xf32, #tpu.memory_space<vmem>>)
      tpu.yield
    }) : () -> ()
    %scan3A_88 = arith.constant 0 : i32
    %scan3A_89 = arith.constant 0 : i32
    %scan3A_90 = arith.constant 40 : i32
    %scan3A_91 = arith.addi %scan3A_89, %scan3A_90 : i32
    %scan3A_92 = arith.constant 1 : i32
    %scan3A_93 = scf.for %scan3A_160 = %scan3A_89 to %scan3A_91 step %scan3A_92 iter_args(%scan3A_161 = %scan3A_88) -> (i32)  : i32 {
      %mul3A_162 = arith.constant 16 : i32
      %mul3A_163 = arith.muli %scan3A_160, %mul3A_162 : i32
      %get3A = arith.index_cast %mul3A_163 : i32 to index
      %get3A_164 = tpu.vector_load %arg6[%get3A] {strides = array<i32>} : memref<640xf32, #tpu.memory_space<vmem>>, vector<16xf32>,
      %mul3A_165 = arith.constant 16 : i32
      %mul3A_166 = arith.muli %scan3A_160, %mul3A_165 : i32
      %get3A_167 = arith.index_cast %mul3A_166 : i32 to index
      %get3A_168 = tpu.vector_load %arg7[%get3A_167] {strides = array<i32>} : memref<640xf32, #tpu.memory_space<vmem>>, vector<16xf32>,
      %add3A = arith.addf %get3A_164, %get3A_168 : vector<16xf32>
      %mul3A_169 = arith.constant 16 : i32
      %mul3A_170 = arith.muli %scan3A_160, %mul3A_169 : i32
      %swap3A = arith.index_cast %mul3A_170 : i32 to index
      %swap3A_171 = tpu.vector_load %arg6[%swap3A] {strides = array<i32>} : memref<640xf32, #tpu.memory_space<vmem>>, vector<16xf32>,
      tpu.vector_store %arg6[%swap3A], %add3A {strides = array<i32>} : memref<640xf32, #tpu.memory_space<vmem>>, vector<16xf32>,
      %scan3A_172 = arith.constant 0 : i32
      scf.yield %scan3A_172 : i32
    }
    %scan3A_94 = arith.constant 40 : i32
    %run_scoped3A_95 = arith.constant 9 : i32
    "tpu.region"() ({
      %run_scoped3A_160 = tpu.sem_alloc : memref<!tpu.dma_semaphore, #tpu.memory_space<semaphore_mem>>
      %dma_start3A = tpu.memref_slice %arg9[%run_scoped3A_95, %mul3A_16] : memref<16x10240xf32, #tpu.memory_space<vmem_shared>> -> memref<1x640xf32, #tpu.memory_space<vmem_shared>>
      %dma_start3A_161 = tpu.memref_squeeze %dma_start3A : memref<1x640xf32, #tpu.memory_space<vmem_shared>> -> memref<640xf32, #tpu.memory_space<vmem_shared>>
      %dma_start3A_162 = tpu.memref_slice %arg9[%run_scoped3A_95, %mul3A_16] : memref<16x10240xf32, #tpu.memory_space<vmem_shared>> -> memref<1x640xf32, #tpu.memory_space<vmem_shared>>
      %dma_start3A_163 = tpu.memref_squeeze %dma_start3A_162 : memref<1x640xf32, #tpu.memory_space<vmem_shared>> -> memref<640xf32, #tpu.memory_space<vmem_shared>>
      tpu.enqueue_dma source(%dma_start3A_163 : memref<640xf32, #tpu.memory_space<vmem_shared>>) target(%arg7 : memref<640xf32, #tpu.memory_space<vmem>>) target_semaphore(%run_scoped3A_160 : memref<!tpu.dma_semaphore, #tpu.memory_space<semaphore_mem>>)
      %dma_wait3A = tpu.memref_slice %arg9[%run_scoped3A_95, %mul3A_16] : memref<16x10240xf32, #tpu.memory_space<vmem_shared>> -> memref<1x640xf32, #tpu.memory_space<vmem_shared>>
      %dma_wait3A_164 = tpu.memref_squeeze %dma_wait3A : memref<1x640xf32, #tpu.memory_space<vmem_shared>> -> memref<640xf32, #tpu.memory_space<vmem_shared>>
      %dma_wait3A_165 = tpu.memref_slice %arg9[%run_scoped3A_95, %mul3A_16] : memref<16x10240xf32, #tpu.memory_space<vmem_shared>> -> memref<1x640xf32, #tpu.memory_space<vmem_shared>>
      %dma_wait3A_166 = tpu.memref_squeeze %dma_wait3A_165 : memref<1x640xf32, #tpu.memory_space<vmem_shared>> -> memref<640xf32, #tpu.memory_space<vmem_shared>>
      tpu.wait_dma2 semaphore(%run_scoped3A_160 : memref<!tpu.dma_semaphore, #tpu.memory_space<semaphore_mem>>) src(%dma_wait3A_166 : memref<640xf32, #tpu.memory_space<vmem_shared>>) dst(%arg7 : memref<640xf32, #tpu.memory_space<vmem>>)
      tpu.yield
    }) : () -> ()
    %scan3A_96 = arith.constant 0 : i32
    %scan3A_97 = arith.constant 0 : i32
    %scan3A_98 = arith.constant 40 : i32
    %scan3A_99 = arith.addi %scan3A_97, %scan3A_98 : i32
    %scan3A_100 = arith.constant 1 : i32
    %scan3A_101 = scf.for %scan3A_160 = %scan3A_97 to %scan3A_99 step %scan3A_100 iter_args(%scan3A_161 = %scan3A_96) -> (i32)  : i32 {
      %mul3A_162 = arith.constant 16 : i32
      %mul3A_163 = arith.muli %scan3A_160, %mul3A_162 : i32
      %get3A = arith.index_cast %mul3A_163 : i32 to index
      %get3A_164 = tpu.vector_load %arg6[%get3A] {strides = array<i32>} : memref<640xf32, #tpu.memory_space<vmem>>, vector<16xf32>,
      %mul3A_165 = arith.constant 16 : i32
      %mul3A_166 = arith.muli %scan3A_160, %mul3A_165 : i32
      %get3A_167 = arith.index_cast %mul3A_166 : i32 to index
      %get3A_168 = tpu.vector_load %arg7[%get3A_167] {strides = array<i32>} : memref<640xf32, #tpu.memory_space<vmem>>, vector<16xf32>,
      %add3A = arith.addf %get3A_164, %get3A_168 : vector<16xf32>
      %mul3A_169 = arith.constant 16 : i32
      %mul3A_170 = arith.muli %scan3A_160, %mul3A_169 : i32
      %swap3A = arith.index_cast %mul3A_170 : i32 to index
      %swap3A_171 = tpu.vector_load %arg6[%swap3A] {strides = array<i32>} : memref<640xf32, #tpu.memory_space<vmem>>, vector<16xf32>,
      tpu.vector_store %arg6[%swap3A], %add3A {strides = array<i32>} : memref<640xf32, #tpu.memory_space<vmem>>, vector<16xf32>,
      %scan3A_172 = arith.constant 0 : i32
      scf.yield %scan3A_172 : i32
    }
    %scan3A_102 = arith.constant 40 : i32
    %run_scoped3A_103 = arith.constant 10 : i32
    "tpu.region"() ({
      %run_scoped3A_160 = tpu.sem_alloc : memref<!tpu.dma_semaphore, #tpu.memory_space<semaphore_mem>>
      %dma_start3A = tpu.memref_slice %arg9[%run_scoped3A_103, %mul3A_16] : memref<16x10240xf32, #tpu.memory_space<vmem_shared>> -> memref<1x640xf32, #tpu.memory_space<vmem_shared>>
      %dma_start3A_161 = tpu.memref_squeeze %dma_start3A : memref<1x640xf32, #tpu.memory_space<vmem_shared>> -> memref<640xf32, #tpu.memory_space<vmem_shared>>
      %dma_start3A_162 = tpu.memref_slice %arg9[%run_scoped3A_103, %mul3A_16] : memref<16x10240xf32, #tpu.memory_space<vmem_shared>> -> memref<1x640xf32, #tpu.memory_space<vmem_shared>>
      %dma_start3A_163 = tpu.memref_squeeze %dma_start3A_162 : memref<1x640xf32, #tpu.memory_space<vmem_shared>> -> memref<640xf32, #tpu.memory_space<vmem_shared>>
      tpu.enqueue_dma source(%dma_start3A_163 : memref<640xf32, #tpu.memory_space<vmem_shared>>) target(%arg7 : memref<640xf32, #tpu.memory_space<vmem>>) target_semaphore(%run_scoped3A_160 : memref<!tpu.dma_semaphore, #tpu.memory_space<semaphore_mem>>)
      %dma_wait3A = tpu.memref_slice %arg9[%run_scoped3A_103, %mul3A_16] : memref<16x10240xf32, #tpu.memory_space<vmem_shared>> -> memref<1x640xf32, #tpu.memory_space<vmem_shared>>
      %dma_wait3A_164 = tpu.memref_squeeze %dma_wait3A : memref<1x640xf32, #tpu.memory_space<vmem_shared>> -> memref<640xf32, #tpu.memory_space<vmem_shared>>
      %dma_wait3A_165 = tpu.memref_slice %arg9[%run_scoped3A_103, %mul3A_16] : memref<16x10240xf32, #tpu.memory_space<vmem_shared>> -> memref<1x640xf32, #tpu.memory_space<vmem_shared>>
      %dma_wait3A_166 = tpu.memref_squeeze %dma_wait3A_165 : memref<1x640xf32, #tpu.memory_space<vmem_shared>> -> memref<640xf32, #tpu.memory_space<vmem_shared>>
      tpu.wait_dma2 semaphore(%run_scoped3A_160 : memref<!tpu.dma_semaphore, #tpu.memory_space<semaphore_mem>>) src(%dma_wait3A_166 : memref<640xf32, #tpu.memory_space<vmem_shared>>) dst(%arg7 : memref<640xf32, #tpu.memory_space<vmem>>)
      tpu.yield
    }) : () -> ()
    %scan3A_104 = arith.constant 0 : i32
    %scan3A_105 = arith.constant 0 : i32
    %scan3A_106 = arith.constant 40 : i32
    %scan3A_107 = arith.addi %scan3A_105, %scan3A_106 : i32
    %scan3A_108 = arith.constant 1 : i32
    %scan3A_109 = scf.for %scan3A_160 = %scan3A_105 to %scan3A_107 step %scan3A_108 iter_args(%scan3A_161 = %scan3A_104) -> (i32)  : i32 {
      %mul3A_162 = arith.constant 16 : i32
      %mul3A_163 = arith.muli %scan3A_160, %mul3A_162 : i32
      %get3A = arith.index_cast %mul3A_163 : i32 to index
      %get3A_164 = tpu.vector_load %arg6[%get3A] {strides = array<i32>} : memref<640xf32, #tpu.memory_space<vmem>>, vector<16xf32>,
      %mul3A_165 = arith.constant 16 : i32
      %mul3A_166 = arith.muli %scan3A_160, %mul3A_165 : i32
      %get3A_167 = arith.index_cast %mul3A_166 : i32 to index
      %get3A_168 = tpu.vector_load %arg7[%get3A_167] {strides = array<i32>} : memref<640xf32, #tpu.memory_space<vmem>>, vector<16xf32>,
      %add3A = arith.addf %get3A_164, %get3A_168 : vector<16xf32>
      %mul3A_169 = arith.constant 16 : i32
      %mul3A_170 = arith.muli %scan3A_160, %mul3A_169 : i32
      %swap3A = arith.index_cast %mul3A_170 : i32 to index
      %swap3A_171 = tpu.vector_load %arg6[%swap3A] {strides = array<i32>} : memref<640xf32, #tpu.memory_space<vmem>>, vector<16xf32>,
      tpu.vector_store %arg6[%swap3A], %add3A {strides = array<i32>} : memref<640xf32, #tpu.memory_space<vmem>>, vector<16xf32>,
      %scan3A_172 = arith.constant 0 : i32
      scf.yield %scan3A_172 : i32
    }
    %scan3A_110 = arith.constant 40 : i32
    %run_scoped3A_111 = arith.constant 11 : i32
    "tpu.region"() ({
      %run_scoped3A_160 = tpu.sem_alloc : memref<!tpu.dma_semaphore, #tpu.memory_space<semaphore_mem>>
      %dma_start3A = tpu.memref_slice %arg9[%run_scoped3A_111, %mul3A_16] : memref<16x10240xf32, #tpu.memory_space<vmem_shared>> -> memref<1x640xf32, #tpu.memory_space<vmem_shared>>
      %dma_start3A_161 = tpu.memref_squeeze %dma_start3A : memref<1x640xf32, #tpu.memory_space<vmem_shared>> -> memref<640xf32, #tpu.memory_space<vmem_shared>>
      %dma_start3A_162 = tpu.memref_slice %arg9[%run_scoped3A_111, %mul3A_16] : memref<16x10240xf32, #tpu.memory_space<vmem_shared>> -> memref<1x640xf32, #tpu.memory_space<vmem_shared>>
      %dma_start3A_163 = tpu.memref_squeeze %dma_start3A_162 : memref<1x640xf32, #tpu.memory_space<vmem_shared>> -> memref<640xf32, #tpu.memory_space<vmem_shared>>
      tpu.enqueue_dma source(%dma_start3A_163 : memref<640xf32, #tpu.memory_space<vmem_shared>>) target(%arg7 : memref<640xf32, #tpu.memory_space<vmem>>) target_semaphore(%run_scoped3A_160 : memref<!tpu.dma_semaphore, #tpu.memory_space<semaphore_mem>>)
      %dma_wait3A = tpu.memref_slice %arg9[%run_scoped3A_111, %mul3A_16] : memref<16x10240xf32, #tpu.memory_space<vmem_shared>> -> memref<1x640xf32, #tpu.memory_space<vmem_shared>>
      %dma_wait3A_164 = tpu.memref_squeeze %dma_wait3A : memref<1x640xf32, #tpu.memory_space<vmem_shared>> -> memref<640xf32, #tpu.memory_space<vmem_shared>>
      %dma_wait3A_165 = tpu.memref_slice %arg9[%run_scoped3A_111, %mul3A_16] : memref<16x10240xf32, #tpu.memory_space<vmem_shared>> -> memref<1x640xf32, #tpu.memory_space<vmem_shared>>
      %dma_wait3A_166 = tpu.memref_squeeze %dma_wait3A_165 : memref<1x640xf32, #tpu.memory_space<vmem_shared>> -> memref<640xf32, #tpu.memory_space<vmem_shared>>
      tpu.wait_dma2 semaphore(%run_scoped3A_160 : memref<!tpu.dma_semaphore, #tpu.memory_space<semaphore_mem>>) src(%dma_wait3A_166 : memref<640xf32, #tpu.memory_space<vmem_shared>>) dst(%arg7 : memref<640xf32, #tpu.memory_space<vmem>>)
      tpu.yield
    }) : () -> ()
    %scan3A_112 = arith.constant 0 : i32
    %scan3A_113 = arith.constant 0 : i32
    %scan3A_114 = arith.constant 40 : i32
    %scan3A_115 = arith.addi %scan3A_113, %scan3A_114 : i32
    %scan3A_116 = arith.constant 1 : i32
    %scan3A_117 = scf.for %scan3A_160 = %scan3A_113 to %scan3A_115 step %scan3A_116 iter_args(%scan3A_161 = %scan3A_112) -> (i32)  : i32 {
      %mul3A_162 = arith.constant 16 : i32
      %mul3A_163 = arith.muli %scan3A_160, %mul3A_162 : i32
      %get3A = arith.index_cast %mul3A_163 : i32 to index
      %get3A_164 = tpu.vector_load %arg6[%get3A] {strides = array<i32>} : memref<640xf32, #tpu.memory_space<vmem>>, vector<16xf32>,
      %mul3A_165 = arith.constant 16 : i32
      %mul3A_166 = arith.muli %scan3A_160, %mul3A_165 : i32
      %get3A_167 = arith.index_cast %mul3A_166 : i32 to index
      %get3A_168 = tpu.vector_load %arg7[%get3A_167] {strides = array<i32>} : memref<640xf32, #tpu.memory_space<vmem>>, vector<16xf32>,
      %add3A = arith.addf %get3A_164, %get3A_168 : vector<16xf32>
      %mul3A_169 = arith.constant 16 : i32
      %mul3A_170 = arith.muli %scan3A_160, %mul3A_169 : i32
      %swap3A = arith.index_cast %mul3A_170 : i32 to index
      %swap3A_171 = tpu.vector_load %arg6[%swap3A] {strides = array<i32>} : memref<640xf32, #tpu.memory_space<vmem>>, vector<16xf32>,
      tpu.vector_store %arg6[%swap3A], %add3A {strides = array<i32>} : memref<640xf32, #tpu.memory_space<vmem>>, vector<16xf32>,
      %scan3A_172 = arith.constant 0 : i32
      scf.yield %scan3A_172 : i32
    }
    %scan3A_118 = arith.constant 40 : i32
    %run_scoped3A_119 = arith.constant 12 : i32
    "tpu.region"() ({
      %run_scoped3A_160 = tpu.sem_alloc : memref<!tpu.dma_semaphore, #tpu.memory_space<semaphore_mem>>
      %dma_start3A = tpu.memref_slice %arg9[%run_scoped3A_119, %mul3A_16] : memref<16x10240xf32, #tpu.memory_space<vmem_shared>> -> memref<1x640xf32, #tpu.memory_space<vmem_shared>>
      %dma_start3A_161 = tpu.memref_squeeze %dma_start3A : memref<1x640xf32, #tpu.memory_space<vmem_shared>> -> memref<640xf32, #tpu.memory_space<vmem_shared>>
      %dma_start3A_162 = tpu.memref_slice %arg9[%run_scoped3A_119, %mul3A_16] : memref<16x10240xf32, #tpu.memory_space<vmem_shared>> -> memref<1x640xf32, #tpu.memory_space<vmem_shared>>
      %dma_start3A_163 = tpu.memref_squeeze %dma_start3A_162 : memref<1x640xf32, #tpu.memory_space<vmem_shared>> -> memref<640xf32, #tpu.memory_space<vmem_shared>>
      tpu.enqueue_dma source(%dma_start3A_163 : memref<640xf32, #tpu.memory_space<vmem_shared>>) target(%arg7 : memref<640xf32, #tpu.memory_space<vmem>>) target_semaphore(%run_scoped3A_160 : memref<!tpu.dma_semaphore, #tpu.memory_space<semaphore_mem>>)
      %dma_wait3A = tpu.memref_slice %arg9[%run_scoped3A_119, %mul3A_16] : memref<16x10240xf32, #tpu.memory_space<vmem_shared>> -> memref<1x640xf32, #tpu.memory_space<vmem_shared>>
      %dma_wait3A_164 = tpu.memref_squeeze %dma_wait3A : memref<1x640xf32, #tpu.memory_space<vmem_shared>> -> memref<640xf32, #tpu.memory_space<vmem_shared>>
      %dma_wait3A_165 = tpu.memref_slice %arg9[%run_scoped3A_119, %mul3A_16] : memref<16x10240xf32, #tpu.memory_space<vmem_shared>> -> memref<1x640xf32, #tpu.memory_space<vmem_shared>>
      %dma_wait3A_166 = tpu.memref_squeeze %dma_wait3A_165 : memref<1x640xf32, #tpu.memory_space<vmem_shared>> -> memref<640xf32, #tpu.memory_space<vmem_shared>>
      tpu.wait_dma2 semaphore(%run_scoped3A_160 : memref<!tpu.dma_semaphore, #tpu.memory_space<semaphore_mem>>) src(%dma_wait3A_166 : memref<640xf32, #tpu.memory_space<vmem_shared>>) dst(%arg7 : memref<640xf32, #tpu.memory_space<vmem>>)
      tpu.yield
    }) : () -> ()
    %scan3A_120 = arith.constant 0 : i32
    %scan3A_121 = arith.constant 0 : i32
    %scan3A_122 = arith.constant 40 : i32
    %scan3A_123 = arith.addi %scan3A_121, %scan3A_122 : i32
    %scan3A_124 = arith.constant 1 : i32
    %scan3A_125 = scf.for %scan3A_160 = %scan3A_121 to %scan3A_123 step %scan3A_124 iter_args(%scan3A_161 = %scan3A_120) -> (i32)  : i32 {
      %mul3A_162 = arith.constant 16 : i32
      %mul3A_163 = arith.muli %scan3A_160, %mul3A_162 : i32
      %get3A = arith.index_cast %mul3A_163 : i32 to index
      %get3A_164 = tpu.vector_load %arg6[%get3A] {strides = array<i32>} : memref<640xf32, #tpu.memory_space<vmem>>, vector<16xf32>,
      %mul3A_165 = arith.constant 16 : i32
      %mul3A_166 = arith.muli %scan3A_160, %mul3A_165 : i32
      %get3A_167 = arith.index_cast %mul3A_166 : i32 to index
      %get3A_168 = tpu.vector_load %arg7[%get3A_167] {strides = array<i32>} : memref<640xf32, #tpu.memory_space<vmem>>, vector<16xf32>,
      %add3A = arith.addf %get3A_164, %get3A_168 : vector<16xf32>
      %mul3A_169 = arith.constant 16 : i32
      %mul3A_170 = arith.muli %scan3A_160, %mul3A_169 : i32
      %swap3A = arith.index_cast %mul3A_170 : i32 to index
      %swap3A_171 = tpu.vector_load %arg6[%swap3A] {strides = array<i32>} : memref<640xf32, #tpu.memory_space<vmem>>, vector<16xf32>,
      tpu.vector_store %arg6[%swap3A], %add3A {strides = array<i32>} : memref<640xf32, #tpu.memory_space<vmem>>, vector<16xf32>,
      %scan3A_172 = arith.constant 0 : i32
      scf.yield %scan3A_172 : i32
    }
    %scan3A_126 = arith.constant 40 : i32
    %run_scoped3A_127 = arith.constant 13 : i32
    "tpu.region"() ({
      %run_scoped3A_160 = tpu.sem_alloc : memref<!tpu.dma_semaphore, #tpu.memory_space<semaphore_mem>>
      %dma_start3A = tpu.memref_slice %arg9[%run_scoped3A_127, %mul3A_16] : memref<16x10240xf32, #tpu.memory_space<vmem_shared>> -> memref<1x640xf32, #tpu.memory_space<vmem_shared>>
      %dma_start3A_161 = tpu.memref_squeeze %dma_start3A : memref<1x640xf32, #tpu.memory_space<vmem_shared>> -> memref<640xf32, #tpu.memory_space<vmem_shared>>
      %dma_start3A_162 = tpu.memref_slice %arg9[%run_scoped3A_127, %mul3A_16] : memref<16x10240xf32, #tpu.memory_space<vmem_shared>> -> memref<1x640xf32, #tpu.memory_space<vmem_shared>>
      %dma_start3A_163 = tpu.memref_squeeze %dma_start3A_162 : memref<1x640xf32, #tpu.memory_space<vmem_shared>> -> memref<640xf32, #tpu.memory_space<vmem_shared>>
      tpu.enqueue_dma source(%dma_start3A_163 : memref<640xf32, #tpu.memory_space<vmem_shared>>) target(%arg7 : memref<640xf32, #tpu.memory_space<vmem>>) target_semaphore(%run_scoped3A_160 : memref<!tpu.dma_semaphore, #tpu.memory_space<semaphore_mem>>)
      %dma_wait3A = tpu.memref_slice %arg9[%run_scoped3A_127, %mul3A_16] : memref<16x10240xf32, #tpu.memory_space<vmem_shared>> -> memref<1x640xf32, #tpu.memory_space<vmem_shared>>
      %dma_wait3A_164 = tpu.memref_squeeze %dma_wait3A : memref<1x640xf32, #tpu.memory_space<vmem_shared>> -> memref<640xf32, #tpu.memory_space<vmem_shared>>
      %dma_wait3A_165 = tpu.memref_slice %arg9[%run_scoped3A_127, %mul3A_16] : memref<16x10240xf32, #tpu.memory_space<vmem_shared>> -> memref<1x640xf32, #tpu.memory_space<vmem_shared>>
      %dma_wait3A_166 = tpu.memref_squeeze %dma_wait3A_165 : memref<1x640xf32, #tpu.memory_space<vmem_shared>> -> memref<640xf32, #tpu.memory_space<vmem_shared>>
      tpu.wait_dma2 semaphore(%run_scoped3A_160 : memref<!tpu.dma_semaphore, #tpu.memory_space<semaphore_mem>>) src(%dma_wait3A_166 : memref<640xf32, #tpu.memory_space<vmem_shared>>) dst(%arg7 : memref<640xf32, #tpu.memory_space<vmem>>)
      tpu.yield
    }) : () -> ()
    %scan3A_128 = arith.constant 0 : i32
    %scan3A_129 = arith.constant 0 : i32
    %scan3A_130 = arith.constant 40 : i32
    %scan3A_131 = arith.addi %scan3A_129, %scan3A_130 : i32
    %scan3A_132 = arith.constant 1 : i32
    %scan3A_133 = scf.for %scan3A_160 = %scan3A_129 to %scan3A_131 step %scan3A_132 iter_args(%scan3A_161 = %scan3A_128) -> (i32)  : i32 {
      %mul3A_162 = arith.constant 16 : i32
      %mul3A_163 = arith.muli %scan3A_160, %mul3A_162 : i32
      %get3A = arith.index_cast %mul3A_163 : i32 to index
      %get3A_164 = tpu.vector_load %arg6[%get3A] {strides = array<i32>} : memref<640xf32, #tpu.memory_space<vmem>>, vector<16xf32>,
      %mul3A_165 = arith.constant 16 : i32
      %mul3A_166 = arith.muli %scan3A_160, %mul3A_165 : i32
      %get3A_167 = arith.index_cast %mul3A_166 : i32 to index
      %get3A_168 = tpu.vector_load %arg7[%get3A_167] {strides = array<i32>} : memref<640xf32, #tpu.memory_space<vmem>>, vector<16xf32>,
      %add3A = arith.addf %get3A_164, %get3A_168 : vector<16xf32>
      %mul3A_169 = arith.constant 16 : i32
      %mul3A_170 = arith.muli %scan3A_160, %mul3A_169 : i32
      %swap3A = arith.index_cast %mul3A_170 : i32 to index
      %swap3A_171 = tpu.vector_load %arg6[%swap3A] {strides = array<i32>} : memref<640xf32, #tpu.memory_space<vmem>>, vector<16xf32>,
      tpu.vector_store %arg6[%swap3A], %add3A {strides = array<i32>} : memref<640xf32, #tpu.memory_space<vmem>>, vector<16xf32>,
      %scan3A_172 = arith.constant 0 : i32
      scf.yield %scan3A_172 : i32
    }
    %scan3A_134 = arith.constant 40 : i32
    %run_scoped3A_135 = arith.constant 14 : i32
    "tpu.region"() ({
      %run_scoped3A_160 = tpu.sem_alloc : memref<!tpu.dma_semaphore, #tpu.memory_space<semaphore_mem>>
      %dma_start3A = tpu.memref_slice %arg9[%run_scoped3A_135, %mul3A_16] : memref<16x10240xf32, #tpu.memory_space<vmem_shared>> -> memref<1x640xf32, #tpu.memory_space<vmem_shared>>
      %dma_start3A_161 = tpu.memref_squeeze %dma_start3A : memref<1x640xf32, #tpu.memory_space<vmem_shared>> -> memref<640xf32, #tpu.memory_space<vmem_shared>>
      %dma_start3A_162 = tpu.memref_slice %arg9[%run_scoped3A_135, %mul3A_16] : memref<16x10240xf32, #tpu.memory_space<vmem_shared>> -> memref<1x640xf32, #tpu.memory_space<vmem_shared>>
      %dma_start3A_163 = tpu.memref_squeeze %dma_start3A_162 : memref<1x640xf32, #tpu.memory_space<vmem_shared>> -> memref<640xf32, #tpu.memory_space<vmem_shared>>
      tpu.enqueue_dma source(%dma_start3A_163 : memref<640xf32, #tpu.memory_space<vmem_shared>>) target(%arg7 : memref<640xf32, #tpu.memory_space<vmem>>) target_semaphore(%run_scoped3A_160 : memref<!tpu.dma_semaphore, #tpu.memory_space<semaphore_mem>>)
      %dma_wait3A = tpu.memref_slice %arg9[%run_scoped3A_135, %mul3A_16] : memref<16x10240xf32, #tpu.memory_space<vmem_shared>> -> memref<1x640xf32, #tpu.memory_space<vmem_shared>>
      %dma_wait3A_164 = tpu.memref_squeeze %dma_wait3A : memref<1x640xf32, #tpu.memory_space<vmem_shared>> -> memref<640xf32, #tpu.memory_space<vmem_shared>>
      %dma_wait3A_165 = tpu.memref_slice %arg9[%run_scoped3A_135, %mul3A_16] : memref<16x10240xf32, #tpu.memory_space<vmem_shared>> -> memref<1x640xf32, #tpu.memory_space<vmem_shared>>
      %dma_wait3A_166 = tpu.memref_squeeze %dma_wait3A_165 : memref<1x640xf32, #tpu.memory_space<vmem_shared>> -> memref<640xf32, #tpu.memory_space<vmem_shared>>
      tpu.wait_dma2 semaphore(%run_scoped3A_160 : memref<!tpu.dma_semaphore, #tpu.memory_space<semaphore_mem>>) src(%dma_wait3A_166 : memref<640xf32, #tpu.memory_space<vmem_shared>>) dst(%arg7 : memref<640xf32, #tpu.memory_space<vmem>>)
      tpu.yield
    }) : () -> ()
    %scan3A_136 = arith.constant 0 : i32
    %scan3A_137 = arith.constant 0 : i32
    %scan3A_138 = arith.constant 40 : i32
    %scan3A_139 = arith.addi %scan3A_137, %scan3A_138 : i32
    %scan3A_140 = arith.constant 1 : i32
    %scan3A_141 = scf.for %scan3A_160 = %scan3A_137 to %scan3A_139 step %scan3A_140 iter_args(%scan3A_161 = %scan3A_136) -> (i32)  : i32 {
      %mul3A_162 = arith.constant 16 : i32
      %mul3A_163 = arith.muli %scan3A_160, %mul3A_162 : i32
      %get3A = arith.index_cast %mul3A_163 : i32 to index
      %get3A_164 = tpu.vector_load %arg6[%get3A] {strides = array<i32>} : memref<640xf32, #tpu.memory_space<vmem>>, vector<16xf32>,
      %mul3A_165 = arith.constant 16 : i32
      %mul3A_166 = arith.muli %scan3A_160, %mul3A_165 : i32
      %get3A_167 = arith.index_cast %mul3A_166 : i32 to index
      %get3A_168 = tpu.vector_load %arg7[%get3A_167] {strides = array<i32>} : memref<640xf32, #tpu.memory_space<vmem>>, vector<16xf32>,
      %add3A = arith.addf %get3A_164, %get3A_168 : vector<16xf32>
      %mul3A_169 = arith.constant 16 : i32
      %mul3A_170 = arith.muli %scan3A_160, %mul3A_169 : i32
      %swap3A = arith.index_cast %mul3A_170 : i32 to index
      %swap3A_171 = tpu.vector_load %arg6[%swap3A] {strides = array<i32>} : memref<640xf32, #tpu.memory_space<vmem>>, vector<16xf32>,
      tpu.vector_store %arg6[%swap3A], %add3A {strides = array<i32>} : memref<640xf32, #tpu.memory_space<vmem>>, vector<16xf32>,
      %scan3A_172 = arith.constant 0 : i32
      scf.yield %scan3A_172 : i32
    }
    %scan3A_142 = arith.constant 40 : i32
    %run_scoped3A_143 = arith.constant 15 : i32
    "tpu.region"() ({
      %run_scoped3A_160 = tpu.sem_alloc : memref<!tpu.dma_semaphore, #tpu.memory_space<semaphore_mem>>
      %dma_start3A = tpu.memref_slice %arg9[%run_scoped3A_143, %mul3A_16] : memref<16x10240xf32, #tpu.memory_space<vmem_shared>> -> memref<1x640xf32, #tpu.memory_space<vmem_shared>>
      %dma_start3A_161 = tpu.memref_squeeze %dma_start3A : memref<1x640xf32, #tpu.memory_space<vmem_shared>> -> memref<640xf32, #tpu.memory_space<vmem_shared>>
      %dma_start3A_162 = tpu.memref_slice %arg9[%run_scoped3A_143, %mul3A_16] : memref<16x10240xf32, #tpu.memory_space<vmem_shared>> -> memref<1x640xf32, #tpu.memory_space<vmem_shared>>
      %dma_start3A_163 = tpu.memref_squeeze %dma_start3A_162 : memref<1x640xf32, #tpu.memory_space<vmem_shared>> -> memref<640xf32, #tpu.memory_space<vmem_shared>>
      tpu.enqueue_dma source(%dma_start3A_163 : memref<640xf32, #tpu.memory_space<vmem_shared>>) target(%arg7 : memref<640xf32, #tpu.memory_space<vmem>>) target_semaphore(%run_scoped3A_160 : memref<!tpu.dma_semaphore, #tpu.memory_space<semaphore_mem>>)
      %dma_wait3A = tpu.memref_slice %arg9[%run_scoped3A_143, %mul3A_16] : memref<16x10240xf32, #tpu.memory_space<vmem_shared>> -> memref<1x640xf32, #tpu.memory_space<vmem_shared>>
      %dma_wait3A_164 = tpu.memref_squeeze %dma_wait3A : memref<1x640xf32, #tpu.memory_space<vmem_shared>> -> memref<640xf32, #tpu.memory_space<vmem_shared>>
      %dma_wait3A_165 = tpu.memref_slice %arg9[%run_scoped3A_143, %mul3A_16] : memref<16x10240xf32, #tpu.memory_space<vmem_shared>> -> memref<1x640xf32, #tpu.memory_space<vmem_shared>>
      %dma_wait3A_166 = tpu.memref_squeeze %dma_wait3A_165 : memref<1x640xf32, #tpu.memory_space<vmem_shared>> -> memref<640xf32, #tpu.memory_space<vmem_shared>>
      tpu.wait_dma2 semaphore(%run_scoped3A_160 : memref<!tpu.dma_semaphore, #tpu.memory_space<semaphore_mem>>) src(%dma_wait3A_166 : memref<640xf32, #tpu.memory_space<vmem_shared>>) dst(%arg7 : memref<640xf32, #tpu.memory_space<vmem>>)
      tpu.yield
    }) : () -> ()
    %scan3A_144 = arith.constant 0 : i32
    %scan3A_145 = arith.constant 0 : i32
    %scan3A_146 = arith.constant 40 : i32
    %scan3A_147 = arith.addi %scan3A_145, %scan3A_146 : i32
    %scan3A_148 = arith.constant 1 : i32
    %scan3A_149 = scf.for %scan3A_160 = %scan3A_145 to %scan3A_147 step %scan3A_148 iter_args(%scan3A_161 = %scan3A_144) -> (i32)  : i32 {
      %mul3A_162 = arith.constant 16 : i32
      %mul3A_163 = arith.muli %scan3A_160, %mul3A_162 : i32
      %get3A = arith.index_cast %mul3A_163 : i32 to index
      %get3A_164 = tpu.vector_load %arg6[%get3A] {strides = array<i32>} : memref<640xf32, #tpu.memory_space<vmem>>, vector<16xf32>,
      %mul3A_165 = arith.constant 16 : i32
      %mul3A_166 = arith.muli %scan3A_160, %mul3A_165 : i32
      %get3A_167 = arith.index_cast %mul3A_166 : i32 to index
      %get3A_168 = tpu.vector_load %arg7[%get3A_167] {strides = array<i32>} : memref<640xf32, #tpu.memory_space<vmem>>, vector<16xf32>,
      %add3A = arith.addf %get3A_164, %get3A_168 : vector<16xf32>
      %mul3A_169 = arith.constant 16 : i32
      %mul3A_170 = arith.muli %scan3A_160, %mul3A_169 : i32
      %swap3A = arith.index_cast %mul3A_170 : i32 to index
      %swap3A_171 = tpu.vector_load %arg6[%swap3A] {strides = array<i32>} : memref<640xf32, #tpu.memory_space<vmem>>, vector<16xf32>,
      tpu.vector_store %arg6[%swap3A], %add3A {strides = array<i32>} : memref<640xf32, #tpu.memory_space<vmem>>, vector<16xf32>,
      %scan3A_172 = arith.constant 0 : i32
      scf.yield %scan3A_172 : i32
    }
    %scan3A_150 = arith.constant 40 : i32
    %scan3A_151 = arith.constant 0 : i32
    %scan3A_152 = arith.constant 0 : i32
    %scan3A_153 = arith.constant 40 : i32
    %scan3A_154 = arith.addi %scan3A_152, %scan3A_153 : i32
    %scan3A_155 = arith.constant 1 : i32
    %scan3A_156 = scf.for %scan3A_160 = %scan3A_152 to %scan3A_154 step %scan3A_155 iter_args(%scan3A_161 = %scan3A_151) -> (i32)  : i32 {
      %mul3A_162 = arith.constant 16 : i32
      %mul3A_163 = arith.muli %scan3A_160, %mul3A_162 : i32
      %get3A = arith.index_cast %mul3A_163 : i32 to index
      %get3A_164 = tpu.vector_load %arg6[%get3A] {strides = array<i32>} : memref<640xf32, #tpu.memory_space<vmem>>, vector<16xf32>,
      %bitcast_convert_type3A = tpu.bitcast %get3A_164 : vector<16xf32> -> vector<16xi32>
      %shift_right_arithmetic3A = arith.constant 1 : i32
      %shift_right_arithmetic3A_165 = vector.broadcast %shift_right_arithmetic3A : i32 to vector<16xi32>
      %shift_right_arithmetic3A_166 = arith.shrsi %bitcast_convert_type3A, %shift_right_arithmetic3A_165 : vector<16xi32>
      %sub3A = arith.constant 1597463007 : i32
      %sub3A_167 = vector.broadcast %sub3A : i32 to vector<16xi32>
      %sub3A_168 = arith.subi %sub3A_167, %shift_right_arithmetic3A_166 : vector<16xi32>
      %bitcast_convert_type3A_169 = tpu.bitcast %sub3A_168 : vector<16xi32> -> vector<16xf32>
      %mul3A_170 = arith.constant 5.000000e-01 : f32
      %mul3A_171 = vector.broadcast %mul3A_170 : f32 to vector<16xf32>
      %mul3A_172 = arith.mulf %mul3A_171, %get3A_164 : vector<16xf32>
      %mul3A_173 = arith.mulf %mul3A_172, %bitcast_convert_type3A_169 : vector<16xf32>
      %mul3A_174 = arith.mulf %mul3A_173, %bitcast_convert_type3A_169 : vector<16xf32>
      %sub3A_175 = arith.constant 1.500000e+00 : f32
      %sub3A_176 = vector.broadcast %sub3A_175 : f32 to vector<16xf32>
      %sub3A_177 = arith.subf %sub3A_176, %mul3A_174 : vector<16xf32>
      %mul3A_178 = arith.mulf %bitcast_convert_type3A_169, %sub3A_177 : vector<16xf32>
      %mul3A_179 = arith.constant 5.000000e-01 : f32
      %mul3A_180 = vector.broadcast %mul3A_179 : f32 to vector<16xf32>
      %mul3A_181 = arith.mulf %mul3A_180, %get3A_164 : vector<16xf32>
      %mul3A_182 = arith.mulf %mul3A_181, %mul3A_178 : vector<16xf32>
      %mul3A_183 = arith.mulf %mul3A_182, %mul3A_178 : vector<16xf32>
      %sub3A_184 = arith.constant 1.500000e+00 : f32
      %sub3A_185 = vector.broadcast %sub3A_184 : f32 to vector<16xf32>
      %sub3A_186 = arith.subf %sub3A_185, %mul3A_183 : vector<16xf32>
      %mul3A_187 = arith.mulf %mul3A_178, %sub3A_186 : vector<16xf32>
      %mul3A_188 = arith.constant 5.000000e-01 : f32
      %mul3A_189 = vector.broadcast %mul3A_188 : f32 to vector<16xf32>
      %mul3A_190 = arith.mulf %mul3A_189, %get3A_164 : vector<16xf32>
      %mul3A_191 = arith.mulf %mul3A_190, %mul3A_187 : vector<16xf32>
      %mul3A_192 = arith.mulf %mul3A_191, %mul3A_187 : vector<16xf32>
      %sub3A_193 = arith.constant 1.500000e+00 : f32
      %sub3A_194 = vector.broadcast %sub3A_193 : f32 to vector<16xf32>
      %sub3A_195 = arith.subf %sub3A_194, %mul3A_192 : vector<16xf32>
      %mul3A_196 = arith.mulf %mul3A_187, %sub3A_195 : vector<16xf32>
      %mul3A_197 = arith.constant 5.000000e-01 : f32
      %mul3A_198 = vector.broadcast %mul3A_197 : f32 to vector<16xf32>
      %mul3A_199 = arith.mulf %mul3A_198, %get3A_164 : vector<16xf32>
      %mul3A_200 = arith.mulf %mul3A_199, %mul3A_196 : vector<16xf32>
      %mul3A_201 = arith.mulf %mul3A_200, %mul3A_196 : vector<16xf32>
      %sub3A_202 = arith.constant 1.500000e+00 : f32
      %sub3A_203 = vector.broadcast %sub3A_202 : f32 to vector<16xf32>
      %sub3A_204 = arith.subf %sub3A_203, %mul3A_201 : vector<16xf32>
      %mul3A_205 = arith.mulf %mul3A_196, %sub3A_204 : vector<16xf32>
      %gt3A = arith.constant 5.000000e-01 : f32
      %gt3A_206 = vector.broadcast %gt3A : f32 to vector<16xf32>
      %gt3A_207 = arith.cmpf ogt, %get3A_164, %gt3A_206 : vector<16xf32>
      %jit3A = arith.constant 0.000000e+00 : f32
      %broadcast_in_dim3A_208 = vector.broadcast %jit3A : f32 to vector<16xf32>
      %select_n3A = arith.select %gt3A_207, %mul3A_205, %broadcast_in_dim3A_208 : vector<16xi1>, vector<16xf32>
      %mul3A_209 = arith.constant 16 : i32
      %mul3A_210 = arith.muli %scan3A_160, %mul3A_209 : i32
      %swap3A = arith.index_cast %mul3A_210 : i32 to index
      %swap3A_211 = tpu.vector_load %arg8[%swap3A] {strides = array<i32>} : memref<640xf32, #tpu.memory_space<vmem>>, vector<16xf32>,
      tpu.vector_store %arg8[%swap3A], %select_n3A {strides = array<i32>} : memref<640xf32, #tpu.memory_space<vmem>>, vector<16xf32>,
      %scan3A_212 = arith.constant 0 : i32
      scf.yield %scan3A_212 : i32
    }
    %scan3A_157 = arith.constant 40 : i32
    %eq3A = arith.constant 0 : i32
    %eq3A_158 = arith.cmpi eq, %arg0, %eq3A : i32
    %convert_element_type3A = arith.extui %eq3A_158 : i1 to i32
    %cond3A = arith.constant 0 : i32
    %cond3A_159 = arith.cmpi ne, %convert_element_type3A, %cond3A : i32
    scf.if %cond3A_159 {
      "tpu.region"() ({
        %run_scoped3A_160 = tpu.sem_alloc : memref<!tpu.dma_semaphore, #tpu.memory_space<semaphore_mem>>
        %dma_start3A = tpu.memref_slice %arg3[%mul3A_16] : memref<10240xf32, #tpu.memory_space<hbm>> -> memref<640xf32, #tpu.memory_space<hbm>>
        %dma_start3A_161 = tpu.memref_slice %arg3[%mul3A_16] : memref<10240xf32, #tpu.memory_space<hbm>> -> memref<640xf32, #tpu.memory_space<hbm>>
        tpu.enqueue_dma source(%arg8 : memref<640xf32, #tpu.memory_space<vmem>>) target(%dma_start3A_161 : memref<640xf32, #tpu.memory_space<hbm>>) target_semaphore(%run_scoped3A_160 : memref<!tpu.dma_semaphore, #tpu.memory_space<semaphore_mem>>)
        %dma_wait3A = tpu.memref_slice %arg3[%mul3A_16] : memref<10240xf32, #tpu.memory_space<hbm>> -> memref<640xf32, #tpu.memory_space<hbm>>
        %dma_wait3A_162 = tpu.memref_slice %arg3[%mul3A_16] : memref<10240xf32, #tpu.memory_space<hbm>> -> memref<640xf32, #tpu.memory_space<hbm>>
        tpu.wait_dma2 semaphore(%run_scoped3A_160 : memref<!tpu.dma_semaphore, #tpu.memory_space<semaphore_mem>>) src(%arg8 : memref<640xf32, #tpu.memory_space<vmem>>) dst(%dma_wait3A_162 : memref<640xf32, #tpu.memory_space<hbm>>)
        tpu.yield
      }) : () -> ()
    } else {
    }
    return
  }
}

#map = affine_map<(d0, d1) -> (0, 0)>
#map1 = affine_map<(d0, d1) -> (0, 0, 0)>
module attributes {stable_mosaic.version = 14 : i64} {
  func.func @_layer(%arg0: i32, %arg1: i32, %arg2: memref<10240x128xf32, #tpu.memory_space<hbm>>, %arg3: memref<2x2560x128xi32, #tpu.memory_space<hbm>>, %arg4: memref<2x2560x128xi32, #tpu.memory_space<hbm>>, %arg5: memref<32x16xi32, #tpu.memory_space<hbm>>, %arg6: memref<2x10240x128xf32, #tpu.memory_space<hbm>>, %arg7: memref<2x80x128xi32, #tpu.memory_space<vmem>>, %arg8: memref<2x80x128xi32, #tpu.memory_space<vmem>>, %arg9: memref<2x128x128xf32, #tpu.memory_space<vmem>>, %arg10: memref<5128x128xf32, #tpu.memory_space<vmem_shared>>, %arg11: memref<32x16xi32, #tpu.memory_space<vmem>>, %arg12: memref<!tpu.dma_semaphore, #tpu.memory_space<semaphore_mem>>, %arg13: memref<!tpu.dma_semaphore, #tpu.memory_space<semaphore_mem>>) attributes {dimension_semantics = [#tpu.dimension_semantics<core_parallel>, #tpu.dimension_semantics<subcore_parallel>], iteration_bounds = array<i64: 2, 16>, scalar_prefetch = 0 : i64, scratch_operands = 7 : i64, tpu.core_type = #tpu.core_type<sc_vector_subcore>, window_params = [{transform_indices = #map}, {transform_indices = #map1}, {transform_indices = #map1}, {transform_indices = #map}, {transform_indices = #map1}]} {
    %mul3A = arith.constant 16 : i32
    %mul3A_0 = arith.muli %arg0, %mul3A : i32
    %add3A = arith.addi %mul3A_0, %arg1 : i32
    %mul3A_1 = arith.constant 80 : i32
    %mul3A_2 = arith.muli %add3A, %mul3A_1 : i32
    "tpu.region"() ({
      %run_scoped3A_116 = tpu.sem_alloc : memref<!tpu.dma_semaphore, #tpu.memory_space<semaphore_mem>>
      %dma_start3A = arith.constant 0 : i32
      %dma_start3A_117 = arith.constant 0 : i32
      %dma_start3A_118 = tpu.memref_slice %arg3[%dma_start3A, %mul3A_2, %dma_start3A_117] : memref<2x2560x128xi32, #tpu.memory_space<hbm>> -> memref<2x80x128xi32, #tpu.memory_space<hbm>>
      %dma_start3A_119 = arith.constant 0 : i32
      %dma_start3A_120 = arith.constant 0 : i32
      %dma_start3A_121 = tpu.memref_slice %arg3[%dma_start3A_119, %mul3A_2, %dma_start3A_120] : memref<2x2560x128xi32, #tpu.memory_space<hbm>> -> memref<2x80x128xi32, #tpu.memory_space<hbm>>
      tpu.enqueue_dma source(%dma_start3A_121 : memref<2x80x128xi32, #tpu.memory_space<hbm>>) target(%arg7 : memref<2x80x128xi32, #tpu.memory_space<vmem>>) target_semaphore(%run_scoped3A_116 : memref<!tpu.dma_semaphore, #tpu.memory_space<semaphore_mem>>)
      %dma_wait3A = arith.constant 0 : i32
      %dma_wait3A_122 = arith.constant 0 : i32
      %dma_wait3A_123 = tpu.memref_slice %arg3[%dma_wait3A, %mul3A_2, %dma_wait3A_122] : memref<2x2560x128xi32, #tpu.memory_space<hbm>> -> memref<2x80x128xi32, #tpu.memory_space<hbm>>
      %dma_wait3A_124 = arith.constant 0 : i32
      %dma_wait3A_125 = arith.constant 0 : i32
      %dma_wait3A_126 = tpu.memref_slice %arg3[%dma_wait3A_124, %mul3A_2, %dma_wait3A_125] : memref<2x2560x128xi32, #tpu.memory_space<hbm>> -> memref<2x80x128xi32, #tpu.memory_space<hbm>>
      tpu.wait_dma2 semaphore(%run_scoped3A_116 : memref<!tpu.dma_semaphore, #tpu.memory_space<semaphore_mem>>) src(%dma_wait3A_126 : memref<2x80x128xi32, #tpu.memory_space<hbm>>) dst(%arg7 : memref<2x80x128xi32, #tpu.memory_space<vmem>>)
      tpu.yield
    }) : () -> ()
    %mul3A_3 = arith.constant 80 : i32
    %mul3A_4 = arith.muli %add3A, %mul3A_3 : i32
    "tpu.region"() ({
      %run_scoped3A_116 = tpu.sem_alloc : memref<!tpu.dma_semaphore, #tpu.memory_space<semaphore_mem>>
      %dma_start3A = arith.constant 0 : i32
      %dma_start3A_117 = arith.constant 0 : i32
      %dma_start3A_118 = tpu.memref_slice %arg4[%dma_start3A, %mul3A_4, %dma_start3A_117] : memref<2x2560x128xi32, #tpu.memory_space<hbm>> -> memref<2x80x128xi32, #tpu.memory_space<hbm>>
      %dma_start3A_119 = arith.constant 0 : i32
      %dma_start3A_120 = arith.constant 0 : i32
      %dma_start3A_121 = tpu.memref_slice %arg4[%dma_start3A_119, %mul3A_4, %dma_start3A_120] : memref<2x2560x128xi32, #tpu.memory_space<hbm>> -> memref<2x80x128xi32, #tpu.memory_space<hbm>>
      tpu.enqueue_dma source(%dma_start3A_121 : memref<2x80x128xi32, #tpu.memory_space<hbm>>) target(%arg8 : memref<2x80x128xi32, #tpu.memory_space<vmem>>) target_semaphore(%run_scoped3A_116 : memref<!tpu.dma_semaphore, #tpu.memory_space<semaphore_mem>>)
      %dma_wait3A = arith.constant 0 : i32
      %dma_wait3A_122 = arith.constant 0 : i32
      %dma_wait3A_123 = tpu.memref_slice %arg4[%dma_wait3A, %mul3A_4, %dma_wait3A_122] : memref<2x2560x128xi32, #tpu.memory_space<hbm>> -> memref<2x80x128xi32, #tpu.memory_space<hbm>>
      %dma_wait3A_124 = arith.constant 0 : i32
      %dma_wait3A_125 = arith.constant 0 : i32
      %dma_wait3A_126 = tpu.memref_slice %arg4[%dma_wait3A_124, %mul3A_4, %dma_wait3A_125] : memref<2x2560x128xi32, #tpu.memory_space<hbm>> -> memref<2x80x128xi32, #tpu.memory_space<hbm>>
      tpu.wait_dma2 semaphore(%run_scoped3A_116 : memref<!tpu.dma_semaphore, #tpu.memory_space<semaphore_mem>>) src(%dma_wait3A_126 : memref<2x80x128xi32, #tpu.memory_space<hbm>>) dst(%arg8 : memref<2x80x128xi32, #tpu.memory_space<vmem>>)
      tpu.yield
    }) : () -> ()
    "tpu.region"() ({
      %run_scoped3A_116 = tpu.sem_alloc : memref<!tpu.dma_semaphore, #tpu.memory_space<semaphore_mem>>
      tpu.enqueue_dma source(%arg5 : memref<32x16xi32, #tpu.memory_space<hbm>>) target(%arg11 : memref<32x16xi32, #tpu.memory_space<vmem>>) target_semaphore(%run_scoped3A_116 : memref<!tpu.dma_semaphore, #tpu.memory_space<semaphore_mem>>)
      tpu.wait_dma2 semaphore(%run_scoped3A_116 : memref<!tpu.dma_semaphore, #tpu.memory_space<semaphore_mem>>) src(%arg5 : memref<32x16xi32, #tpu.memory_space<hbm>>) dst(%arg11 : memref<32x16xi32, #tpu.memory_space<vmem>>)
      tpu.yield
    }) : () -> ()
    %get3A = arith.index_cast %add3A : i32 to index
    %get3A_5 = arith.constant 0 : index
    %get3A_6 = tpu.vector_load %arg11[%get3A, %get3A_5] {strides = array<i32>} : memref<32x16xi32, #tpu.memory_space<vmem>>, vector<1x16xi32>,
    %get3A_7 = vector.shape_cast %get3A_6 : vector<1x16xi32> to vector<16xi32>
    %slice3A = vector.extract_strided_slice %get3A_7 {offsets = [0], sizes = [1], strides = [1]} : vector<16xi32> to vector<1xi32>
    %squeeze3A = vector.extract %slice3A[0] : i32 from vector<1xi32>
    %slice3A_8 = vector.extract_strided_slice %get3A_7 {offsets = [1], sizes = [1], strides = [1]} : vector<16xi32> to vector<1xi32>
    %squeeze3A_9 = vector.extract %slice3A_8[0] : i32 from vector<1xi32>
    %scan3A = arith.constant 0 : i32
    %scan3A_10 = arith.constant 0 : i32
    %scan3A_11 = arith.constant 128 : i32
    %scan3A_12 = arith.addi %scan3A_10, %scan3A_11 : i32
    %scan3A_13 = arith.constant 1 : i32
    %scan3A_14 = scf.for %scan3A_116 = %scan3A_10 to %scan3A_12 step %scan3A_13 iter_args(%scan3A_117 = %scan3A) -> (i32)  : i32 {
      %broadcast_in_dim3A = arith.constant 0.000000e+00 : f32
      %broadcast_in_dim3A_118 = vector.broadcast %broadcast_in_dim3A : f32 to vector<16xf32>
      %swap3A = arith.constant 0 : i32
      %swap3A_119 = arith.index_cast %swap3A : i32 to index
      %swap3A_120 = arith.index_cast %scan3A_116 : i32 to index
      %swap3A_121 = arith.constant 0 : index
      %swap3A_122 = tpu.vector_load %arg9[%swap3A_119, %swap3A_120, %swap3A_121] {strides = array<i32>} : memref<2x128x128xf32, #tpu.memory_space<vmem>>, vector<1x1x16xf32>,
      %swap3A_123 = vector.shape_cast %swap3A_122 : vector<1x1x16xf32> to vector<16xf32>
      %swap3A_124 = vector.shape_cast %broadcast_in_dim3A_118 : vector<16xf32> to vector<1x1x16xf32>
      tpu.vector_store %arg9[%swap3A_119, %swap3A_120, %swap3A_121], %swap3A_124 {strides = array<i32>} : memref<2x128x128xf32, #tpu.memory_space<vmem>>, vector<1x1x16xf32>,
      %broadcast_in_dim3A_125 = arith.constant 0.000000e+00 : f32
      %broadcast_in_dim3A_126 = vector.broadcast %broadcast_in_dim3A_125 : f32 to vector<16xf32>
      %swap3A_127 = arith.constant 0 : i32
      %swap3A_128 = arith.index_cast %swap3A_127 : i32 to index
      %swap3A_129 = arith.index_cast %scan3A_116 : i32 to index
      %swap3A_130 = arith.constant 16 : index
      %swap3A_131 = tpu.vector_load %arg9[%swap3A_128, %swap3A_129, %swap3A_130] {strides = array<i32>} : memref<2x128x128xf32, #tpu.memory_space<vmem>>, vector<1x1x16xf32>,
      %swap3A_132 = vector.shape_cast %swap3A_131 : vector<1x1x16xf32> to vector<16xf32>
      %swap3A_133 = vector.shape_cast %broadcast_in_dim3A_126 : vector<16xf32> to vector<1x1x16xf32>
      tpu.vector_store %arg9[%swap3A_128, %swap3A_129, %swap3A_130], %swap3A_133 {strides = array<i32>} : memref<2x128x128xf32, #tpu.memory_space<vmem>>, vector<1x1x16xf32>,
      %broadcast_in_dim3A_134 = arith.constant 0.000000e+00 : f32
      %broadcast_in_dim3A_135 = vector.broadcast %broadcast_in_dim3A_134 : f32 to vector<16xf32>
      %swap3A_136 = arith.constant 0 : i32
      %swap3A_137 = arith.index_cast %swap3A_136 : i32 to index
      %swap3A_138 = arith.index_cast %scan3A_116 : i32 to index
      %swap3A_139 = arith.constant 32 : index
      %swap3A_140 = tpu.vector_load %arg9[%swap3A_137, %swap3A_138, %swap3A_139] {strides = array<i32>} : memref<2x128x128xf32, #tpu.memory_space<vmem>>, vector<1x1x16xf32>,
      %swap3A_141 = vector.shape_cast %swap3A_140 : vector<1x1x16xf32> to vector<16xf32>
      %swap3A_142 = vector.shape_cast %broadcast_in_dim3A_135 : vector<16xf32> to vector<1x1x16xf32>
      tpu.vector_store %arg9[%swap3A_137, %swap3A_138, %swap3A_139], %swap3A_142 {strides = array<i32>} : memref<2x128x128xf32, #tpu.memory_space<vmem>>, vector<1x1x16xf32>,
      %broadcast_in_dim3A_143 = arith.constant 0.000000e+00 : f32
      %broadcast_in_dim3A_144 = vector.broadcast %broadcast_in_dim3A_143 : f32 to vector<16xf32>
      %swap3A_145 = arith.constant 0 : i32
      %swap3A_146 = arith.index_cast %swap3A_145 : i32 to index
      %swap3A_147 = arith.index_cast %scan3A_116 : i32 to index
      %swap3A_148 = arith.constant 48 : index
      %swap3A_149 = tpu.vector_load %arg9[%swap3A_146, %swap3A_147, %swap3A_148] {strides = array<i32>} : memref<2x128x128xf32, #tpu.memory_space<vmem>>, vector<1x1x16xf32>,
      %swap3A_150 = vector.shape_cast %swap3A_149 : vector<1x1x16xf32> to vector<16xf32>
      %swap3A_151 = vector.shape_cast %broadcast_in_dim3A_144 : vector<16xf32> to vector<1x1x16xf32>
      tpu.vector_store %arg9[%swap3A_146, %swap3A_147, %swap3A_148], %swap3A_151 {strides = array<i32>} : memref<2x128x128xf32, #tpu.memory_space<vmem>>, vector<1x1x16xf32>,
      %broadcast_in_dim3A_152 = arith.constant 0.000000e+00 : f32
      %broadcast_in_dim3A_153 = vector.broadcast %broadcast_in_dim3A_152 : f32 to vector<16xf32>
      %swap3A_154 = arith.constant 0 : i32
      %swap3A_155 = arith.index_cast %swap3A_154 : i32 to index
      %swap3A_156 = arith.index_cast %scan3A_116 : i32 to index
      %swap3A_157 = arith.constant 64 : index
      %swap3A_158 = tpu.vector_load %arg9[%swap3A_155, %swap3A_156, %swap3A_157] {strides = array<i32>} : memref<2x128x128xf32, #tpu.memory_space<vmem>>, vector<1x1x16xf32>,
      %swap3A_159 = vector.shape_cast %swap3A_158 : vector<1x1x16xf32> to vector<16xf32>
      %swap3A_160 = vector.shape_cast %broadcast_in_dim3A_153 : vector<16xf32> to vector<1x1x16xf32>
      tpu.vector_store %arg9[%swap3A_155, %swap3A_156, %swap3A_157], %swap3A_160 {strides = array<i32>} : memref<2x128x128xf32, #tpu.memory_space<vmem>>, vector<1x1x16xf32>,
      %broadcast_in_dim3A_161 = arith.constant 0.000000e+00 : f32
      %broadcast_in_dim3A_162 = vector.broadcast %broadcast_in_dim3A_161 : f32 to vector<16xf32>
      %swap3A_163 = arith.constant 0 : i32
      %swap3A_164 = arith.index_cast %swap3A_163 : i32 to index
      %swap3A_165 = arith.index_cast %scan3A_116 : i32 to index
      %swap3A_166 = arith.constant 80 : index
      %swap3A_167 = tpu.vector_load %arg9[%swap3A_164, %swap3A_165, %swap3A_166] {strides = array<i32>} : memref<2x128x128xf32, #tpu.memory_space<vmem>>, vector<1x1x16xf32>,
      %swap3A_168 = vector.shape_cast %swap3A_167 : vector<1x1x16xf32> to vector<16xf32>
      %swap3A_169 = vector.shape_cast %broadcast_in_dim3A_162 : vector<16xf32> to vector<1x1x16xf32>
      tpu.vector_store %arg9[%swap3A_164, %swap3A_165, %swap3A_166], %swap3A_169 {strides = array<i32>} : memref<2x128x128xf32, #tpu.memory_space<vmem>>, vector<1x1x16xf32>,
      %broadcast_in_dim3A_170 = arith.constant 0.000000e+00 : f32
      %broadcast_in_dim3A_171 = vector.broadcast %broadcast_in_dim3A_170 : f32 to vector<16xf32>
      %swap3A_172 = arith.constant 0 : i32
      %swap3A_173 = arith.index_cast %swap3A_172 : i32 to index
      %swap3A_174 = arith.index_cast %scan3A_116 : i32 to index
      %swap3A_175 = arith.constant 96 : index
      %swap3A_176 = tpu.vector_load %arg9[%swap3A_173, %swap3A_174, %swap3A_175] {strides = array<i32>} : memref<2x128x128xf32, #tpu.memory_space<vmem>>, vector<1x1x16xf32>,
      %swap3A_177 = vector.shape_cast %swap3A_176 : vector<1x1x16xf32> to vector<16xf32>
      %swap3A_178 = vector.shape_cast %broadcast_in_dim3A_171 : vector<16xf32> to vector<1x1x16xf32>
      tpu.vector_store %arg9[%swap3A_173, %swap3A_174, %swap3A_175], %swap3A_178 {strides = array<i32>} : memref<2x128x128xf32, #tpu.memory_space<vmem>>, vector<1x1x16xf32>,
      %broadcast_in_dim3A_179 = arith.constant 0.000000e+00 : f32
      %broadcast_in_dim3A_180 = vector.broadcast %broadcast_in_dim3A_179 : f32 to vector<16xf32>
      %swap3A_181 = arith.constant 0 : i32
      %swap3A_182 = arith.index_cast %swap3A_181 : i32 to index
      %swap3A_183 = arith.index_cast %scan3A_116 : i32 to index
      %swap3A_184 = arith.constant 112 : index
      %swap3A_185 = tpu.vector_load %arg9[%swap3A_182, %swap3A_183, %swap3A_184] {strides = array<i32>} : memref<2x128x128xf32, #tpu.memory_space<vmem>>, vector<1x1x16xf32>,
      %swap3A_186 = vector.shape_cast %swap3A_185 : vector<1x1x16xf32> to vector<16xf32>
      %swap3A_187 = vector.shape_cast %broadcast_in_dim3A_180 : vector<16xf32> to vector<1x1x16xf32>
      tpu.vector_store %arg9[%swap3A_182, %swap3A_183, %swap3A_184], %swap3A_187 {strides = array<i32>} : memref<2x128x128xf32, #tpu.memory_space<vmem>>, vector<1x1x16xf32>,
      %scan3A_188 = arith.constant 0 : i32
      scf.yield %scan3A_188 : i32
    }
    %scan3A_15 = arith.constant 128 : i32
    %mul3A_16 = arith.constant 320 : i32
    %mul3A_17 = arith.muli %arg1, %mul3A_16 : i32
    %run_scoped3A = arith.constant 0 : i32
    "tpu.region"() ({
      %run_scoped3A_116 = tpu.sem_alloc : memref<!tpu.dma_semaphore, #tpu.memory_space<semaphore_mem>>
      %dma_start3A = arith.constant 0 : i32
      %dma_start3A_117 = arith.constant 0 : i32
      %dma_start3A_118 = tpu.memref_slice %arg9[%run_scoped3A, %dma_start3A, %dma_start3A_117] : memref<2x128x128xf32, #tpu.memory_space<vmem>> -> memref<1x128x128xf32, #tpu.memory_space<vmem>>
      %dma_start3A_119 = tpu.memref_squeeze %dma_start3A_118 : memref<1x128x128xf32, #tpu.memory_space<vmem>> -> memref<128x128xf32, #tpu.memory_space<vmem>>
      %dma_start3A_120 = arith.constant 0 : i32
      %dma_start3A_121 = tpu.memref_slice %arg10[%mul3A_17, %dma_start3A_120] : memref<5128x128xf32, #tpu.memory_space<vmem_shared>> -> memref<128x128xf32, #tpu.memory_space<vmem_shared>>
      %dma_start3A_122 = arith.constant 0 : i32
      %dma_start3A_123 = tpu.memref_slice %arg10[%mul3A_17, %dma_start3A_122] : memref<5128x128xf32, #tpu.memory_space<vmem_shared>> -> memref<128x128xf32, #tpu.memory_space<vmem_shared>>
      %dma_start3A_124 = arith.constant 0 : i32
      %dma_start3A_125 = arith.constant 0 : i32
      %dma_start3A_126 = tpu.memref_slice %arg9[%run_scoped3A, %dma_start3A_124, %dma_start3A_125] : memref<2x128x128xf32, #tpu.memory_space<vmem>> -> memref<1x128x128xf32, #tpu.memory_space<vmem>>
      %dma_start3A_127 = tpu.memref_squeeze %dma_start3A_126 : memref<1x128x128xf32, #tpu.memory_space<vmem>> -> memref<128x128xf32, #tpu.memory_space<vmem>>
      tpu.enqueue_dma source(%dma_start3A_127 : memref<128x128xf32, #tpu.memory_space<vmem>>) target(%dma_start3A_123 : memref<128x128xf32, #tpu.memory_space<vmem_shared>>) target_semaphore(%run_scoped3A_116 : memref<!tpu.dma_semaphore, #tpu.memory_space<semaphore_mem>>)
      %dma_wait3A = arith.constant 0 : i32
      %dma_wait3A_128 = arith.constant 0 : i32
      %dma_wait3A_129 = tpu.memref_slice %arg9[%run_scoped3A, %dma_wait3A, %dma_wait3A_128] : memref<2x128x128xf32, #tpu.memory_space<vmem>> -> memref<1x128x128xf32, #tpu.memory_space<vmem>>
      %dma_wait3A_130 = tpu.memref_squeeze %dma_wait3A_129 : memref<1x128x128xf32, #tpu.memory_space<vmem>> -> memref<128x128xf32, #tpu.memory_space<vmem>>
      %dma_wait3A_131 = arith.constant 0 : i32
      %dma_wait3A_132 = tpu.memref_slice %arg10[%mul3A_17, %dma_wait3A_131] : memref<5128x128xf32, #tpu.memory_space<vmem_shared>> -> memref<128x128xf32, #tpu.memory_space<vmem_shared>>
      %dma_wait3A_133 = arith.constant 0 : i32
      %dma_wait3A_134 = tpu.memref_slice %arg10[%mul3A_17, %dma_wait3A_133] : memref<5128x128xf32, #tpu.memory_space<vmem_shared>> -> memref<128x128xf32, #tpu.memory_space<vmem_shared>>
      %dma_wait3A_135 = arith.constant 0 : i32
      %dma_wait3A_136 = arith.constant 0 : i32
      %dma_wait3A_137 = tpu.memref_slice %arg9[%run_scoped3A, %dma_wait3A_135, %dma_wait3A_136] : memref<2x128x128xf32, #tpu.memory_space<vmem>> -> memref<1x128x128xf32, #tpu.memory_space<vmem>>
      %dma_wait3A_138 = tpu.memref_squeeze %dma_wait3A_137 : memref<1x128x128xf32, #tpu.memory_space<vmem>> -> memref<128x128xf32, #tpu.memory_space<vmem>>
      tpu.wait_dma2 semaphore(%run_scoped3A_116 : memref<!tpu.dma_semaphore, #tpu.memory_space<semaphore_mem>>) src(%dma_wait3A_138 : memref<128x128xf32, #tpu.memory_space<vmem>>) dst(%dma_wait3A_134 : memref<128x128xf32, #tpu.memory_space<vmem_shared>>)
      tpu.yield
    }) : () -> ()
    %mul3A_18 = arith.constant 320 : i32
    %mul3A_19 = arith.muli %arg1, %mul3A_18 : i32
    %add3A_20 = arith.constant 128 : i32
    %add3A_21 = arith.addi %mul3A_19, %add3A_20 : i32
    %run_scoped3A_22 = arith.constant 0 : i32
    "tpu.region"() ({
      %run_scoped3A_116 = tpu.sem_alloc : memref<!tpu.dma_semaphore, #tpu.memory_space<semaphore_mem>>
      %dma_start3A = arith.constant 0 : i32
      %dma_start3A_117 = arith.constant 0 : i32
      %dma_start3A_118 = tpu.memref_slice %arg9[%run_scoped3A_22, %dma_start3A, %dma_start3A_117] : memref<2x128x128xf32, #tpu.memory_space<vmem>> -> memref<1x128x128xf32, #tpu.memory_space<vmem>>
      %dma_start3A_119 = tpu.memref_squeeze %dma_start3A_118 : memref<1x128x128xf32, #tpu.memory_space<vmem>> -> memref<128x128xf32, #tpu.memory_space<vmem>>
      %dma_start3A_120 = arith.constant 0 : i32
      %dma_start3A_121 = tpu.memref_slice %arg10[%add3A_21, %dma_start3A_120] : memref<5128x128xf32, #tpu.memory_space<vmem_shared>> -> memref<128x128xf32, #tpu.memory_space<vmem_shared>>
      %dma_start3A_122 = arith.constant 0 : i32
      %dma_start3A_123 = tpu.memref_slice %arg10[%add3A_21, %dma_start3A_122] : memref<5128x128xf32, #tpu.memory_space<vmem_shared>> -> memref<128x128xf32, #tpu.memory_space<vmem_shared>>
      %dma_start3A_124 = arith.constant 0 : i32
      %dma_start3A_125 = arith.constant 0 : i32
      %dma_start3A_126 = tpu.memref_slice %arg9[%run_scoped3A_22, %dma_start3A_124, %dma_start3A_125] : memref<2x128x128xf32, #tpu.memory_space<vmem>> -> memref<1x128x128xf32, #tpu.memory_space<vmem>>
      %dma_start3A_127 = tpu.memref_squeeze %dma_start3A_126 : memref<1x128x128xf32, #tpu.memory_space<vmem>> -> memref<128x128xf32, #tpu.memory_space<vmem>>
      tpu.enqueue_dma source(%dma_start3A_127 : memref<128x128xf32, #tpu.memory_space<vmem>>) target(%dma_start3A_123 : memref<128x128xf32, #tpu.memory_space<vmem_shared>>) target_semaphore(%run_scoped3A_116 : memref<!tpu.dma_semaphore, #tpu.memory_space<semaphore_mem>>)
      %dma_wait3A = arith.constant 0 : i32
      %dma_wait3A_128 = arith.constant 0 : i32
      %dma_wait3A_129 = tpu.memref_slice %arg9[%run_scoped3A_22, %dma_wait3A, %dma_wait3A_128] : memref<2x128x128xf32, #tpu.memory_space<vmem>> -> memref<1x128x128xf32, #tpu.memory_space<vmem>>
      %dma_wait3A_130 = tpu.memref_squeeze %dma_wait3A_129 : memref<1x128x128xf32, #tpu.memory_space<vmem>> -> memref<128x128xf32, #tpu.memory_space<vmem>>
      %dma_wait3A_131 = arith.constant 0 : i32
      %dma_wait3A_132 = tpu.memref_slice %arg10[%add3A_21, %dma_wait3A_131] : memref<5128x128xf32, #tpu.memory_space<vmem_shared>> -> memref<128x128xf32, #tpu.memory_space<vmem_shared>>
      %dma_wait3A_133 = arith.constant 0 : i32
      %dma_wait3A_134 = tpu.memref_slice %arg10[%add3A_21, %dma_wait3A_133] : memref<5128x128xf32, #tpu.memory_space<vmem_shared>> -> memref<128x128xf32, #tpu.memory_space<vmem_shared>>
      %dma_wait3A_135 = arith.constant 0 : i32
      %dma_wait3A_136 = arith.constant 0 : i32
      %dma_wait3A_137 = tpu.memref_slice %arg9[%run_scoped3A_22, %dma_wait3A_135, %dma_wait3A_136] : memref<2x128x128xf32, #tpu.memory_space<vmem>> -> memref<1x128x128xf32, #tpu.memory_space<vmem>>
      %dma_wait3A_138 = tpu.memref_squeeze %dma_wait3A_137 : memref<1x128x128xf32, #tpu.memory_space<vmem>> -> memref<128x128xf32, #tpu.memory_space<vmem>>
      tpu.wait_dma2 semaphore(%run_scoped3A_116 : memref<!tpu.dma_semaphore, #tpu.memory_space<semaphore_mem>>) src(%dma_wait3A_138 : memref<128x128xf32, #tpu.memory_space<vmem>>) dst(%dma_wait3A_134 : memref<128x128xf32, #tpu.memory_space<vmem_shared>>)
      tpu.yield
    }) : () -> ()
    %mul3A_23 = arith.constant 320 : i32
    %mul3A_24 = arith.muli %arg1, %mul3A_23 : i32
    %add3A_25 = arith.constant 256 : i32
    %add3A_26 = arith.addi %mul3A_24, %add3A_25 : i32
    %run_scoped3A_27 = arith.constant 0 : i32
    "tpu.region"() ({
      %run_scoped3A_116 = tpu.sem_alloc : memref<!tpu.dma_semaphore, #tpu.memory_space<semaphore_mem>>
      %dma_start3A = arith.constant 0 : i32
      %dma_start3A_117 = arith.constant 0 : i32
      %dma_start3A_118 = tpu.memref_slice %arg9[%run_scoped3A_27, %dma_start3A, %dma_start3A_117] : memref<2x128x128xf32, #tpu.memory_space<vmem>> -> memref<1x64x128xf32, #tpu.memory_space<vmem>>
      %dma_start3A_119 = tpu.memref_squeeze %dma_start3A_118 : memref<1x64x128xf32, #tpu.memory_space<vmem>> -> memref<64x128xf32, #tpu.memory_space<vmem>>
      %dma_start3A_120 = arith.constant 0 : i32
      %dma_start3A_121 = tpu.memref_slice %arg10[%add3A_26, %dma_start3A_120] : memref<5128x128xf32, #tpu.memory_space<vmem_shared>> -> memref<64x128xf32, #tpu.memory_space<vmem_shared>>
      %dma_start3A_122 = arith.constant 0 : i32
      %dma_start3A_123 = tpu.memref_slice %arg10[%add3A_26, %dma_start3A_122] : memref<5128x128xf32, #tpu.memory_space<vmem_shared>> -> memref<64x128xf32, #tpu.memory_space<vmem_shared>>
      %dma_start3A_124 = arith.constant 0 : i32
      %dma_start3A_125 = arith.constant 0 : i32
      %dma_start3A_126 = tpu.memref_slice %arg9[%run_scoped3A_27, %dma_start3A_124, %dma_start3A_125] : memref<2x128x128xf32, #tpu.memory_space<vmem>> -> memref<1x64x128xf32, #tpu.memory_space<vmem>>
      %dma_start3A_127 = tpu.memref_squeeze %dma_start3A_126 : memref<1x64x128xf32, #tpu.memory_space<vmem>> -> memref<64x128xf32, #tpu.memory_space<vmem>>
      tpu.enqueue_dma source(%dma_start3A_127 : memref<64x128xf32, #tpu.memory_space<vmem>>) target(%dma_start3A_123 : memref<64x128xf32, #tpu.memory_space<vmem_shared>>) target_semaphore(%run_scoped3A_116 : memref<!tpu.dma_semaphore, #tpu.memory_space<semaphore_mem>>)
      %dma_wait3A = arith.constant 0 : i32
      %dma_wait3A_128 = arith.constant 0 : i32
      %dma_wait3A_129 = tpu.memref_slice %arg9[%run_scoped3A_27, %dma_wait3A, %dma_wait3A_128] : memref<2x128x128xf32, #tpu.memory_space<vmem>> -> memref<1x64x128xf32, #tpu.memory_space<vmem>>
      %dma_wait3A_130 = tpu.memref_squeeze %dma_wait3A_129 : memref<1x64x128xf32, #tpu.memory_space<vmem>> -> memref<64x128xf32, #tpu.memory_space<vmem>>
      %dma_wait3A_131 = arith.constant 0 : i32
      %dma_wait3A_132 = tpu.memref_slice %arg10[%add3A_26, %dma_wait3A_131] : memref<5128x128xf32, #tpu.memory_space<vmem_shared>> -> memref<64x128xf32, #tpu.memory_space<vmem_shared>>
      %dma_wait3A_133 = arith.constant 0 : i32
      %dma_wait3A_134 = tpu.memref_slice %arg10[%add3A_26, %dma_wait3A_133] : memref<5128x128xf32, #tpu.memory_space<vmem_shared>> -> memref<64x128xf32, #tpu.memory_space<vmem_shared>>
      %dma_wait3A_135 = arith.constant 0 : i32
      %dma_wait3A_136 = arith.constant 0 : i32
      %dma_wait3A_137 = tpu.memref_slice %arg9[%run_scoped3A_27, %dma_wait3A_135, %dma_wait3A_136] : memref<2x128x128xf32, #tpu.memory_space<vmem>> -> memref<1x64x128xf32, #tpu.memory_space<vmem>>
      %dma_wait3A_138 = tpu.memref_squeeze %dma_wait3A_137 : memref<1x64x128xf32, #tpu.memory_space<vmem>> -> memref<64x128xf32, #tpu.memory_space<vmem>>
      tpu.wait_dma2 semaphore(%run_scoped3A_116 : memref<!tpu.dma_semaphore, #tpu.memory_space<semaphore_mem>>) src(%dma_wait3A_138 : memref<64x128xf32, #tpu.memory_space<vmem>>) dst(%dma_wait3A_134 : memref<64x128xf32, #tpu.memory_space<vmem_shared>>)
      tpu.yield
    }) : () -> ()
    %barrier3A = arith.constant 0 : index
    tpu.barrier barrier_id(%barrier3A)
    %lt3A = arith.constant 0 : i32
    %lt3A_28 = arith.cmpi slt, %lt3A, %squeeze3A : i32
    %convert_element_type3A = arith.extui %lt3A_28 : i1 to i32
    %cond3A = arith.constant 0 : i32
    %cond3A_29 = arith.constant 0 : i32
    %cond3A_30 = arith.cmpi ne, %convert_element_type3A, %cond3A_29 : i32
    scf.if %cond3A_30 {
      %dma_start3A = arith.constant 0 : i32
      %dma_start3A_116 = arith.constant 0 : i32
      %dma_start3A_117 = arith.constant 0 : i32
      %dma_start3A_118 = arith.constant 0 : i32
      %dma_start3A_119 = tpu.memref_slice %arg9[%dma_start3A_116, %dma_start3A_117, %dma_start3A_118] : memref<2x128x128xf32, #tpu.memory_space<vmem>> -> memref<1x128x128xf32, #tpu.memory_space<vmem>>
      %dma_start3A_120 = tpu.memref_squeeze %dma_start3A_119 : memref<1x128x128xf32, #tpu.memory_space<vmem>> -> memref<128x128xf32, #tpu.memory_space<vmem>>
      %dma_start3A_121 = arith.constant 0 : i32
      %dma_start3A_122 = tpu.memref_slice %arg7[%dma_start3A, %cond3A, %dma_start3A_121] : memref<2x80x128xi32, #tpu.memory_space<vmem>> -> memref<1x1x128xi32, #tpu.memory_space<vmem>>
      %dma_start3A_123 = tpu.memref_squeeze %dma_start3A_122 : memref<1x1x128xi32, #tpu.memory_space<vmem>> -> memref<128xi32, #tpu.memory_space<vmem>>
      %dma_start3A_124 = arith.constant 0 : i32
      %dma_start3A_125 = arith.constant 0 : i32
      %dma_start3A_126 = tpu.memref_slice %arg2[%dma_start3A_124, %dma_start3A_125] : memref<10240x128xf32, #tpu.memory_space<hbm>> -> memref<10240x128xf32, #tpu.memory_space<hbm>>
      tpu.enqueue_indirect_dma source(%dma_start3A_126 : memref<10240x128xf32, #tpu.memory_space<hbm>>) target(%dma_start3A_120 : memref<128x128xf32, #tpu.memory_space<vmem>>) offsets(%dma_start3A_123 : memref<128xi32, #tpu.memory_space<vmem>>) semaphore(%arg12 : memref<!tpu.dma_semaphore, #tpu.memory_space<semaphore_mem>>)
    } else {
    }
    %add3A_31 = arith.constant 0 : i32
    %add3A_32 = arith.constant 1 : i32
    %add3A_33 = arith.addi %add3A_31, %add3A_32 : i32
    %lt3A_34 = arith.cmpi slt, %add3A_33, %squeeze3A : i32
    %convert_element_type3A_35 = arith.extui %lt3A_34 : i1 to i32
    %cond3A_36 = arith.constant 0 : i32
    %cond3A_37 = arith.constant 0 : i32
    %cond3A_38 = arith.cmpi ne, %convert_element_type3A_35, %cond3A_37 : i32
    scf.if %cond3A_38 {
      %add3A_116 = arith.constant 1 : i32
      %add3A_117 = arith.addi %cond3A_36, %add3A_116 : i32
      %dma_start3A = arith.constant 0 : i32
      %dma_start3A_118 = arith.constant 1 : i32
      %dma_start3A_119 = arith.constant 0 : i32
      %dma_start3A_120 = arith.constant 0 : i32
      %dma_start3A_121 = tpu.memref_slice %arg9[%dma_start3A_118, %dma_start3A_119, %dma_start3A_120] : memref<2x128x128xf32, #tpu.memory_space<vmem>> -> memref<1x128x128xf32, #tpu.memory_space<vmem>>
      %dma_start3A_122 = tpu.memref_squeeze %dma_start3A_121 : memref<1x128x128xf32, #tpu.memory_space<vmem>> -> memref<128x128xf32, #tpu.memory_space<vmem>>
      %dma_start3A_123 = arith.constant 0 : i32
      %dma_start3A_124 = tpu.memref_slice %arg7[%dma_start3A, %add3A_117, %dma_start3A_123] : memref<2x80x128xi32, #tpu.memory_space<vmem>> -> memref<1x1x128xi32, #tpu.memory_space<vmem>>
      %dma_start3A_125 = tpu.memref_squeeze %dma_start3A_124 : memref<1x1x128xi32, #tpu.memory_space<vmem>> -> memref<128xi32, #tpu.memory_space<vmem>>
      %dma_start3A_126 = arith.constant 0 : i32
      %dma_start3A_127 = arith.constant 0 : i32
      %dma_start3A_128 = tpu.memref_slice %arg2[%dma_start3A_126, %dma_start3A_127] : memref<10240x128xf32, #tpu.memory_space<hbm>> -> memref<10240x128xf32, #tpu.memory_space<hbm>>
      tpu.enqueue_indirect_dma source(%dma_start3A_128 : memref<10240x128xf32, #tpu.memory_space<hbm>>) target(%dma_start3A_122 : memref<128x128xf32, #tpu.memory_space<vmem>>) offsets(%dma_start3A_125 : memref<128xi32, #tpu.memory_space<vmem>>) semaphore(%arg13 : memref<!tpu.dma_semaphore, #tpu.memory_space<semaphore_mem>>)
    } else {
    }
    %sub3A = arith.constant 0 : i32
    %sub3A_39 = arith.subi %squeeze3A, %sub3A : i32
    %while3A = arith.constant 0 : i32
    %while3A_40 = arith.constant 0 : i32
    %while3A_41 = arith.constant 0 : i32
    %while3A_42 = arith.subi %sub3A_39, %while3A_40 : i32
    %while3A_43 = arith.addi %while3A_40, %while3A_42 : i32
    %while3A_44 = arith.constant 1 : i32
    %while3A_45 = arith.divsi %while3A_42, %while3A_44 : i32
    %while3A_46 = arith.muli %while3A_45, %while3A_44 : i32
    %while3A_47 = arith.addi %while3A_40, %while3A_46 : i32
    %while3A_48 = arith.constant 1 : i32
    %while3A_49 = scf.for %while3A_116 = %while3A_40 to %while3A_47 step %while3A_48 iter_args(%while3A_117 = %while3A_41) -> (i32)  : i32 {
      %add3A_118 = arith.addi %while3A, %while3A_116 : i32
      %jit3A = arith.constant 2 : i32
      %eq3A = arith.constant 0 : i32
      %eq3A_119 = arith.cmpi eq, %jit3A, %eq3A : i32
      %jit3A_120 = arith.constant 1 : i32
      %select_n3A = arith.select %eq3A_119, %jit3A_120, %jit3A : i32
      %rem3A = arith.remsi %while3A_116, %select_n3A : i32
      %ne3A = arith.constant 0 : i32
      %ne3A_121 = arith.cmpi ne, %rem3A, %ne3A : i32
      %lt3A_122 = arith.constant 0 : i32
      %lt3A_123 = arith.cmpi slt, %rem3A, %lt3A_122 : i32
      %lt3A_124 = arith.constant 0 : i32
      %lt3A_125 = arith.cmpi slt, %select_n3A, %lt3A_124 : i32
      %ne3A_126 = arith.xori %lt3A_123, %lt3A_125 : i1
      %and3A = arith.andi %ne3A_126, %ne3A_121 : i1
      %add3A_127 = arith.addi %rem3A, %select_n3A : i32
      %select_n3A_128 = arith.select %and3A, %add3A_127, %rem3A : i32
      %eq3A_129 = arith.constant 0 : i32
      %eq3A_130 = arith.cmpi eq, %select_n3A_128, %eq3A_129 : i32
      %convert_element_type3A_131 = arith.extui %eq3A_130 : i1 to i32
      %cond3A_132 = arith.constant 0 : i32
      %cond3A_133 = arith.cmpi ne, %convert_element_type3A_131, %cond3A_132 : i32
      scf.if %cond3A_133 {
        %dma_wait3A = arith.constant 0 : i32
        %dma_wait3A_156 = arith.constant 0 : i32
        %dma_wait3A_157 = arith.constant 0 : i32
        %dma_wait3A_158 = arith.constant 0 : i32
        %dma_wait3A_159 = tpu.memref_slice %arg9[%dma_wait3A_156, %dma_wait3A_157, %dma_wait3A_158] : memref<2x128x128xf32, #tpu.memory_space<vmem>> -> memref<1x128x128xf32, #tpu.memory_space<vmem>>
        %dma_wait3A_160 = tpu.memref_squeeze %dma_wait3A_159 : memref<1x128x128xf32, #tpu.memory_space<vmem>> -> memref<128x128xf32, #tpu.memory_space<vmem>>
        %dma_wait3A_161 = arith.constant 0 : i32
        %dma_wait3A_162 = tpu.memref_slice %arg7[%dma_wait3A, %add3A_118, %dma_wait3A_161] : memref<2x80x128xi32, #tpu.memory_space<vmem>> -> memref<1x1x128xi32, #tpu.memory_space<vmem>>
        %dma_wait3A_163 = tpu.memref_squeeze %dma_wait3A_162 : memref<1x1x128xi32, #tpu.memory_space<vmem>> -> memref<128xi32, #tpu.memory_space<vmem>>
        %dma_wait3A_164 = arith.constant 0 : i32
        %dma_wait3A_165 = arith.constant 0 : i32
        %dma_wait3A_166 = tpu.memref_slice %arg2[%dma_wait3A_164, %dma_wait3A_165] : memref<10240x128xf32, #tpu.memory_space<hbm>> -> memref<10240x128xf32, #tpu.memory_space<hbm>>
        tpu.wait_indirect_dma semaphore(%arg12 : memref<!tpu.dma_semaphore, #tpu.memory_space<semaphore_mem>>) src(%dma_wait3A_166 : memref<10240x128xf32, #tpu.memory_space<hbm>>) dst(%dma_wait3A_160 : memref<128x128xf32, #tpu.memory_space<vmem>>)
        %run_scoped3A_167 = arith.constant 0 : i32
        %run_scoped3A_168 = arith.constant 0 : i32
        "tpu.region"() ({
          %run_scoped3A_176 = tpu.sem_alloc : memref<!tpu.dma_semaphore, #tpu.memory_space<semaphore_mem>>
          %dma_start3A = arith.constant 0 : i32
          %dma_start3A_177 = arith.constant 0 : i32
          %dma_start3A_178 = tpu.memref_slice %arg9[%run_scoped3A_167, %dma_start3A, %dma_start3A_177] : memref<2x128x128xf32, #tpu.memory_space<vmem>> -> memref<1x128x128xf32, #tpu.memory_space<vmem>>
          %dma_start3A_179 = tpu.memref_squeeze %dma_start3A_178 : memref<1x128x128xf32, #tpu.memory_space<vmem>> -> memref<128x128xf32, #tpu.memory_space<vmem>>
          %dma_start3A_180 = arith.constant 0 : i32
          %dma_start3A_181 = tpu.memref_slice %arg8[%run_scoped3A_168, %add3A_118, %dma_start3A_180] : memref<2x80x128xi32, #tpu.memory_space<vmem>> -> memref<1x1x128xi32, #tpu.memory_space<vmem>>
          %dma_start3A_182 = tpu.memref_squeeze %dma_start3A_181 : memref<1x1x128xi32, #tpu.memory_space<vmem>> -> memref<128xi32, #tpu.memory_space<vmem>>
          %dma_start3A_183 = arith.constant 0 : i32
          %dma_start3A_184 = arith.constant 0 : i32
          %dma_start3A_185 = tpu.memref_slice %arg10[%dma_start3A_183, %dma_start3A_184] : memref<5128x128xf32, #tpu.memory_space<vmem_shared>> -> memref<5128x128xf32, #tpu.memory_space<vmem_shared>>
          tpu.enqueue_indirect_dma source(%dma_start3A_179 : memref<128x128xf32, #tpu.memory_space<vmem>>) target(%dma_start3A_185 : memref<5128x128xf32, #tpu.memory_space<vmem_shared>>) offsets(%dma_start3A_182 : memref<128xi32, #tpu.memory_space<vmem>>) semaphore(%run_scoped3A_176 : memref<!tpu.dma_semaphore, #tpu.memory_space<semaphore_mem>>) {add = true}
          %dma_wait3A_186 = arith.constant 0 : i32
          %dma_wait3A_187 = arith.constant 0 : i32
          %dma_wait3A_188 = tpu.memref_slice %arg9[%run_scoped3A_167, %dma_wait3A_186, %dma_wait3A_187] : memref<2x128x128xf32, #tpu.memory_space<vmem>> -> memref<1x128x128xf32, #tpu.memory_space<vmem>>
          %dma_wait3A_189 = tpu.memref_squeeze %dma_wait3A_188 : memref<1x128x128xf32, #tpu.memory_space<vmem>> -> memref<128x128xf32, #tpu.memory_space<vmem>>
          %dma_wait3A_190 = arith.constant 0 : i32
          %dma_wait3A_191 = tpu.memref_slice %arg8[%run_scoped3A_168, %add3A_118, %dma_wait3A_190] : memref<2x80x128xi32, #tpu.memory_space<vmem>> -> memref<1x1x128xi32, #tpu.memory_space<vmem>>
          %dma_wait3A_192 = tpu.memref_squeeze %dma_wait3A_191 : memref<1x1x128xi32, #tpu.memory_space<vmem>> -> memref<128xi32, #tpu.memory_space<vmem>>
          %dma_wait3A_193 = arith.constant 0 : i32
          %dma_wait3A_194 = arith.constant 0 : i32
          %dma_wait3A_195 = tpu.memref_slice %arg10[%dma_wait3A_193, %dma_wait3A_194] : memref<5128x128xf32, #tpu.memory_space<vmem_shared>> -> memref<5128x128xf32, #tpu.memory_space<vmem_shared>>
          tpu.wait_indirect_dma semaphore(%run_scoped3A_176 : memref<!tpu.dma_semaphore, #tpu.memory_space<semaphore_mem>>) src(%dma_wait3A_189 : memref<128x128xf32, #tpu.memory_space<vmem>>) dst(%dma_wait3A_195 : memref<5128x128xf32, #tpu.memory_space<vmem_shared>>)
          tpu.yield
        }) : () -> ()
        %add3A_169 = arith.constant 2 : i32
        %add3A_170 = arith.addi %add3A_118, %add3A_169 : i32
        %lt3A_171 = arith.cmpi slt, %add3A_170, %squeeze3A : i32
        %convert_element_type3A_172 = arith.extui %lt3A_171 : i1 to i32
        %cond3A_173 = arith.constant 0 : i32
        %cond3A_174 = arith.constant 0 : i32
        %cond3A_175 = arith.cmpi ne, %convert_element_type3A_172, %cond3A_174 : i32
        scf.if %cond3A_175 {
          %add3A_176 = arith.constant 2 : i32
          %add3A_177 = arith.addi %add3A_118, %add3A_176 : i32
          %dma_start3A = arith.constant 0 : i32
          %dma_start3A_178 = arith.constant 0 : i32
          %dma_start3A_179 = arith.constant 0 : i32
          %dma_start3A_180 = tpu.memref_slice %arg9[%cond3A_173, %dma_start3A_178, %dma_start3A_179] : memref<2x128x128xf32, #tpu.memory_space<vmem>> -> memref<1x128x128xf32, #tpu.memory_space<vmem>>
          %dma_start3A_181 = tpu.memref_squeeze %dma_start3A_180 : memref<1x128x128xf32, #tpu.memory_space<vmem>> -> memref<128x128xf32, #tpu.memory_space<vmem>>
          %dma_start3A_182 = arith.constant 0 : i32
          %dma_start3A_183 = tpu.memref_slice %arg7[%dma_start3A, %add3A_177, %dma_start3A_182] : memref<2x80x128xi32, #tpu.memory_space<vmem>> -> memref<1x1x128xi32, #tpu.memory_space<vmem>>
          %dma_start3A_184 = tpu.memref_squeeze %dma_start3A_183 : memref<1x1x128xi32, #tpu.memory_space<vmem>> -> memref<128xi32, #tpu.memory_space<vmem>>
          %dma_start3A_185 = arith.constant 0 : i32
          %dma_start3A_186 = arith.constant 0 : i32
          %dma_start3A_187 = tpu.memref_slice %arg2[%dma_start3A_185, %dma_start3A_186] : memref<10240x128xf32, #tpu.memory_space<hbm>> -> memref<10240x128xf32, #tpu.memory_space<hbm>>
          tpu.enqueue_indirect_dma source(%dma_start3A_187 : memref<10240x128xf32, #tpu.memory_space<hbm>>) target(%dma_start3A_181 : memref<128x128xf32, #tpu.memory_space<vmem>>) offsets(%dma_start3A_184 : memref<128xi32, #tpu.memory_space<vmem>>) semaphore(%arg12 : memref<!tpu.dma_semaphore, #tpu.memory_space<semaphore_mem>>)
        } else {
        }
      } else {
      }
      %jit3A_134 = arith.constant 2 : i32
      %eq3A_135 = arith.constant 0 : i32
      %eq3A_136 = arith.cmpi eq, %jit3A_134, %eq3A_135 : i32
      %jit3A_137 = arith.constant 1 : i32
      %select_n3A_138 = arith.select %eq3A_136, %jit3A_137, %jit3A_134 : i32
      %rem3A_139 = arith.remsi %while3A_116, %select_n3A_138 : i32
      %ne3A_140 = arith.constant 0 : i32
      %ne3A_141 = arith.cmpi ne, %rem3A_139, %ne3A_140 : i32
      %lt3A_142 = arith.constant 0 : i32
      %lt3A_143 = arith.cmpi slt, %rem3A_139, %lt3A_142 : i32
      %lt3A_144 = arith.constant 0 : i32
      %lt3A_145 = arith.cmpi slt, %select_n3A_138, %lt3A_144 : i32
      %ne3A_146 = arith.xori %lt3A_143, %lt3A_145 : i1
      %and3A_147 = arith.andi %ne3A_146, %ne3A_141 : i1
      %add3A_148 = arith.addi %rem3A_139, %select_n3A_138 : i32
      %select_n3A_149 = arith.select %and3A_147, %add3A_148, %rem3A_139 : i32
      %eq3A_150 = arith.constant 1 : i32
      %eq3A_151 = arith.cmpi eq, %select_n3A_149, %eq3A_150 : i32
      %convert_element_type3A_152 = arith.extui %eq3A_151 : i1 to i32
      %cond3A_153 = arith.constant 0 : i32
      %cond3A_154 = arith.cmpi ne, %convert_element_type3A_152, %cond3A_153 : i32
      scf.if %cond3A_154 {
        %dma_wait3A = arith.constant 0 : i32
        %dma_wait3A_156 = arith.constant 1 : i32
        %dma_wait3A_157 = arith.constant 0 : i32
        %dma_wait3A_158 = arith.constant 0 : i32
        %dma_wait3A_159 = tpu.memref_slice %arg9[%dma_wait3A_156, %dma_wait3A_157, %dma_wait3A_158] : memref<2x128x128xf32, #tpu.memory_space<vmem>> -> memref<1x128x128xf32, #tpu.memory_space<vmem>>
        %dma_wait3A_160 = tpu.memref_squeeze %dma_wait3A_159 : memref<1x128x128xf32, #tpu.memory_space<vmem>> -> memref<128x128xf32, #tpu.memory_space<vmem>>
        %dma_wait3A_161 = arith.constant 0 : i32
        %dma_wait3A_162 = tpu.memref_slice %arg7[%dma_wait3A, %add3A_118, %dma_wait3A_161] : memref<2x80x128xi32, #tpu.memory_space<vmem>> -> memref<1x1x128xi32, #tpu.memory_space<vmem>>
        %dma_wait3A_163 = tpu.memref_squeeze %dma_wait3A_162 : memref<1x1x128xi32, #tpu.memory_space<vmem>> -> memref<128xi32, #tpu.memory_space<vmem>>
        %dma_wait3A_164 = arith.constant 0 : i32
        %dma_wait3A_165 = arith.constant 0 : i32
        %dma_wait3A_166 = tpu.memref_slice %arg2[%dma_wait3A_164, %dma_wait3A_165] : memref<10240x128xf32, #tpu.memory_space<hbm>> -> memref<10240x128xf32, #tpu.memory_space<hbm>>
        tpu.wait_indirect_dma semaphore(%arg13 : memref<!tpu.dma_semaphore, #tpu.memory_space<semaphore_mem>>) src(%dma_wait3A_166 : memref<10240x128xf32, #tpu.memory_space<hbm>>) dst(%dma_wait3A_160 : memref<128x128xf32, #tpu.memory_space<vmem>>)
        %run_scoped3A_167 = arith.constant 1 : i32
        %run_scoped3A_168 = arith.constant 0 : i32
        "tpu.region"() ({
          %run_scoped3A_176 = tpu.sem_alloc : memref<!tpu.dma_semaphore, #tpu.memory_space<semaphore_mem>>
          %dma_start3A = arith.constant 0 : i32
          %dma_start3A_177 = arith.constant 0 : i32
          %dma_start3A_178 = tpu.memref_slice %arg9[%run_scoped3A_167, %dma_start3A, %dma_start3A_177] : memref<2x128x128xf32, #tpu.memory_space<vmem>> -> memref<1x128x128xf32, #tpu.memory_space<vmem>>
          %dma_start3A_179 = tpu.memref_squeeze %dma_start3A_178 : memref<1x128x128xf32, #tpu.memory_space<vmem>> -> memref<128x128xf32, #tpu.memory_space<vmem>>
          %dma_start3A_180 = arith.constant 0 : i32
          %dma_start3A_181 = tpu.memref_slice %arg8[%run_scoped3A_168, %add3A_118, %dma_start3A_180] : memref<2x80x128xi32, #tpu.memory_space<vmem>> -> memref<1x1x128xi32, #tpu.memory_space<vmem>>
          %dma_start3A_182 = tpu.memref_squeeze %dma_start3A_181 : memref<1x1x128xi32, #tpu.memory_space<vmem>> -> memref<128xi32, #tpu.memory_space<vmem>>
          %dma_start3A_183 = arith.constant 0 : i32
          %dma_start3A_184 = arith.constant 0 : i32
          %dma_start3A_185 = tpu.memref_slice %arg10[%dma_start3A_183, %dma_start3A_184] : memref<5128x128xf32, #tpu.memory_space<vmem_shared>> -> memref<5128x128xf32, #tpu.memory_space<vmem_shared>>
          tpu.enqueue_indirect_dma source(%dma_start3A_179 : memref<128x128xf32, #tpu.memory_space<vmem>>) target(%dma_start3A_185 : memref<5128x128xf32, #tpu.memory_space<vmem_shared>>) offsets(%dma_start3A_182 : memref<128xi32, #tpu.memory_space<vmem>>) semaphore(%run_scoped3A_176 : memref<!tpu.dma_semaphore, #tpu.memory_space<semaphore_mem>>) {add = true}
          %dma_wait3A_186 = arith.constant 0 : i32
          %dma_wait3A_187 = arith.constant 0 : i32
          %dma_wait3A_188 = tpu.memref_slice %arg9[%run_scoped3A_167, %dma_wait3A_186, %dma_wait3A_187] : memref<2x128x128xf32, #tpu.memory_space<vmem>> -> memref<1x128x128xf32, #tpu.memory_space<vmem>>
          %dma_wait3A_189 = tpu.memref_squeeze %dma_wait3A_188 : memref<1x128x128xf32, #tpu.memory_space<vmem>> -> memref<128x128xf32, #tpu.memory_space<vmem>>
          %dma_wait3A_190 = arith.constant 0 : i32
          %dma_wait3A_191 = tpu.memref_slice %arg8[%run_scoped3A_168, %add3A_118, %dma_wait3A_190] : memref<2x80x128xi32, #tpu.memory_space<vmem>> -> memref<1x1x128xi32, #tpu.memory_space<vmem>>
          %dma_wait3A_192 = tpu.memref_squeeze %dma_wait3A_191 : memref<1x1x128xi32, #tpu.memory_space<vmem>> -> memref<128xi32, #tpu.memory_space<vmem>>
          %dma_wait3A_193 = arith.constant 0 : i32
          %dma_wait3A_194 = arith.constant 0 : i32
          %dma_wait3A_195 = tpu.memref_slice %arg10[%dma_wait3A_193, %dma_wait3A_194] : memref<5128x128xf32, #tpu.memory_space<vmem_shared>> -> memref<5128x128xf32, #tpu.memory_space<vmem_shared>>
          tpu.wait_indirect_dma semaphore(%run_scoped3A_176 : memref<!tpu.dma_semaphore, #tpu.memory_space<semaphore_mem>>) src(%dma_wait3A_189 : memref<128x128xf32, #tpu.memory_space<vmem>>) dst(%dma_wait3A_195 : memref<5128x128xf32, #tpu.memory_space<vmem_shared>>)
          tpu.yield
        }) : () -> ()
        %add3A_169 = arith.constant 2 : i32
        %add3A_170 = arith.addi %add3A_118, %add3A_169 : i32
        %lt3A_171 = arith.cmpi slt, %add3A_170, %squeeze3A : i32
        %convert_element_type3A_172 = arith.extui %lt3A_171 : i1 to i32
        %cond3A_173 = arith.constant 1 : i32
        %cond3A_174 = arith.constant 0 : i32
        %cond3A_175 = arith.cmpi ne, %convert_element_type3A_172, %cond3A_174 : i32
        scf.if %cond3A_175 {
          %add3A_176 = arith.constant 2 : i32
          %add3A_177 = arith.addi %add3A_118, %add3A_176 : i32
          %dma_start3A = arith.constant 0 : i32
          %dma_start3A_178 = arith.constant 0 : i32
          %dma_start3A_179 = arith.constant 0 : i32
          %dma_start3A_180 = tpu.memref_slice %arg9[%cond3A_173, %dma_start3A_178, %dma_start3A_179] : memref<2x128x128xf32, #tpu.memory_space<vmem>> -> memref<1x128x128xf32, #tpu.memory_space<vmem>>
          %dma_start3A_181 = tpu.memref_squeeze %dma_start3A_180 : memref<1x128x128xf32, #tpu.memory_space<vmem>> -> memref<128x128xf32, #tpu.memory_space<vmem>>
          %dma_start3A_182 = arith.constant 0 : i32
          %dma_start3A_183 = tpu.memref_slice %arg7[%dma_start3A, %add3A_177, %dma_start3A_182] : memref<2x80x128xi32, #tpu.memory_space<vmem>> -> memref<1x1x128xi32, #tpu.memory_space<vmem>>
          %dma_start3A_184 = tpu.memref_squeeze %dma_start3A_183 : memref<1x1x128xi32, #tpu.memory_space<vmem>> -> memref<128xi32, #tpu.memory_space<vmem>>
          %dma_start3A_185 = arith.constant 0 : i32
          %dma_start3A_186 = arith.constant 0 : i32
          %dma_start3A_187 = tpu.memref_slice %arg2[%dma_start3A_185, %dma_start3A_186] : memref<10240x128xf32, #tpu.memory_space<hbm>> -> memref<10240x128xf32, #tpu.memory_space<hbm>>
          tpu.enqueue_indirect_dma source(%dma_start3A_187 : memref<10240x128xf32, #tpu.memory_space<hbm>>) target(%dma_start3A_181 : memref<128x128xf32, #tpu.memory_space<vmem>>) offsets(%dma_start3A_184 : memref<128xi32, #tpu.memory_space<vmem>>) semaphore(%arg13 : memref<!tpu.dma_semaphore, #tpu.memory_space<semaphore_mem>>)
        } else {
        }
      } else {
      }
      %while3A_155 = arith.constant 0 : i32
      scf.yield %while3A_155 : i32
    }
    %while3A_50 = arith.constant 1 : i32
    %while3A_51 = scf.for %while3A_116 = %while3A_47 to %while3A_43 step %while3A_50 iter_args(%while3A_117 = %while3A_49) -> (i32)  : i32 {
      %add3A_118 = arith.addi %while3A, %while3A_116 : i32
      %jit3A = arith.constant 2 : i32
      %eq3A = arith.constant 0 : i32
      %eq3A_119 = arith.cmpi eq, %jit3A, %eq3A : i32
      %jit3A_120 = arith.constant 1 : i32
      %select_n3A = arith.select %eq3A_119, %jit3A_120, %jit3A : i32
      %rem3A = arith.remsi %while3A_116, %select_n3A : i32
      %ne3A = arith.constant 0 : i32
      %ne3A_121 = arith.cmpi ne, %rem3A, %ne3A : i32
      %lt3A_122 = arith.constant 0 : i32
      %lt3A_123 = arith.cmpi slt, %rem3A, %lt3A_122 : i32
      %lt3A_124 = arith.constant 0 : i32
      %lt3A_125 = arith.cmpi slt, %select_n3A, %lt3A_124 : i32
      %ne3A_126 = arith.xori %lt3A_123, %lt3A_125 : i1
      %and3A = arith.andi %ne3A_126, %ne3A_121 : i1
      %add3A_127 = arith.addi %rem3A, %select_n3A : i32
      %select_n3A_128 = arith.select %and3A, %add3A_127, %rem3A : i32
      %eq3A_129 = arith.constant 0 : i32
      %eq3A_130 = arith.cmpi eq, %select_n3A_128, %eq3A_129 : i32
      %convert_element_type3A_131 = arith.extui %eq3A_130 : i1 to i32
      %cond3A_132 = arith.constant 0 : i32
      %cond3A_133 = arith.cmpi ne, %convert_element_type3A_131, %cond3A_132 : i32
      scf.if %cond3A_133 {
        %dma_wait3A = arith.constant 0 : i32
        %dma_wait3A_156 = arith.constant 0 : i32
        %dma_wait3A_157 = arith.constant 0 : i32
        %dma_wait3A_158 = arith.constant 0 : i32
        %dma_wait3A_159 = tpu.memref_slice %arg9[%dma_wait3A_156, %dma_wait3A_157, %dma_wait3A_158] : memref<2x128x128xf32, #tpu.memory_space<vmem>> -> memref<1x128x128xf32, #tpu.memory_space<vmem>>
        %dma_wait3A_160 = tpu.memref_squeeze %dma_wait3A_159 : memref<1x128x128xf32, #tpu.memory_space<vmem>> -> memref<128x128xf32, #tpu.memory_space<vmem>>
        %dma_wait3A_161 = arith.constant 0 : i32
        %dma_wait3A_162 = tpu.memref_slice %arg7[%dma_wait3A, %add3A_118, %dma_wait3A_161] : memref<2x80x128xi32, #tpu.memory_space<vmem>> -> memref<1x1x128xi32, #tpu.memory_space<vmem>>
        %dma_wait3A_163 = tpu.memref_squeeze %dma_wait3A_162 : memref<1x1x128xi32, #tpu.memory_space<vmem>> -> memref<128xi32, #tpu.memory_space<vmem>>
        %dma_wait3A_164 = arith.constant 0 : i32
        %dma_wait3A_165 = arith.constant 0 : i32
        %dma_wait3A_166 = tpu.memref_slice %arg2[%dma_wait3A_164, %dma_wait3A_165] : memref<10240x128xf32, #tpu.memory_space<hbm>> -> memref<10240x128xf32, #tpu.memory_space<hbm>>
        tpu.wait_indirect_dma semaphore(%arg12 : memref<!tpu.dma_semaphore, #tpu.memory_space<semaphore_mem>>) src(%dma_wait3A_166 : memref<10240x128xf32, #tpu.memory_space<hbm>>) dst(%dma_wait3A_160 : memref<128x128xf32, #tpu.memory_space<vmem>>)
        %run_scoped3A_167 = arith.constant 0 : i32
        %run_scoped3A_168 = arith.constant 0 : i32
        "tpu.region"() ({
          %run_scoped3A_176 = tpu.sem_alloc : memref<!tpu.dma_semaphore, #tpu.memory_space<semaphore_mem>>
          %dma_start3A = arith.constant 0 : i32
          %dma_start3A_177 = arith.constant 0 : i32
          %dma_start3A_178 = tpu.memref_slice %arg9[%run_scoped3A_167, %dma_start3A, %dma_start3A_177] : memref<2x128x128xf32, #tpu.memory_space<vmem>> -> memref<1x128x128xf32, #tpu.memory_space<vmem>>
          %dma_start3A_179 = tpu.memref_squeeze %dma_start3A_178 : memref<1x128x128xf32, #tpu.memory_space<vmem>> -> memref<128x128xf32, #tpu.memory_space<vmem>>
          %dma_start3A_180 = arith.constant 0 : i32
          %dma_start3A_181 = tpu.memref_slice %arg8[%run_scoped3A_168, %add3A_118, %dma_start3A_180] : memref<2x80x128xi32, #tpu.memory_space<vmem>> -> memref<1x1x128xi32, #tpu.memory_space<vmem>>
          %dma_start3A_182 = tpu.memref_squeeze %dma_start3A_181 : memref<1x1x128xi32, #tpu.memory_space<vmem>> -> memref<128xi32, #tpu.memory_space<vmem>>
          %dma_start3A_183 = arith.constant 0 : i32
          %dma_start3A_184 = arith.constant 0 : i32
          %dma_start3A_185 = tpu.memref_slice %arg10[%dma_start3A_183, %dma_start3A_184] : memref<5128x128xf32, #tpu.memory_space<vmem_shared>> -> memref<5128x128xf32, #tpu.memory_space<vmem_shared>>
          tpu.enqueue_indirect_dma source(%dma_start3A_179 : memref<128x128xf32, #tpu.memory_space<vmem>>) target(%dma_start3A_185 : memref<5128x128xf32, #tpu.memory_space<vmem_shared>>) offsets(%dma_start3A_182 : memref<128xi32, #tpu.memory_space<vmem>>) semaphore(%run_scoped3A_176 : memref<!tpu.dma_semaphore, #tpu.memory_space<semaphore_mem>>) {add = true}
          %dma_wait3A_186 = arith.constant 0 : i32
          %dma_wait3A_187 = arith.constant 0 : i32
          %dma_wait3A_188 = tpu.memref_slice %arg9[%run_scoped3A_167, %dma_wait3A_186, %dma_wait3A_187] : memref<2x128x128xf32, #tpu.memory_space<vmem>> -> memref<1x128x128xf32, #tpu.memory_space<vmem>>
          %dma_wait3A_189 = tpu.memref_squeeze %dma_wait3A_188 : memref<1x128x128xf32, #tpu.memory_space<vmem>> -> memref<128x128xf32, #tpu.memory_space<vmem>>
          %dma_wait3A_190 = arith.constant 0 : i32
          %dma_wait3A_191 = tpu.memref_slice %arg8[%run_scoped3A_168, %add3A_118, %dma_wait3A_190] : memref<2x80x128xi32, #tpu.memory_space<vmem>> -> memref<1x1x128xi32, #tpu.memory_space<vmem>>
          %dma_wait3A_192 = tpu.memref_squeeze %dma_wait3A_191 : memref<1x1x128xi32, #tpu.memory_space<vmem>> -> memref<128xi32, #tpu.memory_space<vmem>>
          %dma_wait3A_193 = arith.constant 0 : i32
          %dma_wait3A_194 = arith.constant 0 : i32
          %dma_wait3A_195 = tpu.memref_slice %arg10[%dma_wait3A_193, %dma_wait3A_194] : memref<5128x128xf32, #tpu.memory_space<vmem_shared>> -> memref<5128x128xf32, #tpu.memory_space<vmem_shared>>
          tpu.wait_indirect_dma semaphore(%run_scoped3A_176 : memref<!tpu.dma_semaphore, #tpu.memory_space<semaphore_mem>>) src(%dma_wait3A_189 : memref<128x128xf32, #tpu.memory_space<vmem>>) dst(%dma_wait3A_195 : memref<5128x128xf32, #tpu.memory_space<vmem_shared>>)
          tpu.yield
        }) : () -> ()
        %add3A_169 = arith.constant 2 : i32
        %add3A_170 = arith.addi %add3A_118, %add3A_169 : i32
        %lt3A_171 = arith.cmpi slt, %add3A_170, %squeeze3A : i32
        %convert_element_type3A_172 = arith.extui %lt3A_171 : i1 to i32
        %cond3A_173 = arith.constant 0 : i32
        %cond3A_174 = arith.constant 0 : i32
        %cond3A_175 = arith.cmpi ne, %convert_element_type3A_172, %cond3A_174 : i32
        scf.if %cond3A_175 {
          %add3A_176 = arith.constant 2 : i32
          %add3A_177 = arith.addi %add3A_118, %add3A_176 : i32
          %dma_start3A = arith.constant 0 : i32
          %dma_start3A_178 = arith.constant 0 : i32
          %dma_start3A_179 = arith.constant 0 : i32
          %dma_start3A_180 = tpu.memref_slice %arg9[%cond3A_173, %dma_start3A_178, %dma_start3A_179] : memref<2x128x128xf32, #tpu.memory_space<vmem>> -> memref<1x128x128xf32, #tpu.memory_space<vmem>>
          %dma_start3A_181 = tpu.memref_squeeze %dma_start3A_180 : memref<1x128x128xf32, #tpu.memory_space<vmem>> -> memref<128x128xf32, #tpu.memory_space<vmem>>
          %dma_start3A_182 = arith.constant 0 : i32
          %dma_start3A_183 = tpu.memref_slice %arg7[%dma_start3A, %add3A_177, %dma_start3A_182] : memref<2x80x128xi32, #tpu.memory_space<vmem>> -> memref<1x1x128xi32, #tpu.memory_space<vmem>>
          %dma_start3A_184 = tpu.memref_squeeze %dma_start3A_183 : memref<1x1x128xi32, #tpu.memory_space<vmem>> -> memref<128xi32, #tpu.memory_space<vmem>>
          %dma_start3A_185 = arith.constant 0 : i32
          %dma_start3A_186 = arith.constant 0 : i32
          %dma_start3A_187 = tpu.memref_slice %arg2[%dma_start3A_185, %dma_start3A_186] : memref<10240x128xf32, #tpu.memory_space<hbm>> -> memref<10240x128xf32, #tpu.memory_space<hbm>>
          tpu.enqueue_indirect_dma source(%dma_start3A_187 : memref<10240x128xf32, #tpu.memory_space<hbm>>) target(%dma_start3A_181 : memref<128x128xf32, #tpu.memory_space<vmem>>) offsets(%dma_start3A_184 : memref<128xi32, #tpu.memory_space<vmem>>) semaphore(%arg12 : memref<!tpu.dma_semaphore, #tpu.memory_space<semaphore_mem>>)
        } else {
        }
      } else {
      }
      %jit3A_134 = arith.constant 2 : i32
      %eq3A_135 = arith.constant 0 : i32
      %eq3A_136 = arith.cmpi eq, %jit3A_134, %eq3A_135 : i32
      %jit3A_137 = arith.constant 1 : i32
      %select_n3A_138 = arith.select %eq3A_136, %jit3A_137, %jit3A_134 : i32
      %rem3A_139 = arith.remsi %while3A_116, %select_n3A_138 : i32
      %ne3A_140 = arith.constant 0 : i32
      %ne3A_141 = arith.cmpi ne, %rem3A_139, %ne3A_140 : i32
      %lt3A_142 = arith.constant 0 : i32
      %lt3A_143 = arith.cmpi slt, %rem3A_139, %lt3A_142 : i32
      %lt3A_144 = arith.constant 0 : i32
      %lt3A_145 = arith.cmpi slt, %select_n3A_138, %lt3A_144 : i32
      %ne3A_146 = arith.xori %lt3A_143, %lt3A_145 : i1
      %and3A_147 = arith.andi %ne3A_146, %ne3A_141 : i1
      %add3A_148 = arith.addi %rem3A_139, %select_n3A_138 : i32
      %select_n3A_149 = arith.select %and3A_147, %add3A_148, %rem3A_139 : i32
      %eq3A_150 = arith.constant 1 : i32
      %eq3A_151 = arith.cmpi eq, %select_n3A_149, %eq3A_150 : i32
      %convert_element_type3A_152 = arith.extui %eq3A_151 : i1 to i32
      %cond3A_153 = arith.constant 0 : i32
      %cond3A_154 = arith.cmpi ne, %convert_element_type3A_152, %cond3A_153 : i32
      scf.if %cond3A_154 {
        %dma_wait3A = arith.constant 0 : i32
        %dma_wait3A_156 = arith.constant 1 : i32
        %dma_wait3A_157 = arith.constant 0 : i32
        %dma_wait3A_158 = arith.constant 0 : i32
        %dma_wait3A_159 = tpu.memref_slice %arg9[%dma_wait3A_156, %dma_wait3A_157, %dma_wait3A_158] : memref<2x128x128xf32, #tpu.memory_space<vmem>> -> memref<1x128x128xf32, #tpu.memory_space<vmem>>
        %dma_wait3A_160 = tpu.memref_squeeze %dma_wait3A_159 : memref<1x128x128xf32, #tpu.memory_space<vmem>> -> memref<128x128xf32, #tpu.memory_space<vmem>>
        %dma_wait3A_161 = arith.constant 0 : i32
        %dma_wait3A_162 = tpu.memref_slice %arg7[%dma_wait3A, %add3A_118, %dma_wait3A_161] : memref<2x80x128xi32, #tpu.memory_space<vmem>> -> memref<1x1x128xi32, #tpu.memory_space<vmem>>
        %dma_wait3A_163 = tpu.memref_squeeze %dma_wait3A_162 : memref<1x1x128xi32, #tpu.memory_space<vmem>> -> memref<128xi32, #tpu.memory_space<vmem>>
        %dma_wait3A_164 = arith.constant 0 : i32
        %dma_wait3A_165 = arith.constant 0 : i32
        %dma_wait3A_166 = tpu.memref_slice %arg2[%dma_wait3A_164, %dma_wait3A_165] : memref<10240x128xf32, #tpu.memory_space<hbm>> -> memref<10240x128xf32, #tpu.memory_space<hbm>>
        tpu.wait_indirect_dma semaphore(%arg13 : memref<!tpu.dma_semaphore, #tpu.memory_space<semaphore_mem>>) src(%dma_wait3A_166 : memref<10240x128xf32, #tpu.memory_space<hbm>>) dst(%dma_wait3A_160 : memref<128x128xf32, #tpu.memory_space<vmem>>)
        %run_scoped3A_167 = arith.constant 1 : i32
        %run_scoped3A_168 = arith.constant 0 : i32
        "tpu.region"() ({
          %run_scoped3A_176 = tpu.sem_alloc : memref<!tpu.dma_semaphore, #tpu.memory_space<semaphore_mem>>
          %dma_start3A = arith.constant 0 : i32
          %dma_start3A_177 = arith.constant 0 : i32
          %dma_start3A_178 = tpu.memref_slice %arg9[%run_scoped3A_167, %dma_start3A, %dma_start3A_177] : memref<2x128x128xf32, #tpu.memory_space<vmem>> -> memref<1x128x128xf32, #tpu.memory_space<vmem>>
          %dma_start3A_179 = tpu.memref_squeeze %dma_start3A_178 : memref<1x128x128xf32, #tpu.memory_space<vmem>> -> memref<128x128xf32, #tpu.memory_space<vmem>>
          %dma_start3A_180 = arith.constant 0 : i32
          %dma_start3A_181 = tpu.memref_slice %arg8[%run_scoped3A_168, %add3A_118, %dma_start3A_180] : memref<2x80x128xi32, #tpu.memory_space<vmem>> -> memref<1x1x128xi32, #tpu.memory_space<vmem>>
          %dma_start3A_182 = tpu.memref_squeeze %dma_start3A_181 : memref<1x1x128xi32, #tpu.memory_space<vmem>> -> memref<128xi32, #tpu.memory_space<vmem>>
          %dma_start3A_183 = arith.constant 0 : i32
          %dma_start3A_184 = arith.constant 0 : i32
          %dma_start3A_185 = tpu.memref_slice %arg10[%dma_start3A_183, %dma_start3A_184] : memref<5128x128xf32, #tpu.memory_space<vmem_shared>> -> memref<5128x128xf32, #tpu.memory_space<vmem_shared>>
          tpu.enqueue_indirect_dma source(%dma_start3A_179 : memref<128x128xf32, #tpu.memory_space<vmem>>) target(%dma_start3A_185 : memref<5128x128xf32, #tpu.memory_space<vmem_shared>>) offsets(%dma_start3A_182 : memref<128xi32, #tpu.memory_space<vmem>>) semaphore(%run_scoped3A_176 : memref<!tpu.dma_semaphore, #tpu.memory_space<semaphore_mem>>) {add = true}
          %dma_wait3A_186 = arith.constant 0 : i32
          %dma_wait3A_187 = arith.constant 0 : i32
          %dma_wait3A_188 = tpu.memref_slice %arg9[%run_scoped3A_167, %dma_wait3A_186, %dma_wait3A_187] : memref<2x128x128xf32, #tpu.memory_space<vmem>> -> memref<1x128x128xf32, #tpu.memory_space<vmem>>
          %dma_wait3A_189 = tpu.memref_squeeze %dma_wait3A_188 : memref<1x128x128xf32, #tpu.memory_space<vmem>> -> memref<128x128xf32, #tpu.memory_space<vmem>>
          %dma_wait3A_190 = arith.constant 0 : i32
          %dma_wait3A_191 = tpu.memref_slice %arg8[%run_scoped3A_168, %add3A_118, %dma_wait3A_190] : memref<2x80x128xi32, #tpu.memory_space<vmem>> -> memref<1x1x128xi32, #tpu.memory_space<vmem>>
          %dma_wait3A_192 = tpu.memref_squeeze %dma_wait3A_191 : memref<1x1x128xi32, #tpu.memory_space<vmem>> -> memref<128xi32, #tpu.memory_space<vmem>>
          %dma_wait3A_193 = arith.constant 0 : i32
          %dma_wait3A_194 = arith.constant 0 : i32
          %dma_wait3A_195 = tpu.memref_slice %arg10[%dma_wait3A_193, %dma_wait3A_194] : memref<5128x128xf32, #tpu.memory_space<vmem_shared>> -> memref<5128x128xf32, #tpu.memory_space<vmem_shared>>
          tpu.wait_indirect_dma semaphore(%run_scoped3A_176 : memref<!tpu.dma_semaphore, #tpu.memory_space<semaphore_mem>>) src(%dma_wait3A_189 : memref<128x128xf32, #tpu.memory_space<vmem>>) dst(%dma_wait3A_195 : memref<5128x128xf32, #tpu.memory_space<vmem_shared>>)
          tpu.yield
        }) : () -> ()
        %add3A_169 = arith.constant 2 : i32
        %add3A_170 = arith.addi %add3A_118, %add3A_169 : i32
        %lt3A_171 = arith.cmpi slt, %add3A_170, %squeeze3A : i32
        %convert_element_type3A_172 = arith.extui %lt3A_171 : i1 to i32
        %cond3A_173 = arith.constant 1 : i32
        %cond3A_174 = arith.constant 0 : i32
        %cond3A_175 = arith.cmpi ne, %convert_element_type3A_172, %cond3A_174 : i32
        scf.if %cond3A_175 {
          %add3A_176 = arith.constant 2 : i32
          %add3A_177 = arith.addi %add3A_118, %add3A_176 : i32
          %dma_start3A = arith.constant 0 : i32
          %dma_start3A_178 = arith.constant 0 : i32
          %dma_start3A_179 = arith.constant 0 : i32
          %dma_start3A_180 = tpu.memref_slice %arg9[%cond3A_173, %dma_start3A_178, %dma_start3A_179] : memref<2x128x128xf32, #tpu.memory_space<vmem>> -> memref<1x128x128xf32, #tpu.memory_space<vmem>>
          %dma_start3A_181 = tpu.memref_squeeze %dma_start3A_180 : memref<1x128x128xf32, #tpu.memory_space<vmem>> -> memref<128x128xf32, #tpu.memory_space<vmem>>
          %dma_start3A_182 = arith.constant 0 : i32
          %dma_start3A_183 = tpu.memref_slice %arg7[%dma_start3A, %add3A_177, %dma_start3A_182] : memref<2x80x128xi32, #tpu.memory_space<vmem>> -> memref<1x1x128xi32, #tpu.memory_space<vmem>>
          %dma_start3A_184 = tpu.memref_squeeze %dma_start3A_183 : memref<1x1x128xi32, #tpu.memory_space<vmem>> -> memref<128xi32, #tpu.memory_space<vmem>>
          %dma_start3A_185 = arith.constant 0 : i32
          %dma_start3A_186 = arith.constant 0 : i32
          %dma_start3A_187 = tpu.memref_slice %arg2[%dma_start3A_185, %dma_start3A_186] : memref<10240x128xf32, #tpu.memory_space<hbm>> -> memref<10240x128xf32, #tpu.memory_space<hbm>>
          tpu.enqueue_indirect_dma source(%dma_start3A_187 : memref<10240x128xf32, #tpu.memory_space<hbm>>) target(%dma_start3A_181 : memref<128x128xf32, #tpu.memory_space<vmem>>) offsets(%dma_start3A_184 : memref<128xi32, #tpu.memory_space<vmem>>) semaphore(%arg13 : memref<!tpu.dma_semaphore, #tpu.memory_space<semaphore_mem>>)
        } else {
        }
      } else {
      }
      %while3A_155 = arith.constant 0 : i32
      scf.yield %while3A_155 : i32
    }
    %barrier3A_52 = arith.constant 0 : index
    tpu.barrier barrier_id(%barrier3A_52)
    %mul3A_53 = arith.constant 320 : i32
    %mul3A_54 = arith.muli %arg1, %mul3A_53 : i32
    %mul3A_55 = arith.constant 320 : i32
    %mul3A_56 = arith.muli %arg1, %mul3A_55 : i32
    %add3A_57 = arith.constant 0 : i32
    %add3A_58 = arith.addi %add3A_57, %mul3A_56 : i32
    "tpu.region"() ({
      %run_scoped3A_116 = tpu.sem_alloc : memref<!tpu.dma_semaphore, #tpu.memory_space<semaphore_mem>>
      %dma_start3A = arith.constant 0 : i32
      %dma_start3A_117 = tpu.memref_slice %arg6[%arg0, %add3A_58, %dma_start3A] : memref<2x10240x128xf32, #tpu.memory_space<hbm>> -> memref<1x320x128xf32, #tpu.memory_space<hbm>>
      %dma_start3A_118 = tpu.memref_squeeze %dma_start3A_117 : memref<1x320x128xf32, #tpu.memory_space<hbm>> -> memref<320x128xf32, #tpu.memory_space<hbm>>
      %dma_start3A_119 = arith.constant 0 : i32
      %dma_start3A_120 = tpu.memref_slice %arg10[%mul3A_54, %dma_start3A_119] : memref<5128x128xf32, #tpu.memory_space<vmem_shared>> -> memref<320x128xf32, #tpu.memory_space<vmem_shared>>
      tpu.enqueue_dma source(%dma_start3A_120 : memref<320x128xf32, #tpu.memory_space<vmem_shared>>) target(%dma_start3A_118 : memref<320x128xf32, #tpu.memory_space<hbm>>) target_semaphore(%run_scoped3A_116 : memref<!tpu.dma_semaphore, #tpu.memory_space<semaphore_mem>>)
      %dma_wait3A = arith.constant 0 : i32
      %dma_wait3A_121 = tpu.memref_slice %arg6[%arg0, %add3A_58, %dma_wait3A] : memref<2x10240x128xf32, #tpu.memory_space<hbm>> -> memref<1x320x128xf32, #tpu.memory_space<hbm>>
      %dma_wait3A_122 = tpu.memref_squeeze %dma_wait3A_121 : memref<1x320x128xf32, #tpu.memory_space<hbm>> -> memref<320x128xf32, #tpu.memory_space<hbm>>
      %dma_wait3A_123 = arith.constant 0 : i32
      %dma_wait3A_124 = tpu.memref_slice %arg10[%mul3A_54, %dma_wait3A_123] : memref<5128x128xf32, #tpu.memory_space<vmem_shared>> -> memref<320x128xf32, #tpu.memory_space<vmem_shared>>
      tpu.wait_dma2 semaphore(%run_scoped3A_116 : memref<!tpu.dma_semaphore, #tpu.memory_space<semaphore_mem>>) src(%dma_wait3A_124 : memref<320x128xf32, #tpu.memory_space<vmem_shared>>) dst(%dma_wait3A_122 : memref<320x128xf32, #tpu.memory_space<hbm>>)
      tpu.yield
    }) : () -> ()
    %scan3A_59 = arith.constant 0 : i32
    %scan3A_60 = arith.constant 0 : i32
    %scan3A_61 = arith.constant 128 : i32
    %scan3A_62 = arith.addi %scan3A_60, %scan3A_61 : i32
    %scan3A_63 = arith.constant 1 : i32
    %scan3A_64 = scf.for %scan3A_116 = %scan3A_60 to %scan3A_62 step %scan3A_63 iter_args(%scan3A_117 = %scan3A_59) -> (i32)  : i32 {
      %broadcast_in_dim3A = arith.constant 0.000000e+00 : f32
      %broadcast_in_dim3A_118 = vector.broadcast %broadcast_in_dim3A : f32 to vector<16xf32>
      %swap3A = arith.constant 0 : i32
      %swap3A_119 = arith.index_cast %swap3A : i32 to index
      %swap3A_120 = arith.index_cast %scan3A_116 : i32 to index
      %swap3A_121 = arith.constant 0 : index
      %swap3A_122 = tpu.vector_load %arg9[%swap3A_119, %swap3A_120, %swap3A_121] {strides = array<i32>} : memref<2x128x128xf32, #tpu.memory_space<vmem>>, vector<1x1x16xf32>,
      %swap3A_123 = vector.shape_cast %swap3A_122 : vector<1x1x16xf32> to vector<16xf32>
      %swap3A_124 = vector.shape_cast %broadcast_in_dim3A_118 : vector<16xf32> to vector<1x1x16xf32>
      tpu.vector_store %arg9[%swap3A_119, %swap3A_120, %swap3A_121], %swap3A_124 {strides = array<i32>} : memref<2x128x128xf32, #tpu.memory_space<vmem>>, vector<1x1x16xf32>,
      %broadcast_in_dim3A_125 = arith.constant 0.000000e+00 : f32
      %broadcast_in_dim3A_126 = vector.broadcast %broadcast_in_dim3A_125 : f32 to vector<16xf32>
      %swap3A_127 = arith.constant 0 : i32
      %swap3A_128 = arith.index_cast %swap3A_127 : i32 to index
      %swap3A_129 = arith.index_cast %scan3A_116 : i32 to index
      %swap3A_130 = arith.constant 16 : index
      %swap3A_131 = tpu.vector_load %arg9[%swap3A_128, %swap3A_129, %swap3A_130] {strides = array<i32>} : memref<2x128x128xf32, #tpu.memory_space<vmem>>, vector<1x1x16xf32>,
      %swap3A_132 = vector.shape_cast %swap3A_131 : vector<1x1x16xf32> to vector<16xf32>
      %swap3A_133 = vector.shape_cast %broadcast_in_dim3A_126 : vector<16xf32> to vector<1x1x16xf32>
      tpu.vector_store %arg9[%swap3A_128, %swap3A_129, %swap3A_130], %swap3A_133 {strides = array<i32>} : memref<2x128x128xf32, #tpu.memory_space<vmem>>, vector<1x1x16xf32>,
      %broadcast_in_dim3A_134 = arith.constant 0.000000e+00 : f32
      %broadcast_in_dim3A_135 = vector.broadcast %broadcast_in_dim3A_134 : f32 to vector<16xf32>
      %swap3A_136 = arith.constant 0 : i32
      %swap3A_137 = arith.index_cast %swap3A_136 : i32 to index
      %swap3A_138 = arith.index_cast %scan3A_116 : i32 to index
      %swap3A_139 = arith.constant 32 : index
      %swap3A_140 = tpu.vector_load %arg9[%swap3A_137, %swap3A_138, %swap3A_139] {strides = array<i32>} : memref<2x128x128xf32, #tpu.memory_space<vmem>>, vector<1x1x16xf32>,
      %swap3A_141 = vector.shape_cast %swap3A_140 : vector<1x1x16xf32> to vector<16xf32>
      %swap3A_142 = vector.shape_cast %broadcast_in_dim3A_135 : vector<16xf32> to vector<1x1x16xf32>
      tpu.vector_store %arg9[%swap3A_137, %swap3A_138, %swap3A_139], %swap3A_142 {strides = array<i32>} : memref<2x128x128xf32, #tpu.memory_space<vmem>>, vector<1x1x16xf32>,
      %broadcast_in_dim3A_143 = arith.constant 0.000000e+00 : f32
      %broadcast_in_dim3A_144 = vector.broadcast %broadcast_in_dim3A_143 : f32 to vector<16xf32>
      %swap3A_145 = arith.constant 0 : i32
      %swap3A_146 = arith.index_cast %swap3A_145 : i32 to index
      %swap3A_147 = arith.index_cast %scan3A_116 : i32 to index
      %swap3A_148 = arith.constant 48 : index
      %swap3A_149 = tpu.vector_load %arg9[%swap3A_146, %swap3A_147, %swap3A_148] {strides = array<i32>} : memref<2x128x128xf32, #tpu.memory_space<vmem>>, vector<1x1x16xf32>,
      %swap3A_150 = vector.shape_cast %swap3A_149 : vector<1x1x16xf32> to vector<16xf32>
      %swap3A_151 = vector.shape_cast %broadcast_in_dim3A_144 : vector<16xf32> to vector<1x1x16xf32>
      tpu.vector_store %arg9[%swap3A_146, %swap3A_147, %swap3A_148], %swap3A_151 {strides = array<i32>} : memref<2x128x128xf32, #tpu.memory_space<vmem>>, vector<1x1x16xf32>,
      %broadcast_in_dim3A_152 = arith.constant 0.000000e+00 : f32
      %broadcast_in_dim3A_153 = vector.broadcast %broadcast_in_dim3A_152 : f32 to vector<16xf32>
      %swap3A_154 = arith.constant 0 : i32
      %swap3A_155 = arith.index_cast %swap3A_154 : i32 to index
      %swap3A_156 = arith.index_cast %scan3A_116 : i32 to index
      %swap3A_157 = arith.constant 64 : index
      %swap3A_158 = tpu.vector_load %arg9[%swap3A_155, %swap3A_156, %swap3A_157] {strides = array<i32>} : memref<2x128x128xf32, #tpu.memory_space<vmem>>, vector<1x1x16xf32>,
      %swap3A_159 = vector.shape_cast %swap3A_158 : vector<1x1x16xf32> to vector<16xf32>
      %swap3A_160 = vector.shape_cast %broadcast_in_dim3A_153 : vector<16xf32> to vector<1x1x16xf32>
      tpu.vector_store %arg9[%swap3A_155, %swap3A_156, %swap3A_157], %swap3A_160 {strides = array<i32>} : memref<2x128x128xf32, #tpu.memory_space<vmem>>, vector<1x1x16xf32>,
      %broadcast_in_dim3A_161 = arith.constant 0.000000e+00 : f32
      %broadcast_in_dim3A_162 = vector.broadcast %broadcast_in_dim3A_161 : f32 to vector<16xf32>
      %swap3A_163 = arith.constant 0 : i32
      %swap3A_164 = arith.index_cast %swap3A_163 : i32 to index
      %swap3A_165 = arith.index_cast %scan3A_116 : i32 to index
      %swap3A_166 = arith.constant 80 : index
      %swap3A_167 = tpu.vector_load %arg9[%swap3A_164, %swap3A_165, %swap3A_166] {strides = array<i32>} : memref<2x128x128xf32, #tpu.memory_space<vmem>>, vector<1x1x16xf32>,
      %swap3A_168 = vector.shape_cast %swap3A_167 : vector<1x1x16xf32> to vector<16xf32>
      %swap3A_169 = vector.shape_cast %broadcast_in_dim3A_162 : vector<16xf32> to vector<1x1x16xf32>
      tpu.vector_store %arg9[%swap3A_164, %swap3A_165, %swap3A_166], %swap3A_169 {strides = array<i32>} : memref<2x128x128xf32, #tpu.memory_space<vmem>>, vector<1x1x16xf32>,
      %broadcast_in_dim3A_170 = arith.constant 0.000000e+00 : f32
      %broadcast_in_dim3A_171 = vector.broadcast %broadcast_in_dim3A_170 : f32 to vector<16xf32>
      %swap3A_172 = arith.constant 0 : i32
      %swap3A_173 = arith.index_cast %swap3A_172 : i32 to index
      %swap3A_174 = arith.index_cast %scan3A_116 : i32 to index
      %swap3A_175 = arith.constant 96 : index
      %swap3A_176 = tpu.vector_load %arg9[%swap3A_173, %swap3A_174, %swap3A_175] {strides = array<i32>} : memref<2x128x128xf32, #tpu.memory_space<vmem>>, vector<1x1x16xf32>,
      %swap3A_177 = vector.shape_cast %swap3A_176 : vector<1x1x16xf32> to vector<16xf32>
      %swap3A_178 = vector.shape_cast %broadcast_in_dim3A_171 : vector<16xf32> to vector<1x1x16xf32>
      tpu.vector_store %arg9[%swap3A_173, %swap3A_174, %swap3A_175], %swap3A_178 {strides = array<i32>} : memref<2x128x128xf32, #tpu.memory_space<vmem>>, vector<1x1x16xf32>,
      %broadcast_in_dim3A_179 = arith.constant 0.000000e+00 : f32
      %broadcast_in_dim3A_180 = vector.broadcast %broadcast_in_dim3A_179 : f32 to vector<16xf32>
      %swap3A_181 = arith.constant 0 : i32
      %swap3A_182 = arith.index_cast %swap3A_181 : i32 to index
      %swap3A_183 = arith.index_cast %scan3A_116 : i32 to index
      %swap3A_184 = arith.constant 112 : index
      %swap3A_185 = tpu.vector_load %arg9[%swap3A_182, %swap3A_183, %swap3A_184] {strides = array<i32>} : memref<2x128x128xf32, #tpu.memory_space<vmem>>, vector<1x1x16xf32>,
      %swap3A_186 = vector.shape_cast %swap3A_185 : vector<1x1x16xf32> to vector<16xf32>
      %swap3A_187 = vector.shape_cast %broadcast_in_dim3A_180 : vector<16xf32> to vector<1x1x16xf32>
      tpu.vector_store %arg9[%swap3A_182, %swap3A_183, %swap3A_184], %swap3A_187 {strides = array<i32>} : memref<2x128x128xf32, #tpu.memory_space<vmem>>, vector<1x1x16xf32>,
      %scan3A_188 = arith.constant 0 : i32
      scf.yield %scan3A_188 : i32
    }
    %scan3A_65 = arith.constant 128 : i32
    %mul3A_66 = arith.constant 320 : i32
    %mul3A_67 = arith.muli %arg1, %mul3A_66 : i32
    %run_scoped3A_68 = arith.constant 0 : i32
    "tpu.region"() ({
      %run_scoped3A_116 = tpu.sem_alloc : memref<!tpu.dma_semaphore, #tpu.memory_space<semaphore_mem>>
      %dma_start3A = arith.constant 0 : i32
      %dma_start3A_117 = arith.constant 0 : i32
      %dma_start3A_118 = tpu.memref_slice %arg9[%run_scoped3A_68, %dma_start3A, %dma_start3A_117] : memref<2x128x128xf32, #tpu.memory_space<vmem>> -> memref<1x128x128xf32, #tpu.memory_space<vmem>>
      %dma_start3A_119 = tpu.memref_squeeze %dma_start3A_118 : memref<1x128x128xf32, #tpu.memory_space<vmem>> -> memref<128x128xf32, #tpu.memory_space<vmem>>
      %dma_start3A_120 = arith.constant 0 : i32
      %dma_start3A_121 = tpu.memref_slice %arg10[%mul3A_67, %dma_start3A_120] : memref<5128x128xf32, #tpu.memory_space<vmem_shared>> -> memref<128x128xf32, #tpu.memory_space<vmem_shared>>
      %dma_start3A_122 = arith.constant 0 : i32
      %dma_start3A_123 = tpu.memref_slice %arg10[%mul3A_67, %dma_start3A_122] : memref<5128x128xf32, #tpu.memory_space<vmem_shared>> -> memref<128x128xf32, #tpu.memory_space<vmem_shared>>
      %dma_start3A_124 = arith.constant 0 : i32
      %dma_start3A_125 = arith.constant 0 : i32
      %dma_start3A_126 = tpu.memref_slice %arg9[%run_scoped3A_68, %dma_start3A_124, %dma_start3A_125] : memref<2x128x128xf32, #tpu.memory_space<vmem>> -> memref<1x128x128xf32, #tpu.memory_space<vmem>>
      %dma_start3A_127 = tpu.memref_squeeze %dma_start3A_126 : memref<1x128x128xf32, #tpu.memory_space<vmem>> -> memref<128x128xf32, #tpu.memory_space<vmem>>
      tpu.enqueue_dma source(%dma_start3A_127 : memref<128x128xf32, #tpu.memory_space<vmem>>) target(%dma_start3A_123 : memref<128x128xf32, #tpu.memory_space<vmem_shared>>) target_semaphore(%run_scoped3A_116 : memref<!tpu.dma_semaphore, #tpu.memory_space<semaphore_mem>>)
      %dma_wait3A = arith.constant 0 : i32
      %dma_wait3A_128 = arith.constant 0 : i32
      %dma_wait3A_129 = tpu.memref_slice %arg9[%run_scoped3A_68, %dma_wait3A, %dma_wait3A_128] : memref<2x128x128xf32, #tpu.memory_space<vmem>> -> memref<1x128x128xf32, #tpu.memory_space<vmem>>
      %dma_wait3A_130 = tpu.memref_squeeze %dma_wait3A_129 : memref<1x128x128xf32, #tpu.memory_space<vmem>> -> memref<128x128xf32, #tpu.memory_space<vmem>>
      %dma_wait3A_131 = arith.constant 0 : i32
      %dma_wait3A_132 = tpu.memref_slice %arg10[%mul3A_67, %dma_wait3A_131] : memref<5128x128xf32, #tpu.memory_space<vmem_shared>> -> memref<128x128xf32, #tpu.memory_space<vmem_shared>>
      %dma_wait3A_133 = arith.constant 0 : i32
      %dma_wait3A_134 = tpu.memref_slice %arg10[%mul3A_67, %dma_wait3A_133] : memref<5128x128xf32, #tpu.memory_space<vmem_shared>> -> memref<128x128xf32, #tpu.memory_space<vmem_shared>>
      %dma_wait3A_135 = arith.constant 0 : i32
      %dma_wait3A_136 = arith.constant 0 : i32
      %dma_wait3A_137 = tpu.memref_slice %arg9[%run_scoped3A_68, %dma_wait3A_135, %dma_wait3A_136] : memref<2x128x128xf32, #tpu.memory_space<vmem>> -> memref<1x128x128xf32, #tpu.memory_space<vmem>>
      %dma_wait3A_138 = tpu.memref_squeeze %dma_wait3A_137 : memref<1x128x128xf32, #tpu.memory_space<vmem>> -> memref<128x128xf32, #tpu.memory_space<vmem>>
      tpu.wait_dma2 semaphore(%run_scoped3A_116 : memref<!tpu.dma_semaphore, #tpu.memory_space<semaphore_mem>>) src(%dma_wait3A_138 : memref<128x128xf32, #tpu.memory_space<vmem>>) dst(%dma_wait3A_134 : memref<128x128xf32, #tpu.memory_space<vmem_shared>>)
      tpu.yield
    }) : () -> ()
    %mul3A_69 = arith.constant 320 : i32
    %mul3A_70 = arith.muli %arg1, %mul3A_69 : i32
    %add3A_71 = arith.constant 128 : i32
    %add3A_72 = arith.addi %mul3A_70, %add3A_71 : i32
    %run_scoped3A_73 = arith.constant 0 : i32
    "tpu.region"() ({
      %run_scoped3A_116 = tpu.sem_alloc : memref<!tpu.dma_semaphore, #tpu.memory_space<semaphore_mem>>
      %dma_start3A = arith.constant 0 : i32
      %dma_start3A_117 = arith.constant 0 : i32
      %dma_start3A_118 = tpu.memref_slice %arg9[%run_scoped3A_73, %dma_start3A, %dma_start3A_117] : memref<2x128x128xf32, #tpu.memory_space<vmem>> -> memref<1x128x128xf32, #tpu.memory_space<vmem>>
      %dma_start3A_119 = tpu.memref_squeeze %dma_start3A_118 : memref<1x128x128xf32, #tpu.memory_space<vmem>> -> memref<128x128xf32, #tpu.memory_space<vmem>>
      %dma_start3A_120 = arith.constant 0 : i32
      %dma_start3A_121 = tpu.memref_slice %arg10[%add3A_72, %dma_start3A_120] : memref<5128x128xf32, #tpu.memory_space<vmem_shared>> -> memref<128x128xf32, #tpu.memory_space<vmem_shared>>
      %dma_start3A_122 = arith.constant 0 : i32
      %dma_start3A_123 = tpu.memref_slice %arg10[%add3A_72, %dma_start3A_122] : memref<5128x128xf32, #tpu.memory_space<vmem_shared>> -> memref<128x128xf32, #tpu.memory_space<vmem_shared>>
      %dma_start3A_124 = arith.constant 0 : i32
      %dma_start3A_125 = arith.constant 0 : i32
      %dma_start3A_126 = tpu.memref_slice %arg9[%run_scoped3A_73, %dma_start3A_124, %dma_start3A_125] : memref<2x128x128xf32, #tpu.memory_space<vmem>> -> memref<1x128x128xf32, #tpu.memory_space<vmem>>
      %dma_start3A_127 = tpu.memref_squeeze %dma_start3A_126 : memref<1x128x128xf32, #tpu.memory_space<vmem>> -> memref<128x128xf32, #tpu.memory_space<vmem>>
      tpu.enqueue_dma source(%dma_start3A_127 : memref<128x128xf32, #tpu.memory_space<vmem>>) target(%dma_start3A_123 : memref<128x128xf32, #tpu.memory_space<vmem_shared>>) target_semaphore(%run_scoped3A_116 : memref<!tpu.dma_semaphore, #tpu.memory_space<semaphore_mem>>)
      %dma_wait3A = arith.constant 0 : i32
      %dma_wait3A_128 = arith.constant 0 : i32
      %dma_wait3A_129 = tpu.memref_slice %arg9[%run_scoped3A_73, %dma_wait3A, %dma_wait3A_128] : memref<2x128x128xf32, #tpu.memory_space<vmem>> -> memref<1x128x128xf32, #tpu.memory_space<vmem>>
      %dma_wait3A_130 = tpu.memref_squeeze %dma_wait3A_129 : memref<1x128x128xf32, #tpu.memory_space<vmem>> -> memref<128x128xf32, #tpu.memory_space<vmem>>
      %dma_wait3A_131 = arith.constant 0 : i32
      %dma_wait3A_132 = tpu.memref_slice %arg10[%add3A_72, %dma_wait3A_131] : memref<5128x128xf32, #tpu.memory_space<vmem_shared>> -> memref<128x128xf32, #tpu.memory_space<vmem_shared>>
      %dma_wait3A_133 = arith.constant 0 : i32
      %dma_wait3A_134 = tpu.memref_slice %arg10[%add3A_72, %dma_wait3A_133] : memref<5128x128xf32, #tpu.memory_space<vmem_shared>> -> memref<128x128xf32, #tpu.memory_space<vmem_shared>>
      %dma_wait3A_135 = arith.constant 0 : i32
      %dma_wait3A_136 = arith.constant 0 : i32
      %dma_wait3A_137 = tpu.memref_slice %arg9[%run_scoped3A_73, %dma_wait3A_135, %dma_wait3A_136] : memref<2x128x128xf32, #tpu.memory_space<vmem>> -> memref<1x128x128xf32, #tpu.memory_space<vmem>>
      %dma_wait3A_138 = tpu.memref_squeeze %dma_wait3A_137 : memref<1x128x128xf32, #tpu.memory_space<vmem>> -> memref<128x128xf32, #tpu.memory_space<vmem>>
      tpu.wait_dma2 semaphore(%run_scoped3A_116 : memref<!tpu.dma_semaphore, #tpu.memory_space<semaphore_mem>>) src(%dma_wait3A_138 : memref<128x128xf32, #tpu.memory_space<vmem>>) dst(%dma_wait3A_134 : memref<128x128xf32, #tpu.memory_space<vmem_shared>>)
      tpu.yield
    }) : () -> ()
    %mul3A_74 = arith.constant 320 : i32
    %mul3A_75 = arith.muli %arg1, %mul3A_74 : i32
    %add3A_76 = arith.constant 256 : i32
    %add3A_77 = arith.addi %mul3A_75, %add3A_76 : i32
    %run_scoped3A_78 = arith.constant 0 : i32
    "tpu.region"() ({
      %run_scoped3A_116 = tpu.sem_alloc : memref<!tpu.dma_semaphore, #tpu.memory_space<semaphore_mem>>
      %dma_start3A = arith.constant 0 : i32
      %dma_start3A_117 = arith.constant 0 : i32
      %dma_start3A_118 = tpu.memref_slice %arg9[%run_scoped3A_78, %dma_start3A, %dma_start3A_117] : memref<2x128x128xf32, #tpu.memory_space<vmem>> -> memref<1x64x128xf32, #tpu.memory_space<vmem>>
      %dma_start3A_119 = tpu.memref_squeeze %dma_start3A_118 : memref<1x64x128xf32, #tpu.memory_space<vmem>> -> memref<64x128xf32, #tpu.memory_space<vmem>>
      %dma_start3A_120 = arith.constant 0 : i32
      %dma_start3A_121 = tpu.memref_slice %arg10[%add3A_77, %dma_start3A_120] : memref<5128x128xf32, #tpu.memory_space<vmem_shared>> -> memref<64x128xf32, #tpu.memory_space<vmem_shared>>
      %dma_start3A_122 = arith.constant 0 : i32
      %dma_start3A_123 = tpu.memref_slice %arg10[%add3A_77, %dma_start3A_122] : memref<5128x128xf32, #tpu.memory_space<vmem_shared>> -> memref<64x128xf32, #tpu.memory_space<vmem_shared>>
      %dma_start3A_124 = arith.constant 0 : i32
      %dma_start3A_125 = arith.constant 0 : i32
      %dma_start3A_126 = tpu.memref_slice %arg9[%run_scoped3A_78, %dma_start3A_124, %dma_start3A_125] : memref<2x128x128xf32, #tpu.memory_space<vmem>> -> memref<1x64x128xf32, #tpu.memory_space<vmem>>
      %dma_start3A_127 = tpu.memref_squeeze %dma_start3A_126 : memref<1x64x128xf32, #tpu.memory_space<vmem>> -> memref<64x128xf32, #tpu.memory_space<vmem>>
      tpu.enqueue_dma source(%dma_start3A_127 : memref<64x128xf32, #tpu.memory_space<vmem>>) target(%dma_start3A_123 : memref<64x128xf32, #tpu.memory_space<vmem_shared>>) target_semaphore(%run_scoped3A_116 : memref<!tpu.dma_semaphore, #tpu.memory_space<semaphore_mem>>)
      %dma_wait3A = arith.constant 0 : i32
      %dma_wait3A_128 = arith.constant 0 : i32
      %dma_wait3A_129 = tpu.memref_slice %arg9[%run_scoped3A_78, %dma_wait3A, %dma_wait3A_128] : memref<2x128x128xf32, #tpu.memory_space<vmem>> -> memref<1x64x128xf32, #tpu.memory_space<vmem>>
      %dma_wait3A_130 = tpu.memref_squeeze %dma_wait3A_129 : memref<1x64x128xf32, #tpu.memory_space<vmem>> -> memref<64x128xf32, #tpu.memory_space<vmem>>
      %dma_wait3A_131 = arith.constant 0 : i32
      %dma_wait3A_132 = tpu.memref_slice %arg10[%add3A_77, %dma_wait3A_131] : memref<5128x128xf32, #tpu.memory_space<vmem_shared>> -> memref<64x128xf32, #tpu.memory_space<vmem_shared>>
      %dma_wait3A_133 = arith.constant 0 : i32
      %dma_wait3A_134 = tpu.memref_slice %arg10[%add3A_77, %dma_wait3A_133] : memref<5128x128xf32, #tpu.memory_space<vmem_shared>> -> memref<64x128xf32, #tpu.memory_space<vmem_shared>>
      %dma_wait3A_135 = arith.constant 0 : i32
      %dma_wait3A_136 = arith.constant 0 : i32
      %dma_wait3A_137 = tpu.memref_slice %arg9[%run_scoped3A_78, %dma_wait3A_135, %dma_wait3A_136] : memref<2x128x128xf32, #tpu.memory_space<vmem>> -> memref<1x64x128xf32, #tpu.memory_space<vmem>>
      %dma_wait3A_138 = tpu.memref_squeeze %dma_wait3A_137 : memref<1x64x128xf32, #tpu.memory_space<vmem>> -> memref<64x128xf32, #tpu.memory_space<vmem>>
      tpu.wait_dma2 semaphore(%run_scoped3A_116 : memref<!tpu.dma_semaphore, #tpu.memory_space<semaphore_mem>>) src(%dma_wait3A_138 : memref<64x128xf32, #tpu.memory_space<vmem>>) dst(%dma_wait3A_134 : memref<64x128xf32, #tpu.memory_space<vmem_shared>>)
      tpu.yield
    }) : () -> ()
    %barrier3A_79 = arith.constant 0 : index
    tpu.barrier barrier_id(%barrier3A_79)
    %lt3A_80 = arith.constant 0 : i32
    %lt3A_81 = arith.cmpi slt, %lt3A_80, %squeeze3A_9 : i32
    %convert_element_type3A_82 = arith.extui %lt3A_81 : i1 to i32
    %cond3A_83 = arith.constant 0 : i32
    %cond3A_84 = arith.constant 0 : i32
    %cond3A_85 = arith.cmpi ne, %convert_element_type3A_82, %cond3A_84 : i32
    scf.if %cond3A_85 {
      %dma_start3A = arith.constant 1 : i32
      %dma_start3A_116 = arith.constant 0 : i32
      %dma_start3A_117 = arith.constant 0 : i32
      %dma_start3A_118 = arith.constant 0 : i32
      %dma_start3A_119 = tpu.memref_slice %arg9[%dma_start3A_116, %dma_start3A_117, %dma_start3A_118] : memref<2x128x128xf32, #tpu.memory_space<vmem>> -> memref<1x128x128xf32, #tpu.memory_space<vmem>>
      %dma_start3A_120 = tpu.memref_squeeze %dma_start3A_119 : memref<1x128x128xf32, #tpu.memory_space<vmem>> -> memref<128x128xf32, #tpu.memory_space<vmem>>
      %dma_start3A_121 = arith.constant 0 : i32
      %dma_start3A_122 = tpu.memref_slice %arg7[%dma_start3A, %cond3A_83, %dma_start3A_121] : memref<2x80x128xi32, #tpu.memory_space<vmem>> -> memref<1x1x128xi32, #tpu.memory_space<vmem>>
      %dma_start3A_123 = tpu.memref_squeeze %dma_start3A_122 : memref<1x1x128xi32, #tpu.memory_space<vmem>> -> memref<128xi32, #tpu.memory_space<vmem>>
      %dma_start3A_124 = arith.constant 0 : i32
      %dma_start3A_125 = arith.constant 0 : i32
      %dma_start3A_126 = tpu.memref_slice %arg2[%dma_start3A_124, %dma_start3A_125] : memref<10240x128xf32, #tpu.memory_space<hbm>> -> memref<10240x128xf32, #tpu.memory_space<hbm>>
      tpu.enqueue_indirect_dma source(%dma_start3A_126 : memref<10240x128xf32, #tpu.memory_space<hbm>>) target(%dma_start3A_120 : memref<128x128xf32, #tpu.memory_space<vmem>>) offsets(%dma_start3A_123 : memref<128xi32, #tpu.memory_space<vmem>>) semaphore(%arg12 : memref<!tpu.dma_semaphore, #tpu.memory_space<semaphore_mem>>)
    } else {
    }
    %add3A_86 = arith.constant 0 : i32
    %add3A_87 = arith.constant 1 : i32
    %add3A_88 = arith.addi %add3A_86, %add3A_87 : i32
    %lt3A_89 = arith.cmpi slt, %add3A_88, %squeeze3A_9 : i32
    %convert_element_type3A_90 = arith.extui %lt3A_89 : i1 to i32
    %cond3A_91 = arith.constant 0 : i32
    %cond3A_92 = arith.constant 0 : i32
    %cond3A_93 = arith.cmpi ne, %convert_element_type3A_90, %cond3A_92 : i32
    scf.if %cond3A_93 {
      %add3A_116 = arith.constant 1 : i32
      %add3A_117 = arith.addi %cond3A_91, %add3A_116 : i32
      %dma_start3A = arith.constant 1 : i32
      %dma_start3A_118 = arith.constant 1 : i32
      %dma_start3A_119 = arith.constant 0 : i32
      %dma_start3A_120 = arith.constant 0 : i32
      %dma_start3A_121 = tpu.memref_slice %arg9[%dma_start3A_118, %dma_start3A_119, %dma_start3A_120] : memref<2x128x128xf32, #tpu.memory_space<vmem>> -> memref<1x128x128xf32, #tpu.memory_space<vmem>>
      %dma_start3A_122 = tpu.memref_squeeze %dma_start3A_121 : memref<1x128x128xf32, #tpu.memory_space<vmem>> -> memref<128x128xf32, #tpu.memory_space<vmem>>
      %dma_start3A_123 = arith.constant 0 : i32
      %dma_start3A_124 = tpu.memref_slice %arg7[%dma_start3A, %add3A_117, %dma_start3A_123] : memref<2x80x128xi32, #tpu.memory_space<vmem>> -> memref<1x1x128xi32, #tpu.memory_space<vmem>>
      %dma_start3A_125 = tpu.memref_squeeze %dma_start3A_124 : memref<1x1x128xi32, #tpu.memory_space<vmem>> -> memref<128xi32, #tpu.memory_space<vmem>>
      %dma_start3A_126 = arith.constant 0 : i32
      %dma_start3A_127 = arith.constant 0 : i32
      %dma_start3A_128 = tpu.memref_slice %arg2[%dma_start3A_126, %dma_start3A_127] : memref<10240x128xf32, #tpu.memory_space<hbm>> -> memref<10240x128xf32, #tpu.memory_space<hbm>>
      tpu.enqueue_indirect_dma source(%dma_start3A_128 : memref<10240x128xf32, #tpu.memory_space<hbm>>) target(%dma_start3A_122 : memref<128x128xf32, #tpu.memory_space<vmem>>) offsets(%dma_start3A_125 : memref<128xi32, #tpu.memory_space<vmem>>) semaphore(%arg13 : memref<!tpu.dma_semaphore, #tpu.memory_space<semaphore_mem>>)
    } else {
    }
    %sub3A_94 = arith.constant 0 : i32
    %sub3A_95 = arith.subi %squeeze3A_9, %sub3A_94 : i32
    %while3A_96 = arith.constant 0 : i32
    %while3A_97 = arith.constant 0 : i32
    %while3A_98 = arith.constant 0 : i32
    %while3A_99 = arith.subi %sub3A_95, %while3A_97 : i32
    %while3A_100 = arith.addi %while3A_97, %while3A_99 : i32
    %while3A_101 = arith.constant 1 : i32
    %while3A_102 = arith.divsi %while3A_99, %while3A_101 : i32
    %while3A_103 = arith.muli %while3A_102, %while3A_101 : i32
    %while3A_104 = arith.addi %while3A_97, %while3A_103 : i32
    %while3A_105 = arith.constant 1 : i32
    %while3A_106 = scf.for %while3A_116 = %while3A_97 to %while3A_104 step %while3A_105 iter_args(%while3A_117 = %while3A_98) -> (i32)  : i32 {
      %add3A_118 = arith.addi %while3A_96, %while3A_116 : i32
      %jit3A = arith.constant 2 : i32
      %eq3A = arith.constant 0 : i32
      %eq3A_119 = arith.cmpi eq, %jit3A, %eq3A : i32
      %jit3A_120 = arith.constant 1 : i32
      %select_n3A = arith.select %eq3A_119, %jit3A_120, %jit3A : i32
      %rem3A = arith.remsi %while3A_116, %select_n3A : i32
      %ne3A = arith.constant 0 : i32
      %ne3A_121 = arith.cmpi ne, %rem3A, %ne3A : i32
      %lt3A_122 = arith.constant 0 : i32
      %lt3A_123 = arith.cmpi slt, %rem3A, %lt3A_122 : i32
      %lt3A_124 = arith.constant 0 : i32
      %lt3A_125 = arith.cmpi slt, %select_n3A, %lt3A_124 : i32
      %ne3A_126 = arith.xori %lt3A_123, %lt3A_125 : i1
      %and3A = arith.andi %ne3A_126, %ne3A_121 : i1
      %add3A_127 = arith.addi %rem3A, %select_n3A : i32
      %select_n3A_128 = arith.select %and3A, %add3A_127, %rem3A : i32
      %eq3A_129 = arith.constant 0 : i32
      %eq3A_130 = arith.cmpi eq, %select_n3A_128, %eq3A_129 : i32
      %convert_element_type3A_131 = arith.extui %eq3A_130 : i1 to i32
      %cond3A_132 = arith.constant 0 : i32
      %cond3A_133 = arith.cmpi ne, %convert_element_type3A_131, %cond3A_132 : i32
      scf.if %cond3A_133 {
        %dma_wait3A = arith.constant 1 : i32
        %dma_wait3A_156 = arith.constant 0 : i32
        %dma_wait3A_157 = arith.constant 0 : i32
        %dma_wait3A_158 = arith.constant 0 : i32
        %dma_wait3A_159 = tpu.memref_slice %arg9[%dma_wait3A_156, %dma_wait3A_157, %dma_wait3A_158] : memref<2x128x128xf32, #tpu.memory_space<vmem>> -> memref<1x128x128xf32, #tpu.memory_space<vmem>>
        %dma_wait3A_160 = tpu.memref_squeeze %dma_wait3A_159 : memref<1x128x128xf32, #tpu.memory_space<vmem>> -> memref<128x128xf32, #tpu.memory_space<vmem>>
        %dma_wait3A_161 = arith.constant 0 : i32
        %dma_wait3A_162 = tpu.memref_slice %arg7[%dma_wait3A, %add3A_118, %dma_wait3A_161] : memref<2x80x128xi32, #tpu.memory_space<vmem>> -> memref<1x1x128xi32, #tpu.memory_space<vmem>>
        %dma_wait3A_163 = tpu.memref_squeeze %dma_wait3A_162 : memref<1x1x128xi32, #tpu.memory_space<vmem>> -> memref<128xi32, #tpu.memory_space<vmem>>
        %dma_wait3A_164 = arith.constant 0 : i32
        %dma_wait3A_165 = arith.constant 0 : i32
        %dma_wait3A_166 = tpu.memref_slice %arg2[%dma_wait3A_164, %dma_wait3A_165] : memref<10240x128xf32, #tpu.memory_space<hbm>> -> memref<10240x128xf32, #tpu.memory_space<hbm>>
        tpu.wait_indirect_dma semaphore(%arg12 : memref<!tpu.dma_semaphore, #tpu.memory_space<semaphore_mem>>) src(%dma_wait3A_166 : memref<10240x128xf32, #tpu.memory_space<hbm>>) dst(%dma_wait3A_160 : memref<128x128xf32, #tpu.memory_space<vmem>>)
        %run_scoped3A_167 = arith.constant 0 : i32
        %run_scoped3A_168 = arith.constant 1 : i32
        "tpu.region"() ({
          %run_scoped3A_176 = tpu.sem_alloc : memref<!tpu.dma_semaphore, #tpu.memory_space<semaphore_mem>>
          %dma_start3A = arith.constant 0 : i32
          %dma_start3A_177 = arith.constant 0 : i32
          %dma_start3A_178 = tpu.memref_slice %arg9[%run_scoped3A_167, %dma_start3A, %dma_start3A_177] : memref<2x128x128xf32, #tpu.memory_space<vmem>> -> memref<1x128x128xf32, #tpu.memory_space<vmem>>
          %dma_start3A_179 = tpu.memref_squeeze %dma_start3A_178 : memref<1x128x128xf32, #tpu.memory_space<vmem>> -> memref<128x128xf32, #tpu.memory_space<vmem>>
          %dma_start3A_180 = arith.constant 0 : i32
          %dma_start3A_181 = tpu.memref_slice %arg8[%run_scoped3A_168, %add3A_118, %dma_start3A_180] : memref<2x80x128xi32, #tpu.memory_space<vmem>> -> memref<1x1x128xi32, #tpu.memory_space<vmem>>
          %dma_start3A_182 = tpu.memref_squeeze %dma_start3A_181 : memref<1x1x128xi32, #tpu.memory_space<vmem>> -> memref<128xi32, #tpu.memory_space<vmem>>
          %dma_start3A_183 = arith.constant 0 : i32
          %dma_start3A_184 = arith.constant 0 : i32
          %dma_start3A_185 = tpu.memref_slice %arg10[%dma_start3A_183, %dma_start3A_184] : memref<5128x128xf32, #tpu.memory_space<vmem_shared>> -> memref<5128x128xf32, #tpu.memory_space<vmem_shared>>
          tpu.enqueue_indirect_dma source(%dma_start3A_179 : memref<128x128xf32, #tpu.memory_space<vmem>>) target(%dma_start3A_185 : memref<5128x128xf32, #tpu.memory_space<vmem_shared>>) offsets(%dma_start3A_182 : memref<128xi32, #tpu.memory_space<vmem>>) semaphore(%run_scoped3A_176 : memref<!tpu.dma_semaphore, #tpu.memory_space<semaphore_mem>>) {add = true}
          %dma_wait3A_186 = arith.constant 0 : i32
          %dma_wait3A_187 = arith.constant 0 : i32
          %dma_wait3A_188 = tpu.memref_slice %arg9[%run_scoped3A_167, %dma_wait3A_186, %dma_wait3A_187] : memref<2x128x128xf32, #tpu.memory_space<vmem>> -> memref<1x128x128xf32, #tpu.memory_space<vmem>>
          %dma_wait3A_189 = tpu.memref_squeeze %dma_wait3A_188 : memref<1x128x128xf32, #tpu.memory_space<vmem>> -> memref<128x128xf32, #tpu.memory_space<vmem>>
          %dma_wait3A_190 = arith.constant 0 : i32
          %dma_wait3A_191 = tpu.memref_slice %arg8[%run_scoped3A_168, %add3A_118, %dma_wait3A_190] : memref<2x80x128xi32, #tpu.memory_space<vmem>> -> memref<1x1x128xi32, #tpu.memory_space<vmem>>
          %dma_wait3A_192 = tpu.memref_squeeze %dma_wait3A_191 : memref<1x1x128xi32, #tpu.memory_space<vmem>> -> memref<128xi32, #tpu.memory_space<vmem>>
          %dma_wait3A_193 = arith.constant 0 : i32
          %dma_wait3A_194 = arith.constant 0 : i32
          %dma_wait3A_195 = tpu.memref_slice %arg10[%dma_wait3A_193, %dma_wait3A_194] : memref<5128x128xf32, #tpu.memory_space<vmem_shared>> -> memref<5128x128xf32, #tpu.memory_space<vmem_shared>>
          tpu.wait_indirect_dma semaphore(%run_scoped3A_176 : memref<!tpu.dma_semaphore, #tpu.memory_space<semaphore_mem>>) src(%dma_wait3A_189 : memref<128x128xf32, #tpu.memory_space<vmem>>) dst(%dma_wait3A_195 : memref<5128x128xf32, #tpu.memory_space<vmem_shared>>)
          tpu.yield
        }) : () -> ()
        %add3A_169 = arith.constant 2 : i32
        %add3A_170 = arith.addi %add3A_118, %add3A_169 : i32
        %lt3A_171 = arith.cmpi slt, %add3A_170, %squeeze3A_9 : i32
        %convert_element_type3A_172 = arith.extui %lt3A_171 : i1 to i32
        %cond3A_173 = arith.constant 0 : i32
        %cond3A_174 = arith.constant 0 : i32
        %cond3A_175 = arith.cmpi ne, %convert_element_type3A_172, %cond3A_174 : i32
        scf.if %cond3A_175 {
          %add3A_176 = arith.constant 2 : i32
          %add3A_177 = arith.addi %add3A_118, %add3A_176 : i32
          %dma_start3A = arith.constant 1 : i32
          %dma_start3A_178 = arith.constant 0 : i32
          %dma_start3A_179 = arith.constant 0 : i32
          %dma_start3A_180 = tpu.memref_slice %arg9[%cond3A_173, %dma_start3A_178, %dma_start3A_179] : memref<2x128x128xf32, #tpu.memory_space<vmem>> -> memref<1x128x128xf32, #tpu.memory_space<vmem>>
          %dma_start3A_181 = tpu.memref_squeeze %dma_start3A_180 : memref<1x128x128xf32, #tpu.memory_space<vmem>> -> memref<128x128xf32, #tpu.memory_space<vmem>>
          %dma_start3A_182 = arith.constant 0 : i32
          %dma_start3A_183 = tpu.memref_slice %arg7[%dma_start3A, %add3A_177, %dma_start3A_182] : memref<2x80x128xi32, #tpu.memory_space<vmem>> -> memref<1x1x128xi32, #tpu.memory_space<vmem>>
          %dma_start3A_184 = tpu.memref_squeeze %dma_start3A_183 : memref<1x1x128xi32, #tpu.memory_space<vmem>> -> memref<128xi32, #tpu.memory_space<vmem>>
          %dma_start3A_185 = arith.constant 0 : i32
          %dma_start3A_186 = arith.constant 0 : i32
          %dma_start3A_187 = tpu.memref_slice %arg2[%dma_start3A_185, %dma_start3A_186] : memref<10240x128xf32, #tpu.memory_space<hbm>> -> memref<10240x128xf32, #tpu.memory_space<hbm>>
          tpu.enqueue_indirect_dma source(%dma_start3A_187 : memref<10240x128xf32, #tpu.memory_space<hbm>>) target(%dma_start3A_181 : memref<128x128xf32, #tpu.memory_space<vmem>>) offsets(%dma_start3A_184 : memref<128xi32, #tpu.memory_space<vmem>>) semaphore(%arg12 : memref<!tpu.dma_semaphore, #tpu.memory_space<semaphore_mem>>)
        } else {
        }
      } else {
      }
      %jit3A_134 = arith.constant 2 : i32
      %eq3A_135 = arith.constant 0 : i32
      %eq3A_136 = arith.cmpi eq, %jit3A_134, %eq3A_135 : i32
      %jit3A_137 = arith.constant 1 : i32
      %select_n3A_138 = arith.select %eq3A_136, %jit3A_137, %jit3A_134 : i32
      %rem3A_139 = arith.remsi %while3A_116, %select_n3A_138 : i32
      %ne3A_140 = arith.constant 0 : i32
      %ne3A_141 = arith.cmpi ne, %rem3A_139, %ne3A_140 : i32
      %lt3A_142 = arith.constant 0 : i32
      %lt3A_143 = arith.cmpi slt, %rem3A_139, %lt3A_142 : i32
      %lt3A_144 = arith.constant 0 : i32
      %lt3A_145 = arith.cmpi slt, %select_n3A_138, %lt3A_144 : i32
      %ne3A_146 = arith.xori %lt3A_143, %lt3A_145 : i1
      %and3A_147 = arith.andi %ne3A_146, %ne3A_141 : i1
      %add3A_148 = arith.addi %rem3A_139, %select_n3A_138 : i32
      %select_n3A_149 = arith.select %and3A_147, %add3A_148, %rem3A_139 : i32
      %eq3A_150 = arith.constant 1 : i32
      %eq3A_151 = arith.cmpi eq, %select_n3A_149, %eq3A_150 : i32
      %convert_element_type3A_152 = arith.extui %eq3A_151 : i1 to i32
      %cond3A_153 = arith.constant 0 : i32
      %cond3A_154 = arith.cmpi ne, %convert_element_type3A_152, %cond3A_153 : i32
      scf.if %cond3A_154 {
        %dma_wait3A = arith.constant 1 : i32
        %dma_wait3A_156 = arith.constant 1 : i32
        %dma_wait3A_157 = arith.constant 0 : i32
        %dma_wait3A_158 = arith.constant 0 : i32
        %dma_wait3A_159 = tpu.memref_slice %arg9[%dma_wait3A_156, %dma_wait3A_157, %dma_wait3A_158] : memref<2x128x128xf32, #tpu.memory_space<vmem>> -> memref<1x128x128xf32, #tpu.memory_space<vmem>>
        %dma_wait3A_160 = tpu.memref_squeeze %dma_wait3A_159 : memref<1x128x128xf32, #tpu.memory_space<vmem>> -> memref<128x128xf32, #tpu.memory_space<vmem>>
        %dma_wait3A_161 = arith.constant 0 : i32
        %dma_wait3A_162 = tpu.memref_slice %arg7[%dma_wait3A, %add3A_118, %dma_wait3A_161] : memref<2x80x128xi32, #tpu.memory_space<vmem>> -> memref<1x1x128xi32, #tpu.memory_space<vmem>>
        %dma_wait3A_163 = tpu.memref_squeeze %dma_wait3A_162 : memref<1x1x128xi32, #tpu.memory_space<vmem>> -> memref<128xi32, #tpu.memory_space<vmem>>
        %dma_wait3A_164 = arith.constant 0 : i32
        %dma_wait3A_165 = arith.constant 0 : i32
        %dma_wait3A_166 = tpu.memref_slice %arg2[%dma_wait3A_164, %dma_wait3A_165] : memref<10240x128xf32, #tpu.memory_space<hbm>> -> memref<10240x128xf32, #tpu.memory_space<hbm>>
        tpu.wait_indirect_dma semaphore(%arg13 : memref<!tpu.dma_semaphore, #tpu.memory_space<semaphore_mem>>) src(%dma_wait3A_166 : memref<10240x128xf32, #tpu.memory_space<hbm>>) dst(%dma_wait3A_160 : memref<128x128xf32, #tpu.memory_space<vmem>>)
        %run_scoped3A_167 = arith.constant 1 : i32
        %run_scoped3A_168 = arith.constant 1 : i32
        "tpu.region"() ({
          %run_scoped3A_176 = tpu.sem_alloc : memref<!tpu.dma_semaphore, #tpu.memory_space<semaphore_mem>>
          %dma_start3A = arith.constant 0 : i32
          %dma_start3A_177 = arith.constant 0 : i32
          %dma_start3A_178 = tpu.memref_slice %arg9[%run_scoped3A_167, %dma_start3A, %dma_start3A_177] : memref<2x128x128xf32, #tpu.memory_space<vmem>> -> memref<1x128x128xf32, #tpu.memory_space<vmem>>
          %dma_start3A_179 = tpu.memref_squeeze %dma_start3A_178 : memref<1x128x128xf32, #tpu.memory_space<vmem>> -> memref<128x128xf32, #tpu.memory_space<vmem>>
          %dma_start3A_180 = arith.constant 0 : i32
          %dma_start3A_181 = tpu.memref_slice %arg8[%run_scoped3A_168, %add3A_118, %dma_start3A_180] : memref<2x80x128xi32, #tpu.memory_space<vmem>> -> memref<1x1x128xi32, #tpu.memory_space<vmem>>
          %dma_start3A_182 = tpu.memref_squeeze %dma_start3A_181 : memref<1x1x128xi32, #tpu.memory_space<vmem>> -> memref<128xi32, #tpu.memory_space<vmem>>
          %dma_start3A_183 = arith.constant 0 : i32
          %dma_start3A_184 = arith.constant 0 : i32
          %dma_start3A_185 = tpu.memref_slice %arg10[%dma_start3A_183, %dma_start3A_184] : memref<5128x128xf32, #tpu.memory_space<vmem_shared>> -> memref<5128x128xf32, #tpu.memory_space<vmem_shared>>
          tpu.enqueue_indirect_dma source(%dma_start3A_179 : memref<128x128xf32, #tpu.memory_space<vmem>>) target(%dma_start3A_185 : memref<5128x128xf32, #tpu.memory_space<vmem_shared>>) offsets(%dma_start3A_182 : memref<128xi32, #tpu.memory_space<vmem>>) semaphore(%run_scoped3A_176 : memref<!tpu.dma_semaphore, #tpu.memory_space<semaphore_mem>>) {add = true}
          %dma_wait3A_186 = arith.constant 0 : i32
          %dma_wait3A_187 = arith.constant 0 : i32
          %dma_wait3A_188 = tpu.memref_slice %arg9[%run_scoped3A_167, %dma_wait3A_186, %dma_wait3A_187] : memref<2x128x128xf32, #tpu.memory_space<vmem>> -> memref<1x128x128xf32, #tpu.memory_space<vmem>>
          %dma_wait3A_189 = tpu.memref_squeeze %dma_wait3A_188 : memref<1x128x128xf32, #tpu.memory_space<vmem>> -> memref<128x128xf32, #tpu.memory_space<vmem>>
          %dma_wait3A_190 = arith.constant 0 : i32
          %dma_wait3A_191 = tpu.memref_slice %arg8[%run_scoped3A_168, %add3A_118, %dma_wait3A_190] : memref<2x80x128xi32, #tpu.memory_space<vmem>> -> memref<1x1x128xi32, #tpu.memory_space<vmem>>
          %dma_wait3A_192 = tpu.memref_squeeze %dma_wait3A_191 : memref<1x1x128xi32, #tpu.memory_space<vmem>> -> memref<128xi32, #tpu.memory_space<vmem>>
          %dma_wait3A_193 = arith.constant 0 : i32
          %dma_wait3A_194 = arith.constant 0 : i32
          %dma_wait3A_195 = tpu.memref_slice %arg10[%dma_wait3A_193, %dma_wait3A_194] : memref<5128x128xf32, #tpu.memory_space<vmem_shared>> -> memref<5128x128xf32, #tpu.memory_space<vmem_shared>>
          tpu.wait_indirect_dma semaphore(%run_scoped3A_176 : memref<!tpu.dma_semaphore, #tpu.memory_space<semaphore_mem>>) src(%dma_wait3A_189 : memref<128x128xf32, #tpu.memory_space<vmem>>) dst(%dma_wait3A_195 : memref<5128x128xf32, #tpu.memory_space<vmem_shared>>)
          tpu.yield
        }) : () -> ()
        %add3A_169 = arith.constant 2 : i32
        %add3A_170 = arith.addi %add3A_118, %add3A_169 : i32
        %lt3A_171 = arith.cmpi slt, %add3A_170, %squeeze3A_9 : i32
        %convert_element_type3A_172 = arith.extui %lt3A_171 : i1 to i32
        %cond3A_173 = arith.constant 1 : i32
        %cond3A_174 = arith.constant 0 : i32
        %cond3A_175 = arith.cmpi ne, %convert_element_type3A_172, %cond3A_174 : i32
        scf.if %cond3A_175 {
          %add3A_176 = arith.constant 2 : i32
          %add3A_177 = arith.addi %add3A_118, %add3A_176 : i32
          %dma_start3A = arith.constant 1 : i32
          %dma_start3A_178 = arith.constant 0 : i32
          %dma_start3A_179 = arith.constant 0 : i32
          %dma_start3A_180 = tpu.memref_slice %arg9[%cond3A_173, %dma_start3A_178, %dma_start3A_179] : memref<2x128x128xf32, #tpu.memory_space<vmem>> -> memref<1x128x128xf32, #tpu.memory_space<vmem>>
          %dma_start3A_181 = tpu.memref_squeeze %dma_start3A_180 : memref<1x128x128xf32, #tpu.memory_space<vmem>> -> memref<128x128xf32, #tpu.memory_space<vmem>>
          %dma_start3A_182 = arith.constant 0 : i32
          %dma_start3A_183 = tpu.memref_slice %arg7[%dma_start3A, %add3A_177, %dma_start3A_182] : memref<2x80x128xi32, #tpu.memory_space<vmem>> -> memref<1x1x128xi32, #tpu.memory_space<vmem>>
          %dma_start3A_184 = tpu.memref_squeeze %dma_start3A_183 : memref<1x1x128xi32, #tpu.memory_space<vmem>> -> memref<128xi32, #tpu.memory_space<vmem>>
          %dma_start3A_185 = arith.constant 0 : i32
          %dma_start3A_186 = arith.constant 0 : i32
          %dma_start3A_187 = tpu.memref_slice %arg2[%dma_start3A_185, %dma_start3A_186] : memref<10240x128xf32, #tpu.memory_space<hbm>> -> memref<10240x128xf32, #tpu.memory_space<hbm>>
          tpu.enqueue_indirect_dma source(%dma_start3A_187 : memref<10240x128xf32, #tpu.memory_space<hbm>>) target(%dma_start3A_181 : memref<128x128xf32, #tpu.memory_space<vmem>>) offsets(%dma_start3A_184 : memref<128xi32, #tpu.memory_space<vmem>>) semaphore(%arg13 : memref<!tpu.dma_semaphore, #tpu.memory_space<semaphore_mem>>)
        } else {
        }
      } else {
      }
      %while3A_155 = arith.constant 0 : i32
      scf.yield %while3A_155 : i32
    }
    %while3A_107 = arith.constant 1 : i32
    %while3A_108 = scf.for %while3A_116 = %while3A_104 to %while3A_100 step %while3A_107 iter_args(%while3A_117 = %while3A_106) -> (i32)  : i32 {
      %add3A_118 = arith.addi %while3A_96, %while3A_116 : i32
      %jit3A = arith.constant 2 : i32
      %eq3A = arith.constant 0 : i32
      %eq3A_119 = arith.cmpi eq, %jit3A, %eq3A : i32
      %jit3A_120 = arith.constant 1 : i32
      %select_n3A = arith.select %eq3A_119, %jit3A_120, %jit3A : i32
      %rem3A = arith.remsi %while3A_116, %select_n3A : i32
      %ne3A = arith.constant 0 : i32
      %ne3A_121 = arith.cmpi ne, %rem3A, %ne3A : i32
      %lt3A_122 = arith.constant 0 : i32
      %lt3A_123 = arith.cmpi slt, %rem3A, %lt3A_122 : i32
      %lt3A_124 = arith.constant 0 : i32
      %lt3A_125 = arith.cmpi slt, %select_n3A, %lt3A_124 : i32
      %ne3A_126 = arith.xori %lt3A_123, %lt3A_125 : i1
      %and3A = arith.andi %ne3A_126, %ne3A_121 : i1
      %add3A_127 = arith.addi %rem3A, %select_n3A : i32
      %select_n3A_128 = arith.select %and3A, %add3A_127, %rem3A : i32
      %eq3A_129 = arith.constant 0 : i32
      %eq3A_130 = arith.cmpi eq, %select_n3A_128, %eq3A_129 : i32
      %convert_element_type3A_131 = arith.extui %eq3A_130 : i1 to i32
      %cond3A_132 = arith.constant 0 : i32
      %cond3A_133 = arith.cmpi ne, %convert_element_type3A_131, %cond3A_132 : i32
      scf.if %cond3A_133 {
        %dma_wait3A = arith.constant 1 : i32
        %dma_wait3A_156 = arith.constant 0 : i32
        %dma_wait3A_157 = arith.constant 0 : i32
        %dma_wait3A_158 = arith.constant 0 : i32
        %dma_wait3A_159 = tpu.memref_slice %arg9[%dma_wait3A_156, %dma_wait3A_157, %dma_wait3A_158] : memref<2x128x128xf32, #tpu.memory_space<vmem>> -> memref<1x128x128xf32, #tpu.memory_space<vmem>>
        %dma_wait3A_160 = tpu.memref_squeeze %dma_wait3A_159 : memref<1x128x128xf32, #tpu.memory_space<vmem>> -> memref<128x128xf32, #tpu.memory_space<vmem>>
        %dma_wait3A_161 = arith.constant 0 : i32
        %dma_wait3A_162 = tpu.memref_slice %arg7[%dma_wait3A, %add3A_118, %dma_wait3A_161] : memref<2x80x128xi32, #tpu.memory_space<vmem>> -> memref<1x1x128xi32, #tpu.memory_space<vmem>>
        %dma_wait3A_163 = tpu.memref_squeeze %dma_wait3A_162 : memref<1x1x128xi32, #tpu.memory_space<vmem>> -> memref<128xi32, #tpu.memory_space<vmem>>
        %dma_wait3A_164 = arith.constant 0 : i32
        %dma_wait3A_165 = arith.constant 0 : i32
        %dma_wait3A_166 = tpu.memref_slice %arg2[%dma_wait3A_164, %dma_wait3A_165] : memref<10240x128xf32, #tpu.memory_space<hbm>> -> memref<10240x128xf32, #tpu.memory_space<hbm>>
        tpu.wait_indirect_dma semaphore(%arg12 : memref<!tpu.dma_semaphore, #tpu.memory_space<semaphore_mem>>) src(%dma_wait3A_166 : memref<10240x128xf32, #tpu.memory_space<hbm>>) dst(%dma_wait3A_160 : memref<128x128xf32, #tpu.memory_space<vmem>>)
        %run_scoped3A_167 = arith.constant 0 : i32
        %run_scoped3A_168 = arith.constant 1 : i32
        "tpu.region"() ({
          %run_scoped3A_176 = tpu.sem_alloc : memref<!tpu.dma_semaphore, #tpu.memory_space<semaphore_mem>>
          %dma_start3A = arith.constant 0 : i32
          %dma_start3A_177 = arith.constant 0 : i32
          %dma_start3A_178 = tpu.memref_slice %arg9[%run_scoped3A_167, %dma_start3A, %dma_start3A_177] : memref<2x128x128xf32, #tpu.memory_space<vmem>> -> memref<1x128x128xf32, #tpu.memory_space<vmem>>
          %dma_start3A_179 = tpu.memref_squeeze %dma_start3A_178 : memref<1x128x128xf32, #tpu.memory_space<vmem>> -> memref<128x128xf32, #tpu.memory_space<vmem>>
          %dma_start3A_180 = arith.constant 0 : i32
          %dma_start3A_181 = tpu.memref_slice %arg8[%run_scoped3A_168, %add3A_118, %dma_start3A_180] : memref<2x80x128xi32, #tpu.memory_space<vmem>> -> memref<1x1x128xi32, #tpu.memory_space<vmem>>
          %dma_start3A_182 = tpu.memref_squeeze %dma_start3A_181 : memref<1x1x128xi32, #tpu.memory_space<vmem>> -> memref<128xi32, #tpu.memory_space<vmem>>
          %dma_start3A_183 = arith.constant 0 : i32
          %dma_start3A_184 = arith.constant 0 : i32
          %dma_start3A_185 = tpu.memref_slice %arg10[%dma_start3A_183, %dma_start3A_184] : memref<5128x128xf32, #tpu.memory_space<vmem_shared>> -> memref<5128x128xf32, #tpu.memory_space<vmem_shared>>
          tpu.enqueue_indirect_dma source(%dma_start3A_179 : memref<128x128xf32, #tpu.memory_space<vmem>>) target(%dma_start3A_185 : memref<5128x128xf32, #tpu.memory_space<vmem_shared>>) offsets(%dma_start3A_182 : memref<128xi32, #tpu.memory_space<vmem>>) semaphore(%run_scoped3A_176 : memref<!tpu.dma_semaphore, #tpu.memory_space<semaphore_mem>>) {add = true}
          %dma_wait3A_186 = arith.constant 0 : i32
          %dma_wait3A_187 = arith.constant 0 : i32
          %dma_wait3A_188 = tpu.memref_slice %arg9[%run_scoped3A_167, %dma_wait3A_186, %dma_wait3A_187] : memref<2x128x128xf32, #tpu.memory_space<vmem>> -> memref<1x128x128xf32, #tpu.memory_space<vmem>>
          %dma_wait3A_189 = tpu.memref_squeeze %dma_wait3A_188 : memref<1x128x128xf32, #tpu.memory_space<vmem>> -> memref<128x128xf32, #tpu.memory_space<vmem>>
          %dma_wait3A_190 = arith.constant 0 : i32
          %dma_wait3A_191 = tpu.memref_slice %arg8[%run_scoped3A_168, %add3A_118, %dma_wait3A_190] : memref<2x80x128xi32, #tpu.memory_space<vmem>> -> memref<1x1x128xi32, #tpu.memory_space<vmem>>
          %dma_wait3A_192 = tpu.memref_squeeze %dma_wait3A_191 : memref<1x1x128xi32, #tpu.memory_space<vmem>> -> memref<128xi32, #tpu.memory_space<vmem>>
          %dma_wait3A_193 = arith.constant 0 : i32
          %dma_wait3A_194 = arith.constant 0 : i32
          %dma_wait3A_195 = tpu.memref_slice %arg10[%dma_wait3A_193, %dma_wait3A_194] : memref<5128x128xf32, #tpu.memory_space<vmem_shared>> -> memref<5128x128xf32, #tpu.memory_space<vmem_shared>>
          tpu.wait_indirect_dma semaphore(%run_scoped3A_176 : memref<!tpu.dma_semaphore, #tpu.memory_space<semaphore_mem>>) src(%dma_wait3A_189 : memref<128x128xf32, #tpu.memory_space<vmem>>) dst(%dma_wait3A_195 : memref<5128x128xf32, #tpu.memory_space<vmem_shared>>)
          tpu.yield
        }) : () -> ()
        %add3A_169 = arith.constant 2 : i32
        %add3A_170 = arith.addi %add3A_118, %add3A_169 : i32
        %lt3A_171 = arith.cmpi slt, %add3A_170, %squeeze3A_9 : i32
        %convert_element_type3A_172 = arith.extui %lt3A_171 : i1 to i32
        %cond3A_173 = arith.constant 0 : i32
        %cond3A_174 = arith.constant 0 : i32
        %cond3A_175 = arith.cmpi ne, %convert_element_type3A_172, %cond3A_174 : i32
        scf.if %cond3A_175 {
          %add3A_176 = arith.constant 2 : i32
          %add3A_177 = arith.addi %add3A_118, %add3A_176 : i32
          %dma_start3A = arith.constant 1 : i32
          %dma_start3A_178 = arith.constant 0 : i32
          %dma_start3A_179 = arith.constant 0 : i32
          %dma_start3A_180 = tpu.memref_slice %arg9[%cond3A_173, %dma_start3A_178, %dma_start3A_179] : memref<2x128x128xf32, #tpu.memory_space<vmem>> -> memref<1x128x128xf32, #tpu.memory_space<vmem>>
          %dma_start3A_181 = tpu.memref_squeeze %dma_start3A_180 : memref<1x128x128xf32, #tpu.memory_space<vmem>> -> memref<128x128xf32, #tpu.memory_space<vmem>>
          %dma_start3A_182 = arith.constant 0 : i32
          %dma_start3A_183 = tpu.memref_slice %arg7[%dma_start3A, %add3A_177, %dma_start3A_182] : memref<2x80x128xi32, #tpu.memory_space<vmem>> -> memref<1x1x128xi32, #tpu.memory_space<vmem>>
          %dma_start3A_184 = tpu.memref_squeeze %dma_start3A_183 : memref<1x1x128xi32, #tpu.memory_space<vmem>> -> memref<128xi32, #tpu.memory_space<vmem>>
          %dma_start3A_185 = arith.constant 0 : i32
          %dma_start3A_186 = arith.constant 0 : i32
          %dma_start3A_187 = tpu.memref_slice %arg2[%dma_start3A_185, %dma_start3A_186] : memref<10240x128xf32, #tpu.memory_space<hbm>> -> memref<10240x128xf32, #tpu.memory_space<hbm>>
          tpu.enqueue_indirect_dma source(%dma_start3A_187 : memref<10240x128xf32, #tpu.memory_space<hbm>>) target(%dma_start3A_181 : memref<128x128xf32, #tpu.memory_space<vmem>>) offsets(%dma_start3A_184 : memref<128xi32, #tpu.memory_space<vmem>>) semaphore(%arg12 : memref<!tpu.dma_semaphore, #tpu.memory_space<semaphore_mem>>)
        } else {
        }
      } else {
      }
      %jit3A_134 = arith.constant 2 : i32
      %eq3A_135 = arith.constant 0 : i32
      %eq3A_136 = arith.cmpi eq, %jit3A_134, %eq3A_135 : i32
      %jit3A_137 = arith.constant 1 : i32
      %select_n3A_138 = arith.select %eq3A_136, %jit3A_137, %jit3A_134 : i32
      %rem3A_139 = arith.remsi %while3A_116, %select_n3A_138 : i32
      %ne3A_140 = arith.constant 0 : i32
      %ne3A_141 = arith.cmpi ne, %rem3A_139, %ne3A_140 : i32
      %lt3A_142 = arith.constant 0 : i32
      %lt3A_143 = arith.cmpi slt, %rem3A_139, %lt3A_142 : i32
      %lt3A_144 = arith.constant 0 : i32
      %lt3A_145 = arith.cmpi slt, %select_n3A_138, %lt3A_144 : i32
      %ne3A_146 = arith.xori %lt3A_143, %lt3A_145 : i1
      %and3A_147 = arith.andi %ne3A_146, %ne3A_141 : i1
      %add3A_148 = arith.addi %rem3A_139, %select_n3A_138 : i32
      %select_n3A_149 = arith.select %and3A_147, %add3A_148, %rem3A_139 : i32
      %eq3A_150 = arith.constant 1 : i32
      %eq3A_151 = arith.cmpi eq, %select_n3A_149, %eq3A_150 : i32
      %convert_element_type3A_152 = arith.extui %eq3A_151 : i1 to i32
      %cond3A_153 = arith.constant 0 : i32
      %cond3A_154 = arith.cmpi ne, %convert_element_type3A_152, %cond3A_153 : i32
      scf.if %cond3A_154 {
        %dma_wait3A = arith.constant 1 : i32
        %dma_wait3A_156 = arith.constant 1 : i32
        %dma_wait3A_157 = arith.constant 0 : i32
        %dma_wait3A_158 = arith.constant 0 : i32
        %dma_wait3A_159 = tpu.memref_slice %arg9[%dma_wait3A_156, %dma_wait3A_157, %dma_wait3A_158] : memref<2x128x128xf32, #tpu.memory_space<vmem>> -> memref<1x128x128xf32, #tpu.memory_space<vmem>>
        %dma_wait3A_160 = tpu.memref_squeeze %dma_wait3A_159 : memref<1x128x128xf32, #tpu.memory_space<vmem>> -> memref<128x128xf32, #tpu.memory_space<vmem>>
        %dma_wait3A_161 = arith.constant 0 : i32
        %dma_wait3A_162 = tpu.memref_slice %arg7[%dma_wait3A, %add3A_118, %dma_wait3A_161] : memref<2x80x128xi32, #tpu.memory_space<vmem>> -> memref<1x1x128xi32, #tpu.memory_space<vmem>>
        %dma_wait3A_163 = tpu.memref_squeeze %dma_wait3A_162 : memref<1x1x128xi32, #tpu.memory_space<vmem>> -> memref<128xi32, #tpu.memory_space<vmem>>
        %dma_wait3A_164 = arith.constant 0 : i32
        %dma_wait3A_165 = arith.constant 0 : i32
        %dma_wait3A_166 = tpu.memref_slice %arg2[%dma_wait3A_164, %dma_wait3A_165] : memref<10240x128xf32, #tpu.memory_space<hbm>> -> memref<10240x128xf32, #tpu.memory_space<hbm>>
        tpu.wait_indirect_dma semaphore(%arg13 : memref<!tpu.dma_semaphore, #tpu.memory_space<semaphore_mem>>) src(%dma_wait3A_166 : memref<10240x128xf32, #tpu.memory_space<hbm>>) dst(%dma_wait3A_160 : memref<128x128xf32, #tpu.memory_space<vmem>>)
        %run_scoped3A_167 = arith.constant 1 : i32
        %run_scoped3A_168 = arith.constant 1 : i32
        "tpu.region"() ({
          %run_scoped3A_176 = tpu.sem_alloc : memref<!tpu.dma_semaphore, #tpu.memory_space<semaphore_mem>>
          %dma_start3A = arith.constant 0 : i32
          %dma_start3A_177 = arith.constant 0 : i32
          %dma_start3A_178 = tpu.memref_slice %arg9[%run_scoped3A_167, %dma_start3A, %dma_start3A_177] : memref<2x128x128xf32, #tpu.memory_space<vmem>> -> memref<1x128x128xf32, #tpu.memory_space<vmem>>
          %dma_start3A_179 = tpu.memref_squeeze %dma_start3A_178 : memref<1x128x128xf32, #tpu.memory_space<vmem>> -> memref<128x128xf32, #tpu.memory_space<vmem>>
          %dma_start3A_180 = arith.constant 0 : i32
          %dma_start3A_181 = tpu.memref_slice %arg8[%run_scoped3A_168, %add3A_118, %dma_start3A_180] : memref<2x80x128xi32, #tpu.memory_space<vmem>> -> memref<1x1x128xi32, #tpu.memory_space<vmem>>
          %dma_start3A_182 = tpu.memref_squeeze %dma_start3A_181 : memref<1x1x128xi32, #tpu.memory_space<vmem>> -> memref<128xi32, #tpu.memory_space<vmem>>
          %dma_start3A_183 = arith.constant 0 : i32
          %dma_start3A_184 = arith.constant 0 : i32
          %dma_start3A_185 = tpu.memref_slice %arg10[%dma_start3A_183, %dma_start3A_184] : memref<5128x128xf32, #tpu.memory_space<vmem_shared>> -> memref<5128x128xf32, #tpu.memory_space<vmem_shared>>
          tpu.enqueue_indirect_dma source(%dma_start3A_179 : memref<128x128xf32, #tpu.memory_space<vmem>>) target(%dma_start3A_185 : memref<5128x128xf32, #tpu.memory_space<vmem_shared>>) offsets(%dma_start3A_182 : memref<128xi32, #tpu.memory_space<vmem>>) semaphore(%run_scoped3A_176 : memref<!tpu.dma_semaphore, #tpu.memory_space<semaphore_mem>>) {add = true}
          %dma_wait3A_186 = arith.constant 0 : i32
          %dma_wait3A_187 = arith.constant 0 : i32
          %dma_wait3A_188 = tpu.memref_slice %arg9[%run_scoped3A_167, %dma_wait3A_186, %dma_wait3A_187] : memref<2x128x128xf32, #tpu.memory_space<vmem>> -> memref<1x128x128xf32, #tpu.memory_space<vmem>>
          %dma_wait3A_189 = tpu.memref_squeeze %dma_wait3A_188 : memref<1x128x128xf32, #tpu.memory_space<vmem>> -> memref<128x128xf32, #tpu.memory_space<vmem>>
          %dma_wait3A_190 = arith.constant 0 : i32
          %dma_wait3A_191 = tpu.memref_slice %arg8[%run_scoped3A_168, %add3A_118, %dma_wait3A_190] : memref<2x80x128xi32, #tpu.memory_space<vmem>> -> memref<1x1x128xi32, #tpu.memory_space<vmem>>
          %dma_wait3A_192 = tpu.memref_squeeze %dma_wait3A_191 : memref<1x1x128xi32, #tpu.memory_space<vmem>> -> memref<128xi32, #tpu.memory_space<vmem>>
          %dma_wait3A_193 = arith.constant 0 : i32
          %dma_wait3A_194 = arith.constant 0 : i32
          %dma_wait3A_195 = tpu.memref_slice %arg10[%dma_wait3A_193, %dma_wait3A_194] : memref<5128x128xf32, #tpu.memory_space<vmem_shared>> -> memref<5128x128xf32, #tpu.memory_space<vmem_shared>>
          tpu.wait_indirect_dma semaphore(%run_scoped3A_176 : memref<!tpu.dma_semaphore, #tpu.memory_space<semaphore_mem>>) src(%dma_wait3A_189 : memref<128x128xf32, #tpu.memory_space<vmem>>) dst(%dma_wait3A_195 : memref<5128x128xf32, #tpu.memory_space<vmem_shared>>)
          tpu.yield
        }) : () -> ()
        %add3A_169 = arith.constant 2 : i32
        %add3A_170 = arith.addi %add3A_118, %add3A_169 : i32
        %lt3A_171 = arith.cmpi slt, %add3A_170, %squeeze3A_9 : i32
        %convert_element_type3A_172 = arith.extui %lt3A_171 : i1 to i32
        %cond3A_173 = arith.constant 1 : i32
        %cond3A_174 = arith.constant 0 : i32
        %cond3A_175 = arith.cmpi ne, %convert_element_type3A_172, %cond3A_174 : i32
        scf.if %cond3A_175 {
          %add3A_176 = arith.constant 2 : i32
          %add3A_177 = arith.addi %add3A_118, %add3A_176 : i32
          %dma_start3A = arith.constant 1 : i32
          %dma_start3A_178 = arith.constant 0 : i32
          %dma_start3A_179 = arith.constant 0 : i32
          %dma_start3A_180 = tpu.memref_slice %arg9[%cond3A_173, %dma_start3A_178, %dma_start3A_179] : memref<2x128x128xf32, #tpu.memory_space<vmem>> -> memref<1x128x128xf32, #tpu.memory_space<vmem>>
          %dma_start3A_181 = tpu.memref_squeeze %dma_start3A_180 : memref<1x128x128xf32, #tpu.memory_space<vmem>> -> memref<128x128xf32, #tpu.memory_space<vmem>>
          %dma_start3A_182 = arith.constant 0 : i32
          %dma_start3A_183 = tpu.memref_slice %arg7[%dma_start3A, %add3A_177, %dma_start3A_182] : memref<2x80x128xi32, #tpu.memory_space<vmem>> -> memref<1x1x128xi32, #tpu.memory_space<vmem>>
          %dma_start3A_184 = tpu.memref_squeeze %dma_start3A_183 : memref<1x1x128xi32, #tpu.memory_space<vmem>> -> memref<128xi32, #tpu.memory_space<vmem>>
          %dma_start3A_185 = arith.constant 0 : i32
          %dma_start3A_186 = arith.constant 0 : i32
          %dma_start3A_187 = tpu.memref_slice %arg2[%dma_start3A_185, %dma_start3A_186] : memref<10240x128xf32, #tpu.memory_space<hbm>> -> memref<10240x128xf32, #tpu.memory_space<hbm>>
          tpu.enqueue_indirect_dma source(%dma_start3A_187 : memref<10240x128xf32, #tpu.memory_space<hbm>>) target(%dma_start3A_181 : memref<128x128xf32, #tpu.memory_space<vmem>>) offsets(%dma_start3A_184 : memref<128xi32, #tpu.memory_space<vmem>>) semaphore(%arg13 : memref<!tpu.dma_semaphore, #tpu.memory_space<semaphore_mem>>)
        } else {
        }
      } else {
      }
      %while3A_155 = arith.constant 0 : i32
      scf.yield %while3A_155 : i32
    }
    %barrier3A_109 = arith.constant 0 : index
    tpu.barrier barrier_id(%barrier3A_109)
    %mul3A_110 = arith.constant 320 : i32
    %mul3A_111 = arith.muli %arg1, %mul3A_110 : i32
    %mul3A_112 = arith.constant 320 : i32
    %mul3A_113 = arith.muli %arg1, %mul3A_112 : i32
    %add3A_114 = arith.constant 5120 : i32
    %add3A_115 = arith.addi %add3A_114, %mul3A_113 : i32
    "tpu.region"() ({
      %run_scoped3A_116 = tpu.sem_alloc : memref<!tpu.dma_semaphore, #tpu.memory_space<semaphore_mem>>
      %dma_start3A = arith.constant 0 : i32
      %dma_start3A_117 = tpu.memref_slice %arg6[%arg0, %add3A_115, %dma_start3A] : memref<2x10240x128xf32, #tpu.memory_space<hbm>> -> memref<1x320x128xf32, #tpu.memory_space<hbm>>
      %dma_start3A_118 = tpu.memref_squeeze %dma_start3A_117 : memref<1x320x128xf32, #tpu.memory_space<hbm>> -> memref<320x128xf32, #tpu.memory_space<hbm>>
      %dma_start3A_119 = arith.constant 0 : i32
      %dma_start3A_120 = tpu.memref_slice %arg10[%mul3A_111, %dma_start3A_119] : memref<5128x128xf32, #tpu.memory_space<vmem_shared>> -> memref<320x128xf32, #tpu.memory_space<vmem_shared>>
      tpu.enqueue_dma source(%dma_start3A_120 : memref<320x128xf32, #tpu.memory_space<vmem_shared>>) target(%dma_start3A_118 : memref<320x128xf32, #tpu.memory_space<hbm>>) target_semaphore(%run_scoped3A_116 : memref<!tpu.dma_semaphore, #tpu.memory_space<semaphore_mem>>)
      %dma_wait3A = arith.constant 0 : i32
      %dma_wait3A_121 = tpu.memref_slice %arg6[%arg0, %add3A_115, %dma_wait3A] : memref<2x10240x128xf32, #tpu.memory_space<hbm>> -> memref<1x320x128xf32, #tpu.memory_space<hbm>>
      %dma_wait3A_122 = tpu.memref_squeeze %dma_wait3A_121 : memref<1x320x128xf32, #tpu.memory_space<hbm>> -> memref<320x128xf32, #tpu.memory_space<hbm>>
      %dma_wait3A_123 = arith.constant 0 : i32
      %dma_wait3A_124 = tpu.memref_slice %arg10[%mul3A_111, %dma_wait3A_123] : memref<5128x128xf32, #tpu.memory_space<vmem_shared>> -> memref<320x128xf32, #tpu.memory_space<vmem_shared>>
      tpu.wait_dma2 semaphore(%run_scoped3A_116 : memref<!tpu.dma_semaphore, #tpu.memory_space<semaphore_mem>>) src(%dma_wait3A_124 : memref<320x128xf32, #tpu.memory_space<vmem_shared>>) dst(%dma_wait3A_122 : memref<320x128xf32, #tpu.memory_space<hbm>>)
      tpu.yield
    }) : () -> ()
    return
  }
}

#map = affine_map<(d0, d1) -> (0, 0)>
#map1 = affine_map<(d0, d1) -> (0, 0, 0)>
module attributes {stable_mosaic.version = 14 : i64} {
  func.func @_layer(%arg0: i32, %arg1: i32, %arg2: memref<10240x128xf32, #tpu.memory_space<hbm>>, %arg3: memref<2x2560x128xi32, #tpu.memory_space<hbm>>, %arg4: memref<2x2560x128xi32, #tpu.memory_space<hbm>>, %arg5: memref<32x16xi32, #tpu.memory_space<hbm>>, %arg6: memref<2x10240x128xf32, #tpu.memory_space<hbm>>, %arg7: memref<2x80x128xi32, #tpu.memory_space<vmem>>, %arg8: memref<2x80x128xi32, #tpu.memory_space<vmem>>, %arg9: memref<2x128x128xf32, #tpu.memory_space<vmem>>, %arg10: memref<5128x128xf32, #tpu.memory_space<vmem_shared>>, %arg11: memref<32x16xi32, #tpu.memory_space<vmem>>, %arg12: memref<!tpu.dma_semaphore, #tpu.memory_space<semaphore_mem>>, %arg13: memref<!tpu.dma_semaphore, #tpu.memory_space<semaphore_mem>>) attributes {dimension_semantics = [#tpu.dimension_semantics<core_parallel>, #tpu.dimension_semantics<subcore_parallel>], iteration_bounds = array<i64: 2, 16>, scalar_prefetch = 0 : i64, scratch_operands = 7 : i64, tpu.core_type = #tpu.core_type<sc_vector_subcore>, window_params = [{transform_indices = #map}, {transform_indices = #map1}, {transform_indices = #map1}, {transform_indices = #map}, {transform_indices = #map1}]} {
    %mul3A = arith.constant 16 : i32
    %mul3A_0 = arith.muli %arg0, %mul3A : i32
    %add3A = arith.addi %mul3A_0, %arg1 : i32
    %mul3A_1 = arith.constant 80 : i32
    %mul3A_2 = arith.muli %add3A, %mul3A_1 : i32
    "tpu.region"() ({
      %run_scoped3A_116 = tpu.sem_alloc : memref<!tpu.dma_semaphore, #tpu.memory_space<semaphore_mem>>
      %dma_start3A = arith.constant 0 : i32
      %dma_start3A_117 = arith.constant 0 : i32
      %dma_start3A_118 = tpu.memref_slice %arg3[%dma_start3A, %mul3A_2, %dma_start3A_117] : memref<2x2560x128xi32, #tpu.memory_space<hbm>> -> memref<2x80x128xi32, #tpu.memory_space<hbm>>
      %dma_start3A_119 = arith.constant 0 : i32
      %dma_start3A_120 = arith.constant 0 : i32
      %dma_start3A_121 = tpu.memref_slice %arg3[%dma_start3A_119, %mul3A_2, %dma_start3A_120] : memref<2x2560x128xi32, #tpu.memory_space<hbm>> -> memref<2x80x128xi32, #tpu.memory_space<hbm>>
      tpu.enqueue_dma source(%dma_start3A_121 : memref<2x80x128xi32, #tpu.memory_space<hbm>>) target(%arg7 : memref<2x80x128xi32, #tpu.memory_space<vmem>>) target_semaphore(%run_scoped3A_116 : memref<!tpu.dma_semaphore, #tpu.memory_space<semaphore_mem>>)
      %dma_wait3A = arith.constant 0 : i32
      %dma_wait3A_122 = arith.constant 0 : i32
      %dma_wait3A_123 = tpu.memref_slice %arg3[%dma_wait3A, %mul3A_2, %dma_wait3A_122] : memref<2x2560x128xi32, #tpu.memory_space<hbm>> -> memref<2x80x128xi32, #tpu.memory_space<hbm>>
      %dma_wait3A_124 = arith.constant 0 : i32
      %dma_wait3A_125 = arith.constant 0 : i32
      %dma_wait3A_126 = tpu.memref_slice %arg3[%dma_wait3A_124, %mul3A_2, %dma_wait3A_125] : memref<2x2560x128xi32, #tpu.memory_space<hbm>> -> memref<2x80x128xi32, #tpu.memory_space<hbm>>
      tpu.wait_dma2 semaphore(%run_scoped3A_116 : memref<!tpu.dma_semaphore, #tpu.memory_space<semaphore_mem>>) src(%dma_wait3A_126 : memref<2x80x128xi32, #tpu.memory_space<hbm>>) dst(%arg7 : memref<2x80x128xi32, #tpu.memory_space<vmem>>)
      tpu.yield
    }) : () -> ()
    %mul3A_3 = arith.constant 80 : i32
    %mul3A_4 = arith.muli %add3A, %mul3A_3 : i32
    "tpu.region"() ({
      %run_scoped3A_116 = tpu.sem_alloc : memref<!tpu.dma_semaphore, #tpu.memory_space<semaphore_mem>>
      %dma_start3A = arith.constant 0 : i32
      %dma_start3A_117 = arith.constant 0 : i32
      %dma_start3A_118 = tpu.memref_slice %arg4[%dma_start3A, %mul3A_4, %dma_start3A_117] : memref<2x2560x128xi32, #tpu.memory_space<hbm>> -> memref<2x80x128xi32, #tpu.memory_space<hbm>>
      %dma_start3A_119 = arith.constant 0 : i32
      %dma_start3A_120 = arith.constant 0 : i32
      %dma_start3A_121 = tpu.memref_slice %arg4[%dma_start3A_119, %mul3A_4, %dma_start3A_120] : memref<2x2560x128xi32, #tpu.memory_space<hbm>> -> memref<2x80x128xi32, #tpu.memory_space<hbm>>
      tpu.enqueue_dma source(%dma_start3A_121 : memref<2x80x128xi32, #tpu.memory_space<hbm>>) target(%arg8 : memref<2x80x128xi32, #tpu.memory_space<vmem>>) target_semaphore(%run_scoped3A_116 : memref<!tpu.dma_semaphore, #tpu.memory_space<semaphore_mem>>)
      %dma_wait3A = arith.constant 0 : i32
      %dma_wait3A_122 = arith.constant 0 : i32
      %dma_wait3A_123 = tpu.memref_slice %arg4[%dma_wait3A, %mul3A_4, %dma_wait3A_122] : memref<2x2560x128xi32, #tpu.memory_space<hbm>> -> memref<2x80x128xi32, #tpu.memory_space<hbm>>
      %dma_wait3A_124 = arith.constant 0 : i32
      %dma_wait3A_125 = arith.constant 0 : i32
      %dma_wait3A_126 = tpu.memref_slice %arg4[%dma_wait3A_124, %mul3A_4, %dma_wait3A_125] : memref<2x2560x128xi32, #tpu.memory_space<hbm>> -> memref<2x80x128xi32, #tpu.memory_space<hbm>>
      tpu.wait_dma2 semaphore(%run_scoped3A_116 : memref<!tpu.dma_semaphore, #tpu.memory_space<semaphore_mem>>) src(%dma_wait3A_126 : memref<2x80x128xi32, #tpu.memory_space<hbm>>) dst(%arg8 : memref<2x80x128xi32, #tpu.memory_space<vmem>>)
      tpu.yield
    }) : () -> ()
    "tpu.region"() ({
      %run_scoped3A_116 = tpu.sem_alloc : memref<!tpu.dma_semaphore, #tpu.memory_space<semaphore_mem>>
      tpu.enqueue_dma source(%arg5 : memref<32x16xi32, #tpu.memory_space<hbm>>) target(%arg11 : memref<32x16xi32, #tpu.memory_space<vmem>>) target_semaphore(%run_scoped3A_116 : memref<!tpu.dma_semaphore, #tpu.memory_space<semaphore_mem>>)
      tpu.wait_dma2 semaphore(%run_scoped3A_116 : memref<!tpu.dma_semaphore, #tpu.memory_space<semaphore_mem>>) src(%arg5 : memref<32x16xi32, #tpu.memory_space<hbm>>) dst(%arg11 : memref<32x16xi32, #tpu.memory_space<vmem>>)
      tpu.yield
    }) : () -> ()
    %get3A = arith.index_cast %add3A : i32 to index
    %get3A_5 = arith.constant 0 : index
    %get3A_6 = tpu.vector_load %arg11[%get3A, %get3A_5] {strides = array<i32>} : memref<32x16xi32, #tpu.memory_space<vmem>>, vector<1x16xi32>,
    %get3A_7 = vector.shape_cast %get3A_6 : vector<1x16xi32> to vector<16xi32>
    %slice3A = vector.extract_strided_slice %get3A_7 {offsets = [0], sizes = [1], strides = [1]} : vector<16xi32> to vector<1xi32>
    %squeeze3A = vector.extract %slice3A[0] : i32 from vector<1xi32>
    %slice3A_8 = vector.extract_strided_slice %get3A_7 {offsets = [1], sizes = [1], strides = [1]} : vector<16xi32> to vector<1xi32>
    %squeeze3A_9 = vector.extract %slice3A_8[0] : i32 from vector<1xi32>
    %scan3A = arith.constant 0 : i32
    %scan3A_10 = arith.constant 0 : i32
    %scan3A_11 = arith.constant 128 : i32
    %scan3A_12 = arith.addi %scan3A_10, %scan3A_11 : i32
    %scan3A_13 = arith.constant 1 : i32
    %scan3A_14 = scf.for %scan3A_116 = %scan3A_10 to %scan3A_12 step %scan3A_13 iter_args(%scan3A_117 = %scan3A) -> (i32)  : i32 {
      %broadcast_in_dim3A = arith.constant 0.000000e+00 : f32
      %broadcast_in_dim3A_118 = vector.broadcast %broadcast_in_dim3A : f32 to vector<16xf32>
      %swap3A = arith.constant 0 : i32
      %swap3A_119 = arith.index_cast %swap3A : i32 to index
      %swap3A_120 = arith.index_cast %scan3A_116 : i32 to index
      %swap3A_121 = arith.constant 0 : index
      %swap3A_122 = tpu.vector_load %arg9[%swap3A_119, %swap3A_120, %swap3A_121] {strides = array<i32>} : memref<2x128x128xf32, #tpu.memory_space<vmem>>, vector<1x1x16xf32>,
      %swap3A_123 = vector.shape_cast %swap3A_122 : vector<1x1x16xf32> to vector<16xf32>
      %swap3A_124 = vector.shape_cast %broadcast_in_dim3A_118 : vector<16xf32> to vector<1x1x16xf32>
      tpu.vector_store %arg9[%swap3A_119, %swap3A_120, %swap3A_121], %swap3A_124 {strides = array<i32>} : memref<2x128x128xf32, #tpu.memory_space<vmem>>, vector<1x1x16xf32>,
      %broadcast_in_dim3A_125 = arith.constant 0.000000e+00 : f32
      %broadcast_in_dim3A_126 = vector.broadcast %broadcast_in_dim3A_125 : f32 to vector<16xf32>
      %swap3A_127 = arith.constant 0 : i32
      %swap3A_128 = arith.index_cast %swap3A_127 : i32 to index
      %swap3A_129 = arith.index_cast %scan3A_116 : i32 to index
      %swap3A_130 = arith.constant 16 : index
      %swap3A_131 = tpu.vector_load %arg9[%swap3A_128, %swap3A_129, %swap3A_130] {strides = array<i32>} : memref<2x128x128xf32, #tpu.memory_space<vmem>>, vector<1x1x16xf32>,
      %swap3A_132 = vector.shape_cast %swap3A_131 : vector<1x1x16xf32> to vector<16xf32>
      %swap3A_133 = vector.shape_cast %broadcast_in_dim3A_126 : vector<16xf32> to vector<1x1x16xf32>
      tpu.vector_store %arg9[%swap3A_128, %swap3A_129, %swap3A_130], %swap3A_133 {strides = array<i32>} : memref<2x128x128xf32, #tpu.memory_space<vmem>>, vector<1x1x16xf32>,
      %broadcast_in_dim3A_134 = arith.constant 0.000000e+00 : f32
      %broadcast_in_dim3A_135 = vector.broadcast %broadcast_in_dim3A_134 : f32 to vector<16xf32>
      %swap3A_136 = arith.constant 0 : i32
      %swap3A_137 = arith.index_cast %swap3A_136 : i32 to index
      %swap3A_138 = arith.index_cast %scan3A_116 : i32 to index
      %swap3A_139 = arith.constant 32 : index
      %swap3A_140 = tpu.vector_load %arg9[%swap3A_137, %swap3A_138, %swap3A_139] {strides = array<i32>} : memref<2x128x128xf32, #tpu.memory_space<vmem>>, vector<1x1x16xf32>,
      %swap3A_141 = vector.shape_cast %swap3A_140 : vector<1x1x16xf32> to vector<16xf32>
      %swap3A_142 = vector.shape_cast %broadcast_in_dim3A_135 : vector<16xf32> to vector<1x1x16xf32>
      tpu.vector_store %arg9[%swap3A_137, %swap3A_138, %swap3A_139], %swap3A_142 {strides = array<i32>} : memref<2x128x128xf32, #tpu.memory_space<vmem>>, vector<1x1x16xf32>,
      %broadcast_in_dim3A_143 = arith.constant 0.000000e+00 : f32
      %broadcast_in_dim3A_144 = vector.broadcast %broadcast_in_dim3A_143 : f32 to vector<16xf32>
      %swap3A_145 = arith.constant 0 : i32
      %swap3A_146 = arith.index_cast %swap3A_145 : i32 to index
      %swap3A_147 = arith.index_cast %scan3A_116 : i32 to index
      %swap3A_148 = arith.constant 48 : index
      %swap3A_149 = tpu.vector_load %arg9[%swap3A_146, %swap3A_147, %swap3A_148] {strides = array<i32>} : memref<2x128x128xf32, #tpu.memory_space<vmem>>, vector<1x1x16xf32>,
      %swap3A_150 = vector.shape_cast %swap3A_149 : vector<1x1x16xf32> to vector<16xf32>
      %swap3A_151 = vector.shape_cast %broadcast_in_dim3A_144 : vector<16xf32> to vector<1x1x16xf32>
      tpu.vector_store %arg9[%swap3A_146, %swap3A_147, %swap3A_148], %swap3A_151 {strides = array<i32>} : memref<2x128x128xf32, #tpu.memory_space<vmem>>, vector<1x1x16xf32>,
      %broadcast_in_dim3A_152 = arith.constant 0.000000e+00 : f32
      %broadcast_in_dim3A_153 = vector.broadcast %broadcast_in_dim3A_152 : f32 to vector<16xf32>
      %swap3A_154 = arith.constant 0 : i32
      %swap3A_155 = arith.index_cast %swap3A_154 : i32 to index
      %swap3A_156 = arith.index_cast %scan3A_116 : i32 to index
      %swap3A_157 = arith.constant 64 : index
      %swap3A_158 = tpu.vector_load %arg9[%swap3A_155, %swap3A_156, %swap3A_157] {strides = array<i32>} : memref<2x128x128xf32, #tpu.memory_space<vmem>>, vector<1x1x16xf32>,
      %swap3A_159 = vector.shape_cast %swap3A_158 : vector<1x1x16xf32> to vector<16xf32>
      %swap3A_160 = vector.shape_cast %broadcast_in_dim3A_153 : vector<16xf32> to vector<1x1x16xf32>
      tpu.vector_store %arg9[%swap3A_155, %swap3A_156, %swap3A_157], %swap3A_160 {strides = array<i32>} : memref<2x128x128xf32, #tpu.memory_space<vmem>>, vector<1x1x16xf32>,
      %broadcast_in_dim3A_161 = arith.constant 0.000000e+00 : f32
      %broadcast_in_dim3A_162 = vector.broadcast %broadcast_in_dim3A_161 : f32 to vector<16xf32>
      %swap3A_163 = arith.constant 0 : i32
      %swap3A_164 = arith.index_cast %swap3A_163 : i32 to index
      %swap3A_165 = arith.index_cast %scan3A_116 : i32 to index
      %swap3A_166 = arith.constant 80 : index
      %swap3A_167 = tpu.vector_load %arg9[%swap3A_164, %swap3A_165, %swap3A_166] {strides = array<i32>} : memref<2x128x128xf32, #tpu.memory_space<vmem>>, vector<1x1x16xf32>,
      %swap3A_168 = vector.shape_cast %swap3A_167 : vector<1x1x16xf32> to vector<16xf32>
      %swap3A_169 = vector.shape_cast %broadcast_in_dim3A_162 : vector<16xf32> to vector<1x1x16xf32>
      tpu.vector_store %arg9[%swap3A_164, %swap3A_165, %swap3A_166], %swap3A_169 {strides = array<i32>} : memref<2x128x128xf32, #tpu.memory_space<vmem>>, vector<1x1x16xf32>,
      %broadcast_in_dim3A_170 = arith.constant 0.000000e+00 : f32
      %broadcast_in_dim3A_171 = vector.broadcast %broadcast_in_dim3A_170 : f32 to vector<16xf32>
      %swap3A_172 = arith.constant 0 : i32
      %swap3A_173 = arith.index_cast %swap3A_172 : i32 to index
      %swap3A_174 = arith.index_cast %scan3A_116 : i32 to index
      %swap3A_175 = arith.constant 96 : index
      %swap3A_176 = tpu.vector_load %arg9[%swap3A_173, %swap3A_174, %swap3A_175] {strides = array<i32>} : memref<2x128x128xf32, #tpu.memory_space<vmem>>, vector<1x1x16xf32>,
      %swap3A_177 = vector.shape_cast %swap3A_176 : vector<1x1x16xf32> to vector<16xf32>
      %swap3A_178 = vector.shape_cast %broadcast_in_dim3A_171 : vector<16xf32> to vector<1x1x16xf32>
      tpu.vector_store %arg9[%swap3A_173, %swap3A_174, %swap3A_175], %swap3A_178 {strides = array<i32>} : memref<2x128x128xf32, #tpu.memory_space<vmem>>, vector<1x1x16xf32>,
      %broadcast_in_dim3A_179 = arith.constant 0.000000e+00 : f32
      %broadcast_in_dim3A_180 = vector.broadcast %broadcast_in_dim3A_179 : f32 to vector<16xf32>
      %swap3A_181 = arith.constant 0 : i32
      %swap3A_182 = arith.index_cast %swap3A_181 : i32 to index
      %swap3A_183 = arith.index_cast %scan3A_116 : i32 to index
      %swap3A_184 = arith.constant 112 : index
      %swap3A_185 = tpu.vector_load %arg9[%swap3A_182, %swap3A_183, %swap3A_184] {strides = array<i32>} : memref<2x128x128xf32, #tpu.memory_space<vmem>>, vector<1x1x16xf32>,
      %swap3A_186 = vector.shape_cast %swap3A_185 : vector<1x1x16xf32> to vector<16xf32>
      %swap3A_187 = vector.shape_cast %broadcast_in_dim3A_180 : vector<16xf32> to vector<1x1x16xf32>
      tpu.vector_store %arg9[%swap3A_182, %swap3A_183, %swap3A_184], %swap3A_187 {strides = array<i32>} : memref<2x128x128xf32, #tpu.memory_space<vmem>>, vector<1x1x16xf32>,
      %scan3A_188 = arith.constant 0 : i32
      scf.yield %scan3A_188 : i32
    }
    %scan3A_15 = arith.constant 128 : i32
    %mul3A_16 = arith.constant 320 : i32
    %mul3A_17 = arith.muli %arg1, %mul3A_16 : i32
    %run_scoped3A = arith.constant 0 : i32
    "tpu.region"() ({
      %run_scoped3A_116 = tpu.sem_alloc : memref<!tpu.dma_semaphore, #tpu.memory_space<semaphore_mem>>
      %dma_start3A = arith.constant 0 : i32
      %dma_start3A_117 = arith.constant 0 : i32
      %dma_start3A_118 = tpu.memref_slice %arg9[%run_scoped3A, %dma_start3A, %dma_start3A_117] : memref<2x128x128xf32, #tpu.memory_space<vmem>> -> memref<1x128x128xf32, #tpu.memory_space<vmem>>
      %dma_start3A_119 = tpu.memref_squeeze %dma_start3A_118 : memref<1x128x128xf32, #tpu.memory_space<vmem>> -> memref<128x128xf32, #tpu.memory_space<vmem>>
      %dma_start3A_120 = arith.constant 0 : i32
      %dma_start3A_121 = tpu.memref_slice %arg10[%mul3A_17, %dma_start3A_120] : memref<5128x128xf32, #tpu.memory_space<vmem_shared>> -> memref<128x128xf32, #tpu.memory_space<vmem_shared>>
      %dma_start3A_122 = arith.constant 0 : i32
      %dma_start3A_123 = tpu.memref_slice %arg10[%mul3A_17, %dma_start3A_122] : memref<5128x128xf32, #tpu.memory_space<vmem_shared>> -> memref<128x128xf32, #tpu.memory_space<vmem_shared>>
      %dma_start3A_124 = arith.constant 0 : i32
      %dma_start3A_125 = arith.constant 0 : i32
      %dma_start3A_126 = tpu.memref_slice %arg9[%run_scoped3A, %dma_start3A_124, %dma_start3A_125] : memref<2x128x128xf32, #tpu.memory_space<vmem>> -> memref<1x128x128xf32, #tpu.memory_space<vmem>>
      %dma_start3A_127 = tpu.memref_squeeze %dma_start3A_126 : memref<1x128x128xf32, #tpu.memory_space<vmem>> -> memref<128x128xf32, #tpu.memory_space<vmem>>
      tpu.enqueue_dma source(%dma_start3A_127 : memref<128x128xf32, #tpu.memory_space<vmem>>) target(%dma_start3A_123 : memref<128x128xf32, #tpu.memory_space<vmem_shared>>) target_semaphore(%run_scoped3A_116 : memref<!tpu.dma_semaphore, #tpu.memory_space<semaphore_mem>>)
      %dma_wait3A = arith.constant 0 : i32
      %dma_wait3A_128 = arith.constant 0 : i32
      %dma_wait3A_129 = tpu.memref_slice %arg9[%run_scoped3A, %dma_wait3A, %dma_wait3A_128] : memref<2x128x128xf32, #tpu.memory_space<vmem>> -> memref<1x128x128xf32, #tpu.memory_space<vmem>>
      %dma_wait3A_130 = tpu.memref_squeeze %dma_wait3A_129 : memref<1x128x128xf32, #tpu.memory_space<vmem>> -> memref<128x128xf32, #tpu.memory_space<vmem>>
      %dma_wait3A_131 = arith.constant 0 : i32
      %dma_wait3A_132 = tpu.memref_slice %arg10[%mul3A_17, %dma_wait3A_131] : memref<5128x128xf32, #tpu.memory_space<vmem_shared>> -> memref<128x128xf32, #tpu.memory_space<vmem_shared>>
      %dma_wait3A_133 = arith.constant 0 : i32
      %dma_wait3A_134 = tpu.memref_slice %arg10[%mul3A_17, %dma_wait3A_133] : memref<5128x128xf32, #tpu.memory_space<vmem_shared>> -> memref<128x128xf32, #tpu.memory_space<vmem_shared>>
      %dma_wait3A_135 = arith.constant 0 : i32
      %dma_wait3A_136 = arith.constant 0 : i32
      %dma_wait3A_137 = tpu.memref_slice %arg9[%run_scoped3A, %dma_wait3A_135, %dma_wait3A_136] : memref<2x128x128xf32, #tpu.memory_space<vmem>> -> memref<1x128x128xf32, #tpu.memory_space<vmem>>
      %dma_wait3A_138 = tpu.memref_squeeze %dma_wait3A_137 : memref<1x128x128xf32, #tpu.memory_space<vmem>> -> memref<128x128xf32, #tpu.memory_space<vmem>>
      tpu.wait_dma2 semaphore(%run_scoped3A_116 : memref<!tpu.dma_semaphore, #tpu.memory_space<semaphore_mem>>) src(%dma_wait3A_138 : memref<128x128xf32, #tpu.memory_space<vmem>>) dst(%dma_wait3A_134 : memref<128x128xf32, #tpu.memory_space<vmem_shared>>)
      tpu.yield
    }) : () -> ()
    %mul3A_18 = arith.constant 320 : i32
    %mul3A_19 = arith.muli %arg1, %mul3A_18 : i32
    %add3A_20 = arith.constant 128 : i32
    %add3A_21 = arith.addi %mul3A_19, %add3A_20 : i32
    %run_scoped3A_22 = arith.constant 0 : i32
    "tpu.region"() ({
      %run_scoped3A_116 = tpu.sem_alloc : memref<!tpu.dma_semaphore, #tpu.memory_space<semaphore_mem>>
      %dma_start3A = arith.constant 0 : i32
      %dma_start3A_117 = arith.constant 0 : i32
      %dma_start3A_118 = tpu.memref_slice %arg9[%run_scoped3A_22, %dma_start3A, %dma_start3A_117] : memref<2x128x128xf32, #tpu.memory_space<vmem>> -> memref<1x128x128xf32, #tpu.memory_space<vmem>>
      %dma_start3A_119 = tpu.memref_squeeze %dma_start3A_118 : memref<1x128x128xf32, #tpu.memory_space<vmem>> -> memref<128x128xf32, #tpu.memory_space<vmem>>
      %dma_start3A_120 = arith.constant 0 : i32
      %dma_start3A_121 = tpu.memref_slice %arg10[%add3A_21, %dma_start3A_120] : memref<5128x128xf32, #tpu.memory_space<vmem_shared>> -> memref<128x128xf32, #tpu.memory_space<vmem_shared>>
      %dma_start3A_122 = arith.constant 0 : i32
      %dma_start3A_123 = tpu.memref_slice %arg10[%add3A_21, %dma_start3A_122] : memref<5128x128xf32, #tpu.memory_space<vmem_shared>> -> memref<128x128xf32, #tpu.memory_space<vmem_shared>>
      %dma_start3A_124 = arith.constant 0 : i32
      %dma_start3A_125 = arith.constant 0 : i32
      %dma_start3A_126 = tpu.memref_slice %arg9[%run_scoped3A_22, %dma_start3A_124, %dma_start3A_125] : memref<2x128x128xf32, #tpu.memory_space<vmem>> -> memref<1x128x128xf32, #tpu.memory_space<vmem>>
      %dma_start3A_127 = tpu.memref_squeeze %dma_start3A_126 : memref<1x128x128xf32, #tpu.memory_space<vmem>> -> memref<128x128xf32, #tpu.memory_space<vmem>>
      tpu.enqueue_dma source(%dma_start3A_127 : memref<128x128xf32, #tpu.memory_space<vmem>>) target(%dma_start3A_123 : memref<128x128xf32, #tpu.memory_space<vmem_shared>>) target_semaphore(%run_scoped3A_116 : memref<!tpu.dma_semaphore, #tpu.memory_space<semaphore_mem>>)
      %dma_wait3A = arith.constant 0 : i32
      %dma_wait3A_128 = arith.constant 0 : i32
      %dma_wait3A_129 = tpu.memref_slice %arg9[%run_scoped3A_22, %dma_wait3A, %dma_wait3A_128] : memref<2x128x128xf32, #tpu.memory_space<vmem>> -> memref<1x128x128xf32, #tpu.memory_space<vmem>>
      %dma_wait3A_130 = tpu.memref_squeeze %dma_wait3A_129 : memref<1x128x128xf32, #tpu.memory_space<vmem>> -> memref<128x128xf32, #tpu.memory_space<vmem>>
      %dma_wait3A_131 = arith.constant 0 : i32
      %dma_wait3A_132 = tpu.memref_slice %arg10[%add3A_21, %dma_wait3A_131] : memref<5128x128xf32, #tpu.memory_space<vmem_shared>> -> memref<128x128xf32, #tpu.memory_space<vmem_shared>>
      %dma_wait3A_133 = arith.constant 0 : i32
      %dma_wait3A_134 = tpu.memref_slice %arg10[%add3A_21, %dma_wait3A_133] : memref<5128x128xf32, #tpu.memory_space<vmem_shared>> -> memref<128x128xf32, #tpu.memory_space<vmem_shared>>
      %dma_wait3A_135 = arith.constant 0 : i32
      %dma_wait3A_136 = arith.constant 0 : i32
      %dma_wait3A_137 = tpu.memref_slice %arg9[%run_scoped3A_22, %dma_wait3A_135, %dma_wait3A_136] : memref<2x128x128xf32, #tpu.memory_space<vmem>> -> memref<1x128x128xf32, #tpu.memory_space<vmem>>
      %dma_wait3A_138 = tpu.memref_squeeze %dma_wait3A_137 : memref<1x128x128xf32, #tpu.memory_space<vmem>> -> memref<128x128xf32, #tpu.memory_space<vmem>>
      tpu.wait_dma2 semaphore(%run_scoped3A_116 : memref<!tpu.dma_semaphore, #tpu.memory_space<semaphore_mem>>) src(%dma_wait3A_138 : memref<128x128xf32, #tpu.memory_space<vmem>>) dst(%dma_wait3A_134 : memref<128x128xf32, #tpu.memory_space<vmem_shared>>)
      tpu.yield
    }) : () -> ()
    %mul3A_23 = arith.constant 320 : i32
    %mul3A_24 = arith.muli %arg1, %mul3A_23 : i32
    %add3A_25 = arith.constant 256 : i32
    %add3A_26 = arith.addi %mul3A_24, %add3A_25 : i32
    %run_scoped3A_27 = arith.constant 0 : i32
    "tpu.region"() ({
      %run_scoped3A_116 = tpu.sem_alloc : memref<!tpu.dma_semaphore, #tpu.memory_space<semaphore_mem>>
      %dma_start3A = arith.constant 0 : i32
      %dma_start3A_117 = arith.constant 0 : i32
      %dma_start3A_118 = tpu.memref_slice %arg9[%run_scoped3A_27, %dma_start3A, %dma_start3A_117] : memref<2x128x128xf32, #tpu.memory_space<vmem>> -> memref<1x64x128xf32, #tpu.memory_space<vmem>>
      %dma_start3A_119 = tpu.memref_squeeze %dma_start3A_118 : memref<1x64x128xf32, #tpu.memory_space<vmem>> -> memref<64x128xf32, #tpu.memory_space<vmem>>
      %dma_start3A_120 = arith.constant 0 : i32
      %dma_start3A_121 = tpu.memref_slice %arg10[%add3A_26, %dma_start3A_120] : memref<5128x128xf32, #tpu.memory_space<vmem_shared>> -> memref<64x128xf32, #tpu.memory_space<vmem_shared>>
      %dma_start3A_122 = arith.constant 0 : i32
      %dma_start3A_123 = tpu.memref_slice %arg10[%add3A_26, %dma_start3A_122] : memref<5128x128xf32, #tpu.memory_space<vmem_shared>> -> memref<64x128xf32, #tpu.memory_space<vmem_shared>>
      %dma_start3A_124 = arith.constant 0 : i32
      %dma_start3A_125 = arith.constant 0 : i32
      %dma_start3A_126 = tpu.memref_slice %arg9[%run_scoped3A_27, %dma_start3A_124, %dma_start3A_125] : memref<2x128x128xf32, #tpu.memory_space<vmem>> -> memref<1x64x128xf32, #tpu.memory_space<vmem>>
      %dma_start3A_127 = tpu.memref_squeeze %dma_start3A_126 : memref<1x64x128xf32, #tpu.memory_space<vmem>> -> memref<64x128xf32, #tpu.memory_space<vmem>>
      tpu.enqueue_dma source(%dma_start3A_127 : memref<64x128xf32, #tpu.memory_space<vmem>>) target(%dma_start3A_123 : memref<64x128xf32, #tpu.memory_space<vmem_shared>>) target_semaphore(%run_scoped3A_116 : memref<!tpu.dma_semaphore, #tpu.memory_space<semaphore_mem>>)
      %dma_wait3A = arith.constant 0 : i32
      %dma_wait3A_128 = arith.constant 0 : i32
      %dma_wait3A_129 = tpu.memref_slice %arg9[%run_scoped3A_27, %dma_wait3A, %dma_wait3A_128] : memref<2x128x128xf32, #tpu.memory_space<vmem>> -> memref<1x64x128xf32, #tpu.memory_space<vmem>>
      %dma_wait3A_130 = tpu.memref_squeeze %dma_wait3A_129 : memref<1x64x128xf32, #tpu.memory_space<vmem>> -> memref<64x128xf32, #tpu.memory_space<vmem>>
      %dma_wait3A_131 = arith.constant 0 : i32
      %dma_wait3A_132 = tpu.memref_slice %arg10[%add3A_26, %dma_wait3A_131] : memref<5128x128xf32, #tpu.memory_space<vmem_shared>> -> memref<64x128xf32, #tpu.memory_space<vmem_shared>>
      %dma_wait3A_133 = arith.constant 0 : i32
      %dma_wait3A_134 = tpu.memref_slice %arg10[%add3A_26, %dma_wait3A_133] : memref<5128x128xf32, #tpu.memory_space<vmem_shared>> -> memref<64x128xf32, #tpu.memory_space<vmem_shared>>
      %dma_wait3A_135 = arith.constant 0 : i32
      %dma_wait3A_136 = arith.constant 0 : i32
      %dma_wait3A_137 = tpu.memref_slice %arg9[%run_scoped3A_27, %dma_wait3A_135, %dma_wait3A_136] : memref<2x128x128xf32, #tpu.memory_space<vmem>> -> memref<1x64x128xf32, #tpu.memory_space<vmem>>
      %dma_wait3A_138 = tpu.memref_squeeze %dma_wait3A_137 : memref<1x64x128xf32, #tpu.memory_space<vmem>> -> memref<64x128xf32, #tpu.memory_space<vmem>>
      tpu.wait_dma2 semaphore(%run_scoped3A_116 : memref<!tpu.dma_semaphore, #tpu.memory_space<semaphore_mem>>) src(%dma_wait3A_138 : memref<64x128xf32, #tpu.memory_space<vmem>>) dst(%dma_wait3A_134 : memref<64x128xf32, #tpu.memory_space<vmem_shared>>)
      tpu.yield
    }) : () -> ()
    %barrier3A = arith.constant 0 : index
    tpu.barrier barrier_id(%barrier3A)
    %lt3A = arith.constant 0 : i32
    %lt3A_28 = arith.cmpi slt, %lt3A, %squeeze3A : i32
    %convert_element_type3A = arith.extui %lt3A_28 : i1 to i32
    %cond3A = arith.constant 0 : i32
    %cond3A_29 = arith.constant 0 : i32
    %cond3A_30 = arith.cmpi ne, %convert_element_type3A, %cond3A_29 : i32
    scf.if %cond3A_30 {
      %dma_start3A = arith.constant 0 : i32
      %dma_start3A_116 = arith.constant 0 : i32
      %dma_start3A_117 = arith.constant 0 : i32
      %dma_start3A_118 = arith.constant 0 : i32
      %dma_start3A_119 = tpu.memref_slice %arg9[%dma_start3A_116, %dma_start3A_117, %dma_start3A_118] : memref<2x128x128xf32, #tpu.memory_space<vmem>> -> memref<1x128x128xf32, #tpu.memory_space<vmem>>
      %dma_start3A_120 = tpu.memref_squeeze %dma_start3A_119 : memref<1x128x128xf32, #tpu.memory_space<vmem>> -> memref<128x128xf32, #tpu.memory_space<vmem>>
      %dma_start3A_121 = arith.constant 0 : i32
      %dma_start3A_122 = tpu.memref_slice %arg7[%dma_start3A, %cond3A, %dma_start3A_121] : memref<2x80x128xi32, #tpu.memory_space<vmem>> -> memref<1x1x128xi32, #tpu.memory_space<vmem>>
      %dma_start3A_123 = tpu.memref_squeeze %dma_start3A_122 : memref<1x1x128xi32, #tpu.memory_space<vmem>> -> memref<128xi32, #tpu.memory_space<vmem>>
      %dma_start3A_124 = arith.constant 0 : i32
      %dma_start3A_125 = arith.constant 0 : i32
      %dma_start3A_126 = tpu.memref_slice %arg2[%dma_start3A_124, %dma_start3A_125] : memref<10240x128xf32, #tpu.memory_space<hbm>> -> memref<10240x128xf32, #tpu.memory_space<hbm>>
      tpu.enqueue_indirect_dma source(%dma_start3A_126 : memref<10240x128xf32, #tpu.memory_space<hbm>>) target(%dma_start3A_120 : memref<128x128xf32, #tpu.memory_space<vmem>>) offsets(%dma_start3A_123 : memref<128xi32, #tpu.memory_space<vmem>>) semaphore(%arg12 : memref<!tpu.dma_semaphore, #tpu.memory_space<semaphore_mem>>)
    } else {
    }
    %add3A_31 = arith.constant 0 : i32
    %add3A_32 = arith.constant 1 : i32
    %add3A_33 = arith.addi %add3A_31, %add3A_32 : i32
    %lt3A_34 = arith.cmpi slt, %add3A_33, %squeeze3A : i32
    %convert_element_type3A_35 = arith.extui %lt3A_34 : i1 to i32
    %cond3A_36 = arith.constant 0 : i32
    %cond3A_37 = arith.constant 0 : i32
    %cond3A_38 = arith.cmpi ne, %convert_element_type3A_35, %cond3A_37 : i32
    scf.if %cond3A_38 {
      %add3A_116 = arith.constant 1 : i32
      %add3A_117 = arith.addi %cond3A_36, %add3A_116 : i32
      %dma_start3A = arith.constant 0 : i32
      %dma_start3A_118 = arith.constant 1 : i32
      %dma_start3A_119 = arith.constant 0 : i32
      %dma_start3A_120 = arith.constant 0 : i32
      %dma_start3A_121 = tpu.memref_slice %arg9[%dma_start3A_118, %dma_start3A_119, %dma_start3A_120] : memref<2x128x128xf32, #tpu.memory_space<vmem>> -> memref<1x128x128xf32, #tpu.memory_space<vmem>>
      %dma_start3A_122 = tpu.memref_squeeze %dma_start3A_121 : memref<1x128x128xf32, #tpu.memory_space<vmem>> -> memref<128x128xf32, #tpu.memory_space<vmem>>
      %dma_start3A_123 = arith.constant 0 : i32
      %dma_start3A_124 = tpu.memref_slice %arg7[%dma_start3A, %add3A_117, %dma_start3A_123] : memref<2x80x128xi32, #tpu.memory_space<vmem>> -> memref<1x1x128xi32, #tpu.memory_space<vmem>>
      %dma_start3A_125 = tpu.memref_squeeze %dma_start3A_124 : memref<1x1x128xi32, #tpu.memory_space<vmem>> -> memref<128xi32, #tpu.memory_space<vmem>>
      %dma_start3A_126 = arith.constant 0 : i32
      %dma_start3A_127 = arith.constant 0 : i32
      %dma_start3A_128 = tpu.memref_slice %arg2[%dma_start3A_126, %dma_start3A_127] : memref<10240x128xf32, #tpu.memory_space<hbm>> -> memref<10240x128xf32, #tpu.memory_space<hbm>>
      tpu.enqueue_indirect_dma source(%dma_start3A_128 : memref<10240x128xf32, #tpu.memory_space<hbm>>) target(%dma_start3A_122 : memref<128x128xf32, #tpu.memory_space<vmem>>) offsets(%dma_start3A_125 : memref<128xi32, #tpu.memory_space<vmem>>) semaphore(%arg13 : memref<!tpu.dma_semaphore, #tpu.memory_space<semaphore_mem>>)
    } else {
    }
    %sub3A = arith.constant 0 : i32
    %sub3A_39 = arith.subi %squeeze3A, %sub3A : i32
    %while3A = arith.constant 0 : i32
    %while3A_40 = arith.constant 0 : i32
    %while3A_41 = arith.constant 0 : i32
    %while3A_42 = arith.subi %sub3A_39, %while3A_40 : i32
    %while3A_43 = arith.addi %while3A_40, %while3A_42 : i32
    %while3A_44 = arith.constant 1 : i32
    %while3A_45 = arith.divsi %while3A_42, %while3A_44 : i32
    %while3A_46 = arith.muli %while3A_45, %while3A_44 : i32
    %while3A_47 = arith.addi %while3A_40, %while3A_46 : i32
    %while3A_48 = arith.constant 1 : i32
    %while3A_49 = scf.for %while3A_116 = %while3A_40 to %while3A_47 step %while3A_48 iter_args(%while3A_117 = %while3A_41) -> (i32)  : i32 {
      %add3A_118 = arith.addi %while3A, %while3A_116 : i32
      %jit3A = arith.constant 2 : i32
      %eq3A = arith.constant 0 : i32
      %eq3A_119 = arith.cmpi eq, %jit3A, %eq3A : i32
      %jit3A_120 = arith.constant 1 : i32
      %select_n3A = arith.select %eq3A_119, %jit3A_120, %jit3A : i32
      %rem3A = arith.remsi %while3A_116, %select_n3A : i32
      %ne3A = arith.constant 0 : i32
      %ne3A_121 = arith.cmpi ne, %rem3A, %ne3A : i32
      %lt3A_122 = arith.constant 0 : i32
      %lt3A_123 = arith.cmpi slt, %rem3A, %lt3A_122 : i32
      %lt3A_124 = arith.constant 0 : i32
      %lt3A_125 = arith.cmpi slt, %select_n3A, %lt3A_124 : i32
      %ne3A_126 = arith.xori %lt3A_123, %lt3A_125 : i1
      %and3A = arith.andi %ne3A_126, %ne3A_121 : i1
      %add3A_127 = arith.addi %rem3A, %select_n3A : i32
      %select_n3A_128 = arith.select %and3A, %add3A_127, %rem3A : i32
      %eq3A_129 = arith.constant 0 : i32
      %eq3A_130 = arith.cmpi eq, %select_n3A_128, %eq3A_129 : i32
      %convert_element_type3A_131 = arith.extui %eq3A_130 : i1 to i32
      %cond3A_132 = arith.constant 0 : i32
      %cond3A_133 = arith.cmpi ne, %convert_element_type3A_131, %cond3A_132 : i32
      scf.if %cond3A_133 {
        %dma_wait3A = arith.constant 0 : i32
        %dma_wait3A_156 = arith.constant 0 : i32
        %dma_wait3A_157 = arith.constant 0 : i32
        %dma_wait3A_158 = arith.constant 0 : i32
        %dma_wait3A_159 = tpu.memref_slice %arg9[%dma_wait3A_156, %dma_wait3A_157, %dma_wait3A_158] : memref<2x128x128xf32, #tpu.memory_space<vmem>> -> memref<1x128x128xf32, #tpu.memory_space<vmem>>
        %dma_wait3A_160 = tpu.memref_squeeze %dma_wait3A_159 : memref<1x128x128xf32, #tpu.memory_space<vmem>> -> memref<128x128xf32, #tpu.memory_space<vmem>>
        %dma_wait3A_161 = arith.constant 0 : i32
        %dma_wait3A_162 = tpu.memref_slice %arg7[%dma_wait3A, %add3A_118, %dma_wait3A_161] : memref<2x80x128xi32, #tpu.memory_space<vmem>> -> memref<1x1x128xi32, #tpu.memory_space<vmem>>
        %dma_wait3A_163 = tpu.memref_squeeze %dma_wait3A_162 : memref<1x1x128xi32, #tpu.memory_space<vmem>> -> memref<128xi32, #tpu.memory_space<vmem>>
        %dma_wait3A_164 = arith.constant 0 : i32
        %dma_wait3A_165 = arith.constant 0 : i32
        %dma_wait3A_166 = tpu.memref_slice %arg2[%dma_wait3A_164, %dma_wait3A_165] : memref<10240x128xf32, #tpu.memory_space<hbm>> -> memref<10240x128xf32, #tpu.memory_space<hbm>>
        tpu.wait_indirect_dma semaphore(%arg12 : memref<!tpu.dma_semaphore, #tpu.memory_space<semaphore_mem>>) src(%dma_wait3A_166 : memref<10240x128xf32, #tpu.memory_space<hbm>>) dst(%dma_wait3A_160 : memref<128x128xf32, #tpu.memory_space<vmem>>)
        %run_scoped3A_167 = arith.constant 0 : i32
        %run_scoped3A_168 = arith.constant 0 : i32
        "tpu.region"() ({
          %run_scoped3A_176 = tpu.sem_alloc : memref<!tpu.dma_semaphore, #tpu.memory_space<semaphore_mem>>
          %dma_start3A = arith.constant 0 : i32
          %dma_start3A_177 = arith.constant 0 : i32
          %dma_start3A_178 = tpu.memref_slice %arg9[%run_scoped3A_167, %dma_start3A, %dma_start3A_177] : memref<2x128x128xf32, #tpu.memory_space<vmem>> -> memref<1x128x128xf32, #tpu.memory_space<vmem>>
          %dma_start3A_179 = tpu.memref_squeeze %dma_start3A_178 : memref<1x128x128xf32, #tpu.memory_space<vmem>> -> memref<128x128xf32, #tpu.memory_space<vmem>>
          %dma_start3A_180 = arith.constant 0 : i32
          %dma_start3A_181 = tpu.memref_slice %arg8[%run_scoped3A_168, %add3A_118, %dma_start3A_180] : memref<2x80x128xi32, #tpu.memory_space<vmem>> -> memref<1x1x128xi32, #tpu.memory_space<vmem>>
          %dma_start3A_182 = tpu.memref_squeeze %dma_start3A_181 : memref<1x1x128xi32, #tpu.memory_space<vmem>> -> memref<128xi32, #tpu.memory_space<vmem>>
          %dma_start3A_183 = arith.constant 0 : i32
          %dma_start3A_184 = arith.constant 0 : i32
          %dma_start3A_185 = tpu.memref_slice %arg10[%dma_start3A_183, %dma_start3A_184] : memref<5128x128xf32, #tpu.memory_space<vmem_shared>> -> memref<5128x128xf32, #tpu.memory_space<vmem_shared>>
          tpu.enqueue_indirect_dma source(%dma_start3A_179 : memref<128x128xf32, #tpu.memory_space<vmem>>) target(%dma_start3A_185 : memref<5128x128xf32, #tpu.memory_space<vmem_shared>>) offsets(%dma_start3A_182 : memref<128xi32, #tpu.memory_space<vmem>>) semaphore(%run_scoped3A_176 : memref<!tpu.dma_semaphore, #tpu.memory_space<semaphore_mem>>) {add = true}
          %dma_wait3A_186 = arith.constant 0 : i32
          %dma_wait3A_187 = arith.constant 0 : i32
          %dma_wait3A_188 = tpu.memref_slice %arg9[%run_scoped3A_167, %dma_wait3A_186, %dma_wait3A_187] : memref<2x128x128xf32, #tpu.memory_space<vmem>> -> memref<1x128x128xf32, #tpu.memory_space<vmem>>
          %dma_wait3A_189 = tpu.memref_squeeze %dma_wait3A_188 : memref<1x128x128xf32, #tpu.memory_space<vmem>> -> memref<128x128xf32, #tpu.memory_space<vmem>>
          %dma_wait3A_190 = arith.constant 0 : i32
          %dma_wait3A_191 = tpu.memref_slice %arg8[%run_scoped3A_168, %add3A_118, %dma_wait3A_190] : memref<2x80x128xi32, #tpu.memory_space<vmem>> -> memref<1x1x128xi32, #tpu.memory_space<vmem>>
          %dma_wait3A_192 = tpu.memref_squeeze %dma_wait3A_191 : memref<1x1x128xi32, #tpu.memory_space<vmem>> -> memref<128xi32, #tpu.memory_space<vmem>>
          %dma_wait3A_193 = arith.constant 0 : i32
          %dma_wait3A_194 = arith.constant 0 : i32
          %dma_wait3A_195 = tpu.memref_slice %arg10[%dma_wait3A_193, %dma_wait3A_194] : memref<5128x128xf32, #tpu.memory_space<vmem_shared>> -> memref<5128x128xf32, #tpu.memory_space<vmem_shared>>
          tpu.wait_indirect_dma semaphore(%run_scoped3A_176 : memref<!tpu.dma_semaphore, #tpu.memory_space<semaphore_mem>>) src(%dma_wait3A_189 : memref<128x128xf32, #tpu.memory_space<vmem>>) dst(%dma_wait3A_195 : memref<5128x128xf32, #tpu.memory_space<vmem_shared>>)
          tpu.yield
        }) : () -> ()
        %add3A_169 = arith.constant 2 : i32
        %add3A_170 = arith.addi %add3A_118, %add3A_169 : i32
        %lt3A_171 = arith.cmpi slt, %add3A_170, %squeeze3A : i32
        %convert_element_type3A_172 = arith.extui %lt3A_171 : i1 to i32
        %cond3A_173 = arith.constant 0 : i32
        %cond3A_174 = arith.constant 0 : i32
        %cond3A_175 = arith.cmpi ne, %convert_element_type3A_172, %cond3A_174 : i32
        scf.if %cond3A_175 {
          %add3A_176 = arith.constant 2 : i32
          %add3A_177 = arith.addi %add3A_118, %add3A_176 : i32
          %dma_start3A = arith.constant 0 : i32
          %dma_start3A_178 = arith.constant 0 : i32
          %dma_start3A_179 = arith.constant 0 : i32
          %dma_start3A_180 = tpu.memref_slice %arg9[%cond3A_173, %dma_start3A_178, %dma_start3A_179] : memref<2x128x128xf32, #tpu.memory_space<vmem>> -> memref<1x128x128xf32, #tpu.memory_space<vmem>>
          %dma_start3A_181 = tpu.memref_squeeze %dma_start3A_180 : memref<1x128x128xf32, #tpu.memory_space<vmem>> -> memref<128x128xf32, #tpu.memory_space<vmem>>
          %dma_start3A_182 = arith.constant 0 : i32
          %dma_start3A_183 = tpu.memref_slice %arg7[%dma_start3A, %add3A_177, %dma_start3A_182] : memref<2x80x128xi32, #tpu.memory_space<vmem>> -> memref<1x1x128xi32, #tpu.memory_space<vmem>>
          %dma_start3A_184 = tpu.memref_squeeze %dma_start3A_183 : memref<1x1x128xi32, #tpu.memory_space<vmem>> -> memref<128xi32, #tpu.memory_space<vmem>>
          %dma_start3A_185 = arith.constant 0 : i32
          %dma_start3A_186 = arith.constant 0 : i32
          %dma_start3A_187 = tpu.memref_slice %arg2[%dma_start3A_185, %dma_start3A_186] : memref<10240x128xf32, #tpu.memory_space<hbm>> -> memref<10240x128xf32, #tpu.memory_space<hbm>>
          tpu.enqueue_indirect_dma source(%dma_start3A_187 : memref<10240x128xf32, #tpu.memory_space<hbm>>) target(%dma_start3A_181 : memref<128x128xf32, #tpu.memory_space<vmem>>) offsets(%dma_start3A_184 : memref<128xi32, #tpu.memory_space<vmem>>) semaphore(%arg12 : memref<!tpu.dma_semaphore, #tpu.memory_space<semaphore_mem>>)
        } else {
        }
      } else {
      }
      %jit3A_134 = arith.constant 2 : i32
      %eq3A_135 = arith.constant 0 : i32
      %eq3A_136 = arith.cmpi eq, %jit3A_134, %eq3A_135 : i32
      %jit3A_137 = arith.constant 1 : i32
      %select_n3A_138 = arith.select %eq3A_136, %jit3A_137, %jit3A_134 : i32
      %rem3A_139 = arith.remsi %while3A_116, %select_n3A_138 : i32
      %ne3A_140 = arith.constant 0 : i32
      %ne3A_141 = arith.cmpi ne, %rem3A_139, %ne3A_140 : i32
      %lt3A_142 = arith.constant 0 : i32
      %lt3A_143 = arith.cmpi slt, %rem3A_139, %lt3A_142 : i32
      %lt3A_144 = arith.constant 0 : i32
      %lt3A_145 = arith.cmpi slt, %select_n3A_138, %lt3A_144 : i32
      %ne3A_146 = arith.xori %lt3A_143, %lt3A_145 : i1
      %and3A_147 = arith.andi %ne3A_146, %ne3A_141 : i1
      %add3A_148 = arith.addi %rem3A_139, %select_n3A_138 : i32
      %select_n3A_149 = arith.select %and3A_147, %add3A_148, %rem3A_139 : i32
      %eq3A_150 = arith.constant 1 : i32
      %eq3A_151 = arith.cmpi eq, %select_n3A_149, %eq3A_150 : i32
      %convert_element_type3A_152 = arith.extui %eq3A_151 : i1 to i32
      %cond3A_153 = arith.constant 0 : i32
      %cond3A_154 = arith.cmpi ne, %convert_element_type3A_152, %cond3A_153 : i32
      scf.if %cond3A_154 {
        %dma_wait3A = arith.constant 0 : i32
        %dma_wait3A_156 = arith.constant 1 : i32
        %dma_wait3A_157 = arith.constant 0 : i32
        %dma_wait3A_158 = arith.constant 0 : i32
        %dma_wait3A_159 = tpu.memref_slice %arg9[%dma_wait3A_156, %dma_wait3A_157, %dma_wait3A_158] : memref<2x128x128xf32, #tpu.memory_space<vmem>> -> memref<1x128x128xf32, #tpu.memory_space<vmem>>
        %dma_wait3A_160 = tpu.memref_squeeze %dma_wait3A_159 : memref<1x128x128xf32, #tpu.memory_space<vmem>> -> memref<128x128xf32, #tpu.memory_space<vmem>>
        %dma_wait3A_161 = arith.constant 0 : i32
        %dma_wait3A_162 = tpu.memref_slice %arg7[%dma_wait3A, %add3A_118, %dma_wait3A_161] : memref<2x80x128xi32, #tpu.memory_space<vmem>> -> memref<1x1x128xi32, #tpu.memory_space<vmem>>
        %dma_wait3A_163 = tpu.memref_squeeze %dma_wait3A_162 : memref<1x1x128xi32, #tpu.memory_space<vmem>> -> memref<128xi32, #tpu.memory_space<vmem>>
        %dma_wait3A_164 = arith.constant 0 : i32
        %dma_wait3A_165 = arith.constant 0 : i32
        %dma_wait3A_166 = tpu.memref_slice %arg2[%dma_wait3A_164, %dma_wait3A_165] : memref<10240x128xf32, #tpu.memory_space<hbm>> -> memref<10240x128xf32, #tpu.memory_space<hbm>>
        tpu.wait_indirect_dma semaphore(%arg13 : memref<!tpu.dma_semaphore, #tpu.memory_space<semaphore_mem>>) src(%dma_wait3A_166 : memref<10240x128xf32, #tpu.memory_space<hbm>>) dst(%dma_wait3A_160 : memref<128x128xf32, #tpu.memory_space<vmem>>)
        %run_scoped3A_167 = arith.constant 1 : i32
        %run_scoped3A_168 = arith.constant 0 : i32
        "tpu.region"() ({
          %run_scoped3A_176 = tpu.sem_alloc : memref<!tpu.dma_semaphore, #tpu.memory_space<semaphore_mem>>
          %dma_start3A = arith.constant 0 : i32
          %dma_start3A_177 = arith.constant 0 : i32
          %dma_start3A_178 = tpu.memref_slice %arg9[%run_scoped3A_167, %dma_start3A, %dma_start3A_177] : memref<2x128x128xf32, #tpu.memory_space<vmem>> -> memref<1x128x128xf32, #tpu.memory_space<vmem>>
          %dma_start3A_179 = tpu.memref_squeeze %dma_start3A_178 : memref<1x128x128xf32, #tpu.memory_space<vmem>> -> memref<128x128xf32, #tpu.memory_space<vmem>>
          %dma_start3A_180 = arith.constant 0 : i32
          %dma_start3A_181 = tpu.memref_slice %arg8[%run_scoped3A_168, %add3A_118, %dma_start3A_180] : memref<2x80x128xi32, #tpu.memory_space<vmem>> -> memref<1x1x128xi32, #tpu.memory_space<vmem>>
          %dma_start3A_182 = tpu.memref_squeeze %dma_start3A_181 : memref<1x1x128xi32, #tpu.memory_space<vmem>> -> memref<128xi32, #tpu.memory_space<vmem>>
          %dma_start3A_183 = arith.constant 0 : i32
          %dma_start3A_184 = arith.constant 0 : i32
          %dma_start3A_185 = tpu.memref_slice %arg10[%dma_start3A_183, %dma_start3A_184] : memref<5128x128xf32, #tpu.memory_space<vmem_shared>> -> memref<5128x128xf32, #tpu.memory_space<vmem_shared>>
          tpu.enqueue_indirect_dma source(%dma_start3A_179 : memref<128x128xf32, #tpu.memory_space<vmem>>) target(%dma_start3A_185 : memref<5128x128xf32, #tpu.memory_space<vmem_shared>>) offsets(%dma_start3A_182 : memref<128xi32, #tpu.memory_space<vmem>>) semaphore(%run_scoped3A_176 : memref<!tpu.dma_semaphore, #tpu.memory_space<semaphore_mem>>) {add = true}
          %dma_wait3A_186 = arith.constant 0 : i32
          %dma_wait3A_187 = arith.constant 0 : i32
          %dma_wait3A_188 = tpu.memref_slice %arg9[%run_scoped3A_167, %dma_wait3A_186, %dma_wait3A_187] : memref<2x128x128xf32, #tpu.memory_space<vmem>> -> memref<1x128x128xf32, #tpu.memory_space<vmem>>
          %dma_wait3A_189 = tpu.memref_squeeze %dma_wait3A_188 : memref<1x128x128xf32, #tpu.memory_space<vmem>> -> memref<128x128xf32, #tpu.memory_space<vmem>>
          %dma_wait3A_190 = arith.constant 0 : i32
          %dma_wait3A_191 = tpu.memref_slice %arg8[%run_scoped3A_168, %add3A_118, %dma_wait3A_190] : memref<2x80x128xi32, #tpu.memory_space<vmem>> -> memref<1x1x128xi32, #tpu.memory_space<vmem>>
          %dma_wait3A_192 = tpu.memref_squeeze %dma_wait3A_191 : memref<1x1x128xi32, #tpu.memory_space<vmem>> -> memref<128xi32, #tpu.memory_space<vmem>>
          %dma_wait3A_193 = arith.constant 0 : i32
          %dma_wait3A_194 = arith.constant 0 : i32
          %dma_wait3A_195 = tpu.memref_slice %arg10[%dma_wait3A_193, %dma_wait3A_194] : memref<5128x128xf32, #tpu.memory_space<vmem_shared>> -> memref<5128x128xf32, #tpu.memory_space<vmem_shared>>
          tpu.wait_indirect_dma semaphore(%run_scoped3A_176 : memref<!tpu.dma_semaphore, #tpu.memory_space<semaphore_mem>>) src(%dma_wait3A_189 : memref<128x128xf32, #tpu.memory_space<vmem>>) dst(%dma_wait3A_195 : memref<5128x128xf32, #tpu.memory_space<vmem_shared>>)
          tpu.yield
        }) : () -> ()
        %add3A_169 = arith.constant 2 : i32
        %add3A_170 = arith.addi %add3A_118, %add3A_169 : i32
        %lt3A_171 = arith.cmpi slt, %add3A_170, %squeeze3A : i32
        %convert_element_type3A_172 = arith.extui %lt3A_171 : i1 to i32
        %cond3A_173 = arith.constant 1 : i32
        %cond3A_174 = arith.constant 0 : i32
        %cond3A_175 = arith.cmpi ne, %convert_element_type3A_172, %cond3A_174 : i32
        scf.if %cond3A_175 {
          %add3A_176 = arith.constant 2 : i32
          %add3A_177 = arith.addi %add3A_118, %add3A_176 : i32
          %dma_start3A = arith.constant 0 : i32
          %dma_start3A_178 = arith.constant 0 : i32
          %dma_start3A_179 = arith.constant 0 : i32
          %dma_start3A_180 = tpu.memref_slice %arg9[%cond3A_173, %dma_start3A_178, %dma_start3A_179] : memref<2x128x128xf32, #tpu.memory_space<vmem>> -> memref<1x128x128xf32, #tpu.memory_space<vmem>>
          %dma_start3A_181 = tpu.memref_squeeze %dma_start3A_180 : memref<1x128x128xf32, #tpu.memory_space<vmem>> -> memref<128x128xf32, #tpu.memory_space<vmem>>
          %dma_start3A_182 = arith.constant 0 : i32
          %dma_start3A_183 = tpu.memref_slice %arg7[%dma_start3A, %add3A_177, %dma_start3A_182] : memref<2x80x128xi32, #tpu.memory_space<vmem>> -> memref<1x1x128xi32, #tpu.memory_space<vmem>>
          %dma_start3A_184 = tpu.memref_squeeze %dma_start3A_183 : memref<1x1x128xi32, #tpu.memory_space<vmem>> -> memref<128xi32, #tpu.memory_space<vmem>>
          %dma_start3A_185 = arith.constant 0 : i32
          %dma_start3A_186 = arith.constant 0 : i32
          %dma_start3A_187 = tpu.memref_slice %arg2[%dma_start3A_185, %dma_start3A_186] : memref<10240x128xf32, #tpu.memory_space<hbm>> -> memref<10240x128xf32, #tpu.memory_space<hbm>>
          tpu.enqueue_indirect_dma source(%dma_start3A_187 : memref<10240x128xf32, #tpu.memory_space<hbm>>) target(%dma_start3A_181 : memref<128x128xf32, #tpu.memory_space<vmem>>) offsets(%dma_start3A_184 : memref<128xi32, #tpu.memory_space<vmem>>) semaphore(%arg13 : memref<!tpu.dma_semaphore, #tpu.memory_space<semaphore_mem>>)
        } else {
        }
      } else {
      }
      %while3A_155 = arith.constant 0 : i32
      scf.yield %while3A_155 : i32
    }
    %while3A_50 = arith.constant 1 : i32
    %while3A_51 = scf.for %while3A_116 = %while3A_47 to %while3A_43 step %while3A_50 iter_args(%while3A_117 = %while3A_49) -> (i32)  : i32 {
      %add3A_118 = arith.addi %while3A, %while3A_116 : i32
      %jit3A = arith.constant 2 : i32
      %eq3A = arith.constant 0 : i32
      %eq3A_119 = arith.cmpi eq, %jit3A, %eq3A : i32
      %jit3A_120 = arith.constant 1 : i32
      %select_n3A = arith.select %eq3A_119, %jit3A_120, %jit3A : i32
      %rem3A = arith.remsi %while3A_116, %select_n3A : i32
      %ne3A = arith.constant 0 : i32
      %ne3A_121 = arith.cmpi ne, %rem3A, %ne3A : i32
      %lt3A_122 = arith.constant 0 : i32
      %lt3A_123 = arith.cmpi slt, %rem3A, %lt3A_122 : i32
      %lt3A_124 = arith.constant 0 : i32
      %lt3A_125 = arith.cmpi slt, %select_n3A, %lt3A_124 : i32
      %ne3A_126 = arith.xori %lt3A_123, %lt3A_125 : i1
      %and3A = arith.andi %ne3A_126, %ne3A_121 : i1
      %add3A_127 = arith.addi %rem3A, %select_n3A : i32
      %select_n3A_128 = arith.select %and3A, %add3A_127, %rem3A : i32
      %eq3A_129 = arith.constant 0 : i32
      %eq3A_130 = arith.cmpi eq, %select_n3A_128, %eq3A_129 : i32
      %convert_element_type3A_131 = arith.extui %eq3A_130 : i1 to i32
      %cond3A_132 = arith.constant 0 : i32
      %cond3A_133 = arith.cmpi ne, %convert_element_type3A_131, %cond3A_132 : i32
      scf.if %cond3A_133 {
        %dma_wait3A = arith.constant 0 : i32
        %dma_wait3A_156 = arith.constant 0 : i32
        %dma_wait3A_157 = arith.constant 0 : i32
        %dma_wait3A_158 = arith.constant 0 : i32
        %dma_wait3A_159 = tpu.memref_slice %arg9[%dma_wait3A_156, %dma_wait3A_157, %dma_wait3A_158] : memref<2x128x128xf32, #tpu.memory_space<vmem>> -> memref<1x128x128xf32, #tpu.memory_space<vmem>>
        %dma_wait3A_160 = tpu.memref_squeeze %dma_wait3A_159 : memref<1x128x128xf32, #tpu.memory_space<vmem>> -> memref<128x128xf32, #tpu.memory_space<vmem>>
        %dma_wait3A_161 = arith.constant 0 : i32
        %dma_wait3A_162 = tpu.memref_slice %arg7[%dma_wait3A, %add3A_118, %dma_wait3A_161] : memref<2x80x128xi32, #tpu.memory_space<vmem>> -> memref<1x1x128xi32, #tpu.memory_space<vmem>>
        %dma_wait3A_163 = tpu.memref_squeeze %dma_wait3A_162 : memref<1x1x128xi32, #tpu.memory_space<vmem>> -> memref<128xi32, #tpu.memory_space<vmem>>
        %dma_wait3A_164 = arith.constant 0 : i32
        %dma_wait3A_165 = arith.constant 0 : i32
        %dma_wait3A_166 = tpu.memref_slice %arg2[%dma_wait3A_164, %dma_wait3A_165] : memref<10240x128xf32, #tpu.memory_space<hbm>> -> memref<10240x128xf32, #tpu.memory_space<hbm>>
        tpu.wait_indirect_dma semaphore(%arg12 : memref<!tpu.dma_semaphore, #tpu.memory_space<semaphore_mem>>) src(%dma_wait3A_166 : memref<10240x128xf32, #tpu.memory_space<hbm>>) dst(%dma_wait3A_160 : memref<128x128xf32, #tpu.memory_space<vmem>>)
        %run_scoped3A_167 = arith.constant 0 : i32
        %run_scoped3A_168 = arith.constant 0 : i32
        "tpu.region"() ({
          %run_scoped3A_176 = tpu.sem_alloc : memref<!tpu.dma_semaphore, #tpu.memory_space<semaphore_mem>>
          %dma_start3A = arith.constant 0 : i32
          %dma_start3A_177 = arith.constant 0 : i32
          %dma_start3A_178 = tpu.memref_slice %arg9[%run_scoped3A_167, %dma_start3A, %dma_start3A_177] : memref<2x128x128xf32, #tpu.memory_space<vmem>> -> memref<1x128x128xf32, #tpu.memory_space<vmem>>
          %dma_start3A_179 = tpu.memref_squeeze %dma_start3A_178 : memref<1x128x128xf32, #tpu.memory_space<vmem>> -> memref<128x128xf32, #tpu.memory_space<vmem>>
          %dma_start3A_180 = arith.constant 0 : i32
          %dma_start3A_181 = tpu.memref_slice %arg8[%run_scoped3A_168, %add3A_118, %dma_start3A_180] : memref<2x80x128xi32, #tpu.memory_space<vmem>> -> memref<1x1x128xi32, #tpu.memory_space<vmem>>
          %dma_start3A_182 = tpu.memref_squeeze %dma_start3A_181 : memref<1x1x128xi32, #tpu.memory_space<vmem>> -> memref<128xi32, #tpu.memory_space<vmem>>
          %dma_start3A_183 = arith.constant 0 : i32
          %dma_start3A_184 = arith.constant 0 : i32
          %dma_start3A_185 = tpu.memref_slice %arg10[%dma_start3A_183, %dma_start3A_184] : memref<5128x128xf32, #tpu.memory_space<vmem_shared>> -> memref<5128x128xf32, #tpu.memory_space<vmem_shared>>
          tpu.enqueue_indirect_dma source(%dma_start3A_179 : memref<128x128xf32, #tpu.memory_space<vmem>>) target(%dma_start3A_185 : memref<5128x128xf32, #tpu.memory_space<vmem_shared>>) offsets(%dma_start3A_182 : memref<128xi32, #tpu.memory_space<vmem>>) semaphore(%run_scoped3A_176 : memref<!tpu.dma_semaphore, #tpu.memory_space<semaphore_mem>>) {add = true}
          %dma_wait3A_186 = arith.constant 0 : i32
          %dma_wait3A_187 = arith.constant 0 : i32
          %dma_wait3A_188 = tpu.memref_slice %arg9[%run_scoped3A_167, %dma_wait3A_186, %dma_wait3A_187] : memref<2x128x128xf32, #tpu.memory_space<vmem>> -> memref<1x128x128xf32, #tpu.memory_space<vmem>>
          %dma_wait3A_189 = tpu.memref_squeeze %dma_wait3A_188 : memref<1x128x128xf32, #tpu.memory_space<vmem>> -> memref<128x128xf32, #tpu.memory_space<vmem>>
          %dma_wait3A_190 = arith.constant 0 : i32
          %dma_wait3A_191 = tpu.memref_slice %arg8[%run_scoped3A_168, %add3A_118, %dma_wait3A_190] : memref<2x80x128xi32, #tpu.memory_space<vmem>> -> memref<1x1x128xi32, #tpu.memory_space<vmem>>
          %dma_wait3A_192 = tpu.memref_squeeze %dma_wait3A_191 : memref<1x1x128xi32, #tpu.memory_space<vmem>> -> memref<128xi32, #tpu.memory_space<vmem>>
          %dma_wait3A_193 = arith.constant 0 : i32
          %dma_wait3A_194 = arith.constant 0 : i32
          %dma_wait3A_195 = tpu.memref_slice %arg10[%dma_wait3A_193, %dma_wait3A_194] : memref<5128x128xf32, #tpu.memory_space<vmem_shared>> -> memref<5128x128xf32, #tpu.memory_space<vmem_shared>>
          tpu.wait_indirect_dma semaphore(%run_scoped3A_176 : memref<!tpu.dma_semaphore, #tpu.memory_space<semaphore_mem>>) src(%dma_wait3A_189 : memref<128x128xf32, #tpu.memory_space<vmem>>) dst(%dma_wait3A_195 : memref<5128x128xf32, #tpu.memory_space<vmem_shared>>)
          tpu.yield
        }) : () -> ()
        %add3A_169 = arith.constant 2 : i32
        %add3A_170 = arith.addi %add3A_118, %add3A_169 : i32
        %lt3A_171 = arith.cmpi slt, %add3A_170, %squeeze3A : i32
        %convert_element_type3A_172 = arith.extui %lt3A_171 : i1 to i32
        %cond3A_173 = arith.constant 0 : i32
        %cond3A_174 = arith.constant 0 : i32
        %cond3A_175 = arith.cmpi ne, %convert_element_type3A_172, %cond3A_174 : i32
        scf.if %cond3A_175 {
          %add3A_176 = arith.constant 2 : i32
          %add3A_177 = arith.addi %add3A_118, %add3A_176 : i32
          %dma_start3A = arith.constant 0 : i32
          %dma_start3A_178 = arith.constant 0 : i32
          %dma_start3A_179 = arith.constant 0 : i32
          %dma_start3A_180 = tpu.memref_slice %arg9[%cond3A_173, %dma_start3A_178, %dma_start3A_179] : memref<2x128x128xf32, #tpu.memory_space<vmem>> -> memref<1x128x128xf32, #tpu.memory_space<vmem>>
          %dma_start3A_181 = tpu.memref_squeeze %dma_start3A_180 : memref<1x128x128xf32, #tpu.memory_space<vmem>> -> memref<128x128xf32, #tpu.memory_space<vmem>>
          %dma_start3A_182 = arith.constant 0 : i32
          %dma_start3A_183 = tpu.memref_slice %arg7[%dma_start3A, %add3A_177, %dma_start3A_182] : memref<2x80x128xi32, #tpu.memory_space<vmem>> -> memref<1x1x128xi32, #tpu.memory_space<vmem>>
          %dma_start3A_184 = tpu.memref_squeeze %dma_start3A_183 : memref<1x1x128xi32, #tpu.memory_space<vmem>> -> memref<128xi32, #tpu.memory_space<vmem>>
          %dma_start3A_185 = arith.constant 0 : i32
          %dma_start3A_186 = arith.constant 0 : i32
          %dma_start3A_187 = tpu.memref_slice %arg2[%dma_start3A_185, %dma_start3A_186] : memref<10240x128xf32, #tpu.memory_space<hbm>> -> memref<10240x128xf32, #tpu.memory_space<hbm>>
          tpu.enqueue_indirect_dma source(%dma_start3A_187 : memref<10240x128xf32, #tpu.memory_space<hbm>>) target(%dma_start3A_181 : memref<128x128xf32, #tpu.memory_space<vmem>>) offsets(%dma_start3A_184 : memref<128xi32, #tpu.memory_space<vmem>>) semaphore(%arg12 : memref<!tpu.dma_semaphore, #tpu.memory_space<semaphore_mem>>)
        } else {
        }
      } else {
      }
      %jit3A_134 = arith.constant 2 : i32
      %eq3A_135 = arith.constant 0 : i32
      %eq3A_136 = arith.cmpi eq, %jit3A_134, %eq3A_135 : i32
      %jit3A_137 = arith.constant 1 : i32
      %select_n3A_138 = arith.select %eq3A_136, %jit3A_137, %jit3A_134 : i32
      %rem3A_139 = arith.remsi %while3A_116, %select_n3A_138 : i32
      %ne3A_140 = arith.constant 0 : i32
      %ne3A_141 = arith.cmpi ne, %rem3A_139, %ne3A_140 : i32
      %lt3A_142 = arith.constant 0 : i32
      %lt3A_143 = arith.cmpi slt, %rem3A_139, %lt3A_142 : i32
      %lt3A_144 = arith.constant 0 : i32
      %lt3A_145 = arith.cmpi slt, %select_n3A_138, %lt3A_144 : i32
      %ne3A_146 = arith.xori %lt3A_143, %lt3A_145 : i1
      %and3A_147 = arith.andi %ne3A_146, %ne3A_141 : i1
      %add3A_148 = arith.addi %rem3A_139, %select_n3A_138 : i32
      %select_n3A_149 = arith.select %and3A_147, %add3A_148, %rem3A_139 : i32
      %eq3A_150 = arith.constant 1 : i32
      %eq3A_151 = arith.cmpi eq, %select_n3A_149, %eq3A_150 : i32
      %convert_element_type3A_152 = arith.extui %eq3A_151 : i1 to i32
      %cond3A_153 = arith.constant 0 : i32
      %cond3A_154 = arith.cmpi ne, %convert_element_type3A_152, %cond3A_153 : i32
      scf.if %cond3A_154 {
        %dma_wait3A = arith.constant 0 : i32
        %dma_wait3A_156 = arith.constant 1 : i32
        %dma_wait3A_157 = arith.constant 0 : i32
        %dma_wait3A_158 = arith.constant 0 : i32
        %dma_wait3A_159 = tpu.memref_slice %arg9[%dma_wait3A_156, %dma_wait3A_157, %dma_wait3A_158] : memref<2x128x128xf32, #tpu.memory_space<vmem>> -> memref<1x128x128xf32, #tpu.memory_space<vmem>>
        %dma_wait3A_160 = tpu.memref_squeeze %dma_wait3A_159 : memref<1x128x128xf32, #tpu.memory_space<vmem>> -> memref<128x128xf32, #tpu.memory_space<vmem>>
        %dma_wait3A_161 = arith.constant 0 : i32
        %dma_wait3A_162 = tpu.memref_slice %arg7[%dma_wait3A, %add3A_118, %dma_wait3A_161] : memref<2x80x128xi32, #tpu.memory_space<vmem>> -> memref<1x1x128xi32, #tpu.memory_space<vmem>>
        %dma_wait3A_163 = tpu.memref_squeeze %dma_wait3A_162 : memref<1x1x128xi32, #tpu.memory_space<vmem>> -> memref<128xi32, #tpu.memory_space<vmem>>
        %dma_wait3A_164 = arith.constant 0 : i32
        %dma_wait3A_165 = arith.constant 0 : i32
        %dma_wait3A_166 = tpu.memref_slice %arg2[%dma_wait3A_164, %dma_wait3A_165] : memref<10240x128xf32, #tpu.memory_space<hbm>> -> memref<10240x128xf32, #tpu.memory_space<hbm>>
        tpu.wait_indirect_dma semaphore(%arg13 : memref<!tpu.dma_semaphore, #tpu.memory_space<semaphore_mem>>) src(%dma_wait3A_166 : memref<10240x128xf32, #tpu.memory_space<hbm>>) dst(%dma_wait3A_160 : memref<128x128xf32, #tpu.memory_space<vmem>>)
        %run_scoped3A_167 = arith.constant 1 : i32
        %run_scoped3A_168 = arith.constant 0 : i32
        "tpu.region"() ({
          %run_scoped3A_176 = tpu.sem_alloc : memref<!tpu.dma_semaphore, #tpu.memory_space<semaphore_mem>>
          %dma_start3A = arith.constant 0 : i32
          %dma_start3A_177 = arith.constant 0 : i32
          %dma_start3A_178 = tpu.memref_slice %arg9[%run_scoped3A_167, %dma_start3A, %dma_start3A_177] : memref<2x128x128xf32, #tpu.memory_space<vmem>> -> memref<1x128x128xf32, #tpu.memory_space<vmem>>
          %dma_start3A_179 = tpu.memref_squeeze %dma_start3A_178 : memref<1x128x128xf32, #tpu.memory_space<vmem>> -> memref<128x128xf32, #tpu.memory_space<vmem>>
          %dma_start3A_180 = arith.constant 0 : i32
          %dma_start3A_181 = tpu.memref_slice %arg8[%run_scoped3A_168, %add3A_118, %dma_start3A_180] : memref<2x80x128xi32, #tpu.memory_space<vmem>> -> memref<1x1x128xi32, #tpu.memory_space<vmem>>
          %dma_start3A_182 = tpu.memref_squeeze %dma_start3A_181 : memref<1x1x128xi32, #tpu.memory_space<vmem>> -> memref<128xi32, #tpu.memory_space<vmem>>
          %dma_start3A_183 = arith.constant 0 : i32
          %dma_start3A_184 = arith.constant 0 : i32
          %dma_start3A_185 = tpu.memref_slice %arg10[%dma_start3A_183, %dma_start3A_184] : memref<5128x128xf32, #tpu.memory_space<vmem_shared>> -> memref<5128x128xf32, #tpu.memory_space<vmem_shared>>
          tpu.enqueue_indirect_dma source(%dma_start3A_179 : memref<128x128xf32, #tpu.memory_space<vmem>>) target(%dma_start3A_185 : memref<5128x128xf32, #tpu.memory_space<vmem_shared>>) offsets(%dma_start3A_182 : memref<128xi32, #tpu.memory_space<vmem>>) semaphore(%run_scoped3A_176 : memref<!tpu.dma_semaphore, #tpu.memory_space<semaphore_mem>>) {add = true}
          %dma_wait3A_186 = arith.constant 0 : i32
          %dma_wait3A_187 = arith.constant 0 : i32
          %dma_wait3A_188 = tpu.memref_slice %arg9[%run_scoped3A_167, %dma_wait3A_186, %dma_wait3A_187] : memref<2x128x128xf32, #tpu.memory_space<vmem>> -> memref<1x128x128xf32, #tpu.memory_space<vmem>>
          %dma_wait3A_189 = tpu.memref_squeeze %dma_wait3A_188 : memref<1x128x128xf32, #tpu.memory_space<vmem>> -> memref<128x128xf32, #tpu.memory_space<vmem>>
          %dma_wait3A_190 = arith.constant 0 : i32
          %dma_wait3A_191 = tpu.memref_slice %arg8[%run_scoped3A_168, %add3A_118, %dma_wait3A_190] : memref<2x80x128xi32, #tpu.memory_space<vmem>> -> memref<1x1x128xi32, #tpu.memory_space<vmem>>
          %dma_wait3A_192 = tpu.memref_squeeze %dma_wait3A_191 : memref<1x1x128xi32, #tpu.memory_space<vmem>> -> memref<128xi32, #tpu.memory_space<vmem>>
          %dma_wait3A_193 = arith.constant 0 : i32
          %dma_wait3A_194 = arith.constant 0 : i32
          %dma_wait3A_195 = tpu.memref_slice %arg10[%dma_wait3A_193, %dma_wait3A_194] : memref<5128x128xf32, #tpu.memory_space<vmem_shared>> -> memref<5128x128xf32, #tpu.memory_space<vmem_shared>>
          tpu.wait_indirect_dma semaphore(%run_scoped3A_176 : memref<!tpu.dma_semaphore, #tpu.memory_space<semaphore_mem>>) src(%dma_wait3A_189 : memref<128x128xf32, #tpu.memory_space<vmem>>) dst(%dma_wait3A_195 : memref<5128x128xf32, #tpu.memory_space<vmem_shared>>)
          tpu.yield
        }) : () -> ()
        %add3A_169 = arith.constant 2 : i32
        %add3A_170 = arith.addi %add3A_118, %add3A_169 : i32
        %lt3A_171 = arith.cmpi slt, %add3A_170, %squeeze3A : i32
        %convert_element_type3A_172 = arith.extui %lt3A_171 : i1 to i32
        %cond3A_173 = arith.constant 1 : i32
        %cond3A_174 = arith.constant 0 : i32
        %cond3A_175 = arith.cmpi ne, %convert_element_type3A_172, %cond3A_174 : i32
        scf.if %cond3A_175 {
          %add3A_176 = arith.constant 2 : i32
          %add3A_177 = arith.addi %add3A_118, %add3A_176 : i32
          %dma_start3A = arith.constant 0 : i32
          %dma_start3A_178 = arith.constant 0 : i32
          %dma_start3A_179 = arith.constant 0 : i32
          %dma_start3A_180 = tpu.memref_slice %arg9[%cond3A_173, %dma_start3A_178, %dma_start3A_179] : memref<2x128x128xf32, #tpu.memory_space<vmem>> -> memref<1x128x128xf32, #tpu.memory_space<vmem>>
          %dma_start3A_181 = tpu.memref_squeeze %dma_start3A_180 : memref<1x128x128xf32, #tpu.memory_space<vmem>> -> memref<128x128xf32, #tpu.memory_space<vmem>>
          %dma_start3A_182 = arith.constant 0 : i32
          %dma_start3A_183 = tpu.memref_slice %arg7[%dma_start3A, %add3A_177, %dma_start3A_182] : memref<2x80x128xi32, #tpu.memory_space<vmem>> -> memref<1x1x128xi32, #tpu.memory_space<vmem>>
          %dma_start3A_184 = tpu.memref_squeeze %dma_start3A_183 : memref<1x1x128xi32, #tpu.memory_space<vmem>> -> memref<128xi32, #tpu.memory_space<vmem>>
          %dma_start3A_185 = arith.constant 0 : i32
          %dma_start3A_186 = arith.constant 0 : i32
          %dma_start3A_187 = tpu.memref_slice %arg2[%dma_start3A_185, %dma_start3A_186] : memref<10240x128xf32, #tpu.memory_space<hbm>> -> memref<10240x128xf32, #tpu.memory_space<hbm>>
          tpu.enqueue_indirect_dma source(%dma_start3A_187 : memref<10240x128xf32, #tpu.memory_space<hbm>>) target(%dma_start3A_181 : memref<128x128xf32, #tpu.memory_space<vmem>>) offsets(%dma_start3A_184 : memref<128xi32, #tpu.memory_space<vmem>>) semaphore(%arg13 : memref<!tpu.dma_semaphore, #tpu.memory_space<semaphore_mem>>)
        } else {
        }
      } else {
      }
      %while3A_155 = arith.constant 0 : i32
      scf.yield %while3A_155 : i32
    }
    %barrier3A_52 = arith.constant 0 : index
    tpu.barrier barrier_id(%barrier3A_52)
    %mul3A_53 = arith.constant 320 : i32
    %mul3A_54 = arith.muli %arg1, %mul3A_53 : i32
    %mul3A_55 = arith.constant 320 : i32
    %mul3A_56 = arith.muli %arg1, %mul3A_55 : i32
    %add3A_57 = arith.constant 0 : i32
    %add3A_58 = arith.addi %add3A_57, %mul3A_56 : i32
    "tpu.region"() ({
      %run_scoped3A_116 = tpu.sem_alloc : memref<!tpu.dma_semaphore, #tpu.memory_space<semaphore_mem>>
      %dma_start3A = arith.constant 0 : i32
      %dma_start3A_117 = tpu.memref_slice %arg6[%arg0, %add3A_58, %dma_start3A] : memref<2x10240x128xf32, #tpu.memory_space<hbm>> -> memref<1x320x128xf32, #tpu.memory_space<hbm>>
      %dma_start3A_118 = tpu.memref_squeeze %dma_start3A_117 : memref<1x320x128xf32, #tpu.memory_space<hbm>> -> memref<320x128xf32, #tpu.memory_space<hbm>>
      %dma_start3A_119 = arith.constant 0 : i32
      %dma_start3A_120 = tpu.memref_slice %arg10[%mul3A_54, %dma_start3A_119] : memref<5128x128xf32, #tpu.memory_space<vmem_shared>> -> memref<320x128xf32, #tpu.memory_space<vmem_shared>>
      tpu.enqueue_dma source(%dma_start3A_120 : memref<320x128xf32, #tpu.memory_space<vmem_shared>>) target(%dma_start3A_118 : memref<320x128xf32, #tpu.memory_space<hbm>>) target_semaphore(%run_scoped3A_116 : memref<!tpu.dma_semaphore, #tpu.memory_space<semaphore_mem>>)
      %dma_wait3A = arith.constant 0 : i32
      %dma_wait3A_121 = tpu.memref_slice %arg6[%arg0, %add3A_58, %dma_wait3A] : memref<2x10240x128xf32, #tpu.memory_space<hbm>> -> memref<1x320x128xf32, #tpu.memory_space<hbm>>
      %dma_wait3A_122 = tpu.memref_squeeze %dma_wait3A_121 : memref<1x320x128xf32, #tpu.memory_space<hbm>> -> memref<320x128xf32, #tpu.memory_space<hbm>>
      %dma_wait3A_123 = arith.constant 0 : i32
      %dma_wait3A_124 = tpu.memref_slice %arg10[%mul3A_54, %dma_wait3A_123] : memref<5128x128xf32, #tpu.memory_space<vmem_shared>> -> memref<320x128xf32, #tpu.memory_space<vmem_shared>>
      tpu.wait_dma2 semaphore(%run_scoped3A_116 : memref<!tpu.dma_semaphore, #tpu.memory_space<semaphore_mem>>) src(%dma_wait3A_124 : memref<320x128xf32, #tpu.memory_space<vmem_shared>>) dst(%dma_wait3A_122 : memref<320x128xf32, #tpu.memory_space<hbm>>)
      tpu.yield
    }) : () -> ()
    %scan3A_59 = arith.constant 0 : i32
    %scan3A_60 = arith.constant 0 : i32
    %scan3A_61 = arith.constant 128 : i32
    %scan3A_62 = arith.addi %scan3A_60, %scan3A_61 : i32
    %scan3A_63 = arith.constant 1 : i32
    %scan3A_64 = scf.for %scan3A_116 = %scan3A_60 to %scan3A_62 step %scan3A_63 iter_args(%scan3A_117 = %scan3A_59) -> (i32)  : i32 {
      %broadcast_in_dim3A = arith.constant 0.000000e+00 : f32
      %broadcast_in_dim3A_118 = vector.broadcast %broadcast_in_dim3A : f32 to vector<16xf32>
      %swap3A = arith.constant 0 : i32
      %swap3A_119 = arith.index_cast %swap3A : i32 to index
      %swap3A_120 = arith.index_cast %scan3A_116 : i32 to index
      %swap3A_121 = arith.constant 0 : index
      %swap3A_122 = tpu.vector_load %arg9[%swap3A_119, %swap3A_120, %swap3A_121] {strides = array<i32>} : memref<2x128x128xf32, #tpu.memory_space<vmem>>, vector<1x1x16xf32>,
      %swap3A_123 = vector.shape_cast %swap3A_122 : vector<1x1x16xf32> to vector<16xf32>
      %swap3A_124 = vector.shape_cast %broadcast_in_dim3A_118 : vector<16xf32> to vector<1x1x16xf32>
      tpu.vector_store %arg9[%swap3A_119, %swap3A_120, %swap3A_121], %swap3A_124 {strides = array<i32>} : memref<2x128x128xf32, #tpu.memory_space<vmem>>, vector<1x1x16xf32>,
      %broadcast_in_dim3A_125 = arith.constant 0.000000e+00 : f32
      %broadcast_in_dim3A_126 = vector.broadcast %broadcast_in_dim3A_125 : f32 to vector<16xf32>
      %swap3A_127 = arith.constant 0 : i32
      %swap3A_128 = arith.index_cast %swap3A_127 : i32 to index
      %swap3A_129 = arith.index_cast %scan3A_116 : i32 to index
      %swap3A_130 = arith.constant 16 : index
      %swap3A_131 = tpu.vector_load %arg9[%swap3A_128, %swap3A_129, %swap3A_130] {strides = array<i32>} : memref<2x128x128xf32, #tpu.memory_space<vmem>>, vector<1x1x16xf32>,
      %swap3A_132 = vector.shape_cast %swap3A_131 : vector<1x1x16xf32> to vector<16xf32>
      %swap3A_133 = vector.shape_cast %broadcast_in_dim3A_126 : vector<16xf32> to vector<1x1x16xf32>
      tpu.vector_store %arg9[%swap3A_128, %swap3A_129, %swap3A_130], %swap3A_133 {strides = array<i32>} : memref<2x128x128xf32, #tpu.memory_space<vmem>>, vector<1x1x16xf32>,
      %broadcast_in_dim3A_134 = arith.constant 0.000000e+00 : f32
      %broadcast_in_dim3A_135 = vector.broadcast %broadcast_in_dim3A_134 : f32 to vector<16xf32>
      %swap3A_136 = arith.constant 0 : i32
      %swap3A_137 = arith.index_cast %swap3A_136 : i32 to index
      %swap3A_138 = arith.index_cast %scan3A_116 : i32 to index
      %swap3A_139 = arith.constant 32 : index
      %swap3A_140 = tpu.vector_load %arg9[%swap3A_137, %swap3A_138, %swap3A_139] {strides = array<i32>} : memref<2x128x128xf32, #tpu.memory_space<vmem>>, vector<1x1x16xf32>,
      %swap3A_141 = vector.shape_cast %swap3A_140 : vector<1x1x16xf32> to vector<16xf32>
      %swap3A_142 = vector.shape_cast %broadcast_in_dim3A_135 : vector<16xf32> to vector<1x1x16xf32>
      tpu.vector_store %arg9[%swap3A_137, %swap3A_138, %swap3A_139], %swap3A_142 {strides = array<i32>} : memref<2x128x128xf32, #tpu.memory_space<vmem>>, vector<1x1x16xf32>,
      %broadcast_in_dim3A_143 = arith.constant 0.000000e+00 : f32
      %broadcast_in_dim3A_144 = vector.broadcast %broadcast_in_dim3A_143 : f32 to vector<16xf32>
      %swap3A_145 = arith.constant 0 : i32
      %swap3A_146 = arith.index_cast %swap3A_145 : i32 to index
      %swap3A_147 = arith.index_cast %scan3A_116 : i32 to index
      %swap3A_148 = arith.constant 48 : index
      %swap3A_149 = tpu.vector_load %arg9[%swap3A_146, %swap3A_147, %swap3A_148] {strides = array<i32>} : memref<2x128x128xf32, #tpu.memory_space<vmem>>, vector<1x1x16xf32>,
      %swap3A_150 = vector.shape_cast %swap3A_149 : vector<1x1x16xf32> to vector<16xf32>
      %swap3A_151 = vector.shape_cast %broadcast_in_dim3A_144 : vector<16xf32> to vector<1x1x16xf32>
      tpu.vector_store %arg9[%swap3A_146, %swap3A_147, %swap3A_148], %swap3A_151 {strides = array<i32>} : memref<2x128x128xf32, #tpu.memory_space<vmem>>, vector<1x1x16xf32>,
      %broadcast_in_dim3A_152 = arith.constant 0.000000e+00 : f32
      %broadcast_in_dim3A_153 = vector.broadcast %broadcast_in_dim3A_152 : f32 to vector<16xf32>
      %swap3A_154 = arith.constant 0 : i32
      %swap3A_155 = arith.index_cast %swap3A_154 : i32 to index
      %swap3A_156 = arith.index_cast %scan3A_116 : i32 to index
      %swap3A_157 = arith.constant 64 : index
      %swap3A_158 = tpu.vector_load %arg9[%swap3A_155, %swap3A_156, %swap3A_157] {strides = array<i32>} : memref<2x128x128xf32, #tpu.memory_space<vmem>>, vector<1x1x16xf32>,
      %swap3A_159 = vector.shape_cast %swap3A_158 : vector<1x1x16xf32> to vector<16xf32>
      %swap3A_160 = vector.shape_cast %broadcast_in_dim3A_153 : vector<16xf32> to vector<1x1x16xf32>
      tpu.vector_store %arg9[%swap3A_155, %swap3A_156, %swap3A_157], %swap3A_160 {strides = array<i32>} : memref<2x128x128xf32, #tpu.memory_space<vmem>>, vector<1x1x16xf32>,
      %broadcast_in_dim3A_161 = arith.constant 0.000000e+00 : f32
      %broadcast_in_dim3A_162 = vector.broadcast %broadcast_in_dim3A_161 : f32 to vector<16xf32>
      %swap3A_163 = arith.constant 0 : i32
      %swap3A_164 = arith.index_cast %swap3A_163 : i32 to index
      %swap3A_165 = arith.index_cast %scan3A_116 : i32 to index
      %swap3A_166 = arith.constant 80 : index
      %swap3A_167 = tpu.vector_load %arg9[%swap3A_164, %swap3A_165, %swap3A_166] {strides = array<i32>} : memref<2x128x128xf32, #tpu.memory_space<vmem>>, vector<1x1x16xf32>,
      %swap3A_168 = vector.shape_cast %swap3A_167 : vector<1x1x16xf32> to vector<16xf32>
      %swap3A_169 = vector.shape_cast %broadcast_in_dim3A_162 : vector<16xf32> to vector<1x1x16xf32>
      tpu.vector_store %arg9[%swap3A_164, %swap3A_165, %swap3A_166], %swap3A_169 {strides = array<i32>} : memref<2x128x128xf32, #tpu.memory_space<vmem>>, vector<1x1x16xf32>,
      %broadcast_in_dim3A_170 = arith.constant 0.000000e+00 : f32
      %broadcast_in_dim3A_171 = vector.broadcast %broadcast_in_dim3A_170 : f32 to vector<16xf32>
      %swap3A_172 = arith.constant 0 : i32
      %swap3A_173 = arith.index_cast %swap3A_172 : i32 to index
      %swap3A_174 = arith.index_cast %scan3A_116 : i32 to index
      %swap3A_175 = arith.constant 96 : index
      %swap3A_176 = tpu.vector_load %arg9[%swap3A_173, %swap3A_174, %swap3A_175] {strides = array<i32>} : memref<2x128x128xf32, #tpu.memory_space<vmem>>, vector<1x1x16xf32>,
      %swap3A_177 = vector.shape_cast %swap3A_176 : vector<1x1x16xf32> to vector<16xf32>
      %swap3A_178 = vector.shape_cast %broadcast_in_dim3A_171 : vector<16xf32> to vector<1x1x16xf32>
      tpu.vector_store %arg9[%swap3A_173, %swap3A_174, %swap3A_175], %swap3A_178 {strides = array<i32>} : memref<2x128x128xf32, #tpu.memory_space<vmem>>, vector<1x1x16xf32>,
      %broadcast_in_dim3A_179 = arith.constant 0.000000e+00 : f32
      %broadcast_in_dim3A_180 = vector.broadcast %broadcast_in_dim3A_179 : f32 to vector<16xf32>
      %swap3A_181 = arith.constant 0 : i32
      %swap3A_182 = arith.index_cast %swap3A_181 : i32 to index
      %swap3A_183 = arith.index_cast %scan3A_116 : i32 to index
      %swap3A_184 = arith.constant 112 : index
      %swap3A_185 = tpu.vector_load %arg9[%swap3A_182, %swap3A_183, %swap3A_184] {strides = array<i32>} : memref<2x128x128xf32, #tpu.memory_space<vmem>>, vector<1x1x16xf32>,
      %swap3A_186 = vector.shape_cast %swap3A_185 : vector<1x1x16xf32> to vector<16xf32>
      %swap3A_187 = vector.shape_cast %broadcast_in_dim3A_180 : vector<16xf32> to vector<1x1x16xf32>
      tpu.vector_store %arg9[%swap3A_182, %swap3A_183, %swap3A_184], %swap3A_187 {strides = array<i32>} : memref<2x128x128xf32, #tpu.memory_space<vmem>>, vector<1x1x16xf32>,
      %scan3A_188 = arith.constant 0 : i32
      scf.yield %scan3A_188 : i32
    }
    %scan3A_65 = arith.constant 128 : i32
    %mul3A_66 = arith.constant 320 : i32
    %mul3A_67 = arith.muli %arg1, %mul3A_66 : i32
    %run_scoped3A_68 = arith.constant 0 : i32
    "tpu.region"() ({
      %run_scoped3A_116 = tpu.sem_alloc : memref<!tpu.dma_semaphore, #tpu.memory_space<semaphore_mem>>
      %dma_start3A = arith.constant 0 : i32
      %dma_start3A_117 = arith.constant 0 : i32
      %dma_start3A_118 = tpu.memref_slice %arg9[%run_scoped3A_68, %dma_start3A, %dma_start3A_117] : memref<2x128x128xf32, #tpu.memory_space<vmem>> -> memref<1x128x128xf32, #tpu.memory_space<vmem>>
      %dma_start3A_119 = tpu.memref_squeeze %dma_start3A_118 : memref<1x128x128xf32, #tpu.memory_space<vmem>> -> memref<128x128xf32, #tpu.memory_space<vmem>>
      %dma_start3A_120 = arith.constant 0 : i32
      %dma_start3A_121 = tpu.memref_slice %arg10[%mul3A_67, %dma_start3A_120] : memref<5128x128xf32, #tpu.memory_space<vmem_shared>> -> memref<128x128xf32, #tpu.memory_space<vmem_shared>>
      %dma_start3A_122 = arith.constant 0 : i32
      %dma_start3A_123 = tpu.memref_slice %arg10[%mul3A_67, %dma_start3A_122] : memref<5128x128xf32, #tpu.memory_space<vmem_shared>> -> memref<128x128xf32, #tpu.memory_space<vmem_shared>>
      %dma_start3A_124 = arith.constant 0 : i32
      %dma_start3A_125 = arith.constant 0 : i32
      %dma_start3A_126 = tpu.memref_slice %arg9[%run_scoped3A_68, %dma_start3A_124, %dma_start3A_125] : memref<2x128x128xf32, #tpu.memory_space<vmem>> -> memref<1x128x128xf32, #tpu.memory_space<vmem>>
      %dma_start3A_127 = tpu.memref_squeeze %dma_start3A_126 : memref<1x128x128xf32, #tpu.memory_space<vmem>> -> memref<128x128xf32, #tpu.memory_space<vmem>>
      tpu.enqueue_dma source(%dma_start3A_127 : memref<128x128xf32, #tpu.memory_space<vmem>>) target(%dma_start3A_123 : memref<128x128xf32, #tpu.memory_space<vmem_shared>>) target_semaphore(%run_scoped3A_116 : memref<!tpu.dma_semaphore, #tpu.memory_space<semaphore_mem>>)
      %dma_wait3A = arith.constant 0 : i32
      %dma_wait3A_128 = arith.constant 0 : i32
      %dma_wait3A_129 = tpu.memref_slice %arg9[%run_scoped3A_68, %dma_wait3A, %dma_wait3A_128] : memref<2x128x128xf32, #tpu.memory_space<vmem>> -> memref<1x128x128xf32, #tpu.memory_space<vmem>>
      %dma_wait3A_130 = tpu.memref_squeeze %dma_wait3A_129 : memref<1x128x128xf32, #tpu.memory_space<vmem>> -> memref<128x128xf32, #tpu.memory_space<vmem>>
      %dma_wait3A_131 = arith.constant 0 : i32
      %dma_wait3A_132 = tpu.memref_slice %arg10[%mul3A_67, %dma_wait3A_131] : memref<5128x128xf32, #tpu.memory_space<vmem_shared>> -> memref<128x128xf32, #tpu.memory_space<vmem_shared>>
      %dma_wait3A_133 = arith.constant 0 : i32
      %dma_wait3A_134 = tpu.memref_slice %arg10[%mul3A_67, %dma_wait3A_133] : memref<5128x128xf32, #tpu.memory_space<vmem_shared>> -> memref<128x128xf32, #tpu.memory_space<vmem_shared>>
      %dma_wait3A_135 = arith.constant 0 : i32
      %dma_wait3A_136 = arith.constant 0 : i32
      %dma_wait3A_137 = tpu.memref_slice %arg9[%run_scoped3A_68, %dma_wait3A_135, %dma_wait3A_136] : memref<2x128x128xf32, #tpu.memory_space<vmem>> -> memref<1x128x128xf32, #tpu.memory_space<vmem>>
      %dma_wait3A_138 = tpu.memref_squeeze %dma_wait3A_137 : memref<1x128x128xf32, #tpu.memory_space<vmem>> -> memref<128x128xf32, #tpu.memory_space<vmem>>
      tpu.wait_dma2 semaphore(%run_scoped3A_116 : memref<!tpu.dma_semaphore, #tpu.memory_space<semaphore_mem>>) src(%dma_wait3A_138 : memref<128x128xf32, #tpu.memory_space<vmem>>) dst(%dma_wait3A_134 : memref<128x128xf32, #tpu.memory_space<vmem_shared>>)
      tpu.yield
    }) : () -> ()
    %mul3A_69 = arith.constant 320 : i32
    %mul3A_70 = arith.muli %arg1, %mul3A_69 : i32
    %add3A_71 = arith.constant 128 : i32
    %add3A_72 = arith.addi %mul3A_70, %add3A_71 : i32
    %run_scoped3A_73 = arith.constant 0 : i32
    "tpu.region"() ({
      %run_scoped3A_116 = tpu.sem_alloc : memref<!tpu.dma_semaphore, #tpu.memory_space<semaphore_mem>>
      %dma_start3A = arith.constant 0 : i32
      %dma_start3A_117 = arith.constant 0 : i32
      %dma_start3A_118 = tpu.memref_slice %arg9[%run_scoped3A_73, %dma_start3A, %dma_start3A_117] : memref<2x128x128xf32, #tpu.memory_space<vmem>> -> memref<1x128x128xf32, #tpu.memory_space<vmem>>
      %dma_start3A_119 = tpu.memref_squeeze %dma_start3A_118 : memref<1x128x128xf32, #tpu.memory_space<vmem>> -> memref<128x128xf32, #tpu.memory_space<vmem>>
      %dma_start3A_120 = arith.constant 0 : i32
      %dma_start3A_121 = tpu.memref_slice %arg10[%add3A_72, %dma_start3A_120] : memref<5128x128xf32, #tpu.memory_space<vmem_shared>> -> memref<128x128xf32, #tpu.memory_space<vmem_shared>>
      %dma_start3A_122 = arith.constant 0 : i32
      %dma_start3A_123 = tpu.memref_slice %arg10[%add3A_72, %dma_start3A_122] : memref<5128x128xf32, #tpu.memory_space<vmem_shared>> -> memref<128x128xf32, #tpu.memory_space<vmem_shared>>
      %dma_start3A_124 = arith.constant 0 : i32
      %dma_start3A_125 = arith.constant 0 : i32
      %dma_start3A_126 = tpu.memref_slice %arg9[%run_scoped3A_73, %dma_start3A_124, %dma_start3A_125] : memref<2x128x128xf32, #tpu.memory_space<vmem>> -> memref<1x128x128xf32, #tpu.memory_space<vmem>>
      %dma_start3A_127 = tpu.memref_squeeze %dma_start3A_126 : memref<1x128x128xf32, #tpu.memory_space<vmem>> -> memref<128x128xf32, #tpu.memory_space<vmem>>
      tpu.enqueue_dma source(%dma_start3A_127 : memref<128x128xf32, #tpu.memory_space<vmem>>) target(%dma_start3A_123 : memref<128x128xf32, #tpu.memory_space<vmem_shared>>) target_semaphore(%run_scoped3A_116 : memref<!tpu.dma_semaphore, #tpu.memory_space<semaphore_mem>>)
      %dma_wait3A = arith.constant 0 : i32
      %dma_wait3A_128 = arith.constant 0 : i32
      %dma_wait3A_129 = tpu.memref_slice %arg9[%run_scoped3A_73, %dma_wait3A, %dma_wait3A_128] : memref<2x128x128xf32, #tpu.memory_space<vmem>> -> memref<1x128x128xf32, #tpu.memory_space<vmem>>
      %dma_wait3A_130 = tpu.memref_squeeze %dma_wait3A_129 : memref<1x128x128xf32, #tpu.memory_space<vmem>> -> memref<128x128xf32, #tpu.memory_space<vmem>>
      %dma_wait3A_131 = arith.constant 0 : i32
      %dma_wait3A_132 = tpu.memref_slice %arg10[%add3A_72, %dma_wait3A_131] : memref<5128x128xf32, #tpu.memory_space<vmem_shared>> -> memref<128x128xf32, #tpu.memory_space<vmem_shared>>
      %dma_wait3A_133 = arith.constant 0 : i32
      %dma_wait3A_134 = tpu.memref_slice %arg10[%add3A_72, %dma_wait3A_133] : memref<5128x128xf32, #tpu.memory_space<vmem_shared>> -> memref<128x128xf32, #tpu.memory_space<vmem_shared>>
      %dma_wait3A_135 = arith.constant 0 : i32
      %dma_wait3A_136 = arith.constant 0 : i32
      %dma_wait3A_137 = tpu.memref_slice %arg9[%run_scoped3A_73, %dma_wait3A_135, %dma_wait3A_136] : memref<2x128x128xf32, #tpu.memory_space<vmem>> -> memref<1x128x128xf32, #tpu.memory_space<vmem>>
      %dma_wait3A_138 = tpu.memref_squeeze %dma_wait3A_137 : memref<1x128x128xf32, #tpu.memory_space<vmem>> -> memref<128x128xf32, #tpu.memory_space<vmem>>
      tpu.wait_dma2 semaphore(%run_scoped3A_116 : memref<!tpu.dma_semaphore, #tpu.memory_space<semaphore_mem>>) src(%dma_wait3A_138 : memref<128x128xf32, #tpu.memory_space<vmem>>) dst(%dma_wait3A_134 : memref<128x128xf32, #tpu.memory_space<vmem_shared>>)
      tpu.yield
    }) : () -> ()
    %mul3A_74 = arith.constant 320 : i32
    %mul3A_75 = arith.muli %arg1, %mul3A_74 : i32
    %add3A_76 = arith.constant 256 : i32
    %add3A_77 = arith.addi %mul3A_75, %add3A_76 : i32
    %run_scoped3A_78 = arith.constant 0 : i32
    "tpu.region"() ({
      %run_scoped3A_116 = tpu.sem_alloc : memref<!tpu.dma_semaphore, #tpu.memory_space<semaphore_mem>>
      %dma_start3A = arith.constant 0 : i32
      %dma_start3A_117 = arith.constant 0 : i32
      %dma_start3A_118 = tpu.memref_slice %arg9[%run_scoped3A_78, %dma_start3A, %dma_start3A_117] : memref<2x128x128xf32, #tpu.memory_space<vmem>> -> memref<1x64x128xf32, #tpu.memory_space<vmem>>
      %dma_start3A_119 = tpu.memref_squeeze %dma_start3A_118 : memref<1x64x128xf32, #tpu.memory_space<vmem>> -> memref<64x128xf32, #tpu.memory_space<vmem>>
      %dma_start3A_120 = arith.constant 0 : i32
      %dma_start3A_121 = tpu.memref_slice %arg10[%add3A_77, %dma_start3A_120] : memref<5128x128xf32, #tpu.memory_space<vmem_shared>> -> memref<64x128xf32, #tpu.memory_space<vmem_shared>>
      %dma_start3A_122 = arith.constant 0 : i32
      %dma_start3A_123 = tpu.memref_slice %arg10[%add3A_77, %dma_start3A_122] : memref<5128x128xf32, #tpu.memory_space<vmem_shared>> -> memref<64x128xf32, #tpu.memory_space<vmem_shared>>
      %dma_start3A_124 = arith.constant 0 : i32
      %dma_start3A_125 = arith.constant 0 : i32
      %dma_start3A_126 = tpu.memref_slice %arg9[%run_scoped3A_78, %dma_start3A_124, %dma_start3A_125] : memref<2x128x128xf32, #tpu.memory_space<vmem>> -> memref<1x64x128xf32, #tpu.memory_space<vmem>>
      %dma_start3A_127 = tpu.memref_squeeze %dma_start3A_126 : memref<1x64x128xf32, #tpu.memory_space<vmem>> -> memref<64x128xf32, #tpu.memory_space<vmem>>
      tpu.enqueue_dma source(%dma_start3A_127 : memref<64x128xf32, #tpu.memory_space<vmem>>) target(%dma_start3A_123 : memref<64x128xf32, #tpu.memory_space<vmem_shared>>) target_semaphore(%run_scoped3A_116 : memref<!tpu.dma_semaphore, #tpu.memory_space<semaphore_mem>>)
      %dma_wait3A = arith.constant 0 : i32
      %dma_wait3A_128 = arith.constant 0 : i32
      %dma_wait3A_129 = tpu.memref_slice %arg9[%run_scoped3A_78, %dma_wait3A, %dma_wait3A_128] : memref<2x128x128xf32, #tpu.memory_space<vmem>> -> memref<1x64x128xf32, #tpu.memory_space<vmem>>
      %dma_wait3A_130 = tpu.memref_squeeze %dma_wait3A_129 : memref<1x64x128xf32, #tpu.memory_space<vmem>> -> memref<64x128xf32, #tpu.memory_space<vmem>>
      %dma_wait3A_131 = arith.constant 0 : i32
      %dma_wait3A_132 = tpu.memref_slice %arg10[%add3A_77, %dma_wait3A_131] : memref<5128x128xf32, #tpu.memory_space<vmem_shared>> -> memref<64x128xf32, #tpu.memory_space<vmem_shared>>
      %dma_wait3A_133 = arith.constant 0 : i32
      %dma_wait3A_134 = tpu.memref_slice %arg10[%add3A_77, %dma_wait3A_133] : memref<5128x128xf32, #tpu.memory_space<vmem_shared>> -> memref<64x128xf32, #tpu.memory_space<vmem_shared>>
      %dma_wait3A_135 = arith.constant 0 : i32
      %dma_wait3A_136 = arith.constant 0 : i32
      %dma_wait3A_137 = tpu.memref_slice %arg9[%run_scoped3A_78, %dma_wait3A_135, %dma_wait3A_136] : memref<2x128x128xf32, #tpu.memory_space<vmem>> -> memref<1x64x128xf32, #tpu.memory_space<vmem>>
      %dma_wait3A_138 = tpu.memref_squeeze %dma_wait3A_137 : memref<1x64x128xf32, #tpu.memory_space<vmem>> -> memref<64x128xf32, #tpu.memory_space<vmem>>
      tpu.wait_dma2 semaphore(%run_scoped3A_116 : memref<!tpu.dma_semaphore, #tpu.memory_space<semaphore_mem>>) src(%dma_wait3A_138 : memref<64x128xf32, #tpu.memory_space<vmem>>) dst(%dma_wait3A_134 : memref<64x128xf32, #tpu.memory_space<vmem_shared>>)
      tpu.yield
    }) : () -> ()
    %barrier3A_79 = arith.constant 0 : index
    tpu.barrier barrier_id(%barrier3A_79)
    %lt3A_80 = arith.constant 0 : i32
    %lt3A_81 = arith.cmpi slt, %lt3A_80, %squeeze3A_9 : i32
    %convert_element_type3A_82 = arith.extui %lt3A_81 : i1 to i32
    %cond3A_83 = arith.constant 0 : i32
    %cond3A_84 = arith.constant 0 : i32
    %cond3A_85 = arith.cmpi ne, %convert_element_type3A_82, %cond3A_84 : i32
    scf.if %cond3A_85 {
      %dma_start3A = arith.constant 1 : i32
      %dma_start3A_116 = arith.constant 0 : i32
      %dma_start3A_117 = arith.constant 0 : i32
      %dma_start3A_118 = arith.constant 0 : i32
      %dma_start3A_119 = tpu.memref_slice %arg9[%dma_start3A_116, %dma_start3A_117, %dma_start3A_118] : memref<2x128x128xf32, #tpu.memory_space<vmem>> -> memref<1x128x128xf32, #tpu.memory_space<vmem>>
      %dma_start3A_120 = tpu.memref_squeeze %dma_start3A_119 : memref<1x128x128xf32, #tpu.memory_space<vmem>> -> memref<128x128xf32, #tpu.memory_space<vmem>>
      %dma_start3A_121 = arith.constant 0 : i32
      %dma_start3A_122 = tpu.memref_slice %arg7[%dma_start3A, %cond3A_83, %dma_start3A_121] : memref<2x80x128xi32, #tpu.memory_space<vmem>> -> memref<1x1x128xi32, #tpu.memory_space<vmem>>
      %dma_start3A_123 = tpu.memref_squeeze %dma_start3A_122 : memref<1x1x128xi32, #tpu.memory_space<vmem>> -> memref<128xi32, #tpu.memory_space<vmem>>
      %dma_start3A_124 = arith.constant 0 : i32
      %dma_start3A_125 = arith.constant 0 : i32
      %dma_start3A_126 = tpu.memref_slice %arg2[%dma_start3A_124, %dma_start3A_125] : memref<10240x128xf32, #tpu.memory_space<hbm>> -> memref<10240x128xf32, #tpu.memory_space<hbm>>
      tpu.enqueue_indirect_dma source(%dma_start3A_126 : memref<10240x128xf32, #tpu.memory_space<hbm>>) target(%dma_start3A_120 : memref<128x128xf32, #tpu.memory_space<vmem>>) offsets(%dma_start3A_123 : memref<128xi32, #tpu.memory_space<vmem>>) semaphore(%arg12 : memref<!tpu.dma_semaphore, #tpu.memory_space<semaphore_mem>>)
    } else {
    }
    %add3A_86 = arith.constant 0 : i32
    %add3A_87 = arith.constant 1 : i32
    %add3A_88 = arith.addi %add3A_86, %add3A_87 : i32
    %lt3A_89 = arith.cmpi slt, %add3A_88, %squeeze3A_9 : i32
    %convert_element_type3A_90 = arith.extui %lt3A_89 : i1 to i32
    %cond3A_91 = arith.constant 0 : i32
    %cond3A_92 = arith.constant 0 : i32
    %cond3A_93 = arith.cmpi ne, %convert_element_type3A_90, %cond3A_92 : i32
    scf.if %cond3A_93 {
      %add3A_116 = arith.constant 1 : i32
      %add3A_117 = arith.addi %cond3A_91, %add3A_116 : i32
      %dma_start3A = arith.constant 1 : i32
      %dma_start3A_118 = arith.constant 1 : i32
      %dma_start3A_119 = arith.constant 0 : i32
      %dma_start3A_120 = arith.constant 0 : i32
      %dma_start3A_121 = tpu.memref_slice %arg9[%dma_start3A_118, %dma_start3A_119, %dma_start3A_120] : memref<2x128x128xf32, #tpu.memory_space<vmem>> -> memref<1x128x128xf32, #tpu.memory_space<vmem>>
      %dma_start3A_122 = tpu.memref_squeeze %dma_start3A_121 : memref<1x128x128xf32, #tpu.memory_space<vmem>> -> memref<128x128xf32, #tpu.memory_space<vmem>>
      %dma_start3A_123 = arith.constant 0 : i32
      %dma_start3A_124 = tpu.memref_slice %arg7[%dma_start3A, %add3A_117, %dma_start3A_123] : memref<2x80x128xi32, #tpu.memory_space<vmem>> -> memref<1x1x128xi32, #tpu.memory_space<vmem>>
      %dma_start3A_125 = tpu.memref_squeeze %dma_start3A_124 : memref<1x1x128xi32, #tpu.memory_space<vmem>> -> memref<128xi32, #tpu.memory_space<vmem>>
      %dma_start3A_126 = arith.constant 0 : i32
      %dma_start3A_127 = arith.constant 0 : i32
      %dma_start3A_128 = tpu.memref_slice %arg2[%dma_start3A_126, %dma_start3A_127] : memref<10240x128xf32, #tpu.memory_space<hbm>> -> memref<10240x128xf32, #tpu.memory_space<hbm>>
      tpu.enqueue_indirect_dma source(%dma_start3A_128 : memref<10240x128xf32, #tpu.memory_space<hbm>>) target(%dma_start3A_122 : memref<128x128xf32, #tpu.memory_space<vmem>>) offsets(%dma_start3A_125 : memref<128xi32, #tpu.memory_space<vmem>>) semaphore(%arg13 : memref<!tpu.dma_semaphore, #tpu.memory_space<semaphore_mem>>)
    } else {
    }
    %sub3A_94 = arith.constant 0 : i32
    %sub3A_95 = arith.subi %squeeze3A_9, %sub3A_94 : i32
    %while3A_96 = arith.constant 0 : i32
    %while3A_97 = arith.constant 0 : i32
    %while3A_98 = arith.constant 0 : i32
    %while3A_99 = arith.subi %sub3A_95, %while3A_97 : i32
    %while3A_100 = arith.addi %while3A_97, %while3A_99 : i32
    %while3A_101 = arith.constant 1 : i32
    %while3A_102 = arith.divsi %while3A_99, %while3A_101 : i32
    %while3A_103 = arith.muli %while3A_102, %while3A_101 : i32
    %while3A_104 = arith.addi %while3A_97, %while3A_103 : i32
    %while3A_105 = arith.constant 1 : i32
    %while3A_106 = scf.for %while3A_116 = %while3A_97 to %while3A_104 step %while3A_105 iter_args(%while3A_117 = %while3A_98) -> (i32)  : i32 {
      %add3A_118 = arith.addi %while3A_96, %while3A_116 : i32
      %jit3A = arith.constant 2 : i32
      %eq3A = arith.constant 0 : i32
      %eq3A_119 = arith.cmpi eq, %jit3A, %eq3A : i32
      %jit3A_120 = arith.constant 1 : i32
      %select_n3A = arith.select %eq3A_119, %jit3A_120, %jit3A : i32
      %rem3A = arith.remsi %while3A_116, %select_n3A : i32
      %ne3A = arith.constant 0 : i32
      %ne3A_121 = arith.cmpi ne, %rem3A, %ne3A : i32
      %lt3A_122 = arith.constant 0 : i32
      %lt3A_123 = arith.cmpi slt, %rem3A, %lt3A_122 : i32
      %lt3A_124 = arith.constant 0 : i32
      %lt3A_125 = arith.cmpi slt, %select_n3A, %lt3A_124 : i32
      %ne3A_126 = arith.xori %lt3A_123, %lt3A_125 : i1
      %and3A = arith.andi %ne3A_126, %ne3A_121 : i1
      %add3A_127 = arith.addi %rem3A, %select_n3A : i32
      %select_n3A_128 = arith.select %and3A, %add3A_127, %rem3A : i32
      %eq3A_129 = arith.constant 0 : i32
      %eq3A_130 = arith.cmpi eq, %select_n3A_128, %eq3A_129 : i32
      %convert_element_type3A_131 = arith.extui %eq3A_130 : i1 to i32
      %cond3A_132 = arith.constant 0 : i32
      %cond3A_133 = arith.cmpi ne, %convert_element_type3A_131, %cond3A_132 : i32
      scf.if %cond3A_133 {
        %dma_wait3A = arith.constant 1 : i32
        %dma_wait3A_156 = arith.constant 0 : i32
        %dma_wait3A_157 = arith.constant 0 : i32
        %dma_wait3A_158 = arith.constant 0 : i32
        %dma_wait3A_159 = tpu.memref_slice %arg9[%dma_wait3A_156, %dma_wait3A_157, %dma_wait3A_158] : memref<2x128x128xf32, #tpu.memory_space<vmem>> -> memref<1x128x128xf32, #tpu.memory_space<vmem>>
        %dma_wait3A_160 = tpu.memref_squeeze %dma_wait3A_159 : memref<1x128x128xf32, #tpu.memory_space<vmem>> -> memref<128x128xf32, #tpu.memory_space<vmem>>
        %dma_wait3A_161 = arith.constant 0 : i32
        %dma_wait3A_162 = tpu.memref_slice %arg7[%dma_wait3A, %add3A_118, %dma_wait3A_161] : memref<2x80x128xi32, #tpu.memory_space<vmem>> -> memref<1x1x128xi32, #tpu.memory_space<vmem>>
        %dma_wait3A_163 = tpu.memref_squeeze %dma_wait3A_162 : memref<1x1x128xi32, #tpu.memory_space<vmem>> -> memref<128xi32, #tpu.memory_space<vmem>>
        %dma_wait3A_164 = arith.constant 0 : i32
        %dma_wait3A_165 = arith.constant 0 : i32
        %dma_wait3A_166 = tpu.memref_slice %arg2[%dma_wait3A_164, %dma_wait3A_165] : memref<10240x128xf32, #tpu.memory_space<hbm>> -> memref<10240x128xf32, #tpu.memory_space<hbm>>
        tpu.wait_indirect_dma semaphore(%arg12 : memref<!tpu.dma_semaphore, #tpu.memory_space<semaphore_mem>>) src(%dma_wait3A_166 : memref<10240x128xf32, #tpu.memory_space<hbm>>) dst(%dma_wait3A_160 : memref<128x128xf32, #tpu.memory_space<vmem>>)
        %run_scoped3A_167 = arith.constant 0 : i32
        %run_scoped3A_168 = arith.constant 1 : i32
        "tpu.region"() ({
          %run_scoped3A_176 = tpu.sem_alloc : memref<!tpu.dma_semaphore, #tpu.memory_space<semaphore_mem>>
          %dma_start3A = arith.constant 0 : i32
          %dma_start3A_177 = arith.constant 0 : i32
          %dma_start3A_178 = tpu.memref_slice %arg9[%run_scoped3A_167, %dma_start3A, %dma_start3A_177] : memref<2x128x128xf32, #tpu.memory_space<vmem>> -> memref<1x128x128xf32, #tpu.memory_space<vmem>>
          %dma_start3A_179 = tpu.memref_squeeze %dma_start3A_178 : memref<1x128x128xf32, #tpu.memory_space<vmem>> -> memref<128x128xf32, #tpu.memory_space<vmem>>
          %dma_start3A_180 = arith.constant 0 : i32
          %dma_start3A_181 = tpu.memref_slice %arg8[%run_scoped3A_168, %add3A_118, %dma_start3A_180] : memref<2x80x128xi32, #tpu.memory_space<vmem>> -> memref<1x1x128xi32, #tpu.memory_space<vmem>>
          %dma_start3A_182 = tpu.memref_squeeze %dma_start3A_181 : memref<1x1x128xi32, #tpu.memory_space<vmem>> -> memref<128xi32, #tpu.memory_space<vmem>>
          %dma_start3A_183 = arith.constant 0 : i32
          %dma_start3A_184 = arith.constant 0 : i32
          %dma_start3A_185 = tpu.memref_slice %arg10[%dma_start3A_183, %dma_start3A_184] : memref<5128x128xf32, #tpu.memory_space<vmem_shared>> -> memref<5128x128xf32, #tpu.memory_space<vmem_shared>>
          tpu.enqueue_indirect_dma source(%dma_start3A_179 : memref<128x128xf32, #tpu.memory_space<vmem>>) target(%dma_start3A_185 : memref<5128x128xf32, #tpu.memory_space<vmem_shared>>) offsets(%dma_start3A_182 : memref<128xi32, #tpu.memory_space<vmem>>) semaphore(%run_scoped3A_176 : memref<!tpu.dma_semaphore, #tpu.memory_space<semaphore_mem>>) {add = true}
          %dma_wait3A_186 = arith.constant 0 : i32
          %dma_wait3A_187 = arith.constant 0 : i32
          %dma_wait3A_188 = tpu.memref_slice %arg9[%run_scoped3A_167, %dma_wait3A_186, %dma_wait3A_187] : memref<2x128x128xf32, #tpu.memory_space<vmem>> -> memref<1x128x128xf32, #tpu.memory_space<vmem>>
          %dma_wait3A_189 = tpu.memref_squeeze %dma_wait3A_188 : memref<1x128x128xf32, #tpu.memory_space<vmem>> -> memref<128x128xf32, #tpu.memory_space<vmem>>
          %dma_wait3A_190 = arith.constant 0 : i32
          %dma_wait3A_191 = tpu.memref_slice %arg8[%run_scoped3A_168, %add3A_118, %dma_wait3A_190] : memref<2x80x128xi32, #tpu.memory_space<vmem>> -> memref<1x1x128xi32, #tpu.memory_space<vmem>>
          %dma_wait3A_192 = tpu.memref_squeeze %dma_wait3A_191 : memref<1x1x128xi32, #tpu.memory_space<vmem>> -> memref<128xi32, #tpu.memory_space<vmem>>
          %dma_wait3A_193 = arith.constant 0 : i32
          %dma_wait3A_194 = arith.constant 0 : i32
          %dma_wait3A_195 = tpu.memref_slice %arg10[%dma_wait3A_193, %dma_wait3A_194] : memref<5128x128xf32, #tpu.memory_space<vmem_shared>> -> memref<5128x128xf32, #tpu.memory_space<vmem_shared>>
          tpu.wait_indirect_dma semaphore(%run_scoped3A_176 : memref<!tpu.dma_semaphore, #tpu.memory_space<semaphore_mem>>) src(%dma_wait3A_189 : memref<128x128xf32, #tpu.memory_space<vmem>>) dst(%dma_wait3A_195 : memref<5128x128xf32, #tpu.memory_space<vmem_shared>>)
          tpu.yield
        }) : () -> ()
        %add3A_169 = arith.constant 2 : i32
        %add3A_170 = arith.addi %add3A_118, %add3A_169 : i32
        %lt3A_171 = arith.cmpi slt, %add3A_170, %squeeze3A_9 : i32
        %convert_element_type3A_172 = arith.extui %lt3A_171 : i1 to i32
        %cond3A_173 = arith.constant 0 : i32
        %cond3A_174 = arith.constant 0 : i32
        %cond3A_175 = arith.cmpi ne, %convert_element_type3A_172, %cond3A_174 : i32
        scf.if %cond3A_175 {
          %add3A_176 = arith.constant 2 : i32
          %add3A_177 = arith.addi %add3A_118, %add3A_176 : i32
          %dma_start3A = arith.constant 1 : i32
          %dma_start3A_178 = arith.constant 0 : i32
          %dma_start3A_179 = arith.constant 0 : i32
          %dma_start3A_180 = tpu.memref_slice %arg9[%cond3A_173, %dma_start3A_178, %dma_start3A_179] : memref<2x128x128xf32, #tpu.memory_space<vmem>> -> memref<1x128x128xf32, #tpu.memory_space<vmem>>
          %dma_start3A_181 = tpu.memref_squeeze %dma_start3A_180 : memref<1x128x128xf32, #tpu.memory_space<vmem>> -> memref<128x128xf32, #tpu.memory_space<vmem>>
          %dma_start3A_182 = arith.constant 0 : i32
          %dma_start3A_183 = tpu.memref_slice %arg7[%dma_start3A, %add3A_177, %dma_start3A_182] : memref<2x80x128xi32, #tpu.memory_space<vmem>> -> memref<1x1x128xi32, #tpu.memory_space<vmem>>
          %dma_start3A_184 = tpu.memref_squeeze %dma_start3A_183 : memref<1x1x128xi32, #tpu.memory_space<vmem>> -> memref<128xi32, #tpu.memory_space<vmem>>
          %dma_start3A_185 = arith.constant 0 : i32
          %dma_start3A_186 = arith.constant 0 : i32
          %dma_start3A_187 = tpu.memref_slice %arg2[%dma_start3A_185, %dma_start3A_186] : memref<10240x128xf32, #tpu.memory_space<hbm>> -> memref<10240x128xf32, #tpu.memory_space<hbm>>
          tpu.enqueue_indirect_dma source(%dma_start3A_187 : memref<10240x128xf32, #tpu.memory_space<hbm>>) target(%dma_start3A_181 : memref<128x128xf32, #tpu.memory_space<vmem>>) offsets(%dma_start3A_184 : memref<128xi32, #tpu.memory_space<vmem>>) semaphore(%arg12 : memref<!tpu.dma_semaphore, #tpu.memory_space<semaphore_mem>>)
        } else {
        }
      } else {
      }
      %jit3A_134 = arith.constant 2 : i32
      %eq3A_135 = arith.constant 0 : i32
      %eq3A_136 = arith.cmpi eq, %jit3A_134, %eq3A_135 : i32
      %jit3A_137 = arith.constant 1 : i32
      %select_n3A_138 = arith.select %eq3A_136, %jit3A_137, %jit3A_134 : i32
      %rem3A_139 = arith.remsi %while3A_116, %select_n3A_138 : i32
      %ne3A_140 = arith.constant 0 : i32
      %ne3A_141 = arith.cmpi ne, %rem3A_139, %ne3A_140 : i32
      %lt3A_142 = arith.constant 0 : i32
      %lt3A_143 = arith.cmpi slt, %rem3A_139, %lt3A_142 : i32
      %lt3A_144 = arith.constant 0 : i32
      %lt3A_145 = arith.cmpi slt, %select_n3A_138, %lt3A_144 : i32
      %ne3A_146 = arith.xori %lt3A_143, %lt3A_145 : i1
      %and3A_147 = arith.andi %ne3A_146, %ne3A_141 : i1
      %add3A_148 = arith.addi %rem3A_139, %select_n3A_138 : i32
      %select_n3A_149 = arith.select %and3A_147, %add3A_148, %rem3A_139 : i32
      %eq3A_150 = arith.constant 1 : i32
      %eq3A_151 = arith.cmpi eq, %select_n3A_149, %eq3A_150 : i32
      %convert_element_type3A_152 = arith.extui %eq3A_151 : i1 to i32
      %cond3A_153 = arith.constant 0 : i32
      %cond3A_154 = arith.cmpi ne, %convert_element_type3A_152, %cond3A_153 : i32
      scf.if %cond3A_154 {
        %dma_wait3A = arith.constant 1 : i32
        %dma_wait3A_156 = arith.constant 1 : i32
        %dma_wait3A_157 = arith.constant 0 : i32
        %dma_wait3A_158 = arith.constant 0 : i32
        %dma_wait3A_159 = tpu.memref_slice %arg9[%dma_wait3A_156, %dma_wait3A_157, %dma_wait3A_158] : memref<2x128x128xf32, #tpu.memory_space<vmem>> -> memref<1x128x128xf32, #tpu.memory_space<vmem>>
        %dma_wait3A_160 = tpu.memref_squeeze %dma_wait3A_159 : memref<1x128x128xf32, #tpu.memory_space<vmem>> -> memref<128x128xf32, #tpu.memory_space<vmem>>
        %dma_wait3A_161 = arith.constant 0 : i32
        %dma_wait3A_162 = tpu.memref_slice %arg7[%dma_wait3A, %add3A_118, %dma_wait3A_161] : memref<2x80x128xi32, #tpu.memory_space<vmem>> -> memref<1x1x128xi32, #tpu.memory_space<vmem>>
        %dma_wait3A_163 = tpu.memref_squeeze %dma_wait3A_162 : memref<1x1x128xi32, #tpu.memory_space<vmem>> -> memref<128xi32, #tpu.memory_space<vmem>>
        %dma_wait3A_164 = arith.constant 0 : i32
        %dma_wait3A_165 = arith.constant 0 : i32
        %dma_wait3A_166 = tpu.memref_slice %arg2[%dma_wait3A_164, %dma_wait3A_165] : memref<10240x128xf32, #tpu.memory_space<hbm>> -> memref<10240x128xf32, #tpu.memory_space<hbm>>
        tpu.wait_indirect_dma semaphore(%arg13 : memref<!tpu.dma_semaphore, #tpu.memory_space<semaphore_mem>>) src(%dma_wait3A_166 : memref<10240x128xf32, #tpu.memory_space<hbm>>) dst(%dma_wait3A_160 : memref<128x128xf32, #tpu.memory_space<vmem>>)
        %run_scoped3A_167 = arith.constant 1 : i32
        %run_scoped3A_168 = arith.constant 1 : i32
        "tpu.region"() ({
          %run_scoped3A_176 = tpu.sem_alloc : memref<!tpu.dma_semaphore, #tpu.memory_space<semaphore_mem>>
          %dma_start3A = arith.constant 0 : i32
          %dma_start3A_177 = arith.constant 0 : i32
          %dma_start3A_178 = tpu.memref_slice %arg9[%run_scoped3A_167, %dma_start3A, %dma_start3A_177] : memref<2x128x128xf32, #tpu.memory_space<vmem>> -> memref<1x128x128xf32, #tpu.memory_space<vmem>>
          %dma_start3A_179 = tpu.memref_squeeze %dma_start3A_178 : memref<1x128x128xf32, #tpu.memory_space<vmem>> -> memref<128x128xf32, #tpu.memory_space<vmem>>
          %dma_start3A_180 = arith.constant 0 : i32
          %dma_start3A_181 = tpu.memref_slice %arg8[%run_scoped3A_168, %add3A_118, %dma_start3A_180] : memref<2x80x128xi32, #tpu.memory_space<vmem>> -> memref<1x1x128xi32, #tpu.memory_space<vmem>>
          %dma_start3A_182 = tpu.memref_squeeze %dma_start3A_181 : memref<1x1x128xi32, #tpu.memory_space<vmem>> -> memref<128xi32, #tpu.memory_space<vmem>>
          %dma_start3A_183 = arith.constant 0 : i32
          %dma_start3A_184 = arith.constant 0 : i32
          %dma_start3A_185 = tpu.memref_slice %arg10[%dma_start3A_183, %dma_start3A_184] : memref<5128x128xf32, #tpu.memory_space<vmem_shared>> -> memref<5128x128xf32, #tpu.memory_space<vmem_shared>>
          tpu.enqueue_indirect_dma source(%dma_start3A_179 : memref<128x128xf32, #tpu.memory_space<vmem>>) target(%dma_start3A_185 : memref<5128x128xf32, #tpu.memory_space<vmem_shared>>) offsets(%dma_start3A_182 : memref<128xi32, #tpu.memory_space<vmem>>) semaphore(%run_scoped3A_176 : memref<!tpu.dma_semaphore, #tpu.memory_space<semaphore_mem>>) {add = true}
          %dma_wait3A_186 = arith.constant 0 : i32
          %dma_wait3A_187 = arith.constant 0 : i32
          %dma_wait3A_188 = tpu.memref_slice %arg9[%run_scoped3A_167, %dma_wait3A_186, %dma_wait3A_187] : memref<2x128x128xf32, #tpu.memory_space<vmem>> -> memref<1x128x128xf32, #tpu.memory_space<vmem>>
          %dma_wait3A_189 = tpu.memref_squeeze %dma_wait3A_188 : memref<1x128x128xf32, #tpu.memory_space<vmem>> -> memref<128x128xf32, #tpu.memory_space<vmem>>
          %dma_wait3A_190 = arith.constant 0 : i32
          %dma_wait3A_191 = tpu.memref_slice %arg8[%run_scoped3A_168, %add3A_118, %dma_wait3A_190] : memref<2x80x128xi32, #tpu.memory_space<vmem>> -> memref<1x1x128xi32, #tpu.memory_space<vmem>>
          %dma_wait3A_192 = tpu.memref_squeeze %dma_wait3A_191 : memref<1x1x128xi32, #tpu.memory_space<vmem>> -> memref<128xi32, #tpu.memory_space<vmem>>
          %dma_wait3A_193 = arith.constant 0 : i32
          %dma_wait3A_194 = arith.constant 0 : i32
          %dma_wait3A_195 = tpu.memref_slice %arg10[%dma_wait3A_193, %dma_wait3A_194] : memref<5128x128xf32, #tpu.memory_space<vmem_shared>> -> memref<5128x128xf32, #tpu.memory_space<vmem_shared>>
          tpu.wait_indirect_dma semaphore(%run_scoped3A_176 : memref<!tpu.dma_semaphore, #tpu.memory_space<semaphore_mem>>) src(%dma_wait3A_189 : memref<128x128xf32, #tpu.memory_space<vmem>>) dst(%dma_wait3A_195 : memref<5128x128xf32, #tpu.memory_space<vmem_shared>>)
          tpu.yield
        }) : () -> ()
        %add3A_169 = arith.constant 2 : i32
        %add3A_170 = arith.addi %add3A_118, %add3A_169 : i32
        %lt3A_171 = arith.cmpi slt, %add3A_170, %squeeze3A_9 : i32
        %convert_element_type3A_172 = arith.extui %lt3A_171 : i1 to i32
        %cond3A_173 = arith.constant 1 : i32
        %cond3A_174 = arith.constant 0 : i32
        %cond3A_175 = arith.cmpi ne, %convert_element_type3A_172, %cond3A_174 : i32
        scf.if %cond3A_175 {
          %add3A_176 = arith.constant 2 : i32
          %add3A_177 = arith.addi %add3A_118, %add3A_176 : i32
          %dma_start3A = arith.constant 1 : i32
          %dma_start3A_178 = arith.constant 0 : i32
          %dma_start3A_179 = arith.constant 0 : i32
          %dma_start3A_180 = tpu.memref_slice %arg9[%cond3A_173, %dma_start3A_178, %dma_start3A_179] : memref<2x128x128xf32, #tpu.memory_space<vmem>> -> memref<1x128x128xf32, #tpu.memory_space<vmem>>
          %dma_start3A_181 = tpu.memref_squeeze %dma_start3A_180 : memref<1x128x128xf32, #tpu.memory_space<vmem>> -> memref<128x128xf32, #tpu.memory_space<vmem>>
          %dma_start3A_182 = arith.constant 0 : i32
          %dma_start3A_183 = tpu.memref_slice %arg7[%dma_start3A, %add3A_177, %dma_start3A_182] : memref<2x80x128xi32, #tpu.memory_space<vmem>> -> memref<1x1x128xi32, #tpu.memory_space<vmem>>
          %dma_start3A_184 = tpu.memref_squeeze %dma_start3A_183 : memref<1x1x128xi32, #tpu.memory_space<vmem>> -> memref<128xi32, #tpu.memory_space<vmem>>
          %dma_start3A_185 = arith.constant 0 : i32
          %dma_start3A_186 = arith.constant 0 : i32
          %dma_start3A_187 = tpu.memref_slice %arg2[%dma_start3A_185, %dma_start3A_186] : memref<10240x128xf32, #tpu.memory_space<hbm>> -> memref<10240x128xf32, #tpu.memory_space<hbm>>
          tpu.enqueue_indirect_dma source(%dma_start3A_187 : memref<10240x128xf32, #tpu.memory_space<hbm>>) target(%dma_start3A_181 : memref<128x128xf32, #tpu.memory_space<vmem>>) offsets(%dma_start3A_184 : memref<128xi32, #tpu.memory_space<vmem>>) semaphore(%arg13 : memref<!tpu.dma_semaphore, #tpu.memory_space<semaphore_mem>>)
        } else {
        }
      } else {
      }
      %while3A_155 = arith.constant 0 : i32
      scf.yield %while3A_155 : i32
    }
    %while3A_107 = arith.constant 1 : i32
    %while3A_108 = scf.for %while3A_116 = %while3A_104 to %while3A_100 step %while3A_107 iter_args(%while3A_117 = %while3A_106) -> (i32)  : i32 {
      %add3A_118 = arith.addi %while3A_96, %while3A_116 : i32
      %jit3A = arith.constant 2 : i32
      %eq3A = arith.constant 0 : i32
      %eq3A_119 = arith.cmpi eq, %jit3A, %eq3A : i32
      %jit3A_120 = arith.constant 1 : i32
      %select_n3A = arith.select %eq3A_119, %jit3A_120, %jit3A : i32
      %rem3A = arith.remsi %while3A_116, %select_n3A : i32
      %ne3A = arith.constant 0 : i32
      %ne3A_121 = arith.cmpi ne, %rem3A, %ne3A : i32
      %lt3A_122 = arith.constant 0 : i32
      %lt3A_123 = arith.cmpi slt, %rem3A, %lt3A_122 : i32
      %lt3A_124 = arith.constant 0 : i32
      %lt3A_125 = arith.cmpi slt, %select_n3A, %lt3A_124 : i32
      %ne3A_126 = arith.xori %lt3A_123, %lt3A_125 : i1
      %and3A = arith.andi %ne3A_126, %ne3A_121 : i1
      %add3A_127 = arith.addi %rem3A, %select_n3A : i32
      %select_n3A_128 = arith.select %and3A, %add3A_127, %rem3A : i32
      %eq3A_129 = arith.constant 0 : i32
      %eq3A_130 = arith.cmpi eq, %select_n3A_128, %eq3A_129 : i32
      %convert_element_type3A_131 = arith.extui %eq3A_130 : i1 to i32
      %cond3A_132 = arith.constant 0 : i32
      %cond3A_133 = arith.cmpi ne, %convert_element_type3A_131, %cond3A_132 : i32
      scf.if %cond3A_133 {
        %dma_wait3A = arith.constant 1 : i32
        %dma_wait3A_156 = arith.constant 0 : i32
        %dma_wait3A_157 = arith.constant 0 : i32
        %dma_wait3A_158 = arith.constant 0 : i32
        %dma_wait3A_159 = tpu.memref_slice %arg9[%dma_wait3A_156, %dma_wait3A_157, %dma_wait3A_158] : memref<2x128x128xf32, #tpu.memory_space<vmem>> -> memref<1x128x128xf32, #tpu.memory_space<vmem>>
        %dma_wait3A_160 = tpu.memref_squeeze %dma_wait3A_159 : memref<1x128x128xf32, #tpu.memory_space<vmem>> -> memref<128x128xf32, #tpu.memory_space<vmem>>
        %dma_wait3A_161 = arith.constant 0 : i32
        %dma_wait3A_162 = tpu.memref_slice %arg7[%dma_wait3A, %add3A_118, %dma_wait3A_161] : memref<2x80x128xi32, #tpu.memory_space<vmem>> -> memref<1x1x128xi32, #tpu.memory_space<vmem>>
        %dma_wait3A_163 = tpu.memref_squeeze %dma_wait3A_162 : memref<1x1x128xi32, #tpu.memory_space<vmem>> -> memref<128xi32, #tpu.memory_space<vmem>>
        %dma_wait3A_164 = arith.constant 0 : i32
        %dma_wait3A_165 = arith.constant 0 : i32
        %dma_wait3A_166 = tpu.memref_slice %arg2[%dma_wait3A_164, %dma_wait3A_165] : memref<10240x128xf32, #tpu.memory_space<hbm>> -> memref<10240x128xf32, #tpu.memory_space<hbm>>
        tpu.wait_indirect_dma semaphore(%arg12 : memref<!tpu.dma_semaphore, #tpu.memory_space<semaphore_mem>>) src(%dma_wait3A_166 : memref<10240x128xf32, #tpu.memory_space<hbm>>) dst(%dma_wait3A_160 : memref<128x128xf32, #tpu.memory_space<vmem>>)
        %run_scoped3A_167 = arith.constant 0 : i32
        %run_scoped3A_168 = arith.constant 1 : i32
        "tpu.region"() ({
          %run_scoped3A_176 = tpu.sem_alloc : memref<!tpu.dma_semaphore, #tpu.memory_space<semaphore_mem>>
          %dma_start3A = arith.constant 0 : i32
          %dma_start3A_177 = arith.constant 0 : i32
          %dma_start3A_178 = tpu.memref_slice %arg9[%run_scoped3A_167, %dma_start3A, %dma_start3A_177] : memref<2x128x128xf32, #tpu.memory_space<vmem>> -> memref<1x128x128xf32, #tpu.memory_space<vmem>>
          %dma_start3A_179 = tpu.memref_squeeze %dma_start3A_178 : memref<1x128x128xf32, #tpu.memory_space<vmem>> -> memref<128x128xf32, #tpu.memory_space<vmem>>
          %dma_start3A_180 = arith.constant 0 : i32
          %dma_start3A_181 = tpu.memref_slice %arg8[%run_scoped3A_168, %add3A_118, %dma_start3A_180] : memref<2x80x128xi32, #tpu.memory_space<vmem>> -> memref<1x1x128xi32, #tpu.memory_space<vmem>>
          %dma_start3A_182 = tpu.memref_squeeze %dma_start3A_181 : memref<1x1x128xi32, #tpu.memory_space<vmem>> -> memref<128xi32, #tpu.memory_space<vmem>>
          %dma_start3A_183 = arith.constant 0 : i32
          %dma_start3A_184 = arith.constant 0 : i32
          %dma_start3A_185 = tpu.memref_slice %arg10[%dma_start3A_183, %dma_start3A_184] : memref<5128x128xf32, #tpu.memory_space<vmem_shared>> -> memref<5128x128xf32, #tpu.memory_space<vmem_shared>>
          tpu.enqueue_indirect_dma source(%dma_start3A_179 : memref<128x128xf32, #tpu.memory_space<vmem>>) target(%dma_start3A_185 : memref<5128x128xf32, #tpu.memory_space<vmem_shared>>) offsets(%dma_start3A_182 : memref<128xi32, #tpu.memory_space<vmem>>) semaphore(%run_scoped3A_176 : memref<!tpu.dma_semaphore, #tpu.memory_space<semaphore_mem>>) {add = true}
          %dma_wait3A_186 = arith.constant 0 : i32
          %dma_wait3A_187 = arith.constant 0 : i32
          %dma_wait3A_188 = tpu.memref_slice %arg9[%run_scoped3A_167, %dma_wait3A_186, %dma_wait3A_187] : memref<2x128x128xf32, #tpu.memory_space<vmem>> -> memref<1x128x128xf32, #tpu.memory_space<vmem>>
          %dma_wait3A_189 = tpu.memref_squeeze %dma_wait3A_188 : memref<1x128x128xf32, #tpu.memory_space<vmem>> -> memref<128x128xf32, #tpu.memory_space<vmem>>
          %dma_wait3A_190 = arith.constant 0 : i32
          %dma_wait3A_191 = tpu.memref_slice %arg8[%run_scoped3A_168, %add3A_118, %dma_wait3A_190] : memref<2x80x128xi32, #tpu.memory_space<vmem>> -> memref<1x1x128xi32, #tpu.memory_space<vmem>>
          %dma_wait3A_192 = tpu.memref_squeeze %dma_wait3A_191 : memref<1x1x128xi32, #tpu.memory_space<vmem>> -> memref<128xi32, #tpu.memory_space<vmem>>
          %dma_wait3A_193 = arith.constant 0 : i32
          %dma_wait3A_194 = arith.constant 0 : i32
          %dma_wait3A_195 = tpu.memref_slice %arg10[%dma_wait3A_193, %dma_wait3A_194] : memref<5128x128xf32, #tpu.memory_space<vmem_shared>> -> memref<5128x128xf32, #tpu.memory_space<vmem_shared>>
          tpu.wait_indirect_dma semaphore(%run_scoped3A_176 : memref<!tpu.dma_semaphore, #tpu.memory_space<semaphore_mem>>) src(%dma_wait3A_189 : memref<128x128xf32, #tpu.memory_space<vmem>>) dst(%dma_wait3A_195 : memref<5128x128xf32, #tpu.memory_space<vmem_shared>>)
          tpu.yield
        }) : () -> ()
        %add3A_169 = arith.constant 2 : i32
        %add3A_170 = arith.addi %add3A_118, %add3A_169 : i32
        %lt3A_171 = arith.cmpi slt, %add3A_170, %squeeze3A_9 : i32
        %convert_element_type3A_172 = arith.extui %lt3A_171 : i1 to i32
        %cond3A_173 = arith.constant 0 : i32
        %cond3A_174 = arith.constant 0 : i32
        %cond3A_175 = arith.cmpi ne, %convert_element_type3A_172, %cond3A_174 : i32
        scf.if %cond3A_175 {
          %add3A_176 = arith.constant 2 : i32
          %add3A_177 = arith.addi %add3A_118, %add3A_176 : i32
          %dma_start3A = arith.constant 1 : i32
          %dma_start3A_178 = arith.constant 0 : i32
          %dma_start3A_179 = arith.constant 0 : i32
          %dma_start3A_180 = tpu.memref_slice %arg9[%cond3A_173, %dma_start3A_178, %dma_start3A_179] : memref<2x128x128xf32, #tpu.memory_space<vmem>> -> memref<1x128x128xf32, #tpu.memory_space<vmem>>
          %dma_start3A_181 = tpu.memref_squeeze %dma_start3A_180 : memref<1x128x128xf32, #tpu.memory_space<vmem>> -> memref<128x128xf32, #tpu.memory_space<vmem>>
          %dma_start3A_182 = arith.constant 0 : i32
          %dma_start3A_183 = tpu.memref_slice %arg7[%dma_start3A, %add3A_177, %dma_start3A_182] : memref<2x80x128xi32, #tpu.memory_space<vmem>> -> memref<1x1x128xi32, #tpu.memory_space<vmem>>
          %dma_start3A_184 = tpu.memref_squeeze %dma_start3A_183 : memref<1x1x128xi32, #tpu.memory_space<vmem>> -> memref<128xi32, #tpu.memory_space<vmem>>
          %dma_start3A_185 = arith.constant 0 : i32
          %dma_start3A_186 = arith.constant 0 : i32
          %dma_start3A_187 = tpu.memref_slice %arg2[%dma_start3A_185, %dma_start3A_186] : memref<10240x128xf32, #tpu.memory_space<hbm>> -> memref<10240x128xf32, #tpu.memory_space<hbm>>
          tpu.enqueue_indirect_dma source(%dma_start3A_187 : memref<10240x128xf32, #tpu.memory_space<hbm>>) target(%dma_start3A_181 : memref<128x128xf32, #tpu.memory_space<vmem>>) offsets(%dma_start3A_184 : memref<128xi32, #tpu.memory_space<vmem>>) semaphore(%arg12 : memref<!tpu.dma_semaphore, #tpu.memory_space<semaphore_mem>>)
        } else {
        }
      } else {
      }
      %jit3A_134 = arith.constant 2 : i32
      %eq3A_135 = arith.constant 0 : i32
      %eq3A_136 = arith.cmpi eq, %jit3A_134, %eq3A_135 : i32
      %jit3A_137 = arith.constant 1 : i32
      %select_n3A_138 = arith.select %eq3A_136, %jit3A_137, %jit3A_134 : i32
      %rem3A_139 = arith.remsi %while3A_116, %select_n3A_138 : i32
      %ne3A_140 = arith.constant 0 : i32
      %ne3A_141 = arith.cmpi ne, %rem3A_139, %ne3A_140 : i32
      %lt3A_142 = arith.constant 0 : i32
      %lt3A_143 = arith.cmpi slt, %rem3A_139, %lt3A_142 : i32
      %lt3A_144 = arith.constant 0 : i32
      %lt3A_145 = arith.cmpi slt, %select_n3A_138, %lt3A_144 : i32
      %ne3A_146 = arith.xori %lt3A_143, %lt3A_145 : i1
      %and3A_147 = arith.andi %ne3A_146, %ne3A_141 : i1
      %add3A_148 = arith.addi %rem3A_139, %select_n3A_138 : i32
      %select_n3A_149 = arith.select %and3A_147, %add3A_148, %rem3A_139 : i32
      %eq3A_150 = arith.constant 1 : i32
      %eq3A_151 = arith.cmpi eq, %select_n3A_149, %eq3A_150 : i32
      %convert_element_type3A_152 = arith.extui %eq3A_151 : i1 to i32
      %cond3A_153 = arith.constant 0 : i32
      %cond3A_154 = arith.cmpi ne, %convert_element_type3A_152, %cond3A_153 : i32
      scf.if %cond3A_154 {
        %dma_wait3A = arith.constant 1 : i32
        %dma_wait3A_156 = arith.constant 1 : i32
        %dma_wait3A_157 = arith.constant 0 : i32
        %dma_wait3A_158 = arith.constant 0 : i32
        %dma_wait3A_159 = tpu.memref_slice %arg9[%dma_wait3A_156, %dma_wait3A_157, %dma_wait3A_158] : memref<2x128x128xf32, #tpu.memory_space<vmem>> -> memref<1x128x128xf32, #tpu.memory_space<vmem>>
        %dma_wait3A_160 = tpu.memref_squeeze %dma_wait3A_159 : memref<1x128x128xf32, #tpu.memory_space<vmem>> -> memref<128x128xf32, #tpu.memory_space<vmem>>
        %dma_wait3A_161 = arith.constant 0 : i32
        %dma_wait3A_162 = tpu.memref_slice %arg7[%dma_wait3A, %add3A_118, %dma_wait3A_161] : memref<2x80x128xi32, #tpu.memory_space<vmem>> -> memref<1x1x128xi32, #tpu.memory_space<vmem>>
        %dma_wait3A_163 = tpu.memref_squeeze %dma_wait3A_162 : memref<1x1x128xi32, #tpu.memory_space<vmem>> -> memref<128xi32, #tpu.memory_space<vmem>>
        %dma_wait3A_164 = arith.constant 0 : i32
        %dma_wait3A_165 = arith.constant 0 : i32
        %dma_wait3A_166 = tpu.memref_slice %arg2[%dma_wait3A_164, %dma_wait3A_165] : memref<10240x128xf32, #tpu.memory_space<hbm>> -> memref<10240x128xf32, #tpu.memory_space<hbm>>
        tpu.wait_indirect_dma semaphore(%arg13 : memref<!tpu.dma_semaphore, #tpu.memory_space<semaphore_mem>>) src(%dma_wait3A_166 : memref<10240x128xf32, #tpu.memory_space<hbm>>) dst(%dma_wait3A_160 : memref<128x128xf32, #tpu.memory_space<vmem>>)
        %run_scoped3A_167 = arith.constant 1 : i32
        %run_scoped3A_168 = arith.constant 1 : i32
        "tpu.region"() ({
          %run_scoped3A_176 = tpu.sem_alloc : memref<!tpu.dma_semaphore, #tpu.memory_space<semaphore_mem>>
          %dma_start3A = arith.constant 0 : i32
          %dma_start3A_177 = arith.constant 0 : i32
          %dma_start3A_178 = tpu.memref_slice %arg9[%run_scoped3A_167, %dma_start3A, %dma_start3A_177] : memref<2x128x128xf32, #tpu.memory_space<vmem>> -> memref<1x128x128xf32, #tpu.memory_space<vmem>>
          %dma_start3A_179 = tpu.memref_squeeze %dma_start3A_178 : memref<1x128x128xf32, #tpu.memory_space<vmem>> -> memref<128x128xf32, #tpu.memory_space<vmem>>
          %dma_start3A_180 = arith.constant 0 : i32
          %dma_start3A_181 = tpu.memref_slice %arg8[%run_scoped3A_168, %add3A_118, %dma_start3A_180] : memref<2x80x128xi32, #tpu.memory_space<vmem>> -> memref<1x1x128xi32, #tpu.memory_space<vmem>>
          %dma_start3A_182 = tpu.memref_squeeze %dma_start3A_181 : memref<1x1x128xi32, #tpu.memory_space<vmem>> -> memref<128xi32, #tpu.memory_space<vmem>>
          %dma_start3A_183 = arith.constant 0 : i32
          %dma_start3A_184 = arith.constant 0 : i32
          %dma_start3A_185 = tpu.memref_slice %arg10[%dma_start3A_183, %dma_start3A_184] : memref<5128x128xf32, #tpu.memory_space<vmem_shared>> -> memref<5128x128xf32, #tpu.memory_space<vmem_shared>>
          tpu.enqueue_indirect_dma source(%dma_start3A_179 : memref<128x128xf32, #tpu.memory_space<vmem>>) target(%dma_start3A_185 : memref<5128x128xf32, #tpu.memory_space<vmem_shared>>) offsets(%dma_start3A_182 : memref<128xi32, #tpu.memory_space<vmem>>) semaphore(%run_scoped3A_176 : memref<!tpu.dma_semaphore, #tpu.memory_space<semaphore_mem>>) {add = true}
          %dma_wait3A_186 = arith.constant 0 : i32
          %dma_wait3A_187 = arith.constant 0 : i32
          %dma_wait3A_188 = tpu.memref_slice %arg9[%run_scoped3A_167, %dma_wait3A_186, %dma_wait3A_187] : memref<2x128x128xf32, #tpu.memory_space<vmem>> -> memref<1x128x128xf32, #tpu.memory_space<vmem>>
          %dma_wait3A_189 = tpu.memref_squeeze %dma_wait3A_188 : memref<1x128x128xf32, #tpu.memory_space<vmem>> -> memref<128x128xf32, #tpu.memory_space<vmem>>
          %dma_wait3A_190 = arith.constant 0 : i32
          %dma_wait3A_191 = tpu.memref_slice %arg8[%run_scoped3A_168, %add3A_118, %dma_wait3A_190] : memref<2x80x128xi32, #tpu.memory_space<vmem>> -> memref<1x1x128xi32, #tpu.memory_space<vmem>>
          %dma_wait3A_192 = tpu.memref_squeeze %dma_wait3A_191 : memref<1x1x128xi32, #tpu.memory_space<vmem>> -> memref<128xi32, #tpu.memory_space<vmem>>
          %dma_wait3A_193 = arith.constant 0 : i32
          %dma_wait3A_194 = arith.constant 0 : i32
          %dma_wait3A_195 = tpu.memref_slice %arg10[%dma_wait3A_193, %dma_wait3A_194] : memref<5128x128xf32, #tpu.memory_space<vmem_shared>> -> memref<5128x128xf32, #tpu.memory_space<vmem_shared>>
          tpu.wait_indirect_dma semaphore(%run_scoped3A_176 : memref<!tpu.dma_semaphore, #tpu.memory_space<semaphore_mem>>) src(%dma_wait3A_189 : memref<128x128xf32, #tpu.memory_space<vmem>>) dst(%dma_wait3A_195 : memref<5128x128xf32, #tpu.memory_space<vmem_shared>>)
          tpu.yield
        }) : () -> ()
        %add3A_169 = arith.constant 2 : i32
        %add3A_170 = arith.addi %add3A_118, %add3A_169 : i32
        %lt3A_171 = arith.cmpi slt, %add3A_170, %squeeze3A_9 : i32
        %convert_element_type3A_172 = arith.extui %lt3A_171 : i1 to i32
        %cond3A_173 = arith.constant 1 : i32
        %cond3A_174 = arith.constant 0 : i32
        %cond3A_175 = arith.cmpi ne, %convert_element_type3A_172, %cond3A_174 : i32
        scf.if %cond3A_175 {
          %add3A_176 = arith.constant 2 : i32
          %add3A_177 = arith.addi %add3A_118, %add3A_176 : i32
          %dma_start3A = arith.constant 1 : i32
          %dma_start3A_178 = arith.constant 0 : i32
          %dma_start3A_179 = arith.constant 0 : i32
          %dma_start3A_180 = tpu.memref_slice %arg9[%cond3A_173, %dma_start3A_178, %dma_start3A_179] : memref<2x128x128xf32, #tpu.memory_space<vmem>> -> memref<1x128x128xf32, #tpu.memory_space<vmem>>
          %dma_start3A_181 = tpu.memref_squeeze %dma_start3A_180 : memref<1x128x128xf32, #tpu.memory_space<vmem>> -> memref<128x128xf32, #tpu.memory_space<vmem>>
          %dma_start3A_182 = arith.constant 0 : i32
          %dma_start3A_183 = tpu.memref_slice %arg7[%dma_start3A, %add3A_177, %dma_start3A_182] : memref<2x80x128xi32, #tpu.memory_space<vmem>> -> memref<1x1x128xi32, #tpu.memory_space<vmem>>
          %dma_start3A_184 = tpu.memref_squeeze %dma_start3A_183 : memref<1x1x128xi32, #tpu.memory_space<vmem>> -> memref<128xi32, #tpu.memory_space<vmem>>
          %dma_start3A_185 = arith.constant 0 : i32
          %dma_start3A_186 = arith.constant 0 : i32
          %dma_start3A_187 = tpu.memref_slice %arg2[%dma_start3A_185, %dma_start3A_186] : memref<10240x128xf32, #tpu.memory_space<hbm>> -> memref<10240x128xf32, #tpu.memory_space<hbm>>
          tpu.enqueue_indirect_dma source(%dma_start3A_187 : memref<10240x128xf32, #tpu.memory_space<hbm>>) target(%dma_start3A_181 : memref<128x128xf32, #tpu.memory_space<vmem>>) offsets(%dma_start3A_184 : memref<128xi32, #tpu.memory_space<vmem>>) semaphore(%arg13 : memref<!tpu.dma_semaphore, #tpu.memory_space<semaphore_mem>>)
        } else {
        }
      } else {
      }
      %while3A_155 = arith.constant 0 : i32
      scf.yield %while3A_155 : i32
    }
    %barrier3A_109 = arith.constant 0 : index
    tpu.barrier barrier_id(%barrier3A_109)
    %mul3A_110 = arith.constant 320 : i32
    %mul3A_111 = arith.muli %arg1, %mul3A_110 : i32
    %mul3A_112 = arith.constant 320 : i32
    %mul3A_113 = arith.muli %arg1, %mul3A_112 : i32
    %add3A_114 = arith.constant 5120 : i32
    %add3A_115 = arith.addi %add3A_114, %mul3A_113 : i32
    "tpu.region"() ({
      %run_scoped3A_116 = tpu.sem_alloc : memref<!tpu.dma_semaphore, #tpu.memory_space<semaphore_mem>>
      %dma_start3A = arith.constant 0 : i32
      %dma_start3A_117 = tpu.memref_slice %arg6[%arg0, %add3A_115, %dma_start3A] : memref<2x10240x128xf32, #tpu.memory_space<hbm>> -> memref<1x320x128xf32, #tpu.memory_space<hbm>>
      %dma_start3A_118 = tpu.memref_squeeze %dma_start3A_117 : memref<1x320x128xf32, #tpu.memory_space<hbm>> -> memref<320x128xf32, #tpu.memory_space<hbm>>
      %dma_start3A_119 = arith.constant 0 : i32
      %dma_start3A_120 = tpu.memref_slice %arg10[%mul3A_111, %dma_start3A_119] : memref<5128x128xf32, #tpu.memory_space<vmem_shared>> -> memref<320x128xf32, #tpu.memory_space<vmem_shared>>
      tpu.enqueue_dma source(%dma_start3A_120 : memref<320x128xf32, #tpu.memory_space<vmem_shared>>) target(%dma_start3A_118 : memref<320x128xf32, #tpu.memory_space<hbm>>) target_semaphore(%run_scoped3A_116 : memref<!tpu.dma_semaphore, #tpu.memory_space<semaphore_mem>>)
      %dma_wait3A = arith.constant 0 : i32
      %dma_wait3A_121 = tpu.memref_slice %arg6[%arg0, %add3A_115, %dma_wait3A] : memref<2x10240x128xf32, #tpu.memory_space<hbm>> -> memref<1x320x128xf32, #tpu.memory_space<hbm>>
      %dma_wait3A_122 = tpu.memref_squeeze %dma_wait3A_121 : memref<1x320x128xf32, #tpu.memory_space<hbm>> -> memref<320x128xf32, #tpu.memory_space<hbm>>
      %dma_wait3A_123 = arith.constant 0 : i32
      %dma_wait3A_124 = tpu.memref_slice %arg10[%mul3A_111, %dma_wait3A_123] : memref<5128x128xf32, #tpu.memory_space<vmem_shared>> -> memref<320x128xf32, #tpu.memory_space<vmem_shared>>
      tpu.wait_dma2 semaphore(%run_scoped3A_116 : memref<!tpu.dma_semaphore, #tpu.memory_space<semaphore_mem>>) src(%dma_wait3A_124 : memref<320x128xf32, #tpu.memory_space<vmem_shared>>) dst(%dma_wait3A_122 : memref<320x128xf32, #tpu.memory_space<hbm>>)
      tpu.yield
    }) : () -> ()
    return
  }
}

module attributes {stable_mosaic.version = 14 : i64} {
  func.func @_scale_body(%arg0: i32, %arg1: memref<256x1xf32, #tpu.memory_space<vmem>>, %arg2: memref<256x128xf32, #tpu.memory_space<vmem>>, %arg3: memref<256x128xf32, #tpu.memory_space<vmem>>) attributes {dimension_semantics = [#tpu.dimension_semantics<arbitrary>], iteration_bounds = array<i64: 40>, scalar_prefetch = 0 : i64, scratch_operands = 0 : i64, tpu.core_type = #tpu.core_type<tc>, window_params = [{transform_indices = @transform_0, window_bounds = array<i64: 256, 1>}, {transform_indices = @transform_1, window_bounds = array<i64: 256, 128>}, {transform_indices = @transform_2, window_bounds = array<i64: 256, 128>}]} {
    %get3A = arith.constant 0 : index
    %get3A_0 = arith.constant 0 : index
    %get3A_1 = vector.load %arg1[%get3A, %get3A_0] : memref<256x1xf32, #tpu.memory_space<vmem>>, vector<256x1xf32>
    %get3A_2 = arith.constant 0 : index
    %get3A_3 = arith.constant 0 : index
    %get3A_4 = vector.load %arg2[%get3A_2, %get3A_3] : memref<256x128xf32, #tpu.memory_space<vmem>>, vector<256x128xf32>
    %mul3A = vector.broadcast %get3A_1 : vector<256x1xf32> to vector<256x128xf32>
    %mul3A_5 = arith.mulf %mul3A, %get3A_4 : vector<256x128xf32>
    %swap3A = arith.constant 0 : index
    %swap3A_6 = arith.constant 0 : index
    %swap3A_7 = vector.load %arg3[%swap3A, %swap3A_6] : memref<256x128xf32, #tpu.memory_space<vmem>>, vector<256x128xf32>
    tpu.vector_store %arg3[%swap3A, %swap3A_6], %mul3A_5 {strides = array<i32>} : memref<256x128xf32, #tpu.memory_space<vmem>>, vector<256x128xf32>,
    return
  }
  func.func @transform_0(%arg0: i32) -> (i32, i32) {
    %c0_i32 = arith.constant 0 : i32
    %c0_i32_0 = arith.constant 0 : i32
    return %arg0, %c0_i32 : i32, i32
  }
  func.func @transform_1(%arg0: i32) -> (i32, i32) {
    %c0_i32 = arith.constant 0 : i32
    %c0_i32_0 = arith.constant 0 : i32
    return %arg0, %c0_i32 : i32, i32
  }
  func.func @transform_2(%arg0: i32) -> (i32, i32) {
    %c0_i32 = arith.constant 0 : i32
    %c0_i32_0 = arith.constant 0 : i32
    return %arg0, %c0_i32 : i32, i32
  }
}

module attributes {stable_mosaic.version = 14 : i64} {
  func.func @_comb_body(%arg0: i32, %arg1: memref<256x1xf32, #tpu.memory_space<vmem>>, %arg2: memref<256x128xf32, #tpu.memory_space<vmem>>, %arg3: memref<256x128xf32, #tpu.memory_space<vmem>>, %arg4: memref<256x128xf32, #tpu.memory_space<vmem>>, %arg5: memref<256x128xf32, #tpu.memory_space<vmem>>) attributes {dimension_semantics = [#tpu.dimension_semantics<arbitrary>], iteration_bounds = array<i64: 40>, scalar_prefetch = 0 : i64, scratch_operands = 0 : i64, tpu.core_type = #tpu.core_type<tc>, window_params = [{transform_indices = @transform_0, window_bounds = array<i64: 256, 1>}, {transform_indices = @transform_1, window_bounds = array<i64: 256, 128>}, {transform_indices = @transform_2, window_bounds = array<i64: 256, 128>}, {transform_indices = @transform_3, window_bounds = array<i64: 256, 128>}, {transform_indices = @transform_4, window_bounds = array<i64: 256, 128>}]} {
    %get3A = arith.constant 0 : index
    %get3A_0 = arith.constant 0 : index
    %get3A_1 = vector.load %arg1[%get3A, %get3A_0] : memref<256x1xf32, #tpu.memory_space<vmem>>, vector<256x1xf32>
    %get3A_2 = arith.constant 0 : index
    %get3A_3 = arith.constant 0 : index
    %get3A_4 = vector.load %arg2[%get3A_2, %get3A_3] : memref<256x128xf32, #tpu.memory_space<vmem>>, vector<256x128xf32>
    %get3A_5 = arith.constant 0 : index
    %get3A_6 = arith.constant 0 : index
    %get3A_7 = vector.load %arg3[%get3A_5, %get3A_6] : memref<256x128xf32, #tpu.memory_space<vmem>>, vector<256x128xf32>
    %add3A = arith.addf %get3A_4, %get3A_7 : vector<256x128xf32>
    %mul3A = vector.broadcast %get3A_1 : vector<256x1xf32> to vector<256x128xf32>
    %mul3A_8 = arith.mulf %mul3A, %add3A : vector<256x128xf32>
    %swap3A = arith.constant 0 : index
    %swap3A_9 = arith.constant 0 : index
    %swap3A_10 = vector.load %arg4[%swap3A, %swap3A_9] : memref<256x128xf32, #tpu.memory_space<vmem>>, vector<256x128xf32>
    tpu.vector_store %arg4[%swap3A, %swap3A_9], %mul3A_8 {strides = array<i32>} : memref<256x128xf32, #tpu.memory_space<vmem>>, vector<256x128xf32>,
    %mul3A_11 = vector.broadcast %get3A_1 : vector<256x1xf32> to vector<256x128xf32>
    %mul3A_12 = arith.mulf %mul3A_11, %mul3A_8 : vector<256x128xf32>
    %swap3A_13 = arith.constant 0 : index
    %swap3A_14 = arith.constant 0 : index
    %swap3A_15 = vector.load %arg5[%swap3A_13, %swap3A_14] : memref<256x128xf32, #tpu.memory_space<vmem>>, vector<256x128xf32>
    tpu.vector_store %arg5[%swap3A_13, %swap3A_14], %mul3A_12 {strides = array<i32>} : memref<256x128xf32, #tpu.memory_space<vmem>>, vector<256x128xf32>,
    return
  }
  func.func @transform_0(%arg0: i32) -> (i32, i32) {
    %c0_i32 = arith.constant 0 : i32
    %c0_i32_0 = arith.constant 0 : i32
    return %arg0, %c0_i32 : i32, i32
  }
  func.func @transform_1(%arg0: i32) -> (i32, i32) {
    %c0_i32 = arith.constant 0 : i32
    %c0_i32_0 = arith.constant 0 : i32
    return %arg0, %c0_i32 : i32, i32
  }
  func.func @transform_2(%arg0: i32) -> (i32, i32) {
    %c0_i32 = arith.constant 0 : i32
    %c0_i32_0 = arith.constant 0 : i32
    return %arg0, %c0_i32 : i32, i32
  }
  func.func @transform_3(%arg0: i32) -> (i32, i32) {
    %c0_i32 = arith.constant 0 : i32
    %c0_i32_0 = arith.constant 0 : i32
    return %arg0, %c0_i32 : i32, i32
  }
  func.func @transform_4(%arg0: i32) -> (i32, i32) {
    %c0_i32 = arith.constant 0 : i32
    %c0_i32_0 = arith.constant 0 : i32
    return %arg0, %c0_i32 : i32, i32
  }
}

module attributes {stable_mosaic.version = 14 : i64} {
  func.func @_final_body(%arg0: i32, %arg1: memref<256x128xf32, #tpu.memory_space<vmem>>, %arg2: memref<256x128xf32, #tpu.memory_space<vmem>>, %arg3: memref<256x128xf32, #tpu.memory_space<vmem>>, %arg4: memref<256x128xf32, #tpu.memory_space<vmem>>, %arg5: memref<256x1xf32, #tpu.memory_space<vmem>>, %arg6: memref<128x128xf32, #tpu.memory_space<vmem>>, %arg7: memref<1x128xf32, #tpu.memory_space<vmem>>, %arg8: memref<256x128xf32, #tpu.memory_space<vmem>>) attributes {dimension_semantics = [#tpu.dimension_semantics<arbitrary>], iteration_bounds = array<i64: 40>, scalar_prefetch = 0 : i64, scratch_operands = 0 : i64, tpu.core_type = #tpu.core_type<tc>, window_params = [{transform_indices = @transform_0, window_bounds = array<i64: 256, 128>}, {transform_indices = @transform_1, window_bounds = array<i64: 256, 128>}, {transform_indices = @transform_2, window_bounds = array<i64: 256, 128>}, {transform_indices = @transform_3, window_bounds = array<i64: 256, 128>}, {transform_indices = @transform_4, window_bounds = array<i64: 256, 1>}, {pipeline_mode = #tpu.pipeline_mode<synchronous>, transform_indices = @transform_5, window_bounds = array<i64: 128, 128>}, {pipeline_mode = #tpu.pipeline_mode<synchronous>, transform_indices = @transform_6, window_bounds = array<i64: 1, 128>}, {transform_indices = @transform_7, window_bounds = array<i64: 256, 128>}]} {
    %get3A = arith.constant 0 : index
    %get3A_0 = arith.constant 0 : index
    %get3A_1 = vector.load %arg5[%get3A, %get3A_0] : memref<256x1xf32, #tpu.memory_space<vmem>>, vector<256x1xf32>
    %get3A_2 = arith.constant 0 : index
    %get3A_3 = arith.constant 0 : index
    %get3A_4 = vector.load %arg3[%get3A_2, %get3A_3] : memref<256x128xf32, #tpu.memory_space<vmem>>, vector<256x128xf32>
    %get3A_5 = arith.constant 0 : index
    %get3A_6 = arith.constant 0 : index
    %get3A_7 = vector.load %arg4[%get3A_5, %get3A_6] : memref<256x128xf32, #tpu.memory_space<vmem>>, vector<256x128xf32>
    %add3A = arith.addf %get3A_4, %get3A_7 : vector<256x128xf32>
    %mul3A = vector.broadcast %get3A_1 : vector<256x1xf32> to vector<256x128xf32>
    %mul3A_8 = arith.mulf %mul3A, %add3A : vector<256x128xf32>
    %get3A_9 = arith.constant 0 : index
    %get3A_10 = arith.constant 0 : index
    %get3A_11 = vector.load %arg1[%get3A_9, %get3A_10] : memref<256x128xf32, #tpu.memory_space<vmem>>, vector<256x128xf32>
    %get3A_12 = arith.constant 0 : index
    %get3A_13 = arith.constant 0 : index
    %get3A_14 = vector.load %arg2[%get3A_12, %get3A_13] : memref<256x128xf32, #tpu.memory_space<vmem>>, vector<256x128xf32>
    %add3A_15 = arith.addf %get3A_11, %get3A_14 : vector<256x128xf32>
    %add3A_16 = arith.addf %add3A_15, %mul3A_8 : vector<256x128xf32>
    %mul3A_17 = arith.constant 3.000000e-01 : f32
    %mul3A_18 = vector.broadcast %mul3A_17 : f32 to vector<256x128xf32>
    %mul3A_19 = arith.mulf %add3A_16, %mul3A_18 : vector<256x128xf32>
    %get3A_20 = arith.constant 0 : index
    %get3A_21 = arith.constant 0 : index
    %get3A_22 = vector.load %arg6[%get3A_20, %get3A_21] : memref<128x128xf32, #tpu.memory_space<vmem>>, vector<128x128xf32>
    %dot_general3A = arith.constant dense<0.000000e+00> : vector<256x128xf32>
    %dot_general3A_23 = tpu.matmul %mul3A_19, %get3A_22, %dot_general3A {dimension_numbers = #tpu.dot_dimension_numbers<[1], [0], [0], [1], [0, 0, 1, 1], [], []>, transpose_lhs_hint = false} : vector<256x128xf32>, vector<128x128xf32>, vector<256x128xf32> -> vector<256x128xf32>
    %get3A_24 = arith.constant 0 : index
    %get3A_25 = arith.constant 0 : index
    %get3A_26 = vector.load %arg7[%get3A_24, %get3A_25] : memref<1x128xf32, #tpu.memory_space<vmem>>, vector<1x128xf32>
    %add3A_27 = vector.broadcast %get3A_26 : vector<1x128xf32> to vector<256x128xf32>
    %add3A_28 = arith.addf %dot_general3A_23, %add3A_27 : vector<256x128xf32>
    %swap3A = arith.constant 0 : index
    %swap3A_29 = arith.constant 0 : index
    %swap3A_30 = vector.load %arg8[%swap3A, %swap3A_29] : memref<256x128xf32, #tpu.memory_space<vmem>>, vector<256x128xf32>
    tpu.vector_store %arg8[%swap3A, %swap3A_29], %add3A_28 {strides = array<i32>} : memref<256x128xf32, #tpu.memory_space<vmem>>, vector<256x128xf32>,
    return
  }
  func.func @transform_0(%arg0: i32) -> (i32, i32) {
    %c0_i32 = arith.constant 0 : i32
    %c0_i32_0 = arith.constant 0 : i32
    return %arg0, %c0_i32 : i32, i32
  }
  func.func @transform_1(%arg0: i32) -> (i32, i32) {
    %c0_i32 = arith.constant 0 : i32
    %c0_i32_0 = arith.constant 0 : i32
    return %arg0, %c0_i32 : i32, i32
  }
  func.func @transform_2(%arg0: i32) -> (i32, i32) {
    %c0_i32 = arith.constant 0 : i32
    %c0_i32_0 = arith.constant 0 : i32
    return %arg0, %c0_i32 : i32, i32
  }
  func.func @transform_3(%arg0: i32) -> (i32, i32) {
    %c0_i32 = arith.constant 0 : i32
    %c0_i32_0 = arith.constant 0 : i32
    return %arg0, %c0_i32 : i32, i32
  }
  func.func @transform_4(%arg0: i32) -> (i32, i32) {
    %c0_i32 = arith.constant 0 : i32
    %c0_i32_0 = arith.constant 0 : i32
    return %arg0, %c0_i32 : i32, i32
  }
  func.func @transform_5(%arg0: i32) -> (i32, i32) {
    %c0_i32 = arith.constant 0 : i32
    %c0_i32_0 = arith.constant 0 : i32
    %c0_i32_1 = arith.constant 0 : i32
    return %c0_i32, %c0_i32_0 : i32, i32
  }
  func.func @transform_6(%arg0: i32) -> (i32, i32) {
    %c0_i32 = arith.constant 0 : i32
    %c0_i32_0 = arith.constant 0 : i32
    %c0_i32_1 = arith.constant 0 : i32
    return %c0_i32, %c0_i32_0 : i32, i32
  }
  func.func @transform_7(%arg0: i32) -> (i32, i32) {
    %c0_i32 = arith.constant 0 : i32
    %c0_i32_0 = arith.constant 0 : i32
    return %arg0, %c0_i32 : i32, i32
  }
}

</mosaic_0001>

<sc_bundles>
// kernel: kernel.12.cloned.1.call-start
scs
__scs_entry_jumppad:
0x0: {  	(pc) =	sbr.rel $0x88, $3  }
0x1: {  	(tag) =	ssettag $0x0;
	lr =	simm.s32 $0x1  }
0x2: {  	[smem:$0x3F9D] =	sst lr;
	_ =	strace $0xD0000000  }
0x3: {  	_ = 	snop  }
0x4: {  	_ = 	snop  }
0x5: {  	_ = 	snop  }
0x6: {  	_ = 	snop  }
0x7: {  	_ = 	snop  }
__scs_overlays_trampoline_lowered:
0x8: {  	[smem:$0x3FAC] =	sst s0  }
0x9: {  	[smem:$0x3FAD] =	sst s1  }
0xa: {  	[smem:$0x3FAE] =	sst s2  }
0xb: {  	[smem:$0x3FAF] =	sst s3  }
0xc: {  	[smem:$0x3FB0] =	sst s4  }
0xd: {  	[smem:$0x3FB1] =	sst s5  }
0xe: {  	[smem:$0x3FB2] =	sst s6  }
0xf: {  	[smem:$0x3FB3] =	sst s7  }
0x10: {  	[smem:$0x3FB4] =	sst s8  }
0x11: {  	[smem:$0x3FB5] =	sst s9;
	s0 =	simm.s32 @!p0 $0x0  }
0x12: {  	s1 =	sld [smem:$0x3F9B];
	s0 =	simm.s32 @p0 $0x1  }
0x13: {  	[smem:$0x3FB6] =	sst s0;
	s0 =	simm.s32 @!p1 $0x0  }
0x14: {  	s2 =	sld [smem:$0x3F9A];
	s0 =	simm.s32 @p1 $0x1  }
0x15: {  	[smem:$0x3FB7] =	sst s0;
	s0 =	simm.s32 @!p2 $0x0  }
0x16: {  	s3 =	sld [smem:$0x3FDB];
	s0 =	simm.s32 @p2 $0x1  }
0x17: {  	s4 =	simm.s32 $0x1BF5;
	[smem:$0x3FB9] =	sst s0  }
0x18: {  	s0 =	sld [smem:$0x3F9C];
	_ =	swait.ge [sflag:s4], $0x0  }
0x19: {  	s7 =	sld [smem:$0x3F9D]  }
0x1a: {  	s8 =	sadd.s32 $0xFFFFE003, lr  }
0x1b: {  	s9 =	sadd.s32 $0xFFFFFEF7, lr;
	s5 =	simm.s32 $0xFFFFFFFF;
	p2 =	slt.u32 s8, $0xFFFFF086  }
0x1c: {  	p1 =	slt.u32 s9, $0xF7A;
	s5 =	simm.s32 @!p2 $0x0  }
0x1d: {  	s5 =	simm.s32 @p1 $0x1;
	p0 =	seq.s32 s7, s2  }
0x1e: {  	s7 =	smul.u32 @!p0 $0xF7A, s2;
	p2 =	seq.s32 @!p0 s5, $0x0  }
0x1f: {  	s9 =	smul.u32 $0xF7A, s1;
	s8 =	simm.s32 @!p0 $0x1BF5;
	p2 =	por !p2, p0  }
0x20: {  	[sflag:s8] =	ssyncset.s32 @!p0 $0xFFFFF086;
	s6 =	sadd.s32 @!p0 s3, s7;
	s7 =	simm.s32 @!p0 $0x108  }
0x21: {  	s3 =	sadd.s32 s3, s9;
	s6 =	sadd.s32 @!p0 $0x88, s6;
	s7 =	simm.s32 @p2 $0x1082  }
0x22: {  	[simem:s7], [sflag:s8] =	dma.local @!p0 [hbm:s6], $0xF7A  }
0x23: {  	s9 =	sor.u32 $0xD0000000, s2;
	s6 =	simm.s32 $0x108;
	_ =	swait.ge @!p0 [sflag:s8], $0x0  }
0x24: {  	s3 =	sadd.s32 $0x88, s3;
	s6 =	simm.s32 @!p1 $0x1082;
	[sflag:s4] =	ssyncset.s32 $0xFFFFF086  }
0x25: {  	[simem:s6], [sflag:s4] =	dma.local [hbm:s3], $0xF7A  }
0x26: {  	[smem:$0x3F9D] =	sst s1;
	(tag) =	ssettag s2;
	_ =	strace s9  }
0x27: {  	s1 =	sld [smem:$0x3FAD]  }
0x28: {  	s2 =	sld [smem:$0x3FAE]  }
0x29: {  	s4 =	sld [smem:$0x3FB0]  }
0x2a: {  	p0 =	seq.s32 s5, $0x0;
	s5 =	sld [smem:$0x3FB1]  }
0x2b: {  	s6 =	sld [smem:$0x3FB2]  }
0x2c: {  	s7 =	sld [smem:$0x3FB3]  }
0x2d: {  	s3 =	simm.s32 $0x108;
	s8 =	sld [smem:$0x3FB4]  }
0x2e: {  	s3 =	simm.s32 @!p0 $0x1082;
	s9 =	sld [smem:$0x3FB5]  }
0x2f: {  	lr =	sadd.s32 s0, s3;
	s0 =	sld [smem:$0x3FAC]  }
0x30: {  	s3 =	sld [smem:$0x3FAF]  }
0x31: {  	[smem:$0x3FB8] =	sst s10  }
0x32: {  	s10 =	sld [smem:$0x3FB6];
	_ =	sdelay $0x3  }
0x33: {  	p0 =	seq.s32 s10, $0x1;
	s10 =	sld [smem:$0x3FB8];
	_ =	sdelay $0x3  }
0x34: {  	[smem:$0x3FB8] =	sst s10  }
0x35: {  	s10 =	sld [smem:$0x3FB7];
	_ =	sdelay $0x3  }
0x36: {  	p1 =	seq.s32 s10, $0x1;
	s10 =	sld [smem:$0x3FB8];
	_ =	sdelay $0x3  }
0x37: {  	[smem:$0x3FB8] =	sst s10  }
0x38: {  	s10 =	sld [smem:$0x3FB9]  }
0x39: {  	_ = 	snop;
	(pc) =	sbr.ind lr, $3  }
0x3a: {  	_ = 	snop  }
0x3b: {  	_ = 	snop  }
0x3c: {  	p2 =	seq.s32 s10, $0x1;
	s10 =	sld [smem:$0x3FB8]  }
0x3d: {  	_ =	shalt  }
0x3e: {  	_ =	shalt  }
0x3f: {  	_ =	shalt  }
0x40: {  	_ =	shalt  }
0x41: {  	_ =	shalt  }
0x42: {  	_ =	shalt  }
0x43: {  	_ =	shalt  }
0x44: {  	_ =	shalt  }
0x45: {  	_ =	shalt  }
0x46: {  	_ =	shalt  }
0x47: {  	_ =	shalt  }
0x48: {  	_ =	shalt  }
0x49: {  	_ =	shalt  }
0x4a: {  	_ =	shalt  }
0x4b: {  	_ =	shalt  }
0x4c: {  	_ =	shalt  }
0x4d: {  	_ =	shalt  }
0x4e: {  	_ =	shalt  }
0x4f: {  	_ =	shalt  }
0x50: {  	_ =	shalt  }
0x51: {  	_ =	shalt  }
0x52: {  	_ =	shalt  }
0x53: {  	_ =	shalt  }
0x54: {  	_ =	shalt  }
0x55: {  	_ =	shalt  }
0x56: {  	_ =	shalt  }
0x57: {  	_ =	shalt  }
0x58: {  	_ =	shalt  }
0x59: {  	_ =	shalt  }
0x5a: {  	_ =	shalt  }
0x5b: {  	_ =	shalt  }
0x5c: {  	_ =	shalt  }
0x5d: {  	_ =	shalt  }
0x5e: {  	_ =	shalt  }
0x5f: {  	_ =	shalt  }
0x60: {  	_ =	shalt  }
0x61: {  	_ =	shalt  }
0x62: {  	_ =	shalt  }
0x63: {  	_ =	shalt  }
0x64: {  	_ =	shalt  }
0x65: {  	_ =	shalt  }
0x66: {  	_ =	shalt  }
0x67: {  	_ =	shalt  }
0x68: {  	_ =	shalt  }
0x69: {  	_ =	shalt  }
0x6a: {  	_ =	shalt  }
0x6b: {  	_ =	shalt  }
0x6c: {  	_ =	shalt  }
0x6d: {  	_ =	shalt  }
0x6e: {  	_ =	shalt  }
0x6f: {  	_ =	shalt  }
0x70: {  	_ =	shalt  }
0x71: {  	_ =	shalt  }
0x72: {  	_ =	shalt  }
0x73: {  	_ =	shalt  }
0x74: {  	_ =	shalt  }
0x75: {  	_ =	shalt  }
0x76: {  	_ =	shalt  }
0x77: {  	_ =	shalt  }
0x78: {  	_ =	shalt  }
0x79: {  	_ =	shalt  }
0x7a: {  	_ =	shalt  }
0x7b: {  	_ =	shalt  }
0x7c: {  	_ =	shalt  }
0x7d: {  	_ =	shalt  }
0x7e: {  	_ =	shalt  }
0x7f: {  	_ =	shalt  }
0x80: {  	_ =	shalt  }
0x81: {  	_ =	shalt  }
0x82: {  	_ =	shalt  }
0x83: {  	_ =	shalt  }
0x84: {  	_ =	shalt  }
0x85: {  	_ =	shalt  }
0x86: {  	_ =	shalt  }
0x87: {  	_ =	shalt  }
.Lfunc_end0:
.L_simem_size_0:
called_computation.1_lowered:
.L_overlay_start_0:
0x88: {  	s2 =	sld [smem:$0x3FD9]  }
0x89: {  	s3 =	sld [smem:$0x3FFE];
	_ =	sdelay $0x1  }
0x8a: {  	s1 =	srdreg.scid  }
0x8b: {  	s0 =	sand.u32 $0x1, s1  }
0x8c: {  	s16 =	sshll.u32 s0, $0xA;
	s2 =	sadd.s32 s3, s2  }
0x8d: {  	s2 =	sadd.s32 s2, s16  }
0x8e: {  	[smem:$0x3FC4] =	sst s2  }
0x8f: {  	_ = 	snop  }
0x90: {  	(tm) =	ssettm $0x1  }
0x91: {  	s17 =	sld [smem:$0x3FFB];
	_ =	sdelay $0x3  }
0x92: {  	_ =	strace s17  }
0x93: {  	s2 =	sld [smem:$0x3FFC];
	_ =	sdelay $0x3  }
0x94: {  	_ =	strace s2  }
0x95: {  	s2 =	sld [smem:$0x3FFD];
	_ =	sdelay $0x3  }
0x96: {  	_ =	strace s2  }
0x97: {  	_ =	strace $0x8FFFFFFF  }
0x98: {  	s18 =	sld [smem:$0x3FDB];
	_ =	sdelay $0x1  }
0x99: {  	s19 =	simm.s32 $_scs_section_size  }
0x9a: {  	s4 =	simm.s32 $_size__tile_overlayer_lowered;
	s5 =	simm.s32 $_tile_overlayer_lowered  }
0x9b: {  	s22 =	simm.s32 $0x1BFF;
	s21 =	sshll.u32 s5, $0x1;
	s2 =	sadd.s32 s19, s18  }
0x9c: {  	s6 =	simm.s32 $0x0;
	s20 =	sshll.u32 s4, $0x1;
	s4 =	sadd.s32 s21, s2  }
0x9d: {  	[timem:s6], [sflag:s22] =	dma.local [hbm:s4], s20  }
0x9e: {  	_ =	swait.ge [sflag:s22], s20  }
0x9f: {  	s3 =	ssub.s32 $0x0, s20;
	[sflag:s22] =	ssyncset.done $0x0  }
0xa0: {  	[sflag:s22] =	ssyncadd.s32 s3;
	_ =	sdelay $0x1  }
0xa1: {  	s23 =	simm.s32 $0x1B8B  }
0xa2: {  	_ =	swait.ge [sflag:s23], $0x1  }
0xa3: {  	[sflag:s23] =	ssyncset.done $0x0  }
0xa4: {  	s25 =	simm.s32 $0x1B8E;
	s24 =	sld [smem:$0x3FFE];
	[sflag:s23] =	ssyncadd.s32 $0xFFFFFFFF  }
0xa5: {  	s26 =	simm.s32 $execute0_lowered;
	[smem:$0x3FD2] =	sst s25  }
0xa6: {  	s4 =	sshll.u32 s26, $0x1;
	_ =	strace $0x80000046;
	[dreg:$0x1] =	wrdreg $0xFFFFFFFF  }
0xa7: {  	s28 =	simm.s32 $_size_execute0_lowered;
	s2 =	sadd.s32 s2, s4;
	[dreg:$0x0] =	wrdreg $0x0  }
0xa8: {  	s4 =	sshll.u32 s28, $0x1;
	[dreg:$0x2] =	wrdreg s2  }
0xa9: {  	[dreg:$0x3] =	wrdreg s4  }
0xaa: {  	[dreg:$0x4] =	wrdreg $0xC0  }
0xab: {  	_ =	task [dreg:s6], $0x5FFFF  }
0xac: {  	[dreg:$0x1] =	wrdreg $0xFFFFFFFF  }
0xad: {  	[dreg:$0x0] =	wrdreg $0x60  }
0xae: {  	[dreg:$0x2] =	wrdreg s24  }
0xaf: {  	[dreg:$0x3] =	wrdreg $0x7E000  }
0xb0: {  	[dreg:$0x4] =	wrdreg $0xA  }
0xb1: {  	_ =	task.clear_ibuf [dreg:s6], $0x5FFFF;
	_ =	strace $0x90000046  }
0xb2: {  	s29 =	simm.s32 $0xA;
	_ =	strace $0x80000048  }
0xb3: {  	_ =	swait.ge [sflag:s29], $0x1  }
0xb4: {  	[sflag:s29] =	ssyncadd.s32 $0xFFFFFFFF  }
0xb5: {  	_ =	strace $0x90000048  }
0xb6: {  	_ =	sfence  }
0xb7: {  	s30 =	sld [smem:$0x0];
	_ =	sdelay $0x2  }
0xb8: {  	s31 =	sshll.u32 s1, $0xD;
	s1 =	sshrl.u32 s1, $0x2  }
0xb9: {  	s3 =	sand.u32 $0x4000, s31;
	s1 =	sadd.s32 s1, s30  }
0xba: {  	s0 =	sor.u32 s3, s0;
	s1 =	sshll.u32 s1, $0x11  }
0xbb: {  	s0 =	sor.u32 s1, s0  }
0xbc: {  	s0 =	sadd.s32 $0x8F2B, s0  }
0xbd: {  	[sflag:s0] =	ssyncadd.remote.s32 $0x1  }
0xbe: {  	_ =	sfence.sel $0xFFFF  }
0xbf: {  	[dreg:$0x0] =	wrdreg $0xFFFFFFFF;
	(pc) =	sbr.abs _section_cstart, $3  }
0xc0: {  	[dreg:$0x1] =	wrdreg $0xFFFFFFFF  }
0xc1: {  	_ =	task.clear_ibuf [dreg:s6], $0x2FFFF;
	_ =	strace $0x9FFFFFFF  }
0xc2: {  	(tm) =	ssettm $0x7FFFFFFF  }
0xc3: {  	_ =	shalt  }
tec
execute0_lowered:
.L_overlay_start_1:
0x0: {  	(tag) =	ssettag $0x1  }
0x1: {  	s0 =	rddreg [dreg:$0x0]  }
0x2: {  	s1 =	rddreg [dreg:$0x1];
	s2 =	simm.s32 $0x0;
	s9 =	stileid.u32  }
0x3: {  	s4 =	srdreg.scid;
	s28 =	simm.s32 $0x7900;
	s3 =	smul.u32 $0x9C4, s9  }
0x4: {  	[smem:$0x7FF] =	sst s2;
	s5 =	smul.u32 $0x50, s9;
	s25 =	sand.u32 $0x1, s4  }
0x5: {  	s22 =	sshrl.u32 s9, $0x3;
	s8 =	smul.u32 $0x5000, s9;
	s24 =	sshll.u32 s9, $0x7  }
0x6: {  	_ =	strace $0x80000047;
	s6 =	ssub.s32 $0x2, s25;
	s4 =	smul.u32 $0x50000, s22  }
0x7: {  	p0 =	sne.s32 s25, $0x0;
	s25 =	simm.s32 $0x80;
	s3 =	sadd.s32 s3, s0  }
0x8: {  	s7 =	sshrl.u32 s6, $0x1;
	s0 =	sadd.s32 s5, s0;
	s26 =	sshrl.u32 s8, $0x2  }
0x9: {  	s23 =	ssub.s32 s6, s7;
	s3 =	sadd.s32 $0x2600, s3;
	s4 =	sshrl.u32 s4, $0x2  }
0xa: {  	s21 =	sadd.s32 $0xC400, s0;
	[dreg:$0x3] =	wrdreg s3;
	s3 =	sand.u32 $0x380, s24  }
0xb: {  	s29 =	sadd.s32 s4, s1;
	s4 =	sadd.s32 s26, s1;
	s22 =	smax.u32 s23, $0x1  }
0xc: {  	s23 =	simm.s32 $0x1;
	s24 =	simm.s32 $0x4E80;
	s26 =	simm.s32 $0x400  }
0xd: {  	s30 =	sadd.s32 s3, s29;
	s31 =	sadd.s32 $0x80, s4;
	s7 =	sadd.s32 $0x100, s4  }
0xe: {  	s8 =	sadd.s32 $0x180, s4;
	s9 =	sadd.s32 $0x200, s4;
	s10 =	sadd.s32 $0x280, s4  }
0xf: {  	s11 =	sadd.s32 $0x300, s4;
	s12 =	sadd.s32 $0x380, s4;
	s13 =	sadd.s32 $0x14000, s4  }
0x10: {  	s14 =	sadd.s32 $0x14080, s4;
	s15 =	sadd.s32 $0x14100, s4;
	s16 =	sadd.s32 $0x14180, s4  }
0x11: {  	s17 =	sadd.s32 $0x14200, s4;
	s18 =	sadd.s32 $0x14280, s4;
	[dreg:$0x4] =	wrdreg s30  }
0x12: {  	v0 =	vimm.f32 $0.0e+00;
	v1 =	vimm.f32 $1.000000000e+00;
	s19 =	sadd.s32 $0x14300, s4;
	s20 =	sadd.s32 $0x14380, s4;
	[dreg:$0x5] =	wrdreg s31  }
.LBB2_1:
0x13: {  	s0 =	simm.s32 $0x40;
	s1 =	simm.s32 $0x0  }
.LBB2_2:
0x14: {  	p1 =	sne.s32 s0, $0x9FC0;
	[tilespmem:s1+$0x4E80] =	vst v0;
	s1 =	smov.u32 s0;
	s0 =	sadd.s32 $0x40, s0  }
.Ltmp0:
0x15: {  	(pc) =	sbr.rel @p1 .LBB2_2-.Ltmp0, $2  }
0x16: {  	_ =	sdelay $0x2  }
0x17: {  	s1 =	sshra.s32 s1, $0x2  }
0x18: {  	[tilespmem:s1+$0x4E80] =	vst v0;
	s0 =	simm.s32 $0x0;
	s31 =	rddreg [dreg:$0x3]  }
0x19: {  	[tilespmem:s0], [sflag:$0x1] =	stream.linear.gather [hbm4b:s31+s0], $0x4E20, $0x38;
	[tilespmem:$0xA600] =	vst v63  }
0x1a: {  	_ =	swait.ge [sflag:s23], $0x4E20  }
0x1b: {  	[sflag:s23] =	ssyncset.done $0x0  }
0x1c: {  	s1 =	simm.s32 $0x0;
	s0 =	simm.s32 $0x40;
	[sflag:s23] =	ssyncadd.s32 $0xFFFFB1E0  }
.LBB2_4:
0x1d: {  	p1 =	sne.s32 s0, $0x13840;
	v2 =	vld [tilespmem:s1+$0x0];
	_ =	sdelay $0x3  }
.Ltmp1:
0x1e: {  	(pc) =	sbr.rel @p1 .LBB2_4-.Ltmp1, $2  }
0x1f: {  	_ =	sdelay $0x2  }
0x20: {  	s1 =	sshra.s32 s0, $0x2;
	s0 =	sadd.s32 $0x40, s0;
	[tilespmem:v2+s24+$0x0] =	vst.idx.add.f32.msk $0xffff, v1  }
0x21: {  	v2 =	vld [tilespmem:s1+$0x0];
	_ =	sdelay $0x7  }
0x22: {  	s0 =	rddreg [dreg:$0x4];
	[tilespmem:v2+s24+$0x0] =	vst.idx.add.f32.msk $0xffff, v1  }
0x23: {  	[spmem:s0] =	stream.strided.scatter [tilespmem:s24], [sflag:$0x1], $0x2800, s26, s25, $0x38;
	[tilespmem:$0xA600] =	vst v63  }
0x24: {  	_ =	swait.ge [sflag:s23], $0x2800  }
0x25: {  	[sflag:s23] =	ssyncset.done $0x0  }
0x26: {  	[sflag:s23] =	ssyncadd.s32 $0xFFFFD800  }
0x27: {  	[bflag:$0x0] =	sbarrier.arrive $0xFFFF  }
0x28: {  	[tilespmem:$0x7680] =	vst v0  }
0x29: {  	[tilespmem:$0x7690] =	vst v0  }
0x2a: {  	[tilespmem:$0x76A0] =	vst v0  }
0x2b: {  	[tilespmem:$0x76B0] =	vst v0  }
0x2c: {  	[tilespmem:$0x76C0] =	vst v0  }
0x2d: {  	[tilespmem:$0x76D0] =	vst v0  }
0x2e: {  	[tilespmem:$0x76E0] =	vst v0  }
0x2f: {  	[tilespmem:$0x76F0] =	vst v0  }
0x30: {  	[tilespmem:$0x7700] =	vst v0  }
0x31: {  	[tilespmem:$0x7710] =	vst v0  }
0x32: {  	[tilespmem:$0x7720] =	vst v0  }
0x33: {  	[tilespmem:$0x7730] =	vst v0  }
0x34: {  	[tilespmem:$0x7740] =	vst v0  }
0x35: {  	[tilespmem:$0x7750] =	vst v0  }
0x36: {  	[tilespmem:$0x7760] =	vst v0  }
0x37: {  	[tilespmem:$0x7770] =	vst v0  }
0x38: {  	[tilespmem:$0x7780] =	vst v0  }
0x39: {  	[tilespmem:$0x7790] =	vst v0  }
0x3a: {  	[tilespmem:$0x77A0] =	vst v0  }
0x3b: {  	[tilespmem:$0x77B0] =	vst v0  }
0x3c: {  	[tilespmem:$0x77C0] =	vst v0  }
0x3d: {  	[tilespmem:$0x77D0] =	vst v0  }
0x3e: {  	[tilespmem:$0x77E0] =	vst v0  }
0x3f: {  	[tilespmem:$0x77F0] =	vst v0  }
0x40: {  	[tilespmem:$0x7800] =	vst v0  }
0x41: {  	[tilespmem:$0x7810] =	vst v0  }
0x42: {  	[tilespmem:$0x7820] =	vst v0  }
0x43: {  	[tilespmem:$0x7830] =	vst v0  }
0x44: {  	[tilespmem:$0x7840] =	vst v0  }
0x45: {  	[tilespmem:$0x7850] =	vst v0  }
0x46: {  	[tilespmem:$0x7860] =	vst v0  }
0x47: {  	[tilespmem:$0x7870] =	vst v0  }
0x48: {  	[tilespmem:$0x7880] =	vst v0  }
0x49: {  	[tilespmem:$0x7890] =	vst v0  }
0x4a: {  	[tilespmem:$0x78A0] =	vst v0  }
0x4b: {  	[tilespmem:$0x78B0] =	vst v0  }
0x4c: {  	[tilespmem:$0x78C0] =	vst v0  }
0x4d: {  	[tilespmem:$0x78D0] =	vst v0  }
0x4e: {  	[tilespmem:$0x78E0] =	vst v0  }
0x4f: {  	[tilespmem:$0x78F0] =	vst v0  }
0x50: {  	[tilespmem:s28], [sflag:$0x1] =	stream.strided.gather [spmem:s4], $0x280, s26, s25, $0x38;
	[tilespmem:$0xA600] =	vst v63  }
0x51: {  	_ =	swait.ge [sflag:s23], $0x280  }
0x52: {  	[sflag:s23] =	ssyncset.done $0x0  }
0x53: {  	s0 =	simm.s32 $0x0;
	[sflag:s23] =	ssyncadd.s32 $0xFFFFFD80  }
0x54: {  	s1 =	simm.s32 $0x40;
	v2 =	vld [tilespmem:s0+$0x7900]  }
.LBB2_6:
0x55: {  	p1 =	sne.s32 s1, $0x9C0;
	v3 =	vld [tilespmem:s0+$0x7680];
	_ =	sdelay $0x2  }
.Ltmp2:
0x56: {  	(pc) =	sbr.rel @p1 .LBB2_6-.Ltmp2, $4  }
0x57: {  	_ = 	snop  }
0x58: {  	v3 =	vadd.f32 v2, v3  }
0x59: {  	s3 =	sshra.s32 s1, $0x2  }
0x5a: {  	s1 =	sadd.s32 $0x40, s1;
	v2 =	vld [tilespmem:s3+$0x7900];
	[tilespmem:s0+$0x7680] =	vst v3;
	s0 =	smov.u32 s3  }
0x5b: {  	v3 =	vld [tilespmem:s0+$0x7680];
	_ =	sdelay $0x4  }
0x5c: {  	v2 =	vadd.f32 v2, v3;
	_ =	sdelay $0x1  }
0x5d: {  	s31 =	rddreg [dreg:$0x5];
	[tilespmem:s0+$0x7680] =	vst v2  }
0x5e: {  	[tilespmem:s28], [sflag:$0x1] =	stream.strided.gather [spmem:s31], $0x280, s26, s25, $0x38;
	[tilespmem:$0xA600] =	vst v63  }
0x5f: {  	_ =	swait.ge [sflag:s23], $0x280  }
0x60: {  	[sflag:s23] =	ssyncset.done $0x0  }
0x61: {  	s0 =	simm.s32 $0x0;
	[sflag:s23] =	ssyncadd.s32 $0xFFFFFD80  }
0x62: {  	s1 =	simm.s32 $0x40;
	v2 =	vld [tilespmem:s0+$0x7900]  }
.LBB2_8:
0x63: {  	p1 =	sne.s32 s1, $0x9C0;
	v3 =	vld [tilespmem:s0+$0x7680];
	_ =	sdelay $0x2  }
.Ltmp3:
0x64: {  	(pc) =	sbr.rel @p1 .LBB2_8-.Ltmp3, $4  }
0x65: {  	_ = 	snop  }
0x66: {  	v3 =	vadd.f32 v2, v3  }
0x67: {  	s3 =	sshra.s32 s1, $0x2  }
0x68: {  	s1 =	sadd.s32 $0x40, s1;
	v2 =	vld [tilespmem:s3+$0x7900];
	[tilespmem:s0+$0x7680] =	vst v3;
	s0 =	smov.u32 s3  }
0x69: {  	v3 =	vld [tilespmem:s0+$0x7680];
	_ =	sdelay $0x4  }
0x6a: {  	v2 =	vadd.f32 v2, v3;
	_ =	sdelay $0x1  }
0x6b: {  	[tilespmem:s0+$0x7680] =	vst v2  }
0x6c: {  	[tilespmem:s28], [sflag:$0x1] =	stream.strided.gather [spmem:s7], $0x280, s26, s25, $0x38;
	[tilespmem:$0xA600] =	vst v63  }
0x6d: {  	_ =	swait.ge [sflag:s23], $0x280  }
0x6e: {  	[sflag:s23] =	ssyncset.done $0x0  }
0x6f: {  	s0 =	simm.s32 $0x0;
	[sflag:s23] =	ssyncadd.s32 $0xFFFFFD80  }
0x70: {  	s1 =	simm.s32 $0x40;
	v2 =	vld [tilespmem:s0+$0x7900]  }
.LBB2_10:
0x71: {  	p1 =	sne.s32 s1, $0x9C0;
	v3 =	vld [tilespmem:s0+$0x7680];
	_ =	sdelay $0x2  }
.Ltmp4:
0x72: {  	(pc) =	sbr.rel @p1 .LBB2_10-.Ltmp4, $4  }
0x73: {  	_ = 	snop  }
0x74: {  	v3 =	vadd.f32 v2, v3  }
0x75: {  	s3 =	sshra.s32 s1, $0x2  }
0x76: {  	s1 =	sadd.s32 $0x40, s1;
	v2 =	vld [tilespmem:s3+$0x7900];
	[tilespmem:s0+$0x7680] =	vst v3;
	s0 =	smov.u32 s3  }
0x77: {  	v3 =	vld [tilespmem:s0+$0x7680];
	_ =	sdelay $0x4  }
0x78: {  	v2 =	vadd.f32 v2, v3;
	_ =	sdelay $0x1  }
0x79: {  	[tilespmem:s0+$0x7680] =	vst v2  }
0x7a: {  	[tilespmem:s28], [sflag:$0x1] =	stream.strided.gather [spmem:s8], $0x280, s26, s25, $0x38;
	[tilespmem:$0xA600] =	vst v63  }
0x7b: {  	_ =	swait.ge [sflag:s23], $0x280  }
0x7c: {  	[sflag:s23] =	ssyncset.done $0x0  }
0x7d: {  	s0 =	simm.s32 $0x0;
	[sflag:s23] =	ssyncadd.s32 $0xFFFFFD80  }
0x7e: {  	s1 =	simm.s32 $0x40;
	v2 =	vld [tilespmem:s0+$0x7900]  }
.LBB2_12:
0x7f: {  	p1 =	sne.s32 s1, $0x9C0;
	v3 =	vld [tilespmem:s0+$0x7680];
	_ =	sdelay $0x2  }
.Ltmp5:
0x80: {  	(pc) =	sbr.rel @p1 .LBB2_12-.Ltmp5, $4  }
0x81: {  	_ = 	snop  }
0x82: {  	v3 =	vadd.f32 v2, v3  }
0x83: {  	s3 =	sshra.s32 s1, $0x2  }
0x84: {  	s1 =	sadd.s32 $0x40, s1;
	v2 =	vld [tilespmem:s3+$0x7900];
	[tilespmem:s0+$0x7680] =	vst v3;
	s0 =	smov.u32 s3  }
0x85: {  	v3 =	vld [tilespmem:s0+$0x7680];
	_ =	sdelay $0x4  }
0x86: {  	v2 =	vadd.f32 v2, v3;
	_ =	sdelay $0x1  }
0x87: {  	[tilespmem:s0+$0x7680] =	vst v2  }
0x88: {  	[tilespmem:s28], [sflag:$0x1] =	stream.strided.gather [spmem:s9], $0x280, s26, s25, $0x38;
	[tilespmem:$0xA600] =	vst v63  }
0x89: {  	_ =	swait.ge [sflag:s23], $0x280  }
0x8a: {  	[sflag:s23] =	ssyncset.done $0x0  }
0x8b: {  	s0 =	simm.s32 $0x0;
	[sflag:s23] =	ssyncadd.s32 $0xFFFFFD80  }
0x8c: {  	s1 =	simm.s32 $0x40;
	v2 =	vld [tilespmem:s0+$0x7900]  }
.LBB2_14:
0x8d: {  	p1 =	sne.s32 s1, $0x9C0;
	v3 =	vld [tilespmem:s0+$0x7680];
	_ =	sdelay $0x2  }
.Ltmp6:
0x8e: {  	(pc) =	sbr.rel @p1 .LBB2_14-.Ltmp6, $4  }
0x8f: {  	_ = 	snop  }
0x90: {  	v3 =	vadd.f32 v2, v3  }
0x91: {  	s3 =	sshra.s32 s1, $0x2  }
0x92: {  	s1 =	sadd.s32 $0x40, s1;
	v2 =	vld [tilespmem:s3+$0x7900];
	[tilespmem:s0+$0x7680] =	vst v3;
	s0 =	smov.u32 s3  }
0x93: {  	v3 =	vld [tilespmem:s0+$0x7680];
	_ =	sdelay $0x4  }
0x94: {  	v2 =	vadd.f32 v2, v3;
	_ =	sdelay $0x1  }
0x95: {  	[tilespmem:s0+$0x7680] =	vst v2  }
0x96: {  	[tilespmem:s28], [sflag:$0x1] =	stream.strided.gather [spmem:s10], $0x280, s26, s25, $0x38;
	[tilespmem:$0xA600] =	vst v63  }
0x97: {  	_ =	swait.ge [sflag:s23], $0x280  }
0x98: {  	[sflag:s23] =	ssyncset.done $0x0  }
0x99: {  	s0 =	simm.s32 $0x0;
	[sflag:s23] =	ssyncadd.s32 $0xFFFFFD80  }
0x9a: {  	s1 =	simm.s32 $0x40;
	v2 =	vld [tilespmem:s0+$0x7900]  }
.LBB2_16:
0x9b: {  	p1 =	sne.s32 s1, $0x9C0;
	v3 =	vld [tilespmem:s0+$0x7680];
	_ =	sdelay $0x2  }
.Ltmp7:
0x9c: {  	(pc) =	sbr.rel @p1 .LBB2_16-.Ltmp7, $4  }
0x9d: {  	_ = 	snop  }
0x9e: {  	v3 =	vadd.f32 v2, v3  }
0x9f: {  	s3 =	sshra.s32 s1, $0x2  }
0xa0: {  	s1 =	sadd.s32 $0x40, s1;
	v2 =	vld [tilespmem:s3+$0x7900];
	[tilespmem:s0+$0x7680] =	vst v3;
	s0 =	smov.u32 s3  }
0xa1: {  	v3 =	vld [tilespmem:s0+$0x7680];
	_ =	sdelay $0x4  }
0xa2: {  	v2 =	vadd.f32 v2, v3;
	_ =	sdelay $0x1  }
0xa3: {  	[tilespmem:s0+$0x7680] =	vst v2  }
0xa4: {  	[tilespmem:s28], [sflag:$0x1] =	stream.strided.gather [spmem:s11], $0x280, s26, s25, $0x38;
	[tilespmem:$0xA600] =	vst v63  }
0xa5: {  	_ =	swait.ge [sflag:s23], $0x280  }
0xa6: {  	[sflag:s23] =	ssyncset.done $0x0  }
0xa7: {  	s0 =	simm.s32 $0x0;
	[sflag:s23] =	ssyncadd.s32 $0xFFFFFD80  }
0xa8: {  	s1 =	simm.s32 $0x40;
	v2 =	vld [tilespmem:s0+$0x7900]  }
.LBB2_18:
0xa9: {  	p1 =	sne.s32 s1, $0x9C0;
	v3 =	vld [tilespmem:s0+$0x7680];
	_ =	sdelay $0x2  }
.Ltmp8:
0xaa: {  	(pc) =	sbr.rel @p1 .LBB2_18-.Ltmp8, $4  }
0xab: {  	_ = 	snop  }
0xac: {  	v3 =	vadd.f32 v2, v3  }
0xad: {  	s3 =	sshra.s32 s1, $0x2  }
0xae: {  	s1 =	sadd.s32 $0x40, s1;
	v2 =	vld [tilespmem:s3+$0x7900];
	[tilespmem:s0+$0x7680] =	vst v3;
	s0 =	smov.u32 s3  }
0xaf: {  	v3 =	vld [tilespmem:s0+$0x7680];
	_ =	sdelay $0x4  }
0xb0: {  	v2 =	vadd.f32 v2, v3;
	_ =	sdelay $0x1  }
0xb1: {  	[tilespmem:s0+$0x7680] =	vst v2  }
0xb2: {  	[tilespmem:s28], [sflag:$0x1] =	stream.strided.gather [spmem:s12], $0x280, s26, s25, $0x38;
	[tilespmem:$0xA600] =	vst v63  }
0xb3: {  	_ =	swait.ge [sflag:s23], $0x280  }
0xb4: {  	[sflag:s23] =	ssyncset.done $0x0  }
0xb5: {  	s0 =	simm.s32 $0x0;
	[sflag:s23] =	ssyncadd.s32 $0xFFFFFD80  }
0xb6: {  	s1 =	simm.s32 $0x40;
	v2 =	vld [tilespmem:s0+$0x7900]  }
.LBB2_20:
0xb7: {  	p1 =	sne.s32 s1, $0x9C0;
	v3 =	vld [tilespmem:s0+$0x7680];
	_ =	sdelay $0x2  }
.Ltmp9:
0xb8: {  	(pc) =	sbr.rel @p1 .LBB2_20-.Ltmp9, $4  }
0xb9: {  	_ = 	snop  }
0xba: {  	v3 =	vadd.f32 v2, v3  }
0xbb: {  	s3 =	sshra.s32 s1, $0x2  }
0xbc: {  	s1 =	sadd.s32 $0x40, s1;
	v2 =	vld [tilespmem:s3+$0x7900];
	[tilespmem:s0+$0x7680] =	vst v3;
	s0 =	smov.u32 s3  }
0xbd: {  	v3 =	vld [tilespmem:s0+$0x7680];
	_ =	sdelay $0x4  }
0xbe: {  	v2 =	vadd.f32 v2, v3;
	_ =	sdelay $0x1  }
0xbf: {  	[tilespmem:s0+$0x7680] =	vst v2  }
0xc0: {  	[tilespmem:s28], [sflag:$0x1] =	stream.strided.gather [spmem:s13], $0x280, s26, s25, $0x38;
	[tilespmem:$0xA600] =	vst v63  }
0xc1: {  	_ =	swait.ge [sflag:s23], $0x280  }
0xc2: {  	[sflag:s23] =	ssyncset.done $0x0  }
0xc3: {  	s0 =	simm.s32 $0x0;
	[sflag:s23] =	ssyncadd.s32 $0xFFFFFD80  }
0xc4: {  	s1 =	simm.s32 $0x40;
	v2 =	vld [tilespmem:s0+$0x7900]  }
.LBB2_22:
0xc5: {  	p1 =	sne.s32 s1, $0x9C0;
	v3 =	vld [tilespmem:s0+$0x7680];
	_ =	sdelay $0x2  }
.Ltmp10:
0xc6: {  	(pc) =	sbr.rel @p1 .LBB2_22-.Ltmp10, $4  }
0xc7: {  	_ = 	snop  }
0xc8: {  	v3 =	vadd.f32 v2, v3  }
0xc9: {  	s3 =	sshra.s32 s1, $0x2  }
0xca: {  	s1 =	sadd.s32 $0x40, s1;
	v2 =	vld [tilespmem:s3+$0x7900];
	[tilespmem:s0+$0x7680] =	vst v3;
	s0 =	smov.u32 s3  }
0xcb: {  	v3 =	vld [tilespmem:s0+$0x7680];
	_ =	sdelay $0x4  }
0xcc: {  	v2 =	vadd.f32 v2, v3;
	_ =	sdelay $0x1  }
0xcd: {  	[tilespmem:s0+$0x7680] =	vst v2  }
0xce: {  	[tilespmem:s28], [sflag:$0x1] =	stream.strided.gather [spmem:s14], $0x280, s26, s25, $0x38;
	[tilespmem:$0xA600] =	vst v63  }
0xcf: {  	_ =	swait.ge [sflag:s23], $0x280  }
0xd0: {  	[sflag:s23] =	ssyncset.done $0x0  }
0xd1: {  	s0 =	simm.s32 $0x0;
	[sflag:s23] =	ssyncadd.s32 $0xFFFFFD80  }
0xd2: {  	s1 =	simm.s32 $0x40;
	v2 =	vld [tilespmem:s0+$0x7900]  }
.LBB2_24:
0xd3: {  	p1 =	sne.s32 s1, $0x9C0;
	v3 =	vld [tilespmem:s0+$0x7680];
	_ =	sdelay $0x2  }
.Ltmp11:
0xd4: {  	(pc) =	sbr.rel @p1 .LBB2_24-.Ltmp11, $4  }
0xd5: {  	_ = 	snop  }
0xd6: {  	v3 =	vadd.f32 v2, v3  }
0xd7: {  	s3 =	sshra.s32 s1, $0x2  }
0xd8: {  	s1 =	sadd.s32 $0x40, s1;
	v2 =	vld [tilespmem:s3+$0x7900];
	[tilespmem:s0+$0x7680] =	vst v3;
	s0 =	smov.u32 s3  }
0xd9: {  	v3 =	vld [tilespmem:s0+$0x7680];
	_ =	sdelay $0x4  }
0xda: {  	v2 =	vadd.f32 v2, v3;
	_ =	sdelay $0x1  }
0xdb: {  	[tilespmem:s0+$0x7680] =	vst v2  }
0xdc: {  	[tilespmem:s28], [sflag:$0x1] =	stream.strided.gather [spmem:s15], $0x280, s26, s25, $0x38;
	[tilespmem:$0xA600] =	vst v63  }
0xdd: {  	_ =	swait.ge [sflag:s23], $0x280  }
0xde: {  	[sflag:s23] =	ssyncset.done $0x0  }
0xdf: {  	s0 =	simm.s32 $0x0;
	[sflag:s23] =	ssyncadd.s32 $0xFFFFFD80  }
0xe0: {  	s1 =	simm.s32 $0x40;
	v2 =	vld [tilespmem:s0+$0x7900]  }
.LBB2_26:
0xe1: {  	p1 =	sne.s32 s1, $0x9C0;
	v3 =	vld [tilespmem:s0+$0x7680];
	_ =	sdelay $0x2  }
.Ltmp12:
0xe2: {  	(pc) =	sbr.rel @p1 .LBB2_26-.Ltmp12, $4  }
0xe3: {  	_ = 	snop  }
0xe4: {  	v3 =	vadd.f32 v2, v3  }
0xe5: {  	s3 =	sshra.s32 s1, $0x2  }
0xe6: {  	s1 =	sadd.s32 $0x40, s1;
	v2 =	vld [tilespmem:s3+$0x7900];
	[tilespmem:s0+$0x7680] =	vst v3;
	s0 =	smov.u32 s3  }
0xe7: {  	v3 =	vld [tilespmem:s0+$0x7680];
	_ =	sdelay $0x4  }
0xe8: {  	v2 =	vadd.f32 v2, v3;
	_ =	sdelay $0x1  }
0xe9: {  	[tilespmem:s0+$0x7680] =	vst v2  }
0xea: {  	[tilespmem:s28], [sflag:$0x1] =	stream.strided.gather [spmem:s16], $0x280, s26, s25, $0x38;
	[tilespmem:$0xA600] =	vst v63  }
0xeb: {  	_ =	swait.ge [sflag:s23], $0x280  }
0xec: {  	[sflag:s23] =	ssyncset.done $0x0  }
0xed: {  	s0 =	simm.s32 $0x0;
	[sflag:s23] =	ssyncadd.s32 $0xFFFFFD80  }
0xee: {  	s1 =	simm.s32 $0x40;
	v2 =	vld [tilespmem:s0+$0x7900]  }
.LBB2_28:
0xef: {  	p1 =	sne.s32 s1, $0x9C0;
	v3 =	vld [tilespmem:s0+$0x7680];
	_ =	sdelay $0x2  }
.Ltmp13:
0xf0: {  	(pc) =	sbr.rel @p1 .LBB2_28-.Ltmp13, $4  }
0xf1: {  	_ = 	snop  }
0xf2: {  	v3 =	vadd.f32 v2, v3  }
0xf3: {  	s3 =	sshra.s32 s1, $0x2  }
0xf4: {  	s1 =	sadd.s32 $0x40, s1;
	v2 =	vld [tilespmem:s3+$0x7900];
	[tilespmem:s0+$0x7680] =	vst v3;
	s0 =	smov.u32 s3  }
0xf5: {  	v3 =	vld [tilespmem:s0+$0x7680];
	_ =	sdelay $0x4  }
0xf6: {  	v2 =	vadd.f32 v2, v3;
	_ =	sdelay $0x1  }
0xf7: {  	[tilespmem:s0+$0x7680] =	vst v2  }
0xf8: {  	[tilespmem:s28], [sflag:$0x1] =	stream.strided.gather [spmem:s17], $0x280, s26, s25, $0x38;
	[tilespmem:$0xA600] =	vst v63  }
0xf9: {  	_ =	swait.ge [sflag:s23], $0x280  }
0xfa: {  	[sflag:s23] =	ssyncset.done $0x0  }
0xfb: {  	s0 =	simm.s32 $0x0;
	[sflag:s23] =	ssyncadd.s32 $0xFFFFFD80  }
0xfc: {  	s1 =	simm.s32 $0x40;
	v2 =	vld [tilespmem:s0+$0x7900]  }
.LBB2_30:
0xfd: {  	p1 =	sne.s32 s1, $0x9C0;
	v3 =	vld [tilespmem:s0+$0x7680];
	_ =	sdelay $0x2  }
.Ltmp14:
0xfe: {  	(pc) =	sbr.rel @p1 .LBB2_30-.Ltmp14, $4  }
0xff: {  	_ = 	snop  }
0x100: {  	v3 =	vadd.f32 v2, v3  }
0x101: {  	s3 =	sshra.s32 s1, $0x2  }
0x102: {  	s1 =	sadd.s32 $0x40, s1;
	v2 =	vld [tilespmem:s3+$0x7900];
	[tilespmem:s0+$0x7680] =	vst v3;
	s0 =	smov.u32 s3  }
0x103: {  	v3 =	vld [tilespmem:s0+$0x7680];
	_ =	sdelay $0x4  }
0x104: {  	v2 =	vadd.f32 v2, v3;
	_ =	sdelay $0x1  }
0x105: {  	[tilespmem:s0+$0x7680] =	vst v2  }
0x106: {  	[tilespmem:s28], [sflag:$0x1] =	stream.strided.gather [spmem:s18], $0x280, s26, s25, $0x38;
	[tilespmem:$0xA600] =	vst v63  }
0x107: {  	_ =	swait.ge [sflag:s23], $0x280  }
0x108: {  	[sflag:s23] =	ssyncset.done $0x0  }
0x109: {  	s0 =	simm.s32 $0x0;
	[sflag:s23] =	ssyncadd.s32 $0xFFFFFD80  }
0x10a: {  	s1 =	simm.s32 $0x40;
	v2 =	vld [tilespmem:s0+$0x7900]  }
.LBB2_32:
0x10b: {  	p1 =	sne.s32 s1, $0x9C0;
	v3 =	vld [tilespmem:s0+$0x7680];
	_ =	sdelay $0x2  }
.Ltmp15:
0x10c: {  	(pc) =	sbr.rel @p1 .LBB2_32-.Ltmp15, $4  }
0x10d: {  	_ = 	snop  }
0x10e: {  	v3 =	vadd.f32 v2, v3  }
0x10f: {  	s3 =	sshra.s32 s1, $0x2  }
0x110: {  	s1 =	sadd.s32 $0x40, s1;
	v2 =	vld [tilespmem:s3+$0x7900];
	[tilespmem:s0+$0x7680] =	vst v3;
	s0 =	smov.u32 s3  }
0x111: {  	v3 =	vld [tilespmem:s0+$0x7680];
	_ =	sdelay $0x4  }
0x112: {  	v2 =	vadd.f32 v2, v3;
	_ =	sdelay $0x1  }
0x113: {  	[tilespmem:s0+$0x7680] =	vst v2  }
0x114: {  	[tilespmem:s28], [sflag:$0x1] =	stream.strided.gather [spmem:s19], $0x280, s26, s25, $0x38;
	[tilespmem:$0xA600] =	vst v63  }
0x115: {  	_ =	swait.ge [sflag:s23], $0x280  }
0x116: {  	[sflag:s23] =	ssyncset.done $0x0  }
0x117: {  	s0 =	simm.s32 $0x0;
	[sflag:s23] =	ssyncadd.s32 $0xFFFFFD80  }
0x118: {  	s1 =	simm.s32 $0x40;
	v2 =	vld [tilespmem:s0+$0x7900]  }
.LBB2_34:
0x119: {  	p1 =	sne.s32 s1, $0x9C0;
	v3 =	vld [tilespmem:s0+$0x7680];
	_ =	sdelay $0x2  }
.Ltmp16:
0x11a: {  	(pc) =	sbr.rel @p1 .LBB2_34-.Ltmp16, $4  }
0x11b: {  	_ = 	snop  }
0x11c: {  	v3 =	vadd.f32 v2, v3  }
0x11d: {  	s3 =	sshra.s32 s1, $0x2  }
0x11e: {  	s1 =	sadd.s32 $0x40, s1;
	v2 =	vld [tilespmem:s3+$0x7900];
	[tilespmem:s0+$0x7680] =	vst v3;
	s0 =	smov.u32 s3  }
0x11f: {  	v3 =	vld [tilespmem:s0+$0x7680];
	_ =	sdelay $0x4  }
0x120: {  	v2 =	vadd.f32 v2, v3;
	_ =	sdelay $0x1  }
0x121: {  	[tilespmem:s0+$0x7680] =	vst v2  }
0x122: {  	[tilespmem:s28], [sflag:$0x1] =	stream.strided.gather [spmem:s20], $0x280, s26, s25, $0x38;
	[tilespmem:$0xA600] =	vst v63  }
0x123: {  	_ =	swait.ge [sflag:s23], $0x280  }
0x124: {  	[sflag:s23] =	ssyncset.done $0x0  }
0x125: {  	s29 =	simm.s32 $0x0;
	[sflag:s23] =	ssyncadd.s32 $0xFFFFFD80  }
0x126: {  	s1 =	simm.s32 $0x40;
	s0 =	simm.s32 $0x0;
	v2 =	vld [tilespmem:s29+$0x7900]  }
.LBB2_36:
0x127: {  	p1 =	sne.s32 s1, $0x9C0;
	v3 =	vld [tilespmem:s0+$0x7680];
	_ =	sdelay $0x2  }
.Ltmp17:
0x128: {  	(pc) =	sbr.rel @p1 .LBB2_36-.Ltmp17, $4  }
0x129: {  	_ = 	snop  }
0x12a: {  	v3 =	vadd.f32 v2, v3  }
0x12b: {  	s3 =	sshra.s32 s1, $0x2  }
0x12c: {  	s1 =	sadd.s32 $0x40, s1;
	v2 =	vld [tilespmem:s3+$0x7900];
	[tilespmem:s0+$0x7680] =	vst v3;
	s0 =	smov.u32 s3  }
0x12d: {  	v3 =	vld [tilespmem:s0+$0x7680];
	_ =	sdelay $0x4  }
0x12e: {  	v2 =	vadd.f32 v2, v3;
	_ =	sdelay $0x1  }
0x12f: {  	[tilespmem:s0+$0x7680] =	vst v2  }
0x130: {  	v13 =	vld [tilespmem:s29+$0x7680];
	_ =	sdelay $0x4  }
0x131: {  	s30 =	simm.s32 $0x10;
	v3 =	vshra.s32 v13, $0x1;
	v12 =	vmul.f32 $5.000000000e-01, v13  }
0x132: {  	v2 =	vld [tilespmem:s30+$0x7680];
	v4 =	vsub.s32 $0x5F3759DF, v3  }
0x133: {  	v3 =	vmul.f32 v4, v12;
	_ =	sdelay $0x1  }
0x134: {  	v3 =	vmul.f32 v4, v3;
	_ =	sdelay $0x1  }
0x135: {  	v5 =	vshra.s32 v2, $0x1;
	v6 =	vmul.f32 $5.000000000e-01, v2;
	v7 =	vsub.f32 $1.500000000e+00, v3  }
0x136: {  	s31 =	simm.s32 $0x20;
	v5 =	vsub.s32 $0x5F3759DF, v5  }
0x137: {  	v8 =	vmul.f32 v5, v6;
	v3 =	vld [tilespmem:s31+$0x7680];
	v9 =	vmul.f32 v4, v7;
	_ =	sdelay $0x1  }
0x138: {  	v4 =	vmul.f32 v5, v8;
	v8 =	vmul.f32 v9, v12;
	_ =	sdelay $0x1  }
0x139: {  	v4 =	vsub.f32 $1.500000000e+00, v4;
	v8 =	vmul.f32 v8, v9  }
0x13a: {  	s0 =	simm.s32 $0x30;
	v10 =	vshra.s32 v3, $0x1;
	v7 =	vmul.f32 $5.000000000e-01, v3  }
0x13b: {  	v10 =	vsub.s32 $0x5F3759DF, v10;
	v11 =	vmul.f32 v5, v4;
	v4 =	vld [tilespmem:s0+$0x7680];
	v5 =	vsub.f32 $1.500000000e+00, v8  }
0x13c: {  	v8 =	vmul.f32 v10, v7  }
0x13d: {  	v14 =	vmul.f32 v11, v6;
	v15 =	vmul.f32 v5, v9  }
0x13e: {  	v5 =	vmul.f32 v10, v8  }
0x13f: {  	s1 =	simm.s32 $0x40;
	v8 =	vmul.f32 v14, v11;
	v14 =	vmul.f32 v15, v12  }
0x140: {  	v17 =	vshra.s32 v4, $0x1;
	v9 =	vmul.f32 $5.000000000e-01, v4;
	v16 =	vsub.f32 $1.500000000e+00, v5;
	v5 =	vld [tilespmem:s1+$0x7680]  }
0x141: {  	v8 =	vsub.f32 $1.500000000e+00, v8;
	v17 =	vsub.s32 $0x5F3759DF, v17;
	v14 =	vmul.f32 v14, v15  }
0x142: {  	v18 =	vmul.f32 v10, v16;
	v10 =	vmul.f32 v17, v9  }
0x143: {  	v20 =	vmul.f32 v8, v11  }
0x144: {  	v8 =	vsub.f32 $1.500000000e+00, v14;
	v14 =	vmul.f32 v18, v7;
	v16 =	vmul.f32 v17, v10  }
0x145: {  	v19 =	vmul.f32 v20, v6;
	v10 =	vmul.f32 $5.000000000e-01, v5  }
0x146: {  	v11 =	vmul.f32 v8, v15;
	v21 =	vmul.f32 v14, v18  }
0x147: {  	s3 =	simm.s32 $0x50;
	v15 =	vshra.s32 v5, $0x1;
	v16 =	vsub.f32 $1.500000000e+00, v16;
	v19 =	vmul.f32 v19, v20  }
0x148: {  	v8 =	vld [tilespmem:s3+$0x7680];
	v14 =	vsub.s32 $0x5F3759DF, v15;
	v15 =	vsub.f32 $1.500000000e+00, v21;
	v21 =	vmul.f32 v11, v12  }
0x149: {  	v22 =	vmul.f32 v14, v10;
	v16 =	vmul.f32 v17, v16  }
0x14a: {  	v12 =	vmul.f32 v15, v18;
	v15 =	vsub.f32 $1.500000000e+00, v19;
	v17 =	vmul.f32 v21, v11  }
0x14b: {  	vm0 =	vgt.f32 v13, $5.000000000e-01;
	v19 =	vmul.f32 v14, v22;
	v22 =	vmul.f32 v16, v9  }
0x14c: {  	v18 =	vmul.f32 v12, v7;
	v15 =	vmul.f32 v15, v20;
	v17 =	vsub.f32 $1.500000000e+00, v17  }
0x14d: {  	s5 =	simm.s32 $0x180;
	v21 =	vshra.s32 v8, $0x1;
	v13 =	vmul.f32 $5.000000000e-01, v8;
	v20 =	vmul.f32 v22, v16  }
.LBB2_38:
0x14e: {  	s6 =	sshra.s32 s5, $0x2;
	p1 =	sne.s32 s5, $0x9C0;
	s5 =	sadd.s32 $0x40, s5;
	v19 =	vsub.f32 $1.500000000e+00, v19;
	v18 =	vmul.f32 v18, v12;
	v17 =	vmul.f32 v17, v11;
	v22 =	vmovc v12;
	v11 =	vmovc v15  }
0x14f: {  	v12 =	vsub.s32 $0x5F3759DF, v21;
	v23 =	vld [tilespmem:s6+$0x7680];
	v15 =	vsub.f32 $1.500000000e+00, v20;
	v20 =	vmul.f32 v11, v6;
	v6 =	vmovc v7;
	v7 =	vmovc v9  }
.Ltmp18:
0x150: {  	v21 =	vmul.f32 v12, v13;
	v9 =	vmovc v10;
	v24 =	vmul.f32 v14, v19;
	v17 =	vnsel vm0, $0x0, v17;
	v14 =	vmovc v12;
	(pc) =	sbr.rel @p1 .LBB2_38-.Ltmp18, $4  }
0x151: {  	v10 =	vmovc v13;
	v12 =	vmul.f32 v15, v16;
	v15 =	vsub.f32 $1.500000000e+00, v18;
	v25 =	vmul.f32 v20, v11;
	[tilespmem:s29+$0x7B80] =	vst v17;
	s29 =	smov.u32 s30;
	s30 =	smov.u32 s31;
	s31 =	smov.u32 s0  }
0x152: {  	vm0 =	vgt.f32 v2, $5.000000000e-01;
	v2 =	vmovc v3;
	v3 =	vmovc v4;
	v19 =	vmul.f32 v14, v21;
	s0 =	smov.u32 s1;
	s1 =	smov.u32 s3;
	s3 =	smov.u32 s6;
	v20 =	vmul.f32 v24, v9  }
0x153: {  	v4 =	vmovc v5;
	v5 =	vmovc v8;
	v18 =	vmul.f32 v12, v7;
	v15 =	vmul.f32 v15, v22;
	v17 =	vsub.f32 $1.500000000e+00, v25  }
0x154: {  	v16 =	vmovc v24;
	v21 =	vshra.s32 v23, $0x1;
	v13 =	vmul.f32 $5.000000000e-01, v23;
	v20 =	vmul.f32 v20, v24;
	v8 =	vmovc v23  }
0x155: {  	v21 =	vsub.s32 $0x5F3759DF, v21  }
0x156: {  	v22 =	vmul.f32 v21, v13;
	_ =	sdelay $0x1  }
0x157: {  	v22 =	vmul.f32 v21, v22  }
0x158: {  	v19 =	vsub.f32 $1.500000000e+00, v19  }
0x159: {  	v22 =	vsub.f32 $1.500000000e+00, v22  }
0x15a: {  	v14 =	vmul.f32 v14, v19  }
0x15b: {  	v48 =	vmul.f32 v21, v22  }
0x15c: {  	v49 =	vmul.f32 v14, v10  }
0x15d: {  	v22 =	vmul.f32 v48, v13  }
0x15e: {  	v21 =	vmul.f32 v49, v14  }
0x15f: {  	v20 =	vsub.f32 $1.500000000e+00, v20;
	v22 =	vmul.f32 v22, v48  }
0x160: {  	v21 =	vsub.f32 $1.500000000e+00, v21  }
0x161: {  	v16 =	vmul.f32 v20, v16;
	v50 =	vsub.f32 $1.500000000e+00, v22  }
0x162: {  	v14 =	vmul.f32 v21, v14  }
0x163: {  	v51 =	vmul.f32 v16, v9;
	v19 =	vmul.f32 v50, v48  }
0x164: {  	v18 =	vmul.f32 v18, v12;
	v52 =	vmul.f32 v14, v10  }
0x165: {  	v21 =	vmul.f32 v51, v16;
	v53 =	vmul.f32 v19, v13  }
0x166: {  	v18 =	vsub.f32 $1.500000000e+00, v18;
	v20 =	vmul.f32 v52, v14  }
0x167: {  	v6 =	vmul.f32 v15, v6;
	v21 =	vsub.f32 $1.500000000e+00, v21;
	v22 =	vmul.f32 v53, v19  }
0x168: {  	v11 =	vmul.f32 v17, v11;
	v54 =	vmul.f32 v18, v12;
	v55 =	vsub.f32 $1.500000000e+00, v20  }
0x169: {  	v6 =	vmul.f32 v6, v15;
	v16 =	vmul.f32 v21, v16;
	v56 =	vsub.f32 $1.500000000e+00, v22  }
0x16a: {  	v7 =	vmul.f32 v54, v7;
	v14 =	vmul.f32 v55, v14  }
0x16b: {  	v57 =	vmul.f32 v16, v9;
	v58 =	vmul.f32 v56, v19  }
0x16c: {  	vm11 =	vgt.f32 v2, $5.000000000e-01;
	v7 =	vmul.f32 v7, v54;
	v59 =	vmul.f32 v14, v10  }
0x16d: {  	v6 =	vsub.f32 $1.500000000e+00, v6;
	v9 =	vmul.f32 v57, v16;
	v60 =	vmul.f32 v58, v13  }
0x16e: {  	vm12 =	vgt.f32 v3, $5.000000000e-01;
	v7 =	vsub.f32 $1.500000000e+00, v7;
	v10 =	vmul.f32 v59, v14  }
0x16f: {  	v6 =	vmul.f32 v6, v15;
	v2 =	vsub.f32 $1.500000000e+00, v9;
	v61 =	vmul.f32 v60, v58  }
0x170: {  	v11 =	vnsel vm0, $0x0, v11;
	v7 =	vmul.f32 v7, v54;
	v10 =	vsub.f32 $1.500000000e+00, v10  }
0x171: {  	[tilespmem:s29+$0x7B80] =	vst v11;
	v6 =	vnsel vm11, $0x0, v6;
	v2 =	vmul.f32 v2, v16;
	v3 =	vsub.f32 $1.500000000e+00, v61  }
0x172: {  	vm13 =	vgt.f32 v4, $5.000000000e-01;
	[tilespmem:s30+$0x7B80] =	vst v6;
	v62 =	vnsel vm12, $0x0, v7;
	v63 =	vmul.f32 v10, v14  }
0x173: {  	vm14 =	vgt.f32 v5, $5.000000000e-01;
	[tilespmem:s31+$0x7B80] =	vst v62;
	v2 =	vnsel vm13, $0x0, v2;
	v3 =	vmul.f32 v3, v58  }
0x174: {  	vm15 =	vgt.f32 v8, $5.000000000e-01;
	[tilespmem:s0+$0x7B80] =	vst v2;
	v2 =	vnsel vm14, $0x0, v63  }
0x175: {  	s2 =	sadd.s32 $0x1, s2;
	[tilespmem:s1+$0x7B80] =	vst v2;
	v2 =	vnsel vm15, $0x0, v3  }
0x176: {  	p1 =	sne.s32 s2, s22;
	s0 =	simm.s32 @!p0 $0x0;
	s1 =	simm.s32 @!p0 $0x7B80;
	[tilespmem:s3+$0x7B80] =	vst v2  }
0x177: {  	[hbm4b:s21+s0] =	stream.linear.scatter @!p0 [tilespmem:s1], [sflag:$0x1], $0x280, $0x38;
	[tilespmem:$0xA600] =	vst v63  }
.Ltmp19:
0x178: {  	_ = 	snop;
	(pc) =	sbr.rel @p1 .LBB2_1-.Ltmp19, $4  }
0x179: {  	s0 =	simm.s32 @!p0 $0x1  }
0x17a: {  	_ =	swait.ge @!p0 [sflag:s0], $0x280  }
0x17b: {  	[sflag:s0] =	ssyncset.done @!p0 $0x0  }
0x17c: {  	[sflag:s0] =	ssyncadd.s32 @!p0 $0xFFFFFD80  }
0x17d: {  	_ =	sfence.sel $0x180000  }
0x17e: {  	[bflag:$0x0] =	sbarrier.arrive $0xFFFF  }
0x17f: {  	_ =	strace $0x90000047  }
0x180: {  	s0 =	stileid.u32;
	[bflag:$0x2] =	sbarrier.arrive $0xFFFF  }
0x181: {  	p0 =	sne.s32 s0, $0x0;
	s0 =	rddreg [dreg:$0x2]  }
0x182: {  	s0 =	sadd.s32 @!p0 $0x100000, s0  }
0x183: {  	[sflag:s0] =	ssyncadd.tile.s32 @!p0 $0x1;
	_ =	shalt  }
.Lfunc_end2:
_tile_overlayer_lowered:
.L_overlay_start_2:
0x184: {  	(tag) =	ssettag $0x2  }
0x185: {  	s0 =	rddreg [dreg:$0x0];
	s2 =	stileid.u32  }
0x186: {  	s1 =	rddreg [dreg:$0x1];
	p0 =	sne.s32 s2, $0x0  }
0x187: {  	s3 =	rddreg [dreg:$0x2];
	[bflag:$0x3] =	sbarrier.arrive $0xFFFF;
	s2 =	simm.s32 @!p0 $0x1C01  }
0x188: {  	[timem:s3], [sflag:s2] =	dma.local @!p0 [hbm:s0], s1  }
0x189: {  	s0 =	simm.s32 @!p0 $0x1  }
0x18a: {  	_ =	swait.ge @!p0 [sflag:s0], s1  }
0x18b: {  	s1 =	ssub.s32 @!p0 $0x0, s1;
	[sflag:s0] =	ssyncset.done @!p0 $0x0  }
0x18c: {  	[sflag:s0] =	ssyncadd.s32 @!p0 s1  }
0x18d: {  	[bflag:$0x3] =	sbarrier.arrive $0xFFFF  }
0x18e: {  	_ =	shalt  }

// kernel: kernel.15.cloned.1.call-start
scs
__scs_entry_jumppad:
0x0: {  	(pc) =	sbr.rel $0x88, $3  }
0x1: {  	(tag) =	ssettag $0x0;
	lr =	simm.s32 $0x1  }
0x2: {  	[smem:$0x3F9D] =	sst lr;
	_ =	strace $0xD0000000  }
0x3: {  	_ = 	snop  }
0x4: {  	_ = 	snop  }
0x5: {  	_ = 	snop  }
0x6: {  	_ = 	snop  }
0x7: {  	_ = 	snop  }
__scs_overlays_trampoline_lowered:
0x8: {  	[smem:$0x3FAC] =	sst s0  }
0x9: {  	[smem:$0x3FAD] =	sst s1  }
0xa: {  	[smem:$0x3FAE] =	sst s2  }
0xb: {  	[smem:$0x3FAF] =	sst s3  }
0xc: {  	[smem:$0x3FB0] =	sst s4  }
0xd: {  	[smem:$0x3FB1] =	sst s5  }
0xe: {  	[smem:$0x3FB2] =	sst s6  }
0xf: {  	[smem:$0x3FB3] =	sst s7  }
0x10: {  	[smem:$0x3FB4] =	sst s8  }
0x11: {  	[smem:$0x3FB5] =	sst s9;
	s0 =	simm.s32 @!p0 $0x0  }
0x12: {  	s1 =	sld [smem:$0x3F9B];
	s0 =	simm.s32 @p0 $0x1  }
0x13: {  	[smem:$0x3FB6] =	sst s0;
	s0 =	simm.s32 @!p1 $0x0  }
0x14: {  	s2 =	sld [smem:$0x3F9A];
	s0 =	simm.s32 @p1 $0x1  }
0x15: {  	[smem:$0x3FB7] =	sst s0;
	s0 =	simm.s32 @!p2 $0x0  }
0x16: {  	s3 =	sld [smem:$0x3FDB];
	s0 =	simm.s32 @p2 $0x1  }
0x17: {  	s4 =	simm.s32 $0x1BF5;
	[smem:$0x3FB9] =	sst s0  }
0x18: {  	s0 =	sld [smem:$0x3F9C];
	_ =	swait.ge [sflag:s4], $0x0  }
0x19: {  	s7 =	sld [smem:$0x3F9D]  }
0x1a: {  	s8 =	sadd.s32 $0xFFFFE003, lr  }
0x1b: {  	s9 =	sadd.s32 $0xFFFFFEF7, lr;
	s5 =	simm.s32 $0xFFFFFFFF;
	p2 =	slt.u32 s8, $0xFFFFF086  }
0x1c: {  	p1 =	slt.u32 s9, $0xF7A;
	s5 =	simm.s32 @!p2 $0x0  }
0x1d: {  	s5 =	simm.s32 @p1 $0x1;
	p0 =	seq.s32 s7, s2  }
0x1e: {  	s7 =	smul.u32 @!p0 $0xF7A, s2;
	p2 =	seq.s32 @!p0 s5, $0x0  }
0x1f: {  	s9 =	smul.u32 $0xF7A, s1;
	s8 =	simm.s32 @!p0 $0x1BF5;
	p2 =	por !p2, p0  }
0x20: {  	[sflag:s8] =	ssyncset.s32 @!p0 $0xFFFFF086;
	s6 =	sadd.s32 @!p0 s3, s7;
	s7 =	simm.s32 @!p0 $0x108  }
0x21: {  	s3 =	sadd.s32 s3, s9;
	s6 =	sadd.s32 @!p0 $0x88, s6;
	s7 =	simm.s32 @p2 $0x1082  }
0x22: {  	[simem:s7], [sflag:s8] =	dma.local @!p0 [hbm:s6], $0xF7A  }
0x23: {  	s9 =	sor.u32 $0xD0000000, s2;
	s6 =	simm.s32 $0x108;
	_ =	swait.ge @!p0 [sflag:s8], $0x0  }
0x24: {  	s3 =	sadd.s32 $0x88, s3;
	s6 =	simm.s32 @!p1 $0x1082;
	[sflag:s4] =	ssyncset.s32 $0xFFFFF086  }
0x25: {  	[simem:s6], [sflag:s4] =	dma.local [hbm:s3], $0xF7A  }
0x26: {  	[smem:$0x3F9D] =	sst s1;
	(tag) =	ssettag s2;
	_ =	strace s9  }
0x27: {  	s1 =	sld [smem:$0x3FAD]  }
0x28: {  	s2 =	sld [smem:$0x3FAE]  }
0x29: {  	s4 =	sld [smem:$0x3FB0]  }
0x2a: {  	p0 =	seq.s32 s5, $0x0;
	s5 =	sld [smem:$0x3FB1]  }
0x2b: {  	s6 =	sld [smem:$0x3FB2]  }
0x2c: {  	s7 =	sld [smem:$0x3FB3]  }
0x2d: {  	s3 =	simm.s32 $0x108;
	s8 =	sld [smem:$0x3FB4]  }
0x2e: {  	s3 =	simm.s32 @!p0 $0x1082;
	s9 =	sld [smem:$0x3FB5]  }
0x2f: {  	lr =	sadd.s32 s0, s3;
	s0 =	sld [smem:$0x3FAC]  }
0x30: {  	s3 =	sld [smem:$0x3FAF]  }
0x31: {  	[smem:$0x3FB8] =	sst s10  }
0x32: {  	s10 =	sld [smem:$0x3FB6];
	_ =	sdelay $0x3  }
0x33: {  	p0 =	seq.s32 s10, $0x1;
	s10 =	sld [smem:$0x3FB8];
	_ =	sdelay $0x3  }
0x34: {  	[smem:$0x3FB8] =	sst s10  }
0x35: {  	s10 =	sld [smem:$0x3FB7];
	_ =	sdelay $0x3  }
0x36: {  	p1 =	seq.s32 s10, $0x1;
	s10 =	sld [smem:$0x3FB8];
	_ =	sdelay $0x3  }
0x37: {  	[smem:$0x3FB8] =	sst s10  }
0x38: {  	s10 =	sld [smem:$0x3FB9]  }
0x39: {  	_ = 	snop;
	(pc) =	sbr.ind lr, $3  }
0x3a: {  	_ = 	snop  }
0x3b: {  	_ = 	snop  }
0x3c: {  	p2 =	seq.s32 s10, $0x1;
	s10 =	sld [smem:$0x3FB8]  }
0x3d: {  	_ =	shalt  }
0x3e: {  	_ =	shalt  }
0x3f: {  	_ =	shalt  }
0x40: {  	_ =	shalt  }
0x41: {  	_ =	shalt  }
0x42: {  	_ =	shalt  }
0x43: {  	_ =	shalt  }
0x44: {  	_ =	shalt  }
0x45: {  	_ =	shalt  }
0x46: {  	_ =	shalt  }
0x47: {  	_ =	shalt  }
0x48: {  	_ =	shalt  }
0x49: {  	_ =	shalt  }
0x4a: {  	_ =	shalt  }
0x4b: {  	_ =	shalt  }
0x4c: {  	_ =	shalt  }
0x4d: {  	_ =	shalt  }
0x4e: {  	_ =	shalt  }
0x4f: {  	_ =	shalt  }
0x50: {  	_ =	shalt  }
0x51: {  	_ =	shalt  }
0x52: {  	_ =	shalt  }
0x53: {  	_ =	shalt  }
0x54: {  	_ =	shalt  }
0x55: {  	_ =	shalt  }
0x56: {  	_ =	shalt  }
0x57: {  	_ =	shalt  }
0x58: {  	_ =	shalt  }
0x59: {  	_ =	shalt  }
0x5a: {  	_ =	shalt  }
0x5b: {  	_ =	shalt  }
0x5c: {  	_ =	shalt  }
0x5d: {  	_ =	shalt  }
0x5e: {  	_ =	shalt  }
0x5f: {  	_ =	shalt  }
0x60: {  	_ =	shalt  }
0x61: {  	_ =	shalt  }
0x62: {  	_ =	shalt  }
0x63: {  	_ =	shalt  }
0x64: {  	_ =	shalt  }
0x65: {  	_ =	shalt  }
0x66: {  	_ =	shalt  }
0x67: {  	_ =	shalt  }
0x68: {  	_ =	shalt  }
0x69: {  	_ =	shalt  }
0x6a: {  	_ =	shalt  }
0x6b: {  	_ =	shalt  }
0x6c: {  	_ =	shalt  }
0x6d: {  	_ =	shalt  }
0x6e: {  	_ =	shalt  }
0x6f: {  	_ =	shalt  }
0x70: {  	_ =	shalt  }
0x71: {  	_ =	shalt  }
0x72: {  	_ =	shalt  }
0x73: {  	_ =	shalt  }
0x74: {  	_ =	shalt  }
0x75: {  	_ =	shalt  }
0x76: {  	_ =	shalt  }
0x77: {  	_ =	shalt  }
0x78: {  	_ =	shalt  }
0x79: {  	_ =	shalt  }
0x7a: {  	_ =	shalt  }
0x7b: {  	_ =	shalt  }
0x7c: {  	_ =	shalt  }
0x7d: {  	_ =	shalt  }
0x7e: {  	_ =	shalt  }
0x7f: {  	_ =	shalt  }
0x80: {  	_ =	shalt  }
0x81: {  	_ =	shalt  }
0x82: {  	_ =	shalt  }
0x83: {  	_ =	shalt  }
0x84: {  	_ =	shalt  }
0x85: {  	_ =	shalt  }
0x86: {  	_ =	shalt  }
0x87: {  	_ =	shalt  }
.Lfunc_end0:
.L_simem_size_0:
called_computation.2_lowered:
.L_overlay_start_0:
0x88: {  	s2 =	sld [smem:$0x3FD9]  }
0x89: {  	s3 =	sld [smem:$0x3FFE];
	_ =	sdelay $0x1  }
0x8a: {  	s1 =	srdreg.scid  }
0x8b: {  	s0 =	sand.u32 $0x1, s1  }
0x8c: {  	s17 =	sshll.u32 s0, $0xA;
	s2 =	sadd.s32 s3, s2  }
0x8d: {  	s2 =	sadd.s32 s2, s17  }
0x8e: {  	[smem:$0x3FC4] =	sst s2  }
0x8f: {  	_ = 	snop  }
0x90: {  	s2 =	sld [smem:$0x3FD0];
	(tm) =	ssettm $0x1  }
0x91: {  	s18 =	sld [smem:$0x3FFB];
	_ =	sdelay $0x3  }
0x92: {  	_ =	strace s18  }
0x93: {  	s3 =	sld [smem:$0x3FFC];
	_ =	sdelay $0x3  }
0x94: {  	_ =	strace s3  }
0x95: {  	s3 =	sld [smem:$0x3FFD];
	_ =	sdelay $0x3  }
0x96: {  	_ =	strace s3  }
0x97: {  	_ =	strace $0x8FFFFFFF  }
0x98: {  	s19 =	sld [smem:$0x3FDB];
	_ =	sdelay $0x1  }
0x99: {  	s4 =	simm.s32 $_scs_section_size  }
0x9a: {  	s5 =	simm.s32 $_size__tile_overlayer_lowered;
	s6 =	simm.s32 $_tile_overlayer_lowered  }
0x9b: {  	s22 =	simm.s32 $0x1BFF;
	s21 =	sshll.u32 s6, $0x1;
	s3 =	sadd.s32 s4, s19  }
0x9c: {  	s7 =	simm.s32 $0x0;
	s20 =	sshll.u32 s5, $0x1;
	s5 =	sadd.s32 s21, s3  }
0x9d: {  	[timem:s7], [sflag:s22] =	dma.local [hbm:s5], s20  }
0x9e: {  	_ =	swait.ge [sflag:s22], s20  }
0x9f: {  	s4 =	ssub.s32 $0x0, s20;
	[sflag:s22] =	ssyncset.done $0x0  }
0xa0: {  	[sflag:s22] =	ssyncadd.s32 s4;
	_ =	sdelay $0x1  }
0xa1: {  	s23 =	simm.s32 $0x1B8B  }
0xa2: {  	_ =	swait.ge [sflag:s23], $0x1  }
0xa3: {  	[sflag:s23] =	ssyncset.done $0x0  }
0xa4: {  	s25 =	simm.s32 $0x1B8E;
	s24 =	sld [smem:$0x3FFE];
	[sflag:s23] =	ssyncadd.s32 $0xFFFFFFFF  }
0xa5: {  	s26 =	simm.s32 $execute0_lowered;
	[smem:$0x3FD2] =	sst s25  }
0xa6: {  	s5 =	sshll.u32 s26, $0x1;
	_ =	strace $0x8000004C;
	[dreg:$0x1] =	wrdreg $0xFFFFFFFF  }
0xa7: {  	s28 =	simm.s32 $_size_execute0_lowered;
	s3 =	sadd.s32 s3, s5;
	[dreg:$0x0] =	wrdreg $0x0  }
0xa8: {  	s5 =	sshll.u32 s28, $0x1;
	[dreg:$0x2] =	wrdreg s3  }
0xa9: {  	[dreg:$0x3] =	wrdreg s5  }
0xaa: {  	[dreg:$0x4] =	wrdreg $0xC0  }
0xab: {  	_ =	task [dreg:s7], $0x5FFFF  }
0xac: {  	[dreg:$0x1] =	wrdreg $0xFFFFFFFF  }
0xad: {  	[dreg:$0x0] =	wrdreg $0x60  }
0xae: {  	[dreg:$0x2] =	wrdreg s24  }
0xaf: {  	[dreg:$0x3] =	wrdreg s2  }
0xb0: {  	[dreg:$0x4] =	wrdreg $0x120000  }
0xb1: {  	[dreg:$0x5] =	wrdreg $0x9  }
0xb2: {  	_ =	task.clear_ibuf [dreg:s7], $0x6FFFF;
	_ =	strace $0x9000004C  }
0xb3: {  	s29 =	simm.s32 $0x9;
	_ =	strace $0x8000004E  }
0xb4: {  	_ =	swait.ge [sflag:s29], $0x1  }
0xb5: {  	[sflag:s29] =	ssyncadd.s32 $0xFFFFFFFF  }
0xb6: {  	_ =	strace $0x9000004E  }
0xb7: {  	_ =	sfence  }
0xb8: {  	s30 =	sld [smem:$0x0];
	_ =	sdelay $0x2  }
0xb9: {  	s31 =	sshll.u32 s1, $0xD;
	s1 =	sshrl.u32 s1, $0x2  }
0xba: {  	s3 =	sand.u32 $0x4000, s31;
	s1 =	sadd.s32 s1, s30  }
0xbb: {  	s0 =	sor.u32 s3, s0;
	s1 =	sshll.u32 s1, $0x11  }
0xbc: {  	s0 =	sor.u32 s1, s0  }
0xbd: {  	s0 =	sadd.s32 $0x8F2B, s0  }
0xbe: {  	[sflag:s0] =	ssyncadd.remote.s32 $0x1  }
0xbf: {  	_ =	sfence.sel $0xFFFF  }
0xc0: {  	[dreg:$0x0] =	wrdreg $0xFFFFFFFF;
	(pc) =	sbr.abs _section_cstart, $3  }
0xc1: {  	[dreg:$0x1] =	wrdreg $0xFFFFFFFF  }
0xc2: {  	_ =	task.clear_ibuf [dreg:s7], $0x2FFFF;
	_ =	strace $0x9FFFFFFF  }
0xc3: {  	(tm) =	ssettm $0x7FFFFFFF  }
tec
execute0_lowered:
.L_overlay_start_1:
0x0: {  	(tag) =	ssettag $0x1  }
0x1: {  	s7 =	rddreg [dreg:$0x0]  }
0x2: {  	s0 =	srdreg.scid;
	s8 =	rddreg [dreg:$0x1]  }
0x3: {  	s28 =	stileid.u32;
	s2 =	rddreg [dreg:$0x2];
	s3 =	simm.s32 $0x0  }
0x4: {  	s15 =	simm.s32 $0x50000;
	s16 =	simm.s32 $0x3;
	s18 =	simm.s32 $0x1C040  }
0x5: {  	s20 =	simm.s32 $0xA000;
	s21 =	simm.s32 $0x80;
	s22 =	simm.s32 $0x2  }
0x6: {  	s23 =	simm.s32 $0xE000;
	s24 =	simm.s32 $0x0;
	s11 =	smul.u32 $0xA000, s28  }
0x7: {  	s6 =	sand.u32 $0x1, s0;
	[smem:$0x7FF] =	sst s3;
	s13 =	smul.u32 $0x28000, s28  }
0x8: {  	s4 =	sadd.s32 $0x5CC00, s7;
	s1 =	sshll.u32 s6, $0x4;
	s5 =	smul.u32 $0x140000, s6  }
0x9: {  	_ =	strace $0x8000004D;
	s6 =	ssub.s32 $0x2, s6;
	s9 =	sor.u32 s28, s1  }
0xa: {  	s29 =	sshrl.u32 s6, $0x1;
	s30 =	sshrl.u32 s13, $0x2;
	s10 =	smul.u32 $0x500, s9  }
0xb: {  	s11 =	sadd.s32 s11, s5;
	s5 =	sadd.s32 $0x34A00, s7;
	s31 =	ssub.s32 s6, s29  }
.Ltmp0:
0xc: {  	s19 =	sshll.u32 s9, $0x9;
	s11 =	sshrl.u32 s11, $0x3;
	(pc) =	sbr.rel .LBB2_1-.Ltmp0, $4  }
0xd: {  	s13 =	smax.u32 s31, $0x1;
	s19 =	sshrl.u32 s19, $0x2;
	s12 =	sadd.s32 s10, s7  }
0xe: {  	s14 =	sadd.s32 s11, s7;
	s7 =	sadd.s32 s30, s2;
	s8 =	sadd.s32 s8, s10  }
0xf: {  	s6 =	sadd.s32 $0x84C00, s12;
	s9 =	sadd.s32 $0x4000, s7;
	s10 =	sadd.s32 $0x8000, s7  }
0x10: {  	v0 =	vimm.f32 $0.0e+00;
	s11 =	sadd.s32 $0x98C00, s14;
	s12 =	sadd.s32 $0xACC00, s14;
	s14 =	simm.s32 $0x2800  }
.LBB2_15:
0x11: {  	s24 =	sadd.s32 $0x1, s24  }
0x12: {  	p0 =	sne.s32 s24, s13  }
.Ltmp1:
0x13: {  	[bflag:$0x0] =	sbarrier.arrive $0xFFFF;
	(pc) =	sbr.rel @!p0 .LBB2_16-.Ltmp1, $4  }
0x14: {  	[hbm:s12], [sflag:s26] =	dma.local [spmem:s28], $0x1400  }
0x15: {  	_ =	swait.ge [sflag:s16], $0x1400  }
0x16: {  	[sflag:s16] =	ssyncset.done $0x0  }
0x17: {  	[sflag:s16] =	ssyncadd.s32 $0xFFFFEC00  }
.LBB2_1:
0x18: {  	[tilespmem:s3], [sflag:$0x3] =	stream.strided.gather [hbm4b:s6+s14], $0x5000, s15, s14, $0x38;
	[tilespmem:$0x1D040] =	vst v63  }
0x19: {  	_ =	swait.ge [sflag:s16], $0x5000  }
0x1a: {  	[sflag:s16] =	ssyncset.done $0x0  }
0x1b: {  	s0 =	simm.s32 $0x5000;
	[sflag:s16] =	ssyncadd.s32 $0xFFFFB000  }
0x1c: {  	[tilespmem:s0], [sflag:$0x3] =	stream.strided.gather [hbm4b:s8+s14], $0x5000, s15, s14, $0x38;
	[tilespmem:$0x1D040] =	vst v63  }
0x1d: {  	_ =	swait.ge [sflag:s16], $0x5000  }
0x1e: {  	[sflag:s16] =	ssyncset.done $0x0  }
0x1f: {  	[sflag:s16] =	ssyncadd.s32 $0xFFFFB000  }
0x20: {  	[tilespmem:s18], [sflag:$0x3] =	stream.linear.gather [hbm4b:s5+s3], $0x1000, $0x38;
	[tilespmem:$0x1D040] =	vst v63  }
0x21: {  	_ =	swait.ge [sflag:s16], $0x1000  }
0x22: {  	[sflag:s16] =	ssyncset.done $0x0  }
0x23: {  	[sflag:s16] =	ssyncadd.s32 $0xFFFFF000  }
0x24: {  	s25 =	simm.s32 $0x0;
	s26 =	simm.s32 $0x200;
	v1 =	vld [tilespmem:s19+$0x1C040]  }
.LBB2_2:
0x25: {  	p0 =	sne.s32 s26, $0xFE00;
	[tilespmem:s25+$0xA070] =	vst v0  }
0x26: {  	[tilespmem:s25+$0xA000] =	vst v0  }
0x27: {  	[tilespmem:s25+$0xA010] =	vst v0  }
.Ltmp2:
0x28: {  	[tilespmem:s25+$0xA020] =	vst v0;
	(pc) =	sbr.rel @p0 .LBB2_2-.Ltmp2, $4  }
0x29: {  	[tilespmem:s25+$0xA030] =	vst v0  }
0x2a: {  	[tilespmem:s25+$0xA040] =	vst v0  }
0x2b: {  	[tilespmem:s25+$0xA050] =	vst v0  }
0x2c: {  	[tilespmem:s25+$0xA060] =	vst v0;
	s25 =	sshra.s32 s26, $0x2;
	s26 =	sadd.s32 $0x200, s26  }
0x2d: {  	(v2sf) =	vpush v1, $0x0  }
0x2e: {  	(v2sf) =	vpush v1, $0x1;
	_ =	sdelay $0x4  }
0x2f: {  	[tilespmem:s25+$0xA070] =	vst v0  }
0x30: {  	[tilespmem:s25+$0xA000] =	vst v0  }
0x31: {  	[tilespmem:s25+$0xA010] =	vst v0  }
0x32: {  	[tilespmem:s25+$0xA020] =	vst v0  }
0x33: {  	[tilespmem:s25+$0xA030] =	vst v0  }
0x34: {  	[tilespmem:s25+$0xA040] =	vst v0  }
0x35: {  	[tilespmem:s25+$0xA050] =	vst v0  }
0x36: {  	[tilespmem:s25+$0xA060] =	vst v0  }
0x37: {  	[spmem:s7] =	stream.linear.scatter [tilespmem:s20], [sflag:$0x3], $0x4000, $0x38;
	[tilespmem:$0x1D040] =	vst v63  }
0x38: {  	s26 =	spop (v2sf)  }
0x39: {  	s25 =	spop (v2sf)  }
0x3a: {  	_ =	swait.ge [sflag:s16], $0x4000  }
0x3b: {  	[sflag:s16] =	ssyncset.done $0x0  }
0x3c: {  	[sflag:s16] =	ssyncadd.s32 $0xFFFFC000  }
0x3d: {  	[spmem:s9] =	stream.linear.scatter [tilespmem:s20], [sflag:$0x3], $0x4000, $0x38;
	[tilespmem:$0x1D040] =	vst v63  }
0x3e: {  	_ =	swait.ge [sflag:s16], $0x4000  }
0x3f: {  	[sflag:s16] =	ssyncset.done $0x0  }
0x40: {  	p0 =	slt.s32 s26, $0x1;
	[sflag:s16] =	ssyncadd.s32 $0xFFFFC000  }
0x41: {  	[spmem:s10] =	stream.linear.scatter [tilespmem:s20], [sflag:$0x3], $0x2000, $0x38;
	[tilespmem:$0x1D040] =	vst v63  }
.Ltmp3:
0x42: {  	_ =	swait.ge [sflag:s16], $0x2000;
	(pc) =	sbr.rel @p0 .LBB2_8-.Ltmp3, $3  }
0x43: {  	[sflag:s16] =	ssyncset.done $0x0  }
0x44: {  	[sflag:s16] =	ssyncadd.s32 $0xFFFFE000  }
0x45: {  	[bflag:$0x0] =	sbarrier.arrive $0xFFFF;
	_ =	sdelay $0x1  }
0x46: {  	[tilespmem:s20], [sflag:$0x1] =	stream.indirect.gather [hbm4b:s4+s21], $0x80, s3, s21, $0xb8;
	[tilespmem:$0x1D040] =	vst v63  }
.Ltmp4:
0x47: {  	_ = 	snop;
	(pc) =	sbr.rel .LBB2_5-.Ltmp4, $4  }
0x48: {  	p0 =	seq.s32 s26, $0x1  }
0x49: {  	s28 =	simm.s32 @!p0 $0x80;
	s29 =	simm.s32 @!p0 $0xE000  }
0x4a: {  	[tilespmem:s29], [sflag:$0x2] =	stream.indirect.gather @!p0 [hbm4b:s4+s28], $0x80, s28, s28, $0xb8;
	[tilespmem:$0x1D040] =	vst v63  }
0x4b: {  	s30 =	simm.s32 $0x5000;
	s28 =	simm.s32 $0x0;
	s29 =	simm.s32 $0x100  }
.LBB2_7:
0x4c: {  	s28 =	sadd.s32 $0x1, s28  }
0x4d: {  	p0 =	sne.s32 s26, s28  }
.Ltmp5:
0x4e: {  	_ = 	snop;
	(pc) =	sbr.rel @!p0 .LBB2_8-.Ltmp5, $2  }
0x4f: {  	_ =	sdelay $0x2  }
0x50: {  	s29 =	sadd.s32 $0x80, s29;
	s30 =	sadd.s32 $0x80, s30  }
.LBB2_5:
0x51: {  	s31 =	sand.u32 $0x1, s28  }
0x52: {  	p0 =	seq.s32 s31, $0x1  }
0x53: {  	s1 =	simm.s32 @!p0 $0x1  }
0x54: {  	_ =	swait.ge @!p0 [sflag:s1], $0x4000  }
0x55: {  	[sflag:s1] =	ssyncset.done @!p0 $0x0  }
0x56: {  	s0 =	simm.s32 @!p0 $0xA000;
	[sflag:s1] =	ssyncadd.s32 @!p0 $0xFFFFC000;
	s1 =	simm.s32 @!p0 $0x80  }
0x57: {  	[spmem:s2] =	stream.indirect.scatter.add.f32 @!p0 [tilespmem:s0], [sflag:$0x3], $0x80, s30, s1, $0xb8;
	[tilespmem:$0x1D040] =	vst v63  }
0x58: {  	s0 =	simm.s32 @!p0 $0x3;
	s1 =	sadd.s32 @!p0 $0x2, s28  }
0x59: {  	_ =	swait.ge @!p0 [sflag:s0], $0x4000;
	p1 =	sge.s32 @!p0 s1, s26  }
0x5a: {  	[sflag:s0] =	ssyncset.done @!p0 $0x0;
	p1 =	por p1, p0  }
0x5b: {  	[sflag:s0] =	ssyncadd.s32 @!p0 $0xFFFFC000;
	s0 =	simm.s32 @!p1 $0x80;
	s1 =	simm.s32 @!p1 $0xA000  }
0x5c: {  	[tilespmem:s1], [sflag:$0x1] =	stream.indirect.gather @!p1 [hbm4b:s4+s0], $0x80, s29, s0, $0xb8;
	[tilespmem:$0x1D040] =	vst v63  }
0x5d: {  	p1 =	seq.s32 @!p0 s31, $0x0  }
0x5e: {  	p0 =	por p0, !p1  }
.Ltmp6:
0x5f: {  	_ = 	snop;
	(pc) =	sbr.rel @!p0 .LBB2_7-.Ltmp6, $1  }
0x60: {  	_ =	sdelay $0x3  }
0x61: {  	_ =	swait.ge [sflag:s22], $0x4000  }
0x62: {  	[sflag:s22] =	ssyncset.done $0x0  }
0x63: {  	[sflag:s22] =	ssyncadd.s32 $0xFFFFC000  }
0x64: {  	[spmem:s2] =	stream.indirect.scatter.add.f32 [tilespmem:s23], [sflag:$0x3], $0x80, s30, s21, $0xb8;
	[tilespmem:$0x1D040] =	vst v63  }
.Ltmp7:
0x65: {  	_ = 	snop;
	(pc) =	sbr.rel .LBB2_7-.Ltmp7, $4  }
0x66: {  	s0 =	sadd.s32 $0x2, s28;
	_ =	swait.ge [sflag:s16], $0x4000  }
0x67: {  	p0 =	sge.s32 s0, s26;
	[sflag:s16] =	ssyncset.done $0x0  }
0x68: {  	s0 =	simm.s32 @!p0 $0x80;
	s1 =	simm.s32 @!p0 $0xE000;
	[sflag:s16] =	ssyncadd.s32 $0xFFFFC000  }
0x69: {  	[tilespmem:s1], [sflag:$0x2] =	stream.indirect.gather @!p0 [hbm4b:s4+s0], $0x80, s29, s0, $0xb8;
	[tilespmem:$0x1D040] =	vst v63  }
.LBB2_8:
0x6a: {  	s0 =	stileid.u32  }
0x6b: {  	s0 =	sshll.u32 s0, $0x6  }
0x6c: {  	[bflag:$0x0] =	sbarrier.arrive $0xFFFF;
	s28 =	sshrl.u32 s7, $0x3;
	s26 =	sor.u32 $0x1C03, s0  }
0x6d: {  	[hbm:s11], [sflag:s26] =	dma.local [spmem:s28], $0x1400  }
0x6e: {  	_ =	swait.ge [sflag:s16], $0x1400  }
0x6f: {  	[sflag:s16] =	ssyncset.done $0x0  }
0x70: {  	s29 =	simm.s32 $0x0;
	s30 =	simm.s32 $0x200;
	[sflag:s16] =	ssyncadd.s32 $0xFFFFEC00  }
.LBB2_9:
0x71: {  	p0 =	sne.s32 s30, $0xFE00;
	[tilespmem:s29+$0xA070] =	vst v0  }
0x72: {  	[tilespmem:s29+$0xA000] =	vst v0  }
0x73: {  	[tilespmem:s29+$0xA010] =	vst v0  }
.Ltmp8:
0x74: {  	[tilespmem:s29+$0xA020] =	vst v0;
	(pc) =	sbr.rel @p0 .LBB2_9-.Ltmp8, $4  }
0x75: {  	[tilespmem:s29+$0xA030] =	vst v0  }
0x76: {  	[tilespmem:s29+$0xA040] =	vst v0  }
0x77: {  	[tilespmem:s29+$0xA050] =	vst v0  }
0x78: {  	[tilespmem:s29+$0xA060] =	vst v0;
	s29 =	sshra.s32 s30, $0x2;
	s30 =	sadd.s32 $0x200, s30  }
0x79: {  	[tilespmem:s29+$0xA070] =	vst v0  }
0x7a: {  	[tilespmem:s29+$0xA000] =	vst v0  }
0x7b: {  	[tilespmem:s29+$0xA010] =	vst v0  }
0x7c: {  	[tilespmem:s29+$0xA020] =	vst v0  }
0x7d: {  	[tilespmem:s29+$0xA030] =	vst v0  }
0x7e: {  	[tilespmem:s29+$0xA040] =	vst v0  }
0x7f: {  	[tilespmem:s29+$0xA050] =	vst v0  }
0x80: {  	[tilespmem:s29+$0xA060] =	vst v0  }
0x81: {  	[spmem:s7] =	stream.linear.scatter [tilespmem:s20], [sflag:$0x3], $0x4000, $0x38;
	[tilespmem:$0x1D040] =	vst v63  }
0x82: {  	_ =	swait.ge [sflag:s16], $0x4000  }
0x83: {  	[sflag:s16] =	ssyncset.done $0x0  }
0x84: {  	[sflag:s16] =	ssyncadd.s32 $0xFFFFC000  }
0x85: {  	[spmem:s9] =	stream.linear.scatter [tilespmem:s20], [sflag:$0x3], $0x4000, $0x38;
	[tilespmem:$0x1D040] =	vst v63  }
0x86: {  	_ =	swait.ge [sflag:s16], $0x4000  }
0x87: {  	[sflag:s16] =	ssyncset.done $0x0  }
0x88: {  	p0 =	slt.s32 s25, $0x1;
	[sflag:s16] =	ssyncadd.s32 $0xFFFFC000  }
0x89: {  	[spmem:s10] =	stream.linear.scatter [tilespmem:s20], [sflag:$0x3], $0x2000, $0x38;
	[tilespmem:$0x1D040] =	vst v63  }
.Ltmp9:
0x8a: {  	_ =	swait.ge [sflag:s16], $0x2000;
	(pc) =	sbr.rel @p0 .LBB2_15-.Ltmp9, $3  }
0x8b: {  	[sflag:s16] =	ssyncset.done $0x0  }
0x8c: {  	[sflag:s16] =	ssyncadd.s32 $0xFFFFE000  }
0x8d: {  	[bflag:$0x0] =	sbarrier.arrive $0xFFFF;
	_ =	sdelay $0x1  }
0x8e: {  	[tilespmem:s20], [sflag:$0x1] =	stream.indirect.gather [hbm4b:s4+s21], $0x80, s14, s21, $0xb8;
	[tilespmem:$0x1D040] =	vst v63  }
.Ltmp10:
0x8f: {  	_ = 	snop;
	(pc) =	sbr.rel .LBB2_12-.Ltmp10, $4  }
0x90: {  	p0 =	seq.s32 s25, $0x1  }
0x91: {  	s0 =	simm.s32 @!p0 $0x80;
	s1 =	simm.s32 @!p0 $0x2880;
	s29 =	simm.s32 @!p0 $0xE000  }
0x92: {  	[tilespmem:s29], [sflag:$0x2] =	stream.indirect.gather @!p0 [hbm4b:s4+s0], $0x80, s1, s0, $0xb8;
	[tilespmem:$0x1D040] =	vst v63  }
0x93: {  	s30 =	simm.s32 $0x2900;
	s31 =	simm.s32 $0x7800;
	s29 =	simm.s32 $0x0  }
.LBB2_14:
0x94: {  	s29 =	sadd.s32 $0x1, s29  }
0x95: {  	p0 =	sne.s32 s25, s29  }
.Ltmp11:
0x96: {  	_ = 	snop;
	(pc) =	sbr.rel @!p0 .LBB2_15-.Ltmp11, $2  }
0x97: {  	_ =	sdelay $0x2  }
0x98: {  	s30 =	sadd.s32 $0x80, s30;
	s31 =	sadd.s32 $0x80, s31  }
.LBB2_12:
0x99: {  	s0 =	sand.u32 $0x1, s29  }
0x9a: {  	p0 =	seq.s32 s0, $0x1  }
0x9b: {  	s1 =	simm.s32 @!p0 $0x1  }
0x9c: {  	_ =	swait.ge @!p0 [sflag:s1], $0x4000  }
0x9d: {  	[sflag:s1] =	ssyncset.done @!p0 $0x0  }
0x9e: {  	s17 =	simm.s32 @!p0 $0xA000;
	[sflag:s1] =	ssyncadd.s32 @!p0 $0xFFFFC000;
	s1 =	simm.s32 @!p0 $0x80  }
0x9f: {  	[spmem:s2] =	stream.indirect.scatter.add.f32 @!p0 [tilespmem:s17], [sflag:$0x3], $0x80, s31, s1, $0xb8;
	[tilespmem:$0x1D040] =	vst v63  }
0xa0: {  	s1 =	simm.s32 @!p0 $0x3;
	s17 =	sadd.s32 @!p0 $0x2, s29  }
0xa1: {  	_ =	swait.ge @!p0 [sflag:s1], $0x4000;
	p1 =	sge.s32 @!p0 s17, s25  }
0xa2: {  	[sflag:s1] =	ssyncset.done @!p0 $0x0;
	p1 =	por p1, p0  }
0xa3: {  	[sflag:s1] =	ssyncadd.s32 @!p0 $0xFFFFC000;
	s1 =	simm.s32 @!p1 $0x80;
	s17 =	simm.s32 @!p1 $0xA000  }
0xa4: {  	[tilespmem:s17], [sflag:$0x1] =	stream.indirect.gather @!p1 [hbm4b:s4+s1], $0x80, s30, s1, $0xb8;
	[tilespmem:$0x1D040] =	vst v63  }
0xa5: {  	p1 =	seq.s32 @!p0 s0, $0x0  }
0xa6: {  	p0 =	por p0, !p1  }
.Ltmp12:
0xa7: {  	_ = 	snop;
	(pc) =	sbr.rel @!p0 .LBB2_14-.Ltmp12, $1  }
0xa8: {  	_ =	sdelay $0x3  }
0xa9: {  	_ =	swait.ge [sflag:s22], $0x4000  }
0xaa: {  	[sflag:s22] =	ssyncset.done $0x0  }
0xab: {  	[sflag:s22] =	ssyncadd.s32 $0xFFFFC000  }
0xac: {  	[spmem:s2] =	stream.indirect.scatter.add.f32 [tilespmem:s23], [sflag:$0x3], $0x80, s31, s21, $0xb8;
	[tilespmem:$0x1D040] =	vst v63  }
.Ltmp13:
0xad: {  	_ = 	snop;
	(pc) =	sbr.rel .LBB2_14-.Ltmp13, $4  }
0xae: {  	s0 =	sadd.s32 $0x2, s29;
	_ =	swait.ge [sflag:s16], $0x4000  }
0xaf: {  	p0 =	sge.s32 s0, s25;
	[sflag:s16] =	ssyncset.done $0x0  }
0xb0: {  	s0 =	simm.s32 @!p0 $0x80;
	s1 =	simm.s32 @!p0 $0xE000;
	[sflag:s16] =	ssyncadd.s32 $0xFFFFC000  }
0xb1: {  	[tilespmem:s1], [sflag:$0x2] =	stream.indirect.gather @!p0 [hbm4b:s4+s0], $0x80, s30, s0, $0xb8;
	[tilespmem:$0x1D040] =	vst v63  }
.LBB2_16:
0xb2: {  	_ =	sfence.sel $0x180000  }
0xb3: {  	[bflag:$0x0] =	sbarrier.arrive $0xFFFF  }
0xb4: {  	_ =	strace $0x9000004D  }
0xb5: {  	s0 =	stileid.u32;
	[bflag:$0x2] =	sbarrier.arrive $0xFFFF  }
0xb6: {  	p0 =	sne.s32 s0, $0x0;
	s0 =	rddreg [dreg:$0x3]  }
0xb7: {  	s0 =	sadd.s32 @!p0 $0x100000, s0  }
0xb8: {  	[sflag:s0] =	ssyncadd.tile.s32 @!p0 $0x1;
	_ =	shalt  }
.Lfunc_end2:
_tile_overlayer_lowered:
.L_overlay_start_2:
0xb9: {  	(tag) =	ssettag $0x2  }
0xba: {  	s0 =	rddreg [dreg:$0x0];
	s2 =	stileid.u32  }
0xbb: {  	s1 =	rddreg [dreg:$0x1];
	p0 =	sne.s32 s2, $0x0  }
0xbc: {  	s3 =	rddreg [dreg:$0x2];
	[bflag:$0x3] =	sbarrier.arrive $0xFFFF;
	s2 =	simm.s32 @!p0 $0x1C03  }
0xbd: {  	[timem:s3], [sflag:s2] =	dma.local @!p0 [hbm:s0], s1  }
0xbe: {  	s0 =	simm.s32 @!p0 $0x3  }
0xbf: {  	_ =	swait.ge @!p0 [sflag:s0], s1  }
0xc0: {  	s1 =	ssub.s32 @!p0 $0x0, s1;
	[sflag:s0] =	ssyncset.done @!p0 $0x0  }
0xc1: {  	[sflag:s0] =	ssyncadd.s32 @!p0 s1  }
0xc2: {  	[bflag:$0x3] =	sbarrier.arrive $0xFFFF  }
0xc3: {  	_ =	shalt  }

// kernel: kernel.18.cloned.1.call-start
scs
__scs_entry_jumppad:
0x0: {  	(pc) =	sbr.rel $0x88, $3  }
0x1: {  	(tag) =	ssettag $0x0;
	lr =	simm.s32 $0x1  }
0x2: {  	[smem:$0x3F9D] =	sst lr;
	_ =	strace $0xD0000000  }
0x3: {  	_ = 	snop  }
0x4: {  	_ = 	snop  }
0x5: {  	_ = 	snop  }
0x6: {  	_ = 	snop  }
0x7: {  	_ = 	snop  }
__scs_overlays_trampoline_lowered:
0x8: {  	[smem:$0x3FAC] =	sst s0  }
0x9: {  	[smem:$0x3FAD] =	sst s1  }
0xa: {  	[smem:$0x3FAE] =	sst s2  }
0xb: {  	[smem:$0x3FAF] =	sst s3  }
0xc: {  	[smem:$0x3FB0] =	sst s4  }
0xd: {  	[smem:$0x3FB1] =	sst s5  }
0xe: {  	[smem:$0x3FB2] =	sst s6  }
0xf: {  	[smem:$0x3FB3] =	sst s7  }
0x10: {  	[smem:$0x3FB4] =	sst s8  }
0x11: {  	[smem:$0x3FB5] =	sst s9;
	s0 =	simm.s32 @!p0 $0x0  }
0x12: {  	s1 =	sld [smem:$0x3F9B];
	s0 =	simm.s32 @p0 $0x1  }
0x13: {  	[smem:$0x3FB6] =	sst s0;
	s0 =	simm.s32 @!p1 $0x0  }
0x14: {  	s2 =	sld [smem:$0x3F9A];
	s0 =	simm.s32 @p1 $0x1  }
0x15: {  	[smem:$0x3FB7] =	sst s0;
	s0 =	simm.s32 @!p2 $0x0  }
0x16: {  	s3 =	sld [smem:$0x3FDB];
	s0 =	simm.s32 @p2 $0x1  }
0x17: {  	s4 =	simm.s32 $0x1BF5;
	[smem:$0x3FB9] =	sst s0  }
0x18: {  	s0 =	sld [smem:$0x3F9C];
	_ =	swait.ge [sflag:s4], $0x0  }
0x19: {  	s7 =	sld [smem:$0x3F9D]  }
0x1a: {  	s8 =	sadd.s32 $0xFFFFE003, lr  }
0x1b: {  	s9 =	sadd.s32 $0xFFFFFEF7, lr;
	s5 =	simm.s32 $0xFFFFFFFF;
	p2 =	slt.u32 s8, $0xFFFFF086  }
0x1c: {  	p1 =	slt.u32 s9, $0xF7A;
	s5 =	simm.s32 @!p2 $0x0  }
0x1d: {  	s5 =	simm.s32 @p1 $0x1;
	p0 =	seq.s32 s7, s2  }
0x1e: {  	s7 =	smul.u32 @!p0 $0xF7A, s2;
	p2 =	seq.s32 @!p0 s5, $0x0  }
0x1f: {  	s9 =	smul.u32 $0xF7A, s1;
	s8 =	simm.s32 @!p0 $0x1BF5;
	p2 =	por !p2, p0  }
0x20: {  	[sflag:s8] =	ssyncset.s32 @!p0 $0xFFFFF086;
	s6 =	sadd.s32 @!p0 s3, s7;
	s7 =	simm.s32 @!p0 $0x108  }
0x21: {  	s3 =	sadd.s32 s3, s9;
	s6 =	sadd.s32 @!p0 $0x88, s6;
	s7 =	simm.s32 @p2 $0x1082  }
0x22: {  	[simem:s7], [sflag:s8] =	dma.local @!p0 [hbm:s6], $0xF7A  }
0x23: {  	s9 =	sor.u32 $0xD0000000, s2;
	s6 =	simm.s32 $0x108;
	_ =	swait.ge @!p0 [sflag:s8], $0x0  }
0x24: {  	s3 =	sadd.s32 $0x88, s3;
	s6 =	simm.s32 @!p1 $0x1082;
	[sflag:s4] =	ssyncset.s32 $0xFFFFF086  }
0x25: {  	[simem:s6], [sflag:s4] =	dma.local [hbm:s3], $0xF7A  }
0x26: {  	[smem:$0x3F9D] =	sst s1;
	(tag) =	ssettag s2;
	_ =	strace s9  }
0x27: {  	s1 =	sld [smem:$0x3FAD]  }
0x28: {  	s2 =	sld [smem:$0x3FAE]  }
0x29: {  	s4 =	sld [smem:$0x3FB0]  }
0x2a: {  	p0 =	seq.s32 s5, $0x0;
	s5 =	sld [smem:$0x3FB1]  }
0x2b: {  	s6 =	sld [smem:$0x3FB2]  }
0x2c: {  	s7 =	sld [smem:$0x3FB3]  }
0x2d: {  	s3 =	simm.s32 $0x108;
	s8 =	sld [smem:$0x3FB4]  }
0x2e: {  	s3 =	simm.s32 @!p0 $0x1082;
	s9 =	sld [smem:$0x3FB5]  }
0x2f: {  	lr =	sadd.s32 s0, s3;
	s0 =	sld [smem:$0x3FAC]  }
0x30: {  	s3 =	sld [smem:$0x3FAF]  }
0x31: {  	[smem:$0x3FB8] =	sst s10  }
0x32: {  	s10 =	sld [smem:$0x3FB6];
	_ =	sdelay $0x3  }
0x33: {  	p0 =	seq.s32 s10, $0x1;
	s10 =	sld [smem:$0x3FB8];
	_ =	sdelay $0x3  }
0x34: {  	[smem:$0x3FB8] =	sst s10  }
0x35: {  	s10 =	sld [smem:$0x3FB7];
	_ =	sdelay $0x3  }
0x36: {  	p1 =	seq.s32 s10, $0x1;
	s10 =	sld [smem:$0x3FB8];
	_ =	sdelay $0x3  }
0x37: {  	[smem:$0x3FB8] =	sst s10  }
0x38: {  	s10 =	sld [smem:$0x3FB9]  }
0x39: {  	_ = 	snop;
	(pc) =	sbr.ind lr, $3  }
0x3a: {  	_ = 	snop  }
0x3b: {  	_ = 	snop  }
0x3c: {  	p2 =	seq.s32 s10, $0x1;
	s10 =	sld [smem:$0x3FB8]  }
0x3d: {  	_ =	shalt  }
0x3e: {  	_ =	shalt  }
0x3f: {  	_ =	shalt  }
0x40: {  	_ =	shalt  }
0x41: {  	_ =	shalt  }
0x42: {  	_ =	shalt  }
0x43: {  	_ =	shalt  }
0x44: {  	_ =	shalt  }
0x45: {  	_ =	shalt  }
0x46: {  	_ =	shalt  }
0x47: {  	_ =	shalt  }
0x48: {  	_ =	shalt  }
0x49: {  	_ =	shalt  }
0x4a: {  	_ =	shalt  }
0x4b: {  	_ =	shalt  }
0x4c: {  	_ =	shalt  }
0x4d: {  	_ =	shalt  }
0x4e: {  	_ =	shalt  }
0x4f: {  	_ =	shalt  }
0x50: {  	_ =	shalt  }
0x51: {  	_ =	shalt  }
0x52: {  	_ =	shalt  }
0x53: {  	_ =	shalt  }
0x54: {  	_ =	shalt  }
0x55: {  	_ =	shalt  }
0x56: {  	_ =	shalt  }
0x57: {  	_ =	shalt  }
0x58: {  	_ =	shalt  }
0x59: {  	_ =	shalt  }
0x5a: {  	_ =	shalt  }
0x5b: {  	_ =	shalt  }
0x5c: {  	_ =	shalt  }
0x5d: {  	_ =	shalt  }
0x5e: {  	_ =	shalt  }
0x5f: {  	_ =	shalt  }
0x60: {  	_ =	shalt  }
0x61: {  	_ =	shalt  }
0x62: {  	_ =	shalt  }
0x63: {  	_ =	shalt  }
0x64: {  	_ =	shalt  }
0x65: {  	_ =	shalt  }
0x66: {  	_ =	shalt  }
0x67: {  	_ =	shalt  }
0x68: {  	_ =	shalt  }
0x69: {  	_ =	shalt  }
0x6a: {  	_ =	shalt  }
0x6b: {  	_ =	shalt  }
0x6c: {  	_ =	shalt  }
0x6d: {  	_ =	shalt  }
0x6e: {  	_ =	shalt  }
0x6f: {  	_ =	shalt  }
0x70: {  	_ =	shalt  }
0x71: {  	_ =	shalt  }
0x72: {  	_ =	shalt  }
0x73: {  	_ =	shalt  }
0x74: {  	_ =	shalt  }
0x75: {  	_ =	shalt  }
0x76: {  	_ =	shalt  }
0x77: {  	_ =	shalt  }
0x78: {  	_ =	shalt  }
0x79: {  	_ =	shalt  }
0x7a: {  	_ =	shalt  }
0x7b: {  	_ =	shalt  }
0x7c: {  	_ =	shalt  }
0x7d: {  	_ =	shalt  }
0x7e: {  	_ =	shalt  }
0x7f: {  	_ =	shalt  }
0x80: {  	_ =	shalt  }
0x81: {  	_ =	shalt  }
0x82: {  	_ =	shalt  }
0x83: {  	_ =	shalt  }
0x84: {  	_ =	shalt  }
0x85: {  	_ =	shalt  }
0x86: {  	_ =	shalt  }
0x87: {  	_ =	shalt  }
.Lfunc_end0:
.L_simem_size_0:
called_computation.3_lowered:
.L_overlay_start_0:
0x88: {  	s2 =	sld [smem:$0x3FD9]  }
0x89: {  	s3 =	sld [smem:$0x3FFE];
	_ =	sdelay $0x1  }
0x8a: {  	s1 =	srdreg.scid  }
0x8b: {  	s0 =	sand.u32 $0x1, s1  }
0x8c: {  	s17 =	sshll.u32 s0, $0xA;
	s2 =	sadd.s32 s3, s2  }
0x8d: {  	s2 =	sadd.s32 s2, s17  }
0x8e: {  	[smem:$0x3FC4] =	sst s2  }
0x8f: {  	_ = 	snop  }
0x90: {  	s2 =	sld [smem:$0x3FD0];
	(tm) =	ssettm $0x1  }
0x91: {  	s18 =	sld [smem:$0x3FFB];
	_ =	sdelay $0x3  }
0x92: {  	_ =	strace s18  }
0x93: {  	s3 =	sld [smem:$0x3FFC];
	_ =	sdelay $0x3  }
0x94: {  	_ =	strace s3  }
0x95: {  	s3 =	sld [smem:$0x3FFD];
	_ =	sdelay $0x3  }
0x96: {  	_ =	strace s3  }
0x97: {  	_ =	strace $0x8FFFFFFF  }
0x98: {  	s19 =	sld [smem:$0x3FDB];
	_ =	sdelay $0x1  }
0x99: {  	s4 =	simm.s32 $_scs_section_size  }
0x9a: {  	s5 =	simm.s32 $_size__tile_overlayer_lowered;
	s6 =	simm.s32 $_tile_overlayer_lowered  }
0x9b: {  	s22 =	simm.s32 $0x1BFF;
	s21 =	sshll.u32 s6, $0x1;
	s3 =	sadd.s32 s4, s19  }
0x9c: {  	s7 =	simm.s32 $0x0;
	s20 =	sshll.u32 s5, $0x1;
	s5 =	sadd.s32 s21, s3  }
0x9d: {  	[timem:s7], [sflag:s22] =	dma.local [hbm:s5], s20  }
0x9e: {  	_ =	swait.ge [sflag:s22], s20  }
0x9f: {  	s4 =	ssub.s32 $0x0, s20;
	[sflag:s22] =	ssyncset.done $0x0  }
0xa0: {  	[sflag:s22] =	ssyncadd.s32 s4;
	_ =	sdelay $0x1  }
0xa1: {  	s23 =	simm.s32 $0x1B8B  }
0xa2: {  	_ =	swait.ge [sflag:s23], $0x1  }
0xa3: {  	[sflag:s23] =	ssyncset.done $0x0  }
0xa4: {  	s25 =	simm.s32 $0x1B8E;
	s24 =	sld [smem:$0x3FFE];
	[sflag:s23] =	ssyncadd.s32 $0xFFFFFFFF  }
0xa5: {  	s26 =	simm.s32 $execute0_lowered;
	[smem:$0x3FD2] =	sst s25  }
0xa6: {  	s5 =	sshll.u32 s26, $0x1;
	_ =	strace $0x8000004F;
	[dreg:$0x1] =	wrdreg $0xFFFFFFFF  }
0xa7: {  	s28 =	simm.s32 $_size_execute0_lowered;
	s3 =	sadd.s32 s3, s5;
	[dreg:$0x0] =	wrdreg $0x0  }
0xa8: {  	s5 =	sshll.u32 s28, $0x1;
	[dreg:$0x2] =	wrdreg s3  }
0xa9: {  	[dreg:$0x3] =	wrdreg s5  }
0xaa: {  	[dreg:$0x4] =	wrdreg $0xC0  }
0xab: {  	_ =	task [dreg:s7], $0x5FFFF  }
0xac: {  	[dreg:$0x1] =	wrdreg $0xFFFFFFFF  }
0xad: {  	[dreg:$0x0] =	wrdreg $0x60  }
0xae: {  	[dreg:$0x2] =	wrdreg s24  }
0xaf: {  	[dreg:$0x3] =	wrdreg s2  }
0xb0: {  	[dreg:$0x4] =	wrdreg $0x120000  }
0xb1: {  	[dreg:$0x5] =	wrdreg $0x9  }
0xb2: {  	_ =	task.clear_ibuf [dreg:s7], $0x6FFFF;
	_ =	strace $0x9000004F  }
0xb3: {  	s29 =	simm.s32 $0x9;
	_ =	strace $0x80000051  }
0xb4: {  	_ =	swait.ge [sflag:s29], $0x1  }
0xb5: {  	[sflag:s29] =	ssyncadd.s32 $0xFFFFFFFF  }
0xb6: {  	_ =	strace $0x90000051  }
0xb7: {  	_ =	sfence  }
0xb8: {  	s30 =	sld [smem:$0x0];
	_ =	sdelay $0x2  }
0xb9: {  	s31 =	sshll.u32 s1, $0xD;
	s1 =	sshrl.u32 s1, $0x2  }
0xba: {  	s3 =	sand.u32 $0x4000, s31;
	s1 =	sadd.s32 s1, s30  }
0xbb: {  	s0 =	sor.u32 s3, s0;
	s1 =	sshll.u32 s1, $0x11  }
0xbc: {  	s0 =	sor.u32 s1, s0  }
0xbd: {  	s0 =	sadd.s32 $0x8F2B, s0  }
0xbe: {  	[sflag:s0] =	ssyncadd.remote.s32 $0x1  }
0xbf: {  	_ =	sfence.sel $0xFFFF  }
0xc0: {  	[dreg:$0x0] =	wrdreg $0xFFFFFFFF;
	(pc) =	sbr.abs _section_cstart, $3  }
0xc1: {  	[dreg:$0x1] =	wrdreg $0xFFFFFFFF  }
0xc2: {  	_ =	task.clear_ibuf [dreg:s7], $0x2FFFF;
	_ =	strace $0x9FFFFFFF  }
0xc3: {  	(tm) =	ssettm $0x7FFFFFFF  }
tec
execute0_lowered:
.L_overlay_start_1:
0x0: {  	(tag) =	ssettag $0x1  }
0x1: {  	s7 =	rddreg [dreg:$0x0]  }
0x2: {  	s0 =	srdreg.scid;
	s8 =	rddreg [dreg:$0x1]  }
0x3: {  	s28 =	stileid.u32;
	s2 =	rddreg [dreg:$0x2];
	s3 =	simm.s32 $0x0  }
0x4: {  	s15 =	simm.s32 $0x50000;
	s16 =	simm.s32 $0x3;
	s18 =	simm.s32 $0x1C040  }
0x5: {  	s20 =	simm.s32 $0xA000;
	s21 =	simm.s32 $0x80;
	s22 =	simm.s32 $0x2  }
0x6: {  	s23 =	simm.s32 $0xE000;
	s24 =	simm.s32 $0x0;
	s11 =	smul.u32 $0xA000, s28  }
0x7: {  	s6 =	sand.u32 $0x1, s0;
	[smem:$0x7FF] =	sst s3;
	s13 =	smul.u32 $0x28000, s28  }
0x8: {  	s4 =	sadd.s32 $0x5CC00, s7;
	s1 =	sshll.u32 s6, $0x4;
	s5 =	smul.u32 $0x140000, s6  }
0x9: {  	_ =	strace $0x80000050;
	s6 =	ssub.s32 $0x2, s6;
	s9 =	sor.u32 s28, s1  }
0xa: {  	s29 =	sshrl.u32 s6, $0x1;
	s30 =	sshrl.u32 s13, $0x2;
	s10 =	smul.u32 $0x500, s9  }
0xb: {  	s11 =	sadd.s32 s11, s5;
	s5 =	sadd.s32 $0x34A00, s7;
	s31 =	ssub.s32 s6, s29  }
.Ltmp0:
0xc: {  	s19 =	sshll.u32 s9, $0x9;
	s11 =	sshrl.u32 s11, $0x3;
	(pc) =	sbr.rel .LBB2_1-.Ltmp0, $4  }
0xd: {  	s13 =	smax.u32 s31, $0x1;
	s19 =	sshrl.u32 s19, $0x2;
	s12 =	sadd.s32 s10, s7  }
0xe: {  	s14 =	sadd.s32 s11, s7;
	s7 =	sadd.s32 s30, s2;
	s8 =	sadd.s32 s8, s10  }
0xf: {  	s6 =	sadd.s32 $0x84C00, s12;
	s9 =	sadd.s32 $0x4000, s7;
	s10 =	sadd.s32 $0x8000, s7  }
0x10: {  	v0 =	vimm.f32 $0.0e+00;
	s11 =	sadd.s32 $0x98C00, s14;
	s12 =	sadd.s32 $0xACC00, s14;
	s14 =	simm.s32 $0x2800  }
.LBB2_15:
0x11: {  	s24 =	sadd.s32 $0x1, s24  }
0x12: {  	p0 =	sne.s32 s24, s13  }
.Ltmp1:
0x13: {  	[bflag:$0x0] =	sbarrier.arrive $0xFFFF;
	(pc) =	sbr.rel @!p0 .LBB2_16-.Ltmp1, $4  }
0x14: {  	[hbm:s12], [sflag:s26] =	dma.local [spmem:s28], $0x1400  }
0x15: {  	_ =	swait.ge [sflag:s16], $0x1400  }
0x16: {  	[sflag:s16] =	ssyncset.done $0x0  }
0x17: {  	[sflag:s16] =	ssyncadd.s32 $0xFFFFEC00  }
.LBB2_1:
0x18: {  	[tilespmem:s3], [sflag:$0x3] =	stream.strided.gather [hbm4b:s6+s14], $0x5000, s15, s14, $0x38;
	[tilespmem:$0x1D040] =	vst v63  }
0x19: {  	_ =	swait.ge [sflag:s16], $0x5000  }
0x1a: {  	[sflag:s16] =	ssyncset.done $0x0  }
0x1b: {  	s0 =	simm.s32 $0x5000;
	[sflag:s16] =	ssyncadd.s32 $0xFFFFB000  }
0x1c: {  	[tilespmem:s0], [sflag:$0x3] =	stream.strided.gather [hbm4b:s8+s14], $0x5000, s15, s14, $0x38;
	[tilespmem:$0x1D040] =	vst v63  }
0x1d: {  	_ =	swait.ge [sflag:s16], $0x5000  }
0x1e: {  	[sflag:s16] =	ssyncset.done $0x0  }
0x1f: {  	[sflag:s16] =	ssyncadd.s32 $0xFFFFB000  }
0x20: {  	[tilespmem:s18], [sflag:$0x3] =	stream.linear.gather [hbm4b:s5+s3], $0x1000, $0x38;
	[tilespmem:$0x1D040] =	vst v63  }
0x21: {  	_ =	swait.ge [sflag:s16], $0x1000  }
0x22: {  	[sflag:s16] =	ssyncset.done $0x0  }
0x23: {  	[sflag:s16] =	ssyncadd.s32 $0xFFFFF000  }
0x24: {  	s25 =	simm.s32 $0x0;
	s26 =	simm.s32 $0x200;
	v1 =	vld [tilespmem:s19+$0x1C040]  }
.LBB2_2:
0x25: {  	p0 =	sne.s32 s26, $0xFE00;
	[tilespmem:s25+$0xA070] =	vst v0  }
0x26: {  	[tilespmem:s25+$0xA000] =	vst v0  }
0x27: {  	[tilespmem:s25+$0xA010] =	vst v0  }
.Ltmp2:
0x28: {  	[tilespmem:s25+$0xA020] =	vst v0;
	(pc) =	sbr.rel @p0 .LBB2_2-.Ltmp2, $4  }
0x29: {  	[tilespmem:s25+$0xA030] =	vst v0  }
0x2a: {  	[tilespmem:s25+$0xA040] =	vst v0  }
0x2b: {  	[tilespmem:s25+$0xA050] =	vst v0  }
0x2c: {  	[tilespmem:s25+$0xA060] =	vst v0;
	s25 =	sshra.s32 s26, $0x2;
	s26 =	sadd.s32 $0x200, s26  }
0x2d: {  	(v2sf) =	vpush v1, $0x0  }
0x2e: {  	(v2sf) =	vpush v1, $0x1;
	_ =	sdelay $0x4  }
0x2f: {  	[tilespmem:s25+$0xA070] =	vst v0  }
0x30: {  	[tilespmem:s25+$0xA000] =	vst v0  }
0x31: {  	[tilespmem:s25+$0xA010] =	vst v0  }
0x32: {  	[tilespmem:s25+$0xA020] =	vst v0  }
0x33: {  	[tilespmem:s25+$0xA030] =	vst v0  }
0x34: {  	[tilespmem:s25+$0xA040] =	vst v0  }
0x35: {  	[tilespmem:s25+$0xA050] =	vst v0  }
0x36: {  	[tilespmem:s25+$0xA060] =	vst v0  }
0x37: {  	[spmem:s7] =	stream.linear.scatter [tilespmem:s20], [sflag:$0x3], $0x4000, $0x38;
	[tilespmem:$0x1D040] =	vst v63  }
0x38: {  	s26 =	spop (v2sf)  }
0x39: {  	s25 =	spop (v2sf)  }
0x3a: {  	_ =	swait.ge [sflag:s16], $0x4000  }
0x3b: {  	[sflag:s16] =	ssyncset.done $0x0  }
0x3c: {  	[sflag:s16] =	ssyncadd.s32 $0xFFFFC000  }
0x3d: {  	[spmem:s9] =	stream.linear.scatter [tilespmem:s20], [sflag:$0x3], $0x4000, $0x38;
	[tilespmem:$0x1D040] =	vst v63  }
0x3e: {  	_ =	swait.ge [sflag:s16], $0x4000  }
0x3f: {  	[sflag:s16] =	ssyncset.done $0x0  }
0x40: {  	p0 =	slt.s32 s26, $0x1;
	[sflag:s16] =	ssyncadd.s32 $0xFFFFC000  }
0x41: {  	[spmem:s10] =	stream.linear.scatter [tilespmem:s20], [sflag:$0x3], $0x2000, $0x38;
	[tilespmem:$0x1D040] =	vst v63  }
.Ltmp3:
0x42: {  	_ =	swait.ge [sflag:s16], $0x2000;
	(pc) =	sbr.rel @p0 .LBB2_8-.Ltmp3, $3  }
0x43: {  	[sflag:s16] =	ssyncset.done $0x0  }
0x44: {  	[sflag:s16] =	ssyncadd.s32 $0xFFFFE000  }
0x45: {  	[bflag:$0x0] =	sbarrier.arrive $0xFFFF;
	_ =	sdelay $0x1  }
0x46: {  	[tilespmem:s20], [sflag:$0x1] =	stream.indirect.gather [hbm4b:s4+s21], $0x80, s3, s21, $0xb8;
	[tilespmem:$0x1D040] =	vst v63  }
.Ltmp4:
0x47: {  	_ = 	snop;
	(pc) =	sbr.rel .LBB2_5-.Ltmp4, $4  }
0x48: {  	p0 =	seq.s32 s26, $0x1  }
0x49: {  	s28 =	simm.s32 @!p0 $0x80;
	s29 =	simm.s32 @!p0 $0xE000  }
0x4a: {  	[tilespmem:s29], [sflag:$0x2] =	stream.indirect.gather @!p0 [hbm4b:s4+s28], $0x80, s28, s28, $0xb8;
	[tilespmem:$0x1D040] =	vst v63  }
0x4b: {  	s30 =	simm.s32 $0x5000;
	s28 =	simm.s32 $0x0;
	s29 =	simm.s32 $0x100  }
.LBB2_7:
0x4c: {  	s28 =	sadd.s32 $0x1, s28  }
0x4d: {  	p0 =	sne.s32 s26, s28  }
.Ltmp5:
0x4e: {  	_ = 	snop;
	(pc) =	sbr.rel @!p0 .LBB2_8-.Ltmp5, $2  }
0x4f: {  	_ =	sdelay $0x2  }
0x50: {  	s29 =	sadd.s32 $0x80, s29;
	s30 =	sadd.s32 $0x80, s30  }
.LBB2_5:
0x51: {  	s31 =	sand.u32 $0x1, s28  }
0x52: {  	p0 =	seq.s32 s31, $0x1  }
0x53: {  	s1 =	simm.s32 @!p0 $0x1  }
0x54: {  	_ =	swait.ge @!p0 [sflag:s1], $0x4000  }
0x55: {  	[sflag:s1] =	ssyncset.done @!p0 $0x0  }
0x56: {  	s0 =	simm.s32 @!p0 $0xA000;
	[sflag:s1] =	ssyncadd.s32 @!p0 $0xFFFFC000;
	s1 =	simm.s32 @!p0 $0x80  }
0x57: {  	[spmem:s2] =	stream.indirect.scatter.add.f32 @!p0 [tilespmem:s0], [sflag:$0x3], $0x80, s30, s1, $0xb8;
	[tilespmem:$0x1D040] =	vst v63  }
0x58: {  	s0 =	simm.s32 @!p0 $0x3;
	s1 =	sadd.s32 @!p0 $0x2, s28  }
0x59: {  	_ =	swait.ge @!p0 [sflag:s0], $0x4000;
	p1 =	sge.s32 @!p0 s1, s26  }
0x5a: {  	[sflag:s0] =	ssyncset.done @!p0 $0x0;
	p1 =	por p1, p0  }
0x5b: {  	[sflag:s0] =	ssyncadd.s32 @!p0 $0xFFFFC000;
	s0 =	simm.s32 @!p1 $0x80;
	s1 =	simm.s32 @!p1 $0xA000  }
0x5c: {  	[tilespmem:s1], [sflag:$0x1] =	stream.indirect.gather @!p1 [hbm4b:s4+s0], $0x80, s29, s0, $0xb8;
	[tilespmem:$0x1D040] =	vst v63  }
0x5d: {  	p1 =	seq.s32 @!p0 s31, $0x0  }
0x5e: {  	p0 =	por p0, !p1  }
.Ltmp6:
0x5f: {  	_ = 	snop;
	(pc) =	sbr.rel @!p0 .LBB2_7-.Ltmp6, $1  }
0x60: {  	_ =	sdelay $0x3  }
0x61: {  	_ =	swait.ge [sflag:s22], $0x4000  }
0x62: {  	[sflag:s22] =	ssyncset.done $0x0  }
0x63: {  	[sflag:s22] =	ssyncadd.s32 $0xFFFFC000  }
0x64: {  	[spmem:s2] =	stream.indirect.scatter.add.f32 [tilespmem:s23], [sflag:$0x3], $0x80, s30, s21, $0xb8;
	[tilespmem:$0x1D040] =	vst v63  }
.Ltmp7:
0x65: {  	_ = 	snop;
	(pc) =	sbr.rel .LBB2_7-.Ltmp7, $4  }
0x66: {  	s0 =	sadd.s32 $0x2, s28;
	_ =	swait.ge [sflag:s16], $0x4000  }
0x67: {  	p0 =	sge.s32 s0, s26;
	[sflag:s16] =	ssyncset.done $0x0  }
0x68: {  	s0 =	simm.s32 @!p0 $0x80;
	s1 =	simm.s32 @!p0 $0xE000;
	[sflag:s16] =	ssyncadd.s32 $0xFFFFC000  }
0x69: {  	[tilespmem:s1], [sflag:$0x2] =	stream.indirect.gather @!p0 [hbm4b:s4+s0], $0x80, s29, s0, $0xb8;
	[tilespmem:$0x1D040] =	vst v63  }
.LBB2_8:
0x6a: {  	s0 =	stileid.u32  }
0x6b: {  	s0 =	sshll.u32 s0, $0x6  }
0x6c: {  	[bflag:$0x0] =	sbarrier.arrive $0xFFFF;
	s28 =	sshrl.u32 s7, $0x3;
	s26 =	sor.u32 $0x1C03, s0  }
0x6d: {  	[hbm:s11], [sflag:s26] =	dma.local [spmem:s28], $0x1400  }
0x6e: {  	_ =	swait.ge [sflag:s16], $0x1400  }
0x6f: {  	[sflag:s16] =	ssyncset.done $0x0  }
0x70: {  	s29 =	simm.s32 $0x0;
	s30 =	simm.s32 $0x200;
	[sflag:s16] =	ssyncadd.s32 $0xFFFFEC00  }
.LBB2_9:
0x71: {  	p0 =	sne.s32 s30, $0xFE00;
	[tilespmem:s29+$0xA070] =	vst v0  }
0x72: {  	[tilespmem:s29+$0xA000] =	vst v0  }
0x73: {  	[tilespmem:s29+$0xA010] =	vst v0  }
.Ltmp8:
0x74: {  	[tilespmem:s29+$0xA020] =	vst v0;
	(pc) =	sbr.rel @p0 .LBB2_9-.Ltmp8, $4  }
0x75: {  	[tilespmem:s29+$0xA030] =	vst v0  }
0x76: {  	[tilespmem:s29+$0xA040] =	vst v0  }
0x77: {  	[tilespmem:s29+$0xA050] =	vst v0  }
0x78: {  	[tilespmem:s29+$0xA060] =	vst v0;
	s29 =	sshra.s32 s30, $0x2;
	s30 =	sadd.s32 $0x200, s30  }
0x79: {  	[tilespmem:s29+$0xA070] =	vst v0  }
0x7a: {  	[tilespmem:s29+$0xA000] =	vst v0  }
0x7b: {  	[tilespmem:s29+$0xA010] =	vst v0  }
0x7c: {  	[tilespmem:s29+$0xA020] =	vst v0  }
0x7d: {  	[tilespmem:s29+$0xA030] =	vst v0  }
0x7e: {  	[tilespmem:s29+$0xA040] =	vst v0  }
0x7f: {  	[tilespmem:s29+$0xA050] =	vst v0  }
0x80: {  	[tilespmem:s29+$0xA060] =	vst v0  }
0x81: {  	[spmem:s7] =	stream.linear.scatter [tilespmem:s20], [sflag:$0x3], $0x4000, $0x38;
	[tilespmem:$0x1D040] =	vst v63  }
0x82: {  	_ =	swait.ge [sflag:s16], $0x4000  }
0x83: {  	[sflag:s16] =	ssyncset.done $0x0  }
0x84: {  	[sflag:s16] =	ssyncadd.s32 $0xFFFFC000  }
0x85: {  	[spmem:s9] =	stream.linear.scatter [tilespmem:s20], [sflag:$0x3], $0x4000, $0x38;
	[tilespmem:$0x1D040] =	vst v63  }
0x86: {  	_ =	swait.ge [sflag:s16], $0x4000  }
0x87: {  	[sflag:s16] =	ssyncset.done $0x0  }
0x88: {  	p0 =	slt.s32 s25, $0x1;
	[sflag:s16] =	ssyncadd.s32 $0xFFFFC000  }
0x89: {  	[spmem:s10] =	stream.linear.scatter [tilespmem:s20], [sflag:$0x3], $0x2000, $0x38;
	[tilespmem:$0x1D040] =	vst v63  }
.Ltmp9:
0x8a: {  	_ =	swait.ge [sflag:s16], $0x2000;
	(pc) =	sbr.rel @p0 .LBB2_15-.Ltmp9, $3  }
0x8b: {  	[sflag:s16] =	ssyncset.done $0x0  }
0x8c: {  	[sflag:s16] =	ssyncadd.s32 $0xFFFFE000  }
0x8d: {  	[bflag:$0x0] =	sbarrier.arrive $0xFFFF;
	_ =	sdelay $0x1  }
0x8e: {  	[tilespmem:s20], [sflag:$0x1] =	stream.indirect.gather [hbm4b:s4+s21], $0x80, s14, s21, $0xb8;
	[tilespmem:$0x1D040] =	vst v63  }
.Ltmp10:
0x8f: {  	_ = 	snop;
	(pc) =	sbr.rel .LBB2_12-.Ltmp10, $4  }
0x90: {  	p0 =	seq.s32 s25, $0x1  }
0x91: {  	s0 =	simm.s32 @!p0 $0x80;
	s1 =	simm.s32 @!p0 $0x2880;
	s29 =	simm.s32 @!p0 $0xE000  }
0x92: {  	[tilespmem:s29], [sflag:$0x2] =	stream.indirect.gather @!p0 [hbm4b:s4+s0], $0x80, s1, s0, $0xb8;
	[tilespmem:$0x1D040] =	vst v63  }
0x93: {  	s30 =	simm.s32 $0x2900;
	s31 =	simm.s32 $0x7800;
	s29 =	simm.s32 $0x0  }
.LBB2_14:
0x94: {  	s29 =	sadd.s32 $0x1, s29  }
0x95: {  	p0 =	sne.s32 s25, s29  }
.Ltmp11:
0x96: {  	_ = 	snop;
	(pc) =	sbr.rel @!p0 .LBB2_15-.Ltmp11, $2  }
0x97: {  	_ =	sdelay $0x2  }
0x98: {  	s30 =	sadd.s32 $0x80, s30;
	s31 =	sadd.s32 $0x80, s31  }
.LBB2_12:
0x99: {  	s0 =	sand.u32 $0x1, s29  }
0x9a: {  	p0 =	seq.s32 s0, $0x1  }
0x9b: {  	s1 =	simm.s32 @!p0 $0x1  }
0x9c: {  	_ =	swait.ge @!p0 [sflag:s1], $0x4000  }
0x9d: {  	[sflag:s1] =	ssyncset.done @!p0 $0x0  }
0x9e: {  	s17 =	simm.s32 @!p0 $0xA000;
	[sflag:s1] =	ssyncadd.s32 @!p0 $0xFFFFC000;
	s1 =	simm.s32 @!p0 $0x80  }
0x9f: {  	[spmem:s2] =	stream.indirect.scatter.add.f32 @!p0 [tilespmem:s17], [sflag:$0x3], $0x80, s31, s1, $0xb8;
	[tilespmem:$0x1D040] =	vst v63  }
0xa0: {  	s1 =	simm.s32 @!p0 $0x3;
	s17 =	sadd.s32 @!p0 $0x2, s29  }
0xa1: {  	_ =	swait.ge @!p0 [sflag:s1], $0x4000;
	p1 =	sge.s32 @!p0 s17, s25  }
0xa2: {  	[sflag:s1] =	ssyncset.done @!p0 $0x0;
	p1 =	por p1, p0  }
0xa3: {  	[sflag:s1] =	ssyncadd.s32 @!p0 $0xFFFFC000;
	s1 =	simm.s32 @!p1 $0x80;
	s17 =	simm.s32 @!p1 $0xA000  }
0xa4: {  	[tilespmem:s17], [sflag:$0x1] =	stream.indirect.gather @!p1 [hbm4b:s4+s1], $0x80, s30, s1, $0xb8;
	[tilespmem:$0x1D040] =	vst v63  }
0xa5: {  	p1 =	seq.s32 @!p0 s0, $0x0  }
0xa6: {  	p0 =	por p0, !p1  }
.Ltmp12:
0xa7: {  	_ = 	snop;
	(pc) =	sbr.rel @!p0 .LBB2_14-.Ltmp12, $1  }
0xa8: {  	_ =	sdelay $0x3  }
0xa9: {  	_ =	swait.ge [sflag:s22], $0x4000  }
0xaa: {  	[sflag:s22] =	ssyncset.done $0x0  }
0xab: {  	[sflag:s22] =	ssyncadd.s32 $0xFFFFC000  }
0xac: {  	[spmem:s2] =	stream.indirect.scatter.add.f32 [tilespmem:s23], [sflag:$0x3], $0x80, s31, s21, $0xb8;
	[tilespmem:$0x1D040] =	vst v63  }
.Ltmp13:
0xad: {  	_ = 	snop;
	(pc) =	sbr.rel .LBB2_14-.Ltmp13, $4  }
0xae: {  	s0 =	sadd.s32 $0x2, s29;
	_ =	swait.ge [sflag:s16], $0x4000  }
0xaf: {  	p0 =	sge.s32 s0, s25;
	[sflag:s16] =	ssyncset.done $0x0  }
0xb0: {  	s0 =	simm.s32 @!p0 $0x80;
	s1 =	simm.s32 @!p0 $0xE000;
	[sflag:s16] =	ssyncadd.s32 $0xFFFFC000  }
0xb1: {  	[tilespmem:s1], [sflag:$0x2] =	stream.indirect.gather @!p0 [hbm4b:s4+s0], $0x80, s30, s0, $0xb8;
	[tilespmem:$0x1D040] =	vst v63  }
.LBB2_16:
0xb2: {  	_ =	sfence.sel $0x180000  }
0xb3: {  	[bflag:$0x0] =	sbarrier.arrive $0xFFFF  }
0xb4: {  	_ =	strace $0x90000050  }
0xb5: {  	s0 =	stileid.u32;
	[bflag:$0x2] =	sbarrier.arrive $0xFFFF  }
0xb6: {  	p0 =	sne.s32 s0, $0x0;
	s0 =	rddreg [dreg:$0x3]  }
0xb7: {  	s0 =	sadd.s32 @!p0 $0x100000, s0  }
0xb8: {  	[sflag:s0] =	ssyncadd.tile.s32 @!p0 $0x1;
	_ =	shalt  }
.Lfunc_end2:
_tile_overlayer_lowered:
.L_overlay_start_2:
0xb9: {  	(tag) =	ssettag $0x2  }
0xba: {  	s0 =	rddreg [dreg:$0x0];
	s2 =	stileid.u32  }
0xbb: {  	s1 =	rddreg [dreg:$0x1];
	p0 =	sne.s32 s2, $0x0  }
0xbc: {  	s3 =	rddreg [dreg:$0x2];
	[bflag:$0x3] =	sbarrier.arrive $0xFFFF;
	s2 =	simm.s32 @!p0 $0x1C03  }
0xbd: {  	[timem:s3], [sflag:s2] =	dma.local @!p0 [hbm:s0], s1  }
0xbe: {  	s0 =	simm.s32 @!p0 $0x3  }
0xbf: {  	_ =	swait.ge @!p0 [sflag:s0], s1  }
0xc0: {  	s1 =	ssub.s32 @!p0 $0x0, s1;
	[sflag:s0] =	ssyncset.done @!p0 $0x0  }
0xc1: {  	[sflag:s0] =	ssyncadd.s32 @!p0 s1  }
0xc2: {  	[bflag:$0x3] =	sbarrier.arrive $0xFFFF  }
0xc3: {  	_ =	shalt  }

// kernel: kernel.9.cloned.1.call-start
scs
__scs_entry_jumppad:
0x0: {  	(pc) =	sbr.rel $0x88, $3  }
0x1: {  	(tag) =	ssettag $0x0;
	lr =	simm.s32 $0x1  }
0x2: {  	[smem:$0x3F9D] =	sst lr;
	_ =	strace $0xD0000000  }
0x3: {  	_ = 	snop  }
0x4: {  	_ = 	snop  }
0x5: {  	_ = 	snop  }
0x6: {  	_ = 	snop  }
0x7: {  	_ = 	snop  }
__scs_overlays_trampoline_lowered:
0x8: {  	[smem:$0x3FAC] =	sst s0  }
0x9: {  	[smem:$0x3FAD] =	sst s1  }
0xa: {  	[smem:$0x3FAE] =	sst s2  }
0xb: {  	[smem:$0x3FAF] =	sst s3  }
0xc: {  	[smem:$0x3FB0] =	sst s4  }
0xd: {  	[smem:$0x3FB1] =	sst s5  }
0xe: {  	[smem:$0x3FB2] =	sst s6  }
0xf: {  	[smem:$0x3FB3] =	sst s7  }
0x10: {  	[smem:$0x3FB4] =	sst s8  }
0x11: {  	[smem:$0x3FB5] =	sst s9;
	s0 =	simm.s32 @!p0 $0x0  }
0x12: {  	s1 =	sld [smem:$0x3F9B];
	s0 =	simm.s32 @p0 $0x1  }
0x13: {  	[smem:$0x3FB6] =	sst s0;
	s0 =	simm.s32 @!p1 $0x0  }
0x14: {  	s2 =	sld [smem:$0x3F9A];
	s0 =	simm.s32 @p1 $0x1  }
0x15: {  	[smem:$0x3FB7] =	sst s0;
	s0 =	simm.s32 @!p2 $0x0  }
0x16: {  	s3 =	sld [smem:$0x3FDB];
	s0 =	simm.s32 @p2 $0x1  }
0x17: {  	s4 =	simm.s32 $0x1BF5;
	[smem:$0x3FB9] =	sst s0  }
0x18: {  	s0 =	sld [smem:$0x3F9C];
	_ =	swait.ge [sflag:s4], $0x0  }
0x19: {  	s7 =	sld [smem:$0x3F9D]  }
0x1a: {  	s8 =	sadd.s32 $0xFFFFE003, lr  }
0x1b: {  	s9 =	sadd.s32 $0xFFFFFEF7, lr;
	s5 =	simm.s32 $0xFFFFFFFF;
	p2 =	slt.u32 s8, $0xFFFFF086  }
0x1c: {  	p1 =	slt.u32 s9, $0xF7A;
	s5 =	simm.s32 @!p2 $0x0  }
0x1d: {  	s5 =	simm.s32 @p1 $0x1;
	p0 =	seq.s32 s7, s2  }
0x1e: {  	s7 =	smul.u32 @!p0 $0xF7A, s2;
	p2 =	seq.s32 @!p0 s5, $0x0  }
0x1f: {  	s9 =	smul.u32 $0xF7A, s1;
	s8 =	simm.s32 @!p0 $0x1BF5;
	p2 =	por !p2, p0  }
0x20: {  	[sflag:s8] =	ssyncset.s32 @!p0 $0xFFFFF086;
	s6 =	sadd.s32 @!p0 s3, s7;
	s7 =	simm.s32 @!p0 $0x108  }
0x21: {  	s3 =	sadd.s32 s3, s9;
	s6 =	sadd.s32 @!p0 $0x88, s6;
	s7 =	simm.s32 @p2 $0x1082  }
0x22: {  	[simem:s7], [sflag:s8] =	dma.local @!p0 [hbm:s6], $0xF7A  }
0x23: {  	s9 =	sor.u32 $0xD0000000, s2;
	s6 =	simm.s32 $0x108;
	_ =	swait.ge @!p0 [sflag:s8], $0x0  }
0x24: {  	s3 =	sadd.s32 $0x88, s3;
	s6 =	simm.s32 @!p1 $0x1082;
	[sflag:s4] =	ssyncset.s32 $0xFFFFF086  }
0x25: {  	[simem:s6], [sflag:s4] =	dma.local [hbm:s3], $0xF7A  }
0x26: {  	[smem:$0x3F9D] =	sst s1;
	(tag) =	ssettag s2;
	_ =	strace s9  }
0x27: {  	s1 =	sld [smem:$0x3FAD]  }
0x28: {  	s2 =	sld [smem:$0x3FAE]  }
0x29: {  	s4 =	sld [smem:$0x3FB0]  }
0x2a: {  	p0 =	seq.s32 s5, $0x0;
	s5 =	sld [smem:$0x3FB1]  }
0x2b: {  	s6 =	sld [smem:$0x3FB2]  }
0x2c: {  	s7 =	sld [smem:$0x3FB3]  }
0x2d: {  	s3 =	simm.s32 $0x108;
	s8 =	sld [smem:$0x3FB4]  }
0x2e: {  	s3 =	simm.s32 @!p0 $0x1082;
	s9 =	sld [smem:$0x3FB5]  }
0x2f: {  	lr =	sadd.s32 s0, s3;
	s0 =	sld [smem:$0x3FAC]  }
0x30: {  	s3 =	sld [smem:$0x3FAF]  }
0x31: {  	[smem:$0x3FB8] =	sst s10  }
0x32: {  	s10 =	sld [smem:$0x3FB6];
	_ =	sdelay $0x3  }
0x33: {  	p0 =	seq.s32 s10, $0x1;
	s10 =	sld [smem:$0x3FB8];
	_ =	sdelay $0x3  }
0x34: {  	[smem:$0x3FB8] =	sst s10  }
0x35: {  	s10 =	sld [smem:$0x3FB7];
	_ =	sdelay $0x3  }
0x36: {  	p1 =	seq.s32 s10, $0x1;
	s10 =	sld [smem:$0x3FB8];
	_ =	sdelay $0x3  }
0x37: {  	[smem:$0x3FB8] =	sst s10  }
0x38: {  	s10 =	sld [smem:$0x3FB9]  }
0x39: {  	_ = 	snop;
	(pc) =	sbr.ind lr, $3  }
0x3a: {  	_ = 	snop  }
0x3b: {  	_ = 	snop  }
0x3c: {  	p2 =	seq.s32 s10, $0x1;
	s10 =	sld [smem:$0x3FB8]  }
0x3d: {  	_ =	shalt  }
0x3e: {  	_ =	shalt  }
0x3f: {  	_ =	shalt  }
0x40: {  	_ =	shalt  }
0x41: {  	_ =	shalt  }
0x42: {  	_ =	shalt  }
0x43: {  	_ =	shalt  }
0x44: {  	_ =	shalt  }
0x45: {  	_ =	shalt  }
0x46: {  	_ =	shalt  }
0x47: {  	_ =	shalt  }
0x48: {  	_ =	shalt  }
0x49: {  	_ =	shalt  }
0x4a: {  	_ =	shalt  }
0x4b: {  	_ =	shalt  }
0x4c: {  	_ =	shalt  }
0x4d: {  	_ =	shalt  }
0x4e: {  	_ =	shalt  }
0x4f: {  	_ =	shalt  }
0x50: {  	_ =	shalt  }
0x51: {  	_ =	shalt  }
0x52: {  	_ =	shalt  }
0x53: {  	_ =	shalt  }
0x54: {  	_ =	shalt  }
0x55: {  	_ =	shalt  }
0x56: {  	_ =	shalt  }
0x57: {  	_ =	shalt  }
0x58: {  	_ =	shalt  }
0x59: {  	_ =	shalt  }
0x5a: {  	_ =	shalt  }
0x5b: {  	_ =	shalt  }
0x5c: {  	_ =	shalt  }
0x5d: {  	_ =	shalt  }
0x5e: {  	_ =	shalt  }
0x5f: {  	_ =	shalt  }
0x60: {  	_ =	shalt  }
0x61: {  	_ =	shalt  }
0x62: {  	_ =	shalt  }
0x63: {  	_ =	shalt  }
0x64: {  	_ =	shalt  }
0x65: {  	_ =	shalt  }
0x66: {  	_ =	shalt  }
0x67: {  	_ =	shalt  }
0x68: {  	_ =	shalt  }
0x69: {  	_ =	shalt  }
0x6a: {  	_ =	shalt  }
0x6b: {  	_ =	shalt  }
0x6c: {  	_ =	shalt  }
0x6d: {  	_ =	shalt  }
0x6e: {  	_ =	shalt  }
0x6f: {  	_ =	shalt  }
0x70: {  	_ =	shalt  }
0x71: {  	_ =	shalt  }
0x72: {  	_ =	shalt  }
0x73: {  	_ =	shalt  }
0x74: {  	_ =	shalt  }
0x75: {  	_ =	shalt  }
0x76: {  	_ =	shalt  }
0x77: {  	_ =	shalt  }
0x78: {  	_ =	shalt  }
0x79: {  	_ =	shalt  }
0x7a: {  	_ =	shalt  }
0x7b: {  	_ =	shalt  }
0x7c: {  	_ =	shalt  }
0x7d: {  	_ =	shalt  }
0x7e: {  	_ =	shalt  }
0x7f: {  	_ =	shalt  }
0x80: {  	_ =	shalt  }
0x81: {  	_ =	shalt  }
0x82: {  	_ =	shalt  }
0x83: {  	_ =	shalt  }
0x84: {  	_ =	shalt  }
0x85: {  	_ =	shalt  }
0x86: {  	_ =	shalt  }
0x87: {  	_ =	shalt  }
.Lfunc_end0:
.L_simem_size_0:
called_computation_lowered:
.L_overlay_start_0:
0x88: {  	s2 =	sld [smem:$0x3FD9]  }
0x89: {  	s3 =	sld [smem:$0x3FFE];
	_ =	sdelay $0x1  }
0x8a: {  	s1 =	srdreg.scid  }
0x8b: {  	s0 =	sand.u32 $0x1, s1  }
0x8c: {  	s17 =	sshll.u32 s0, $0xA;
	s2 =	sadd.s32 s3, s2  }
0x8d: {  	s2 =	sadd.s32 s2, s17  }
0x8e: {  	[smem:$0x3FC4] =	sst s2  }
0x8f: {  	_ = 	snop  }
0x90: {  	s18 =	sld [smem:$0x3FD0];
	(tm) =	ssettm $0x1  }
0x91: {  	s19 =	sld [smem:$0x3FFB];
	_ =	sdelay $0x3  }
0x92: {  	_ =	strace s19  }
0x93: {  	s2 =	sld [smem:$0x3FFC];
	_ =	sdelay $0x3  }
0x94: {  	_ =	strace s2  }
0x95: {  	s2 =	sld [smem:$0x3FFD];
	_ =	sdelay $0x3  }
0x96: {  	_ =	strace s2  }
0x97: {  	_ =	strace $0x8FFFFFFF  }
0x98: {  	s20 =	sld [smem:$0x3FDB];
	_ =	sdelay $0x1  }
0x99: {  	s4 =	simm.s32 $_scs_section_size  }
0x9a: {  	s5 =	simm.s32 $_size__tile_overlayer_lowered;
	s6 =	simm.s32 $_tile_overlayer_lowered  }
0x9b: {  	s7 =	simm.s32 $0x1BFF;
	s21 =	sshll.u32 s6, $0x1;
	s4 =	sadd.s32 s4, s20  }
0x9c: {  	s22 =	simm.s32 $0x0;
	s5 =	sshll.u32 s5, $0x1;
	s6 =	sadd.s32 s21, s4  }
0x9d: {  	[timem:s22], [sflag:s7] =	dma.local [hbm:s6], s5  }
0x9e: {  	_ =	swait.ge [sflag:s7], s5  }
0x9f: {  	s5 =	ssub.s32 $0x0, s5;
	[sflag:s7] =	ssyncset.done $0x0  }
0xa0: {  	[sflag:s7] =	ssyncadd.s32 s5;
	_ =	sdelay $0x1  }
0xa1: {  	s23 =	simm.s32 $0x1B8B  }
0xa2: {  	_ =	swait.ge [sflag:s23], $0x1  }
0xa3: {  	[sflag:s23] =	ssyncset.done $0x0  }
0xa4: {  	[sflag:s23] =	ssyncadd.s32 $0xFFFFFFFF  }
0xa5: {  	s5 =	sld [smem:$0x0]  }
0xa6: {  	s6 =	sand.u32 $0xFFFFFFFE, s1  }
0xa7: {  	p0 =	sne.s32 s1, s6  }
0xa8: {  	s6 =	sshll.u32 @p0 s6, $0xE  }
0xa9: {  	s6 =	sadd.s32 @p0 $0x11B8D, s6;
	s7 =	sshll.u32 @p0 s5, $0x11  }
0xaa: {  	s6 =	sor.u32 @p0 s7, s6  }
0xab: {  	[sflag:s6] =	ssyncadd.remote.s32 @p0 $0x1;
	_ =	sdelay $0x1  }
0xac: {  	s6 =	simm.s32 @p0 $0x1B8D  }
0xad: {  	_ =	swait.eq @p0 [sflag:s6], $0x1  }
0xae: {  	[sflag:s6] =	ssyncadd.s32 @p0 $0xFFFFFFFF  }
0xaf: {  	s7 =	sshll.u32 @!p0 s1, $0xE  }
0xb0: {  	s7 =	sor.u32 @!p0 $0x4000, s7;
	s6 =	simm.s32 @!p0 $0x1B8D  }
0xb1: {  	s5 =	sshll.u32 @!p0 s5, $0x11;
	s7 =	sadd.s32 @!p0 $0x11B8D, s7;
	_ =	swait.eq @!p0 [sflag:s6], $0x1  }
0xb2: {  	s5 =	sor.u32 @!p0 s5, s7;
	[sflag:s6] =	ssyncadd.s32 @!p0 $0xFFFFFFFF  }
0xb3: {  	s25 =	simm.s32 $0x1B8E;
	s24 =	sld [smem:$0x3FFE];
	[sflag:s5] =	ssyncadd.remote.s32 @!p0 $0x1  }
0xb4: {  	s26 =	simm.s32 $execute0_lowered;
	[smem:$0x3FD2] =	sst s25  }
0xb5: {  	s6 =	sshll.u32 s26, $0x1;
	_ =	strace $0x80000049;
	[dreg:$0x1] =	wrdreg $0xFFFFFFFF  }
0xb6: {  	s28 =	simm.s32 $_size_execute0_lowered;
	s4 =	sadd.s32 s4, s6;
	[dreg:$0x0] =	wrdreg $0x0  }
0xb7: {  	s6 =	sshll.u32 s28, $0x1;
	[dreg:$0x2] =	wrdreg s4  }
0xb8: {  	[dreg:$0x3] =	wrdreg s6  }
0xb9: {  	[dreg:$0x4] =	wrdreg $0xC0  }
0xba: {  	_ =	task [dreg:s22], $0x5FFFF  }
0xbb: {  	[dreg:$0x1] =	wrdreg $0xFFFFFFFF  }
0xbc: {  	[dreg:$0x0] =	wrdreg $0x60  }
0xbd: {  	[dreg:$0x2] =	wrdreg s18  }
0xbe: {  	[dreg:$0x3] =	wrdreg s24  }
0xbf: {  	[dreg:$0x4] =	wrdreg $0x9  }
0xc0: {  	_ =	task.clear_ibuf [dreg:s22], $0x5FFFF;
	_ =	strace $0x90000049  }
0xc1: {  	s29 =	simm.s32 $0x9;
	_ =	strace $0x8000004B  }
0xc2: {  	_ =	swait.ge [sflag:s29], $0x1  }
0xc3: {  	[sflag:s29] =	ssyncadd.s32 $0xFFFFFFFF  }
0xc4: {  	_ =	strace $0x9000004B  }
0xc5: {  	_ =	sfence  }
0xc6: {  	s30 =	sld [smem:$0x0];
	_ =	sdelay $0x2  }
0xc7: {  	s31 =	sshll.u32 s1, $0xD;
	s1 =	sshrl.u32 s1, $0x2  }
0xc8: {  	s4 =	sand.u32 $0x4000, s31;
	s1 =	sadd.s32 s1, s30  }
0xc9: {  	s0 =	sor.u32 s4, s0;
	s1 =	sshll.u32 s1, $0x11  }
0xca: {  	s0 =	sor.u32 s1, s0  }
0xcb: {  	s0 =	sadd.s32 $0x8F2B, s0  }
0xcc: {  	[sflag:s0] =	ssyncadd.remote.s32 $0x1  }
0xcd: {  	_ =	sfence.sel $0xFFFF  }
0xce: {  	[dreg:$0x0] =	wrdreg $0xFFFFFFFF;
	(pc) =	sbr.abs _section_cstart, $3  }
0xcf: {  	[dreg:$0x1] =	wrdreg $0xFFFFFFFF  }
0xd0: {  	_ =	task.clear_ibuf [dreg:s22], $0x2FFFF;
	_ =	strace $0x9FFFFFFF  }
0xd1: {  	(tm) =	ssettm $0x7FFFFFFF  }
tec
execute0_lowered:
.L_overlay_start_1:
0x0: {  	(tag) =	ssettag $0x1  }
0x1: {  	s0 =	srdreg.scid;
	s4 =	rddreg [dreg:$0x0]  }
0x2: {  	s5 =	rddreg [dreg:$0x1];
	s2 =	simm.s32 $0x0;
	s14 =	simm.s32 $0x9F00  }
0x3: {  	s15 =	simm.s32 $0x80;
	s16 =	simm.s32 $0x100;
	s17 =	simm.s32 $0x7700  }
0x4: {  	s18 =	simm.s32 $0xC700;
	s19 =	simm.s32 $0xEF00;
	s20 =	simm.s32 $0x0  }
0x5: {  	s3 =	sand.u32 $0x1, s0;
	s0 =	stileid.u32;
	[smem:$0x7FF] =	sst s2  }
0x6: {  	s9 =	sadd.s32 $0xCA00, s5;
	s10 =	sadd.s32 $0x20A00, s5;
	s1 =	sshll.u32 s3, $0x4  }
0x7: {  	s11 =	sshll.u32 s0, $0x4;
	s3 =	ssub.s32 $0x2, s3;
	s6 =	sor.u32 s0, s1  }
0x8: {  	s1 =	rddreg [dreg:$0x2];
	_ =	strace $0x8000004A;
	s7 =	smul.u32 $0x4E2, s6  }
0x9: {  	s11 =	sand.u32 $0x70, s11;
	s12 =	sshrl.u32 s3, $0x1;
	s13 =	smul.u32 $0xA00, s6  }
0xa: {  	s11 =	sadd.s32 s11, s5;
	s12 =	ssub.s32 s3, s12;
	s28 =	sshll.u32 s6, $0x4  }
0xb: {  	s30 =	sand.u32 $0x180, s28;
	s8 =	sadd.s32 s7, s5;
	s3 =	sadd.s32 s4, s7  }
0xc: {  	s5 =	sadd.s32 s9, s13;
	s6 =	sadd.s32 s10, s13;
	s29 =	sor.u32 $0x10, s13  }
0xd: {  	s31 =	sadd.s32 s30, s11;
	s11 =	simm.s32 $0x1;
	s13 =	simm.s32 $0x4F00  }
0xe: {  	v0 =	vimm.s32 $0x0;
	v1 =	vimm.s32 $0x1400;
	s4 =	sadd.s32 $0x2600, s8;
	s7 =	sadd.s32 s9, s29;
	s8 =	sadd.s32 s10, s29  }
0xf: {  	v2 =	vlaneseq.u32;
	vm0 =	vcmask $0x3F08;
	vm1 =	vmmov $0x1;
	s9 =	sadd.s32 $0x34A00, s31;
	s10 =	smax.u32 s12, $0x1;
	s12 =	simm.s32 $0x2780  }
.LBB2_1:
0x10: {  	[tilespmem:s2], [sflag:$0x1] =	stream.linear.gather [hbm4b:s3+s2], $0x2710, $0x38;
	[tilespmem:$0xEF80] =	vst v63  }
0x11: {  	_ =	swait.ge [sflag:s11], $0x2710  }
0x12: {  	[sflag:s11] =	ssyncset.done $0x0  }
0x13: {  	[sflag:s11] =	ssyncadd.s32 $0xFFFFD8F0  }
0x14: {  	[tilespmem:s12], [sflag:$0x1] =	stream.linear.gather [hbm4b:s4+s2], $0x2710, $0x38;
	[tilespmem:$0xEF80] =	vst v63  }
0x15: {  	_ =	swait.ge [sflag:s11], $0x2710  }
0x16: {  	[sflag:s11] =	ssyncset.done $0x0  }
0x17: {  	s21 =	simm.s32 $0x0;
	[sflag:s11] =	ssyncadd.s32 $0xFFFFD8F0  }
.LBB2_2:
0x18: {  	p0 =	sne.s32 s21, $0x13FC0  }
.Ltmp0:
0x19: {  	_ = 	snop;
	(pc) =	sbr.rel @p0 .LBB2_2-.Ltmp0, $4  }
0x1a: {  	_ = 	snop  }
0x1b: {  	s22 =	sshra.s32 s21, $0x2  }
0x1c: {  	[tilespmem:s22+$0x4F00] =	vst v0  }
0x1d: {  	s21 =	sadd.s32 $0x40, s21;
	[tilespmem:s22+$0x9F00] =	vst v1  }
0x1e: {  	s22 =	simm.s32 $0x0  }
0x1f: {  	v3 =	vld [tilespmem:s22+$0x2780];
	_ =	sdelay $0x4  }
0x20: {  	vm2 =	vlt.s32 v3, $0x1400  }
0x21: {  	v4 =	vsel vm2, $0x1, v0  }
0x22: {  	(xrf0) =	vadd.scan.msk.s32 $0xffff, v4;
	_ =	sdelay $0x5  }
0x23: {  	v5, _, _ =	vpop (xrf0)  }
0x24: {  	v4 =	vsub.s32 v5, v4;
	v5 =	vmpcnt.ones.xlane vm2;
	_ =	sdelay $0x1  }
0x25: {  	(v2sf) =	vpush v5, $0x0;
	_ =	sdelay $0x5  }
0x26: {  	s23 =	simm.s32 $0x2800  }
0x27: {  	s21 =	simm.s32 $0x0;
	v6 =	vsub.s32 s23, v4  }
0x28: {  	v4 =	vadd.s32 s21, v4;
	v6 =	vadd.s32 v2, v6  }
0x29: {  	v5 =	vld [tilespmem:s22+$0x0];
	v4 =	vsel vm2, v4, v6;
	_ =	sdelay $0x3  }
0x2a: {  	s24 =	simm.s32 $0x80;
	s23 =	simm.s32 $0x40;
	s22 =	simm.s32 $0x0;
	v6 =	vadd.s32 $0xFFFFEC00, v3  }
.LBB2_4:
0x2b: {  	p0 =	sne.s32 s24, $0x9C00;
	[tilespmem:v4+s13+$0x0] =	vst.idx.msk $0xffff, v5;
	v3 =	vsel vm2, v3, v6  }
0x2c: {  	s25 =	sshra.s32 s23, $0x2;
	s23 =	smov.u32 s24;
	[tilespmem:v4+s14+$0x0] =	vst.idx.msk $0xffff, v3;
	s26 =	spop (v2sf)  }
0x2d: {  	v3 =	vld [tilespmem:s25+$0x2780];
	s21 =	sadd.s32 s21, s26;
	s22 =	ssub.s32 s22, s26  }
0x2e: {  	s22 =	sadd.s32 $0x10, s22;
	_ =	sdelay $0x3  }
0x2f: {  	vm2 =	vlt.s32 v3, $0x1400  }
0x30: {  	v4 =	vsel vm2, $0x1, v0;
	v5 =	vmpcnt.ones.xlane vm2  }
0x31: {  	(xrf0) =	vadd.scan.msk.s32 $0xffff, v4  }
0x32: {  	(v2sf) =	vpush v5, $0x0;
	_ =	sdelay $0x4  }
0x33: {  	v5, _, _ =	vpop (xrf0)  }
0x34: {  	s26 =	sadd.s32 $0x2800, s22;
	v4 =	vsub.s32 v5, v4  }
0x35: {  	v5 =	vsub.s32 s26, v4  }
0x36: {  	v4 =	vadd.s32 s21, v4;
	v6 =	vadd.s32 v2, v5  }
.Ltmp1:
0x37: {  	v5 =	vld [tilespmem:s25+$0x0];
	v4 =	vsel vm2, v4, v6;
	(pc) =	sbr.rel @p0 .LBB2_4-.Ltmp1, $2  }
0x38: {  	_ =	sdelay $0x2  }
0x39: {  	s24 =	sadd.s32 $0x40, s24;
	v6 =	vadd.s32 $0xFFFFEC00, v3  }
0x3a: {  	_ =	sdelay $0x3  }
0x3b: {  	[tilespmem:v4+s13+$0x0] =	vst.idx.msk $0xffff, v5;
	v3 =	vsel vm2, v3, v6  }
0x3c: {  	s23 =	sshra.s32 s23, $0x2;
	[tilespmem:v4+s14+$0x0] =	vst.idx.msk $0xffff, v3  }
0x3d: {  	v3 =	vld [tilespmem:s23+$0x2780];
	_ =	sdelay $0x4  }
0x3e: {  	vm2 =	vlt.s32 v3, $0x1400  }
0x3f: {  	v51 =	vsel vm2, $0x1, v0;
	v52 =	vmpcnt.ones.xlane vm2  }
0x40: {  	(xrf0) =	vadd.scan.msk.s32 $0xffff, v51  }
0x41: {  	(v2sf) =	vpush v52, $0x0;
	_ =	sdelay $0x2  }
0x42: {  	s24 =	spop (v2sf)  }
0x43: {  	s22 =	ssub.s32 s22, s24  }
0x44: {  	s22 =	sadd.s32 $0x10, s22;
	v53, _, _ =	vpop (xrf0)  }
0x45: {  	s25 =	sadd.s32 $0x2800, s22;
	v4 =	vsub.s32 v53, v51  }
0x46: {  	s21 =	sadd.s32 s21, s24;
	v5 =	vsub.s32 s25, v4  }
0x47: {  	v4 =	vadd.s32 s21, v4;
	v5 =	vadd.s32 v2, v5  }
0x48: {  	v54 =	vld [tilespmem:s23+$0x0];
	v4 =	vsel vm2, v4, v5;
	_ =	sdelay $0x3  }
0x49: {  	v55 =	vadd.s32 $0xFFFFEC00, v3  }
0x4a: {  	v3 =	vsel vm2, v3, v55;
	[tilespmem:v4+s13+$0x0] =	vst.idx.msk $0xffff, v54  }
0x4b: {  	[tilespmem:v4+s14+$0x0] =	vst.idx.msk $0xffff, v3;
	s31 =	spop (v2sf)  }
0x4c: {  	[hbm4b:s5+s15] =	stream.strided.scatter [tilespmem:s13], [sflag:$0x1], $0x2800, s16, s15, $0x38;
	[tilespmem:$0xEF80] =	vst v63  }
0x4d: {  	_ =	swait.ge [sflag:s11], $0x2800  }
0x4e: {  	s21 =	sadd.s32 s21, s31;
	s22 =	ssub.s32 s22, s31;
	[sflag:s11] =	ssyncset.done $0x0  }
0x4f: {  	s22 =	sadd.s32 $0x10, s22;
	v3 =	vmov s21;
	[sflag:s11] =	ssyncadd.s32 $0xFFFFD800  }
0x50: {  	v3 =	vadd.s32 $0x7F, v3;
	v56 =	vmov s22;
	[hbm4b:s6+s15] =	stream.strided.scatter [tilespmem:s14], [sflag:$0x1], $0x2800, s16, s15, $0x38;
	[tilespmem:$0xEF80] =	vst v63  }
0x51: {  	v3 =	vbroadcast v3, $0x0;
	v4 =	vadd.s32 $0x7F, v56;
	_ =	swait.ge [sflag:s11], $0x2800  }
0x52: {  	v4 =	vbroadcast v4, $0x0;
	[sflag:s11] =	ssyncset.done $0x0  }
0x53: {  	v57 =	vand.u32 $0x7F, v3;
	[sflag:s11] =	ssyncadd.s32 $0xFFFFD800  }
0x54: {  	v58 =	vshra.s32 v3, $0x1F;
	vm3 =	vlt.s32 v3, $0x1;
	v59 =	vand.u32 $0x7F, v4;
	[hbm4b:s7+s15] =	stream.strided.scatter [tilespmem:s17], [sflag:$0x1], $0x2800, s16, s15, $0x38;
	[tilespmem:$0xEF80] =	vst v63  }
0x55: {  	vm2 =	vne.s32 v57, $0x0;
	v60 =	vshra.s32 v4, $0x1F;
	vm4 =	vne.s32 v59, $0x0;
	_ =	swait.ge [sflag:s11], $0x2800  }
0x56: {  	vm2 =	vmand vm3, vm2;
	v5 =	vshrl.u32 v60, $0x19;
	vm3 =	vlt.s32 v4, $0x1;
	[sflag:s11] =	ssyncset.done $0x0  }
0x57: {  	v61 =	vshrl.u32 v58, $0x19;
	vm3 =	vmand vm3, vm4;
	v4 =	vadd.s32 v5, v4;
	[sflag:s11] =	ssyncadd.s32 $0xFFFFD800  }
0x58: {  	v3 =	vadd.s32 v61, v3;
	v4 =	vshra.s32 v4, $0x7;
	v62 =	vsel vm3, $0xFFFFFFFF, v0;
	[hbm4b:s8+s15] =	stream.strided.scatter [tilespmem:s18], [sflag:$0x1], $0x2800, s16, s15, $0x38;
	[tilespmem:$0xEF80] =	vst v63  }
0x59: {  	v3 =	vshra.s32 v3, $0x7;
	v63 =	vsel vm2, $0xFFFFFFFF, v0;
	v4 =	vadd.s32 v62, v4;
	_ =	swait.ge [sflag:s11], $0x2800  }
0x5a: {  	s20 =	sadd.s32 $0x1, s20;
	v3 =	vadd.s32 v63, v3;
	v4 =	vsel vm0, $0x0, v4;
	[sflag:s11] =	ssyncset.done $0x0  }
0x5b: {  	p0 =	sne.s32 s20, s10;
	v3 =	vsel vm1, v3, v4;
	[sflag:s11] =	ssyncadd.s32 $0xFFFFD800  }
.Ltmp2:
0x5c: {  	[tilespmem:$0xEF00] =	vst v3;
	(pc) =	sbr.rel @p0 .LBB2_1-.Ltmp2, $4  }
0x5d: {  	[hbm4b:s9+s2] =	stream.linear.scatter [tilespmem:s19], [sflag:$0x1], $0x80, $0x38;
	[tilespmem:$0xEF80] =	vst v63  }
0x5e: {  	_ =	swait.ge [sflag:s11], $0x80  }
0x5f: {  	[sflag:s11] =	ssyncset.done $0x0  }
0x60: {  	[sflag:s11] =	ssyncadd.s32 $0xFFFFFF80  }
0x61: {  	_ =	sfence.sel $0x180000  }
0x62: {  	[bflag:$0x0] =	sbarrier.arrive $0xFFFF  }
0x63: {  	p0 =	sne.s32 s0, $0x0;
	_ =	strace $0x9000004A  }
0x64: {  	s0 =	sadd.s32 @!p0 $0x100000, s1;
	[bflag:$0x2] =	sbarrier.arrive $0xFFFF  }
0x65: {  	[sflag:s0] =	ssyncadd.tile.s32 @!p0 $0x1;
	_ =	shalt  }
.Lfunc_end2:
_tile_overlayer_lowered:
.L_overlay_start_2:
0x66: {  	(tag) =	ssettag $0x2  }
0x67: {  	s0 =	rddreg [dreg:$0x0];
	s2 =	stileid.u32  }
0x68: {  	s1 =	rddreg [dreg:$0x1];
	p0 =	sne.s32 s2, $0x0  }
0x69: {  	s3 =	rddreg [dreg:$0x2];
	[bflag:$0x3] =	sbarrier.arrive $0xFFFF;
	s2 =	simm.s32 @!p0 $0x1C01  }
0x6a: {  	[timem:s3], [sflag:s2] =	dma.local @!p0 [hbm:s0], s1  }
0x6b: {  	s0 =	simm.s32 @!p0 $0x1  }
0x6c: {  	_ =	swait.ge @!p0 [sflag:s0], s1  }
0x6d: {  	s1 =	ssub.s32 @!p0 $0x0, s1;
	[sflag:s0] =	ssyncset.done @!p0 $0x0  }
0x6e: {  	[sflag:s0] =	ssyncadd.s32 @!p0 s1  }
0x6f: {  	[bflag:$0x3] =	sbarrier.arrive $0xFFFF  }
0x70: {  	_ =	shalt  }

</sc_bundles>
